<compile_context>
chip_gen: v7x
topology: tpu7x:2x2x1
jax: 0.10.2.dev20260603
libtpu: 0.0.44.dev20260713+nightly
codegen_flags: <defaults>
</compile_context>

<pallas_src>
import functools

import jax
import jax.numpy as jnp
from jax import lax
from jax.experimental import pallas as pl
from jax.experimental.pallas import tpu as pltpu
from jax.experimental.pallas import tpu_sc as plsc

_B, _N, _C = 8, 20000, 8
_MAX_DET = 100
_NMS_THR = 0.5
_SCORE_THR = 0.01
_PAD = 112
_NCHUNK = _N // 16
_CM_PAD = 1280
_NSUPER = _CM_PAD // 16
_NEG_INF = float("-inf")
_FAR = 2.0e9


def _class_max_body(cls_ref, vs_ref, lbl_ref):
    x = cls_ref[...]
    m = jnp.max(x, axis=0)
    vs_ref[...] = jnp.where(m > jnp.float32(_SCORE_THR), m,
                            jnp.float32(_NEG_INF))
    ci = lax.broadcasted_iota(jnp.int32, x.shape, 0)
    lbl_ref[...] = jnp.min(jnp.where(x == m[None], ci, jnp.int32(_C)), axis=0)


def _class_max(cls_t):
    return pl.pallas_call(
        _class_max_body,
        out_shape=(
            jax.ShapeDtypeStruct((_B, _N), jnp.float32),
            jax.ShapeDtypeStruct((_B, _N), jnp.int32),
        ),
    )(cls_t)


_BOF = _N


def _nms_body(vs_hbm, bx_hbm, rot_hbm, trans_hbm, lbl_hbm,
              o_boxes, o_scores, o_labels, o_rot, o_trans,
              big_v, cm_v, sm_v,
              sel_x1, sel_y1, sel_x2, sel_y2, sel_area, sel_score,
              sel_lidx, lbl_v, buf_boxes, buf_rot, buf_trans, buf_lbl, sem):
    wid = lax.axis_index("s") * 2 + lax.axis_index("c")
    iota = lax.iota(jnp.int32, 16)
    fneg = jnp.full((16,), _NEG_INF, jnp.float32)

    @pl.when(wid < _B)
    def _owner():
        b = wid
        cp_vs = pltpu.async_copy(vs_hbm.at[b], big_v.at[pl.ds(0, _N)], sem)
        cps_bx = [pltpu.async_copy(bx_hbm.at[c, b],
                                   big_v.at[pl.ds(_BOF + c * _N, _N)], sem)
                  for c in range(4)]
        cp_lbl = pltpu.async_copy(lbl_hbm.at[b], lbl_v, sem)

        for k in range(_PAD // 16):
            o = k * 16
            sel_x1[pl.ds(o, 16)] = jnp.full((16,), _FAR, jnp.float32)
            sel_y1[pl.ds(o, 16)] = jnp.full((16,), _FAR, jnp.float32)
            sel_x2[pl.ds(o, 16)] = jnp.full((16,), _FAR, jnp.float32)
            sel_y2[pl.ds(o, 16)] = jnp.full((16,), _FAR, jnp.float32)
            sel_area[pl.ds(o, 16)] = jnp.zeros((16,), jnp.float32)
            sel_score[pl.ds(o, 16)] = jnp.full((16,), -1.0, jnp.float32)
            sel_lidx[pl.ds(o, 16)] = jnp.zeros((16,), jnp.int32)

        cp_vs.wait()
        cm_v[pl.ds(_NCHUNK + 14, 16)] = fneg

        def cm_block(k, _):
            r0 = k * 16
            g0 = (r0 + iota) * 16
            acc = plsc.load_gather(big_v, [g0])
            for l in range(1, 16):
                acc = jnp.maximum(acc, plsc.load_gather(big_v, [g0 + l]))
            cm_v[pl.ds(r0, 16)] = acc
            return 0

        lax.fori_loop(0, _NCHUNK // 16, cm_block, 0)
        t0 = jnp.max(big_v[pl.ds((_NCHUNK - 2) * 16, 16)])
        t1 = jnp.max(big_v[pl.ds((_NCHUNK - 1) * 16, 16)])
        tail = jnp.where(iota == 0, t0, jnp.where(iota == 1, t1, fneg))
        cm_v[pl.ds(_NCHUNK - 2, 16)] = tail

        for k in range(_NSUPER // 16):
            g0 = (k * 16 + iota) * 16
            acc = plsc.load_gather(cm_v, [g0])
            for l in range(1, 16):
                acc = jnp.maximum(acc, plsc.load_gather(cm_v, [g0 + l]))
            sm_v[pl.ds(k * 16, 16)] = acc

        for cp in cps_bx:
            cp.wait()

        def cond(carry):
            cnt, done = carry
            return (cnt < _MAX_DET) & jnp.logical_not(done)

        lane0 = iota == 0

        def body(carry):
            cnt, _ = carry
            tops = [sm_v[pl.ds(k * 16, 16)] for k in range(_NSUPER // 16)]
            t = tops[0]
            for k in range(1, _NSUPER // 16):
                t = jnp.maximum(t, tops[k])
            m = jnp.max(t)
            done = m == jnp.float32(_NEG_INF)
            m_vec = jnp.full((16,), m, jnp.float32)

            big = jnp.full((16,), 9999, jnp.int32)
            s_vec = big
            for k in range(_NSUPER // 16):
                fk = plsc.all_reduce_ffs(tops[k] == m_vec)
                s_vec = jnp.minimum(
                    s_vec, jnp.where(fk < 16, fk + k * 16, big))
            cvec = plsc.load_gather(cm_v, [s_vec * 16 + iota])
            jc = plsc.all_reduce_ffs(cvec == m_vec)
            j_vec = s_vec * 16 + jc
            vvec = plsc.load_gather(big_v, [j_vec * 16 + iota])
            il = plsc.all_reduce_ffs(vvec == m_vec)
            i_vec = j_vec * 16 + il

            ib = _BOF + i_vec
            cx1 = plsc.load_gather(big_v, [ib])
            cy1 = plsc.load_gather(big_v, [ib + _N])
            cx2 = plsc.load_gather(big_v, [ib + 2 * _N])
            cy2 = plsc.load_gather(big_v, [ib + 3 * _N])
            a1 = (cx2 - cx1) * (cy2 - cy1)
            supp = jnp.zeros((16,), jnp.bool_)
            for k in range(_PAD // 16):
                o = k * 16
                ix1 = jnp.maximum(cx1, sel_x1[pl.ds(o, 16)])
                iy1 = jnp.maximum(cy1, sel_y1[pl.ds(o, 16)])
                ix2 = jnp.minimum(cx2, sel_x2[pl.ds(o, 16)])
                iy2 = jnp.minimum(cy2, sel_y2[pl.ds(o, 16)])
                inter = (jnp.maximum(ix2 - ix1, 0.0)
                         * jnp.maximum(iy2 - iy1, 0.0))
                union = jnp.maximum(a1 + sel_area[pl.ds(o, 16)] - inter,
                                    jnp.float32(1e-8))
                supp = supp | (inter / union > jnp.float32(_NMS_THR))
            nsupp = plsc.all_reduce_population_count(supp)
            accept = (nsupp[0] == 0) & jnp.logical_not(done)

            cnt_vec = jnp.full((16,), cnt, jnp.int32)

            @pl.when(accept)
            def _take():
                for ref, val in ((sel_x1, cx1), (sel_y1, cy1),
                                 (sel_x2, cx2), (sel_y2, cy2),
                                 (sel_area, a1), (sel_score, m_vec)):
                    plsc.store_scatter(ref, [cnt_vec], val, mask=lane0)
                plsc.store_scatter(sel_lidx, [cnt_vec], i_vec, mask=lane0)

            @pl.when(jnp.logical_not(done))
            def _pop():
                new_v = jnp.where(iota == il, jnp.float32(_NEG_INF), vvec)
                plsc.store_scatter(big_v, [j_vec * 16 + iota], new_v)
                ncm = jnp.max(new_v)
                plsc.store_scatter(cm_v, [j_vec],
                                   jnp.full((16,), ncm, jnp.float32),
                                   mask=lane0)
                new_c = jnp.where(iota == jc, ncm, cvec)
                plsc.store_scatter(sm_v, [s_vec],
                                   jnp.full((16,), jnp.max(new_c),
                                            jnp.float32), mask=lane0)

            return (jnp.where(accept, cnt + 1, cnt), done)

        cnt, _ = lax.while_loop(cond, body, (jnp.int32(0), jnp.bool_(False)))

        cp_lbl.wait()
        for k in range(_PAD // 16):
            o = k * 16
            pos = iota + o
            valid = pos < cnt
            sel_score[pl.ds(o, 16)] = jnp.where(
                valid, sel_score[pl.ds(o, 16)], jnp.float32(-1.0))
            lidx = sel_lidx[pl.ds(o, 16)]
            for c in range(4):
                vals = jnp.where(
                    valid, plsc.load_gather(big_v, [_BOF + c * _N + lidx]),
                    jnp.float32(-1.0))
                plsc.store_scatter(buf_boxes, [pos, jnp.full((16,), c,
                                                             jnp.int32)], vals)
            lvals = jnp.where(valid, plsc.load_gather(lbl_v, [lidx]),
                              jnp.int32(-1))
            plsc.store_scatter(buf_lbl, [pos, jnp.zeros((16,), jnp.int32)],
                               lvals)
        for comp_hbm, buf in ((rot_hbm, buf_rot), (trans_hbm, buf_trans)):
            cps = [pltpu.async_copy(comp_hbm.at[c, b],
                                    big_v.at[pl.ds(_BOF + c * _N, _N)], sem)
                   for c in range(3)]
            for cp in cps:
                cp.wait()
            for k in range(_PAD // 16):
                o = k * 16
                pos = iota + o
                valid = pos < cnt
                lidx = sel_lidx[pl.ds(o, 16)]
                for c in range(3):
                    vals = jnp.where(
                        valid, plsc.load_gather(big_v, [_BOF + c * _N + lidx]),
                        jnp.float32(-1.0))
                    plsc.store_scatter(buf, [pos, jnp.full((16,), c,
                                                           jnp.int32)], vals)
        pltpu.sync_copy(sel_score, o_scores.at[b])
        pltpu.sync_copy(buf_boxes, o_boxes.at[b])
        pltpu.sync_copy(buf_rot, o_rot.at[b])
        pltpu.sync_copy(buf_trans, o_trans.at[b])
        pltpu.sync_copy(buf_lbl, o_labels.at[b])


def _nms_sc(vs2d, boxes_f, rot_f, trans_f, lbl2d):
    mesh = plsc.VectorSubcoreMesh(core_axis_name="c", subcore_axis_name="s",
                                  num_cores=2, num_subcores=16)
    f32, i32 = jnp.float32, jnp.int32
    return pl.kernel(
        _nms_body,
        out_type=(
            jax.ShapeDtypeStruct((_B, _PAD, 4), f32),
            jax.ShapeDtypeStruct((_B, _PAD), f32),
            jax.ShapeDtypeStruct((_B, _PAD, 1), i32),
            jax.ShapeDtypeStruct((_B, _PAD, 3), f32),
            jax.ShapeDtypeStruct((_B, _PAD, 3), f32),
        ),
        mesh=mesh,
        compiler_params=pltpu.CompilerParams(needs_layout_passes=False,
                                             use_tc_tiling_on_sc=False),
        scratch_types=[
            pltpu.VMEM((5 * _N,), f32),
            pltpu.VMEM((_CM_PAD,), f32),
            pltpu.VMEM((_NSUPER,), f32),
            pltpu.VMEM((_PAD,), f32), pltpu.VMEM((_PAD,), f32),
            pltpu.VMEM((_PAD,), f32), pltpu.VMEM((_PAD,), f32),
            pltpu.VMEM((_PAD,), f32), pltpu.VMEM((_PAD,), f32),
            pltpu.VMEM((_PAD,), i32),
            pltpu.VMEM((_N,), i32),
            pltpu.VMEM((_PAD, 4), f32),
            pltpu.VMEM((_PAD, 3), f32),
            pltpu.VMEM((_PAD, 3), f32),
            pltpu.VMEM((_PAD, 1), i32),
            pltpu.SemaphoreType.DMA,
        ],
    )(vs2d, boxes_f, rot_f, trans_f, lbl2d)


def kernel(boxes, classification, rotation, translation):
    cls_t = classification.transpose(2, 0, 1)
    vs2d, lbl2d = _class_max(cls_t)
    boxes_f = boxes.transpose(2, 0, 1)
    rot_f = rotation.transpose(2, 0, 1)
    trans_f = translation.transpose(2, 0, 1)
    ob, osc, olb, orot, otr = _nms_sc(vs2d, boxes_f, rot_f, trans_f, lbl2d)
    return (ob[:, :_MAX_DET, :], osc[:, :_MAX_DET],
            olb[:, :_MAX_DET, 0], orot[:, :_MAX_DET, :],
            otr[:, :_MAX_DET, :])

# --- scband reference (transcript-rebuilt; emitter-appended) ---
"""Pipeline reference for scband-filter-detections-80436147520054 (READ-ONLY COPY).

The authoritative reference and input builder live on the scoring server;
editing this copy changes nothing except your own understanding.
"""

import jax, jax.numpy as jnp
import numpy as np
from jax import lax

B, N, C = 8, 20000, 8
MAX_DET = 100
NMS_THR = 0.5
SCORE_THR = 0.01


def setup_inputs(seed: int = 0) -> dict:
    key = jax.random.key(seed)
    k1, k2, k3, k4, k5 = jax.random.split(key, 5)
    xy = jax.random.uniform(k1, (B, N, 2), minval=0.0, maxval=512.0)
    wh = jax.random.uniform(k2, (B, N, 2), minval=8.0, maxval=96.0)
    boxes = jnp.concatenate([xy, xy + wh], axis=-1)
    classification = jax.random.uniform(k3, (B, N, C), dtype=jnp.float32)
    rotation = jax.random.normal(k4, (B, N, 3), dtype=jnp.float32)
    translation = jax.random.normal(k5, (B, N, 3), dtype=jnp.float32)
    return {"boxes": boxes, "classification": classification,
            "rotation": rotation, "translation": translation}


def _iou(box, boxes):
    x1 = jnp.maximum(box[0], boxes[:, 0])
    y1 = jnp.maximum(box[1], boxes[:, 1])
    x2 = jnp.minimum(box[2], boxes[:, 2])
    y2 = jnp.minimum(box[3], boxes[:, 3])
    inter = jnp.maximum(x2 - x1, 0.0) * jnp.maximum(y2 - y1, 0.0)
    a1 = (box[2] - box[0]) * (box[3] - box[1])
    a2 = (boxes[:, 2] - boxes[:, 0]) * (boxes[:, 3] - boxes[:, 1])
    return inter / jnp.maximum(a1 + a2 - inter, 1e-8)


def _nms_indices(boxes, scores):
    # score-threshold prefilter (tf.where(scores > thr)) expressed as masking
    vs = jnp.where(scores > SCORE_THR, scores, -jnp.inf)

    def body(carry, _):
        vs_ = carry
        i = jnp.argmax(vs_)
        ok = vs_[i] > -jnp.inf
        iou = _iou(boxes[i], boxes)
        suppress = (iou > NMS_THR) & ok
        vs_ = jnp.where(suppress, -jnp.inf, vs_)
        vs_ = vs_.at[i].set(-jnp.inf)
        return vs_, (i.astype(jnp.int32), ok)

    _, (idx, ok) = lax.scan(body, vs, None, length=MAX_DET)
    return idx, ok


def _filter_one(boxes, classification, rotation, translation):
    # class_specific_filter=False path: best class per box
    scores = jnp.max(classification, axis=1)
    labels = jnp.argmax(classification, axis=1).astype(jnp.int32)
    # greedy NMS selects boxes in descending score order, which subsumes the
    # subsequent top_k(max_detections) in the TF code
    idx, ok = _nms_indices(boxes, scores)
    sel_boxes = jnp.where(ok[:, None], boxes[idx], -1.0)
    sel_scores = jnp.where(ok, scores[idx], -1.0)
    sel_labels = jnp.where(ok, labels[idx], -1).astype(jnp.int32)
    sel_rot = jnp.where(ok[:, None], rotation[idx], -1.0)
    sel_trans = jnp.where(ok[:, None], translation[idx], -1.0)
    return sel_boxes, sel_scores, sel_labels, sel_rot, sel_trans


def reference(boxes, classification, rotation, translation):
    return jax.vmap(_filter_one)(boxes, classification, rotation, translation)

if __name__ == "__main__":
    import jax
    _d = setup_inputs()
    print(jax.jit(kernel)(*tuple(_d.values())))

</pallas_src>

<mosaic_0001>
#map = affine_map<(d0, d1) -> (0, 0)>
#map1 = affine_map<(d0, d1) -> (0, 0, 0)>
module attributes {stable_mosaic.version = 14 : i64} {
  func.func @_nms_body(%arg0: i32, %arg1: i32, %arg2: memref<8x20000xf32, #tpu.memory_space<hbm>>, %arg3: memref<4x8x20000xf32, #tpu.memory_space<hbm>>, %arg4: memref<3x8x20000xf32, #tpu.memory_space<hbm>>, %arg5: memref<3x8x20000xf32, #tpu.memory_space<hbm>>, %arg6: memref<8x20000xi32, #tpu.memory_space<hbm>>, %arg7: memref<8x112x4xf32, #tpu.memory_space<hbm>>, %arg8: memref<8x112xf32, #tpu.memory_space<hbm>>, %arg9: memref<8x112x1xi32, #tpu.memory_space<hbm>>, %arg10: memref<8x112x3xf32, #tpu.memory_space<hbm>>, %arg11: memref<8x112x3xf32, #tpu.memory_space<hbm>>, %arg12: memref<100000xf32, #tpu.memory_space<vmem>>, %arg13: memref<1280xf32, #tpu.memory_space<vmem>>, %arg14: memref<80xf32, #tpu.memory_space<vmem>>, %arg15: memref<112xf32, #tpu.memory_space<vmem>>, %arg16: memref<112xf32, #tpu.memory_space<vmem>>, %arg17: memref<112xf32, #tpu.memory_space<vmem>>, %arg18: memref<112xf32, #tpu.memory_space<vmem>>, %arg19: memref<112xf32, #tpu.memory_space<vmem>>, %arg20: memref<112xf32, #tpu.memory_space<vmem>>, %arg21: memref<112xi32, #tpu.memory_space<vmem>>, %arg22: memref<20000xi32, #tpu.memory_space<vmem>>, %arg23: memref<112x4xf32, #tpu.memory_space<vmem>>, %arg24: memref<112x3xf32, #tpu.memory_space<vmem>>, %arg25: memref<112x3xf32, #tpu.memory_space<vmem>>, %arg26: memref<112x1xi32, #tpu.memory_space<vmem>>, %arg27: memref<!tpu.dma_semaphore, #tpu.memory_space<semaphore_mem>>) attributes {dimension_semantics = [#tpu.dimension_semantics<core_parallel>, #tpu.dimension_semantics<subcore_parallel>], iteration_bounds = array<i64: 2, 16>, scalar_prefetch = 0 : i64, scratch_operands = 16 : i64, tpu.core_type = #tpu.core_type<sc_vector_subcore>, window_params = [{transform_indices = #map}, {transform_indices = #map1}, {transform_indices = #map1}, {transform_indices = #map1}, {transform_indices = #map}, {transform_indices = #map1}, {transform_indices = #map}, {transform_indices = #map1}, {transform_indices = #map1}, {transform_indices = #map1}]} {
    %mul3A = arith.constant 2 : i32
    %mul3A_0 = arith.muli %arg1, %mul3A : i32
    %add3A = arith.addi %mul3A_0, %arg0 : i32
    %iota3A = tpu.iota {dimensions = array<i32: 0>} : vector<16xi32>
    %broadcast_in_dim3A = arith.constant 0xFF800000 : f32
    %broadcast_in_dim3A_1 = vector.broadcast %broadcast_in_dim3A : f32 to vector<16xf32>
    %lt3A = arith.constant 8 : i32
    %lt3A_2 = arith.cmpi slt, %add3A, %lt3A : i32
    %convert_element_type3A = arith.extui %lt3A_2 : i1 to i32
    %cond3A = arith.constant 0 : i32
    %cond3A_3 = arith.cmpi ne, %convert_element_type3A, %cond3A : i32
    scf.if %cond3A_3 {
      %dma_start3A = arith.constant 0 : i32
      %dma_start3A_4 = tpu.memref_slice %arg12[%dma_start3A] : memref<100000xf32, #tpu.memory_space<vmem>> -> memref<20000xf32, #tpu.memory_space<vmem>>
      %dma_start3A_5 = arith.constant 0 : i32
      %dma_start3A_6 = tpu.memref_slice %arg2[%add3A, %dma_start3A_5] : memref<8x20000xf32, #tpu.memory_space<hbm>> -> memref<1x20000xf32, #tpu.memory_space<hbm>>
      %dma_start3A_7 = tpu.memref_squeeze %dma_start3A_6 : memref<1x20000xf32, #tpu.memory_space<hbm>> -> memref<20000xf32, #tpu.memory_space<hbm>>
      %dma_start3A_8 = arith.constant 0 : i32
      %dma_start3A_9 = tpu.memref_slice %arg12[%dma_start3A_8] : memref<100000xf32, #tpu.memory_space<vmem>> -> memref<20000xf32, #tpu.memory_space<vmem>>
      %dma_start3A_10 = arith.constant 0 : i32
      %dma_start3A_11 = tpu.memref_slice %arg2[%add3A, %dma_start3A_10] : memref<8x20000xf32, #tpu.memory_space<hbm>> -> memref<1x20000xf32, #tpu.memory_space<hbm>>
      %dma_start3A_12 = tpu.memref_squeeze %dma_start3A_11 : memref<1x20000xf32, #tpu.memory_space<hbm>> -> memref<20000xf32, #tpu.memory_space<hbm>>
      tpu.enqueue_dma source(%dma_start3A_12 : memref<20000xf32, #tpu.memory_space<hbm>>) target(%dma_start3A_9 : memref<20000xf32, #tpu.memory_space<vmem>>) target_semaphore(%arg27 : memref<!tpu.dma_semaphore, #tpu.memory_space<semaphore_mem>>)
      %dma_start3A_13 = arith.constant 0 : i32
      %dma_start3A_14 = arith.constant 20000 : i32
      %dma_start3A_15 = tpu.memref_slice %arg12[%dma_start3A_14] : memref<100000xf32, #tpu.memory_space<vmem>> -> memref<20000xf32, #tpu.memory_space<vmem>>
      %dma_start3A_16 = arith.constant 0 : i32
      %dma_start3A_17 = tpu.memref_slice %arg3[%dma_start3A_13, %add3A, %dma_start3A_16] : memref<4x8x20000xf32, #tpu.memory_space<hbm>> -> memref<1x1x20000xf32, #tpu.memory_space<hbm>>
      %dma_start3A_18 = tpu.memref_squeeze %dma_start3A_17 : memref<1x1x20000xf32, #tpu.memory_space<hbm>> -> memref<20000xf32, #tpu.memory_space<hbm>>
      %dma_start3A_19 = arith.constant 20000 : i32
      %dma_start3A_20 = tpu.memref_slice %arg12[%dma_start3A_19] : memref<100000xf32, #tpu.memory_space<vmem>> -> memref<20000xf32, #tpu.memory_space<vmem>>
      %dma_start3A_21 = arith.constant 0 : i32
      %dma_start3A_22 = tpu.memref_slice %arg3[%dma_start3A_13, %add3A, %dma_start3A_21] : memref<4x8x20000xf32, #tpu.memory_space<hbm>> -> memref<1x1x20000xf32, #tpu.memory_space<hbm>>
      %dma_start3A_23 = tpu.memref_squeeze %dma_start3A_22 : memref<1x1x20000xf32, #tpu.memory_space<hbm>> -> memref<20000xf32, #tpu.memory_space<hbm>>
      tpu.enqueue_dma source(%dma_start3A_23 : memref<20000xf32, #tpu.memory_space<hbm>>) target(%dma_start3A_20 : memref<20000xf32, #tpu.memory_space<vmem>>) target_semaphore(%arg27 : memref<!tpu.dma_semaphore, #tpu.memory_space<semaphore_mem>>)
      %dma_start3A_24 = arith.constant 1 : i32
      %dma_start3A_25 = arith.constant 40000 : i32
      %dma_start3A_26 = tpu.memref_slice %arg12[%dma_start3A_25] : memref<100000xf32, #tpu.memory_space<vmem>> -> memref<20000xf32, #tpu.memory_space<vmem>>
      %dma_start3A_27 = arith.constant 0 : i32
      %dma_start3A_28 = tpu.memref_slice %arg3[%dma_start3A_24, %add3A, %dma_start3A_27] : memref<4x8x20000xf32, #tpu.memory_space<hbm>> -> memref<1x1x20000xf32, #tpu.memory_space<hbm>>
      %dma_start3A_29 = tpu.memref_squeeze %dma_start3A_28 : memref<1x1x20000xf32, #tpu.memory_space<hbm>> -> memref<20000xf32, #tpu.memory_space<hbm>>
      %dma_start3A_30 = arith.constant 40000 : i32
      %dma_start3A_31 = tpu.memref_slice %arg12[%dma_start3A_30] : memref<100000xf32, #tpu.memory_space<vmem>> -> memref<20000xf32, #tpu.memory_space<vmem>>
      %dma_start3A_32 = arith.constant 0 : i32
      %dma_start3A_33 = tpu.memref_slice %arg3[%dma_start3A_24, %add3A, %dma_start3A_32] : memref<4x8x20000xf32, #tpu.memory_space<hbm>> -> memref<1x1x20000xf32, #tpu.memory_space<hbm>>
      %dma_start3A_34 = tpu.memref_squeeze %dma_start3A_33 : memref<1x1x20000xf32, #tpu.memory_space<hbm>> -> memref<20000xf32, #tpu.memory_space<hbm>>
      tpu.enqueue_dma source(%dma_start3A_34 : memref<20000xf32, #tpu.memory_space<hbm>>) target(%dma_start3A_31 : memref<20000xf32, #tpu.memory_space<vmem>>) target_semaphore(%arg27 : memref<!tpu.dma_semaphore, #tpu.memory_space<semaphore_mem>>)
      %dma_start3A_35 = arith.constant 2 : i32
      %dma_start3A_36 = arith.constant 60000 : i32
      %dma_start3A_37 = tpu.memref_slice %arg12[%dma_start3A_36] : memref<100000xf32, #tpu.memory_space<vmem>> -> memref<20000xf32, #tpu.memory_space<vmem>>
      %dma_start3A_38 = arith.constant 0 : i32
      %dma_start3A_39 = tpu.memref_slice %arg3[%dma_start3A_35, %add3A, %dma_start3A_38] : memref<4x8x20000xf32, #tpu.memory_space<hbm>> -> memref<1x1x20000xf32, #tpu.memory_space<hbm>>
      %dma_start3A_40 = tpu.memref_squeeze %dma_start3A_39 : memref<1x1x20000xf32, #tpu.memory_space<hbm>> -> memref<20000xf32, #tpu.memory_space<hbm>>
      %dma_start3A_41 = arith.constant 60000 : i32
      %dma_start3A_42 = tpu.memref_slice %arg12[%dma_start3A_41] : memref<100000xf32, #tpu.memory_space<vmem>> -> memref<20000xf32, #tpu.memory_space<vmem>>
      %dma_start3A_43 = arith.constant 0 : i32
      %dma_start3A_44 = tpu.memref_slice %arg3[%dma_start3A_35, %add3A, %dma_start3A_43] : memref<4x8x20000xf32, #tpu.memory_space<hbm>> -> memref<1x1x20000xf32, #tpu.memory_space<hbm>>
      %dma_start3A_45 = tpu.memref_squeeze %dma_start3A_44 : memref<1x1x20000xf32, #tpu.memory_space<hbm>> -> memref<20000xf32, #tpu.memory_space<hbm>>
      tpu.enqueue_dma source(%dma_start3A_45 : memref<20000xf32, #tpu.memory_space<hbm>>) target(%dma_start3A_42 : memref<20000xf32, #tpu.memory_space<vmem>>) target_semaphore(%arg27 : memref<!tpu.dma_semaphore, #tpu.memory_space<semaphore_mem>>)
      %dma_start3A_46 = arith.constant 3 : i32
      %dma_start3A_47 = arith.constant 80000 : i32
      %dma_start3A_48 = tpu.memref_slice %arg12[%dma_start3A_47] : memref<100000xf32, #tpu.memory_space<vmem>> -> memref<20000xf32, #tpu.memory_space<vmem>>
      %dma_start3A_49 = arith.constant 0 : i32
      %dma_start3A_50 = tpu.memref_slice %arg3[%dma_start3A_46, %add3A, %dma_start3A_49] : memref<4x8x20000xf32, #tpu.memory_space<hbm>> -> memref<1x1x20000xf32, #tpu.memory_space<hbm>>
      %dma_start3A_51 = tpu.memref_squeeze %dma_start3A_50 : memref<1x1x20000xf32, #tpu.memory_space<hbm>> -> memref<20000xf32, #tpu.memory_space<hbm>>
      %dma_start3A_52 = arith.constant 80000 : i32
      %dma_start3A_53 = tpu.memref_slice %arg12[%dma_start3A_52] : memref<100000xf32, #tpu.memory_space<vmem>> -> memref<20000xf32, #tpu.memory_space<vmem>>
      %dma_start3A_54 = arith.constant 0 : i32
      %dma_start3A_55 = tpu.memref_slice %arg3[%dma_start3A_46, %add3A, %dma_start3A_54] : memref<4x8x20000xf32, #tpu.memory_space<hbm>> -> memref<1x1x20000xf32, #tpu.memory_space<hbm>>
      %dma_start3A_56 = tpu.memref_squeeze %dma_start3A_55 : memref<1x1x20000xf32, #tpu.memory_space<hbm>> -> memref<20000xf32, #tpu.memory_space<hbm>>
      tpu.enqueue_dma source(%dma_start3A_56 : memref<20000xf32, #tpu.memory_space<hbm>>) target(%dma_start3A_53 : memref<20000xf32, #tpu.memory_space<vmem>>) target_semaphore(%arg27 : memref<!tpu.dma_semaphore, #tpu.memory_space<semaphore_mem>>)
      %dma_start3A_57 = arith.constant 0 : i32
      %dma_start3A_58 = tpu.memref_slice %arg6[%add3A, %dma_start3A_57] : memref<8x20000xi32, #tpu.memory_space<hbm>> -> memref<1x20000xi32, #tpu.memory_space<hbm>>
      %dma_start3A_59 = tpu.memref_squeeze %dma_start3A_58 : memref<1x20000xi32, #tpu.memory_space<hbm>> -> memref<20000xi32, #tpu.memory_space<hbm>>
      %dma_start3A_60 = arith.constant 0 : i32
      %dma_start3A_61 = tpu.memref_slice %arg6[%add3A, %dma_start3A_60] : memref<8x20000xi32, #tpu.memory_space<hbm>> -> memref<1x20000xi32, #tpu.memory_space<hbm>>
      %dma_start3A_62 = tpu.memref_squeeze %dma_start3A_61 : memref<1x20000xi32, #tpu.memory_space<hbm>> -> memref<20000xi32, #tpu.memory_space<hbm>>
      tpu.enqueue_dma source(%dma_start3A_62 : memref<20000xi32, #tpu.memory_space<hbm>>) target(%arg22 : memref<20000xi32, #tpu.memory_space<vmem>>) target_semaphore(%arg27 : memref<!tpu.dma_semaphore, #tpu.memory_space<semaphore_mem>>)
      %broadcast_in_dim3A_63 = arith.constant 2.000000e+09 : f32
      %broadcast_in_dim3A_64 = vector.broadcast %broadcast_in_dim3A_63 : f32 to vector<16xf32>
      %swap3A = arith.constant 0 : index
      %swap3A_65 = tpu.vector_load %arg15[%swap3A] {strides = array<i32>} : memref<112xf32, #tpu.memory_space<vmem>>, vector<16xf32>,
      tpu.vector_store %arg15[%swap3A], %broadcast_in_dim3A_64 {strides = array<i32>} : memref<112xf32, #tpu.memory_space<vmem>>, vector<16xf32>,
      %broadcast_in_dim3A_66 = arith.constant 2.000000e+09 : f32
      %broadcast_in_dim3A_67 = vector.broadcast %broadcast_in_dim3A_66 : f32 to vector<16xf32>
      %swap3A_68 = arith.constant 0 : index
      %swap3A_69 = tpu.vector_load %arg16[%swap3A_68] {strides = array<i32>} : memref<112xf32, #tpu.memory_space<vmem>>, vector<16xf32>,
      tpu.vector_store %arg16[%swap3A_68], %broadcast_in_dim3A_67 {strides = array<i32>} : memref<112xf32, #tpu.memory_space<vmem>>, vector<16xf32>,
      %broadcast_in_dim3A_70 = arith.constant 2.000000e+09 : f32
      %broadcast_in_dim3A_71 = vector.broadcast %broadcast_in_dim3A_70 : f32 to vector<16xf32>
      %swap3A_72 = arith.constant 0 : index
      %swap3A_73 = tpu.vector_load %arg17[%swap3A_72] {strides = array<i32>} : memref<112xf32, #tpu.memory_space<vmem>>, vector<16xf32>,
      tpu.vector_store %arg17[%swap3A_72], %broadcast_in_dim3A_71 {strides = array<i32>} : memref<112xf32, #tpu.memory_space<vmem>>, vector<16xf32>,
      %broadcast_in_dim3A_74 = arith.constant 2.000000e+09 : f32
      %broadcast_in_dim3A_75 = vector.broadcast %broadcast_in_dim3A_74 : f32 to vector<16xf32>
      %swap3A_76 = arith.constant 0 : index
      %swap3A_77 = tpu.vector_load %arg18[%swap3A_76] {strides = array<i32>} : memref<112xf32, #tpu.memory_space<vmem>>, vector<16xf32>,
      tpu.vector_store %arg18[%swap3A_76], %broadcast_in_dim3A_75 {strides = array<i32>} : memref<112xf32, #tpu.memory_space<vmem>>, vector<16xf32>,
      %broadcast_in_dim3A_78 = arith.constant 0.000000e+00 : f32
      %broadcast_in_dim3A_79 = vector.broadcast %broadcast_in_dim3A_78 : f32 to vector<16xf32>
      %swap3A_80 = arith.constant 0 : index
      %swap3A_81 = tpu.vector_load %arg19[%swap3A_80] {strides = array<i32>} : memref<112xf32, #tpu.memory_space<vmem>>, vector<16xf32>,
      tpu.vector_store %arg19[%swap3A_80], %broadcast_in_dim3A_79 {strides = array<i32>} : memref<112xf32, #tpu.memory_space<vmem>>, vector<16xf32>,
      %broadcast_in_dim3A_82 = arith.constant -1.000000e+00 : f32
      %broadcast_in_dim3A_83 = vector.broadcast %broadcast_in_dim3A_82 : f32 to vector<16xf32>
      %swap3A_84 = arith.constant 0 : index
      %swap3A_85 = tpu.vector_load %arg20[%swap3A_84] {strides = array<i32>} : memref<112xf32, #tpu.memory_space<vmem>>, vector<16xf32>,
      tpu.vector_store %arg20[%swap3A_84], %broadcast_in_dim3A_83 {strides = array<i32>} : memref<112xf32, #tpu.memory_space<vmem>>, vector<16xf32>,
      %broadcast_in_dim3A_86 = arith.constant 0 : i32
      %broadcast_in_dim3A_87 = vector.broadcast %broadcast_in_dim3A_86 : i32 to vector<16xi32>
      %swap3A_88 = arith.constant 0 : index
      %swap3A_89 = tpu.vector_load %arg21[%swap3A_88] {strides = array<i32>} : memref<112xi32, #tpu.memory_space<vmem>>, vector<16xi32>,
      tpu.vector_store %arg21[%swap3A_88], %broadcast_in_dim3A_87 {strides = array<i32>} : memref<112xi32, #tpu.memory_space<vmem>>, vector<16xi32>,
      %broadcast_in_dim3A_90 = arith.constant 2.000000e+09 : f32
      %broadcast_in_dim3A_91 = vector.broadcast %broadcast_in_dim3A_90 : f32 to vector<16xf32>
      %swap3A_92 = arith.constant 16 : index
      %swap3A_93 = tpu.vector_load %arg15[%swap3A_92] {strides = array<i32>} : memref<112xf32, #tpu.memory_space<vmem>>, vector<16xf32>,
      tpu.vector_store %arg15[%swap3A_92], %broadcast_in_dim3A_91 {strides = array<i32>} : memref<112xf32, #tpu.memory_space<vmem>>, vector<16xf32>,
      %broadcast_in_dim3A_94 = arith.constant 2.000000e+09 : f32
      %broadcast_in_dim3A_95 = vector.broadcast %broadcast_in_dim3A_94 : f32 to vector<16xf32>
      %swap3A_96 = arith.constant 16 : index
      %swap3A_97 = tpu.vector_load %arg16[%swap3A_96] {strides = array<i32>} : memref<112xf32, #tpu.memory_space<vmem>>, vector<16xf32>,
      tpu.vector_store %arg16[%swap3A_96], %broadcast_in_dim3A_95 {strides = array<i32>} : memref<112xf32, #tpu.memory_space<vmem>>, vector<16xf32>,
      %broadcast_in_dim3A_98 = arith.constant 2.000000e+09 : f32
      %broadcast_in_dim3A_99 = vector.broadcast %broadcast_in_dim3A_98 : f32 to vector<16xf32>
      %swap3A_100 = arith.constant 16 : index
      %swap3A_101 = tpu.vector_load %arg17[%swap3A_100] {strides = array<i32>} : memref<112xf32, #tpu.memory_space<vmem>>, vector<16xf32>,
      tpu.vector_store %arg17[%swap3A_100], %broadcast_in_dim3A_99 {strides = array<i32>} : memref<112xf32, #tpu.memory_space<vmem>>, vector<16xf32>,
      %broadcast_in_dim3A_102 = arith.constant 2.000000e+09 : f32
      %broadcast_in_dim3A_103 = vector.broadcast %broadcast_in_dim3A_102 : f32 to vector<16xf32>
      %swap3A_104 = arith.constant 16 : index
      %swap3A_105 = tpu.vector_load %arg18[%swap3A_104] {strides = array<i32>} : memref<112xf32, #tpu.memory_space<vmem>>, vector<16xf32>,
      tpu.vector_store %arg18[%swap3A_104], %broadcast_in_dim3A_103 {strides = array<i32>} : memref<112xf32, #tpu.memory_space<vmem>>, vector<16xf32>,
      %broadcast_in_dim3A_106 = arith.constant 0.000000e+00 : f32
      %broadcast_in_dim3A_107 = vector.broadcast %broadcast_in_dim3A_106 : f32 to vector<16xf32>
      %swap3A_108 = arith.constant 16 : index
      %swap3A_109 = tpu.vector_load %arg19[%swap3A_108] {strides = array<i32>} : memref<112xf32, #tpu.memory_space<vmem>>, vector<16xf32>,
      tpu.vector_store %arg19[%swap3A_108], %broadcast_in_dim3A_107 {strides = array<i32>} : memref<112xf32, #tpu.memory_space<vmem>>, vector<16xf32>,
      %broadcast_in_dim3A_110 = arith.constant -1.000000e+00 : f32
      %broadcast_in_dim3A_111 = vector.broadcast %broadcast_in_dim3A_110 : f32 to vector<16xf32>
      %swap3A_112 = arith.constant 16 : index
      %swap3A_113 = tpu.vector_load %arg20[%swap3A_112] {strides = array<i32>} : memref<112xf32, #tpu.memory_space<vmem>>, vector<16xf32>,
      tpu.vector_store %arg20[%swap3A_112], %broadcast_in_dim3A_111 {strides = array<i32>} : memref<112xf32, #tpu.memory_space<vmem>>, vector<16xf32>,
      %broadcast_in_dim3A_114 = arith.constant 0 : i32
      %broadcast_in_dim3A_115 = vector.broadcast %broadcast_in_dim3A_114 : i32 to vector<16xi32>
      %swap3A_116 = arith.constant 16 : index
      %swap3A_117 = tpu.vector_load %arg21[%swap3A_116] {strides = array<i32>} : memref<112xi32, #tpu.memory_space<vmem>>, vector<16xi32>,
      tpu.vector_store %arg21[%swap3A_116], %broadcast_in_dim3A_115 {strides = array<i32>} : memref<112xi32, #tpu.memory_space<vmem>>, vector<16xi32>,
      %broadcast_in_dim3A_118 = arith.constant 2.000000e+09 : f32
      %broadcast_in_dim3A_119 = vector.broadcast %broadcast_in_dim3A_118 : f32 to vector<16xf32>
      %swap3A_120 = arith.constant 32 : index
      %swap3A_121 = tpu.vector_load %arg15[%swap3A_120] {strides = array<i32>} : memref<112xf32, #tpu.memory_space<vmem>>, vector<16xf32>,
      tpu.vector_store %arg15[%swap3A_120], %broadcast_in_dim3A_119 {strides = array<i32>} : memref<112xf32, #tpu.memory_space<vmem>>, vector<16xf32>,
      %broadcast_in_dim3A_122 = arith.constant 2.000000e+09 : f32
      %broadcast_in_dim3A_123 = vector.broadcast %broadcast_in_dim3A_122 : f32 to vector<16xf32>
      %swap3A_124 = arith.constant 32 : index
      %swap3A_125 = tpu.vector_load %arg16[%swap3A_124] {strides = array<i32>} : memref<112xf32, #tpu.memory_space<vmem>>, vector<16xf32>,
      tpu.vector_store %arg16[%swap3A_124], %broadcast_in_dim3A_123 {strides = array<i32>} : memref<112xf32, #tpu.memory_space<vmem>>, vector<16xf32>,
      %broadcast_in_dim3A_126 = arith.constant 2.000000e+09 : f32
      %broadcast_in_dim3A_127 = vector.broadcast %broadcast_in_dim3A_126 : f32 to vector<16xf32>
      %swap3A_128 = arith.constant 32 : index
      %swap3A_129 = tpu.vector_load %arg17[%swap3A_128] {strides = array<i32>} : memref<112xf32, #tpu.memory_space<vmem>>, vector<16xf32>,
      tpu.vector_store %arg17[%swap3A_128], %broadcast_in_dim3A_127 {strides = array<i32>} : memref<112xf32, #tpu.memory_space<vmem>>, vector<16xf32>,
      %broadcast_in_dim3A_130 = arith.constant 2.000000e+09 : f32
      %broadcast_in_dim3A_131 = vector.broadcast %broadcast_in_dim3A_130 : f32 to vector<16xf32>
      %swap3A_132 = arith.constant 32 : index
      %swap3A_133 = tpu.vector_load %arg18[%swap3A_132] {strides = array<i32>} : memref<112xf32, #tpu.memory_space<vmem>>, vector<16xf32>,
      tpu.vector_store %arg18[%swap3A_132], %broadcast_in_dim3A_131 {strides = array<i32>} : memref<112xf32, #tpu.memory_space<vmem>>, vector<16xf32>,
      %broadcast_in_dim3A_134 = arith.constant 0.000000e+00 : f32
      %broadcast_in_dim3A_135 = vector.broadcast %broadcast_in_dim3A_134 : f32 to vector<16xf32>
      %swap3A_136 = arith.constant 32 : index
      %swap3A_137 = tpu.vector_load %arg19[%swap3A_136] {strides = array<i32>} : memref<112xf32, #tpu.memory_space<vmem>>, vector<16xf32>,
      tpu.vector_store %arg19[%swap3A_136], %broadcast_in_dim3A_135 {strides = array<i32>} : memref<112xf32, #tpu.memory_space<vmem>>, vector<16xf32>,
      %broadcast_in_dim3A_138 = arith.constant -1.000000e+00 : f32
      %broadcast_in_dim3A_139 = vector.broadcast %broadcast_in_dim3A_138 : f32 to vector<16xf32>
      %swap3A_140 = arith.constant 32 : index
      %swap3A_141 = tpu.vector_load %arg20[%swap3A_140] {strides = array<i32>} : memref<112xf32, #tpu.memory_space<vmem>>, vector<16xf32>,
      tpu.vector_store %arg20[%swap3A_140], %broadcast_in_dim3A_139 {strides = array<i32>} : memref<112xf32, #tpu.memory_space<vmem>>, vector<16xf32>,
      %broadcast_in_dim3A_142 = arith.constant 0 : i32
      %broadcast_in_dim3A_143 = vector.broadcast %broadcast_in_dim3A_142 : i32 to vector<16xi32>
      %swap3A_144 = arith.constant 32 : index
      %swap3A_145 = tpu.vector_load %arg21[%swap3A_144] {strides = array<i32>} : memref<112xi32, #tpu.memory_space<vmem>>, vector<16xi32>,
      tpu.vector_store %arg21[%swap3A_144], %broadcast_in_dim3A_143 {strides = array<i32>} : memref<112xi32, #tpu.memory_space<vmem>>, vector<16xi32>,
      %broadcast_in_dim3A_146 = arith.constant 2.000000e+09 : f32
      %broadcast_in_dim3A_147 = vector.broadcast %broadcast_in_dim3A_146 : f32 to vector<16xf32>
      %swap3A_148 = arith.constant 48 : index
      %swap3A_149 = tpu.vector_load %arg15[%swap3A_148] {strides = array<i32>} : memref<112xf32, #tpu.memory_space<vmem>>, vector<16xf32>,
      tpu.vector_store %arg15[%swap3A_148], %broadcast_in_dim3A_147 {strides = array<i32>} : memref<112xf32, #tpu.memory_space<vmem>>, vector<16xf32>,
      %broadcast_in_dim3A_150 = arith.constant 2.000000e+09 : f32
      %broadcast_in_dim3A_151 = vector.broadcast %broadcast_in_dim3A_150 : f32 to vector<16xf32>
      %swap3A_152 = arith.constant 48 : index
      %swap3A_153 = tpu.vector_load %arg16[%swap3A_152] {strides = array<i32>} : memref<112xf32, #tpu.memory_space<vmem>>, vector<16xf32>,
      tpu.vector_store %arg16[%swap3A_152], %broadcast_in_dim3A_151 {strides = array<i32>} : memref<112xf32, #tpu.memory_space<vmem>>, vector<16xf32>,
      %broadcast_in_dim3A_154 = arith.constant 2.000000e+09 : f32
      %broadcast_in_dim3A_155 = vector.broadcast %broadcast_in_dim3A_154 : f32 to vector<16xf32>
      %swap3A_156 = arith.constant 48 : index
      %swap3A_157 = tpu.vector_load %arg17[%swap3A_156] {strides = array<i32>} : memref<112xf32, #tpu.memory_space<vmem>>, vector<16xf32>,
      tpu.vector_store %arg17[%swap3A_156], %broadcast_in_dim3A_155 {strides = array<i32>} : memref<112xf32, #tpu.memory_space<vmem>>, vector<16xf32>,
      %broadcast_in_dim3A_158 = arith.constant 2.000000e+09 : f32
      %broadcast_in_dim3A_159 = vector.broadcast %broadcast_in_dim3A_158 : f32 to vector<16xf32>
      %swap3A_160 = arith.constant 48 : index
      %swap3A_161 = tpu.vector_load %arg18[%swap3A_160] {strides = array<i32>} : memref<112xf32, #tpu.memory_space<vmem>>, vector<16xf32>,
      tpu.vector_store %arg18[%swap3A_160], %broadcast_in_dim3A_159 {strides = array<i32>} : memref<112xf32, #tpu.memory_space<vmem>>, vector<16xf32>,
      %broadcast_in_dim3A_162 = arith.constant 0.000000e+00 : f32
      %broadcast_in_dim3A_163 = vector.broadcast %broadcast_in_dim3A_162 : f32 to vector<16xf32>
      %swap3A_164 = arith.constant 48 : index
      %swap3A_165 = tpu.vector_load %arg19[%swap3A_164] {strides = array<i32>} : memref<112xf32, #tpu.memory_space<vmem>>, vector<16xf32>,
      tpu.vector_store %arg19[%swap3A_164], %broadcast_in_dim3A_163 {strides = array<i32>} : memref<112xf32, #tpu.memory_space<vmem>>, vector<16xf32>,
      %broadcast_in_dim3A_166 = arith.constant -1.000000e+00 : f32
      %broadcast_in_dim3A_167 = vector.broadcast %broadcast_in_dim3A_166 : f32 to vector<16xf32>
      %swap3A_168 = arith.constant 48 : index
      %swap3A_169 = tpu.vector_load %arg20[%swap3A_168] {strides = array<i32>} : memref<112xf32, #tpu.memory_space<vmem>>, vector<16xf32>,
      tpu.vector_store %arg20[%swap3A_168], %broadcast_in_dim3A_167 {strides = array<i32>} : memref<112xf32, #tpu.memory_space<vmem>>, vector<16xf32>,
      %broadcast_in_dim3A_170 = arith.constant 0 : i32
      %broadcast_in_dim3A_171 = vector.broadcast %broadcast_in_dim3A_170 : i32 to vector<16xi32>
      %swap3A_172 = arith.constant 48 : index
      %swap3A_173 = tpu.vector_load %arg21[%swap3A_172] {strides = array<i32>} : memref<112xi32, #tpu.memory_space<vmem>>, vector<16xi32>,
      tpu.vector_store %arg21[%swap3A_172], %broadcast_in_dim3A_171 {strides = array<i32>} : memref<112xi32, #tpu.memory_space<vmem>>, vector<16xi32>,
      %broadcast_in_dim3A_174 = arith.constant 2.000000e+09 : f32
      %broadcast_in_dim3A_175 = vector.broadcast %broadcast_in_dim3A_174 : f32 to vector<16xf32>
      %swap3A_176 = arith.constant 64 : index
      %swap3A_177 = tpu.vector_load %arg15[%swap3A_176] {strides = array<i32>} : memref<112xf32, #tpu.memory_space<vmem>>, vector<16xf32>,
      tpu.vector_store %arg15[%swap3A_176], %broadcast_in_dim3A_175 {strides = array<i32>} : memref<112xf32, #tpu.memory_space<vmem>>, vector<16xf32>,
      %broadcast_in_dim3A_178 = arith.constant 2.000000e+09 : f32
      %broadcast_in_dim3A_179 = vector.broadcast %broadcast_in_dim3A_178 : f32 to vector<16xf32>
      %swap3A_180 = arith.constant 64 : index
      %swap3A_181 = tpu.vector_load %arg16[%swap3A_180] {strides = array<i32>} : memref<112xf32, #tpu.memory_space<vmem>>, vector<16xf32>,
      tpu.vector_store %arg16[%swap3A_180], %broadcast_in_dim3A_179 {strides = array<i32>} : memref<112xf32, #tpu.memory_space<vmem>>, vector<16xf32>,
      %broadcast_in_dim3A_182 = arith.constant 2.000000e+09 : f32
      %broadcast_in_dim3A_183 = vector.broadcast %broadcast_in_dim3A_182 : f32 to vector<16xf32>
      %swap3A_184 = arith.constant 64 : index
      %swap3A_185 = tpu.vector_load %arg17[%swap3A_184] {strides = array<i32>} : memref<112xf32, #tpu.memory_space<vmem>>, vector<16xf32>,
      tpu.vector_store %arg17[%swap3A_184], %broadcast_in_dim3A_183 {strides = array<i32>} : memref<112xf32, #tpu.memory_space<vmem>>, vector<16xf32>,
      %broadcast_in_dim3A_186 = arith.constant 2.000000e+09 : f32
      %broadcast_in_dim3A_187 = vector.broadcast %broadcast_in_dim3A_186 : f32 to vector<16xf32>
      %swap3A_188 = arith.constant 64 : index
      %swap3A_189 = tpu.vector_load %arg18[%swap3A_188] {strides = array<i32>} : memref<112xf32, #tpu.memory_space<vmem>>, vector<16xf32>,
      tpu.vector_store %arg18[%swap3A_188], %broadcast_in_dim3A_187 {strides = array<i32>} : memref<112xf32, #tpu.memory_space<vmem>>, vector<16xf32>,
      %broadcast_in_dim3A_190 = arith.constant 0.000000e+00 : f32
      %broadcast_in_dim3A_191 = vector.broadcast %broadcast_in_dim3A_190 : f32 to vector<16xf32>
      %swap3A_192 = arith.constant 64 : index
      %swap3A_193 = tpu.vector_load %arg19[%swap3A_192] {strides = array<i32>} : memref<112xf32, #tpu.memory_space<vmem>>, vector<16xf32>,
      tpu.vector_store %arg19[%swap3A_192], %broadcast_in_dim3A_191 {strides = array<i32>} : memref<112xf32, #tpu.memory_space<vmem>>, vector<16xf32>,
      %broadcast_in_dim3A_194 = arith.constant -1.000000e+00 : f32
      %broadcast_in_dim3A_195 = vector.broadcast %broadcast_in_dim3A_194 : f32 to vector<16xf32>
      %swap3A_196 = arith.constant 64 : index
      %swap3A_197 = tpu.vector_load %arg20[%swap3A_196] {strides = array<i32>} : memref<112xf32, #tpu.memory_space<vmem>>, vector<16xf32>,
      tpu.vector_store %arg20[%swap3A_196], %broadcast_in_dim3A_195 {strides = array<i32>} : memref<112xf32, #tpu.memory_space<vmem>>, vector<16xf32>,
      %broadcast_in_dim3A_198 = arith.constant 0 : i32
      %broadcast_in_dim3A_199 = vector.broadcast %broadcast_in_dim3A_198 : i32 to vector<16xi32>
      %swap3A_200 = arith.constant 64 : index
      %swap3A_201 = tpu.vector_load %arg21[%swap3A_200] {strides = array<i32>} : memref<112xi32, #tpu.memory_space<vmem>>, vector<16xi32>,
      tpu.vector_store %arg21[%swap3A_200], %broadcast_in_dim3A_199 {strides = array<i32>} : memref<112xi32, #tpu.memory_space<vmem>>, vector<16xi32>,
      %broadcast_in_dim3A_202 = arith.constant 2.000000e+09 : f32
      %broadcast_in_dim3A_203 = vector.broadcast %broadcast_in_dim3A_202 : f32 to vector<16xf32>
      %swap3A_204 = arith.constant 80 : index
      %swap3A_205 = tpu.vector_load %arg15[%swap3A_204] {strides = array<i32>} : memref<112xf32, #tpu.memory_space<vmem>>, vector<16xf32>,
      tpu.vector_store %arg15[%swap3A_204], %broadcast_in_dim3A_203 {strides = array<i32>} : memref<112xf32, #tpu.memory_space<vmem>>, vector<16xf32>,
      %broadcast_in_dim3A_206 = arith.constant 2.000000e+09 : f32
      %broadcast_in_dim3A_207 = vector.broadcast %broadcast_in_dim3A_206 : f32 to vector<16xf32>
      %swap3A_208 = arith.constant 80 : index
      %swap3A_209 = tpu.vector_load %arg16[%swap3A_208] {strides = array<i32>} : memref<112xf32, #tpu.memory_space<vmem>>, vector<16xf32>,
      tpu.vector_store %arg16[%swap3A_208], %broadcast_in_dim3A_207 {strides = array<i32>} : memref<112xf32, #tpu.memory_space<vmem>>, vector<16xf32>,
      %broadcast_in_dim3A_210 = arith.constant 2.000000e+09 : f32
      %broadcast_in_dim3A_211 = vector.broadcast %broadcast_in_dim3A_210 : f32 to vector<16xf32>
      %swap3A_212 = arith.constant 80 : index
      %swap3A_213 = tpu.vector_load %arg17[%swap3A_212] {strides = array<i32>} : memref<112xf32, #tpu.memory_space<vmem>>, vector<16xf32>,
      tpu.vector_store %arg17[%swap3A_212], %broadcast_in_dim3A_211 {strides = array<i32>} : memref<112xf32, #tpu.memory_space<vmem>>, vector<16xf32>,
      %broadcast_in_dim3A_214 = arith.constant 2.000000e+09 : f32
      %broadcast_in_dim3A_215 = vector.broadcast %broadcast_in_dim3A_214 : f32 to vector<16xf32>
      %swap3A_216 = arith.constant 80 : index
      %swap3A_217 = tpu.vector_load %arg18[%swap3A_216] {strides = array<i32>} : memref<112xf32, #tpu.memory_space<vmem>>, vector<16xf32>,
      tpu.vector_store %arg18[%swap3A_216], %broadcast_in_dim3A_215 {strides = array<i32>} : memref<112xf32, #tpu.memory_space<vmem>>, vector<16xf32>,
      %broadcast_in_dim3A_218 = arith.constant 0.000000e+00 : f32
      %broadcast_in_dim3A_219 = vector.broadcast %broadcast_in_dim3A_218 : f32 to vector<16xf32>
      %swap3A_220 = arith.constant 80 : index
      %swap3A_221 = tpu.vector_load %arg19[%swap3A_220] {strides = array<i32>} : memref<112xf32, #tpu.memory_space<vmem>>, vector<16xf32>,
      tpu.vector_store %arg19[%swap3A_220], %broadcast_in_dim3A_219 {strides = array<i32>} : memref<112xf32, #tpu.memory_space<vmem>>, vector<16xf32>,
      %broadcast_in_dim3A_222 = arith.constant -1.000000e+00 : f32
      %broadcast_in_dim3A_223 = vector.broadcast %broadcast_in_dim3A_222 : f32 to vector<16xf32>
      %swap3A_224 = arith.constant 80 : index
      %swap3A_225 = tpu.vector_load %arg20[%swap3A_224] {strides = array<i32>} : memref<112xf32, #tpu.memory_space<vmem>>, vector<16xf32>,
      tpu.vector_store %arg20[%swap3A_224], %broadcast_in_dim3A_223 {strides = array<i32>} : memref<112xf32, #tpu.memory_space<vmem>>, vector<16xf32>,
      %broadcast_in_dim3A_226 = arith.constant 0 : i32
      %broadcast_in_dim3A_227 = vector.broadcast %broadcast_in_dim3A_226 : i32 to vector<16xi32>
      %swap3A_228 = arith.constant 80 : index
      %swap3A_229 = tpu.vector_load %arg21[%swap3A_228] {strides = array<i32>} : memref<112xi32, #tpu.memory_space<vmem>>, vector<16xi32>,
      tpu.vector_store %arg21[%swap3A_228], %broadcast_in_dim3A_227 {strides = array<i32>} : memref<112xi32, #tpu.memory_space<vmem>>, vector<16xi32>,
      %broadcast_in_dim3A_230 = arith.constant 2.000000e+09 : f32
      %broadcast_in_dim3A_231 = vector.broadcast %broadcast_in_dim3A_230 : f32 to vector<16xf32>
      %swap3A_232 = arith.constant 96 : index
      %swap3A_233 = tpu.vector_load %arg15[%swap3A_232] {strides = array<i32>} : memref<112xf32, #tpu.memory_space<vmem>>, vector<16xf32>,
      tpu.vector_store %arg15[%swap3A_232], %broadcast_in_dim3A_231 {strides = array<i32>} : memref<112xf32, #tpu.memory_space<vmem>>, vector<16xf32>,
      %broadcast_in_dim3A_234 = arith.constant 2.000000e+09 : f32
      %broadcast_in_dim3A_235 = vector.broadcast %broadcast_in_dim3A_234 : f32 to vector<16xf32>
      %swap3A_236 = arith.constant 96 : index
      %swap3A_237 = tpu.vector_load %arg16[%swap3A_236] {strides = array<i32>} : memref<112xf32, #tpu.memory_space<vmem>>, vector<16xf32>,
      tpu.vector_store %arg16[%swap3A_236], %broadcast_in_dim3A_235 {strides = array<i32>} : memref<112xf32, #tpu.memory_space<vmem>>, vector<16xf32>,
      %broadcast_in_dim3A_238 = arith.constant 2.000000e+09 : f32
      %broadcast_in_dim3A_239 = vector.broadcast %broadcast_in_dim3A_238 : f32 to vector<16xf32>
      %swap3A_240 = arith.constant 96 : index
      %swap3A_241 = tpu.vector_load %arg17[%swap3A_240] {strides = array<i32>} : memref<112xf32, #tpu.memory_space<vmem>>, vector<16xf32>,
      tpu.vector_store %arg17[%swap3A_240], %broadcast_in_dim3A_239 {strides = array<i32>} : memref<112xf32, #tpu.memory_space<vmem>>, vector<16xf32>,
      %broadcast_in_dim3A_242 = arith.constant 2.000000e+09 : f32
      %broadcast_in_dim3A_243 = vector.broadcast %broadcast_in_dim3A_242 : f32 to vector<16xf32>
      %swap3A_244 = arith.constant 96 : index
      %swap3A_245 = tpu.vector_load %arg18[%swap3A_244] {strides = array<i32>} : memref<112xf32, #tpu.memory_space<vmem>>, vector<16xf32>,
      tpu.vector_store %arg18[%swap3A_244], %broadcast_in_dim3A_243 {strides = array<i32>} : memref<112xf32, #tpu.memory_space<vmem>>, vector<16xf32>,
      %broadcast_in_dim3A_246 = arith.constant 0.000000e+00 : f32
      %broadcast_in_dim3A_247 = vector.broadcast %broadcast_in_dim3A_246 : f32 to vector<16xf32>
      %swap3A_248 = arith.constant 96 : index
      %swap3A_249 = tpu.vector_load %arg19[%swap3A_248] {strides = array<i32>} : memref<112xf32, #tpu.memory_space<vmem>>, vector<16xf32>,
      tpu.vector_store %arg19[%swap3A_248], %broadcast_in_dim3A_247 {strides = array<i32>} : memref<112xf32, #tpu.memory_space<vmem>>, vector<16xf32>,
      %broadcast_in_dim3A_250 = arith.constant -1.000000e+00 : f32
      %broadcast_in_dim3A_251 = vector.broadcast %broadcast_in_dim3A_250 : f32 to vector<16xf32>
      %swap3A_252 = arith.constant 96 : index
      %swap3A_253 = tpu.vector_load %arg20[%swap3A_252] {strides = array<i32>} : memref<112xf32, #tpu.memory_space<vmem>>, vector<16xf32>,
      tpu.vector_store %arg20[%swap3A_252], %broadcast_in_dim3A_251 {strides = array<i32>} : memref<112xf32, #tpu.memory_space<vmem>>, vector<16xf32>,
      %broadcast_in_dim3A_254 = arith.constant 0 : i32
      %broadcast_in_dim3A_255 = vector.broadcast %broadcast_in_dim3A_254 : i32 to vector<16xi32>
      %swap3A_256 = arith.constant 96 : index
      %swap3A_257 = tpu.vector_load %arg21[%swap3A_256] {strides = array<i32>} : memref<112xi32, #tpu.memory_space<vmem>>, vector<16xi32>,
      tpu.vector_store %arg21[%swap3A_256], %broadcast_in_dim3A_255 {strides = array<i32>} : memref<112xi32, #tpu.memory_space<vmem>>, vector<16xi32>,
      %dma_wait3A = arith.constant 0 : i32
      %dma_wait3A_258 = tpu.memref_slice %arg12[%dma_wait3A] : memref<100000xf32, #tpu.memory_space<vmem>> -> memref<20000xf32, #tpu.memory_space<vmem>>
      %dma_wait3A_259 = arith.constant 0 : i32
      %dma_wait3A_260 = tpu.memref_slice %arg2[%add3A, %dma_wait3A_259] : memref<8x20000xf32, #tpu.memory_space<hbm>> -> memref<1x20000xf32, #tpu.memory_space<hbm>>
      %dma_wait3A_261 = tpu.memref_squeeze %dma_wait3A_260 : memref<1x20000xf32, #tpu.memory_space<hbm>> -> memref<20000xf32, #tpu.memory_space<hbm>>
      %dma_wait3A_262 = arith.constant 0 : i32
      %dma_wait3A_263 = tpu.memref_slice %arg12[%dma_wait3A_262] : memref<100000xf32, #tpu.memory_space<vmem>> -> memref<20000xf32, #tpu.memory_space<vmem>>
      %dma_wait3A_264 = arith.constant 0 : i32
      %dma_wait3A_265 = tpu.memref_slice %arg2[%add3A, %dma_wait3A_264] : memref<8x20000xf32, #tpu.memory_space<hbm>> -> memref<1x20000xf32, #tpu.memory_space<hbm>>
      %dma_wait3A_266 = tpu.memref_squeeze %dma_wait3A_265 : memref<1x20000xf32, #tpu.memory_space<hbm>> -> memref<20000xf32, #tpu.memory_space<hbm>>
      tpu.wait_dma2 semaphore(%arg27 : memref<!tpu.dma_semaphore, #tpu.memory_space<semaphore_mem>>) src(%dma_wait3A_266 : memref<20000xf32, #tpu.memory_space<hbm>>) dst(%dma_wait3A_263 : memref<20000xf32, #tpu.memory_space<vmem>>)
      %swap3A_267 = arith.constant 1264 : index
      %swap3A_268 = tpu.vector_load %arg13[%swap3A_267] {strides = array<i32>} : memref<1280xf32, #tpu.memory_space<vmem>>, vector<16xf32>,
      tpu.vector_store %arg13[%swap3A_267], %broadcast_in_dim3A_1 {strides = array<i32>} : memref<1280xf32, #tpu.memory_space<vmem>>, vector<16xf32>,
      %scan3A = arith.constant 0 : i32
      %scan3A_269 = arith.constant 0 : i32
      %scan3A_270 = arith.constant 78 : i32
      %scan3A_271 = arith.addi %scan3A_269, %scan3A_270 : i32
      %scan3A_272 = arith.constant 1 : i32
      %scan3A_273 = scf.for %scan3A_1767 = %scan3A_269 to %scan3A_271 step %scan3A_272 iter_args(%scan3A_1768 = %scan3A) -> (i32)  : i32 {
        %mul3A_1769 = arith.constant 16 : i32
        %mul3A_1770 = arith.muli %scan3A_1767, %mul3A_1769 : i32
        %add3A_1771 = vector.broadcast %mul3A_1770 : i32 to vector<16xi32>
        %add3A_1772 = arith.addi %add3A_1771, %iota3A : vector<16xi32>
        %mul3A_1773 = arith.constant 16 : i32
        %mul3A_1774 = vector.broadcast %mul3A_1773 : i32 to vector<16xi32>
        %mul3A_1775 = arith.muli %add3A_1772, %mul3A_1774 : vector<16xi32>
        %gather3A_1776 = tpu.vector_load_idx %arg12[%mul3A_1775] : memref<100000xf32, #tpu.memory_space<vmem>>[vector<16xi32>], vector<16xf32>,
        %add3A_1777 = arith.constant 1 : i32
        %add3A_1778 = vector.broadcast %add3A_1777 : i32 to vector<16xi32>
        %add3A_1779 = arith.addi %mul3A_1775, %add3A_1778 : vector<16xi32>
        %gather3A_1780 = tpu.vector_load_idx %arg12[%add3A_1779] : memref<100000xf32, #tpu.memory_space<vmem>>[vector<16xi32>], vector<16xf32>,
        %max3A_1781 = arith.maximumf %gather3A_1776, %gather3A_1780 : vector<16xf32>
        %add3A_1782 = arith.constant 2 : i32
        %add3A_1783 = vector.broadcast %add3A_1782 : i32 to vector<16xi32>
        %add3A_1784 = arith.addi %mul3A_1775, %add3A_1783 : vector<16xi32>
        %gather3A_1785 = tpu.vector_load_idx %arg12[%add3A_1784] : memref<100000xf32, #tpu.memory_space<vmem>>[vector<16xi32>], vector<16xf32>,
        %max3A_1786 = arith.maximumf %max3A_1781, %gather3A_1785 : vector<16xf32>
        %add3A_1787 = arith.constant 3 : i32
        %add3A_1788 = vector.broadcast %add3A_1787 : i32 to vector<16xi32>
        %add3A_1789 = arith.addi %mul3A_1775, %add3A_1788 : vector<16xi32>
        %gather3A_1790 = tpu.vector_load_idx %arg12[%add3A_1789] : memref<100000xf32, #tpu.memory_space<vmem>>[vector<16xi32>], vector<16xf32>,
        %max3A_1791 = arith.maximumf %max3A_1786, %gather3A_1790 : vector<16xf32>
        %add3A_1792 = arith.constant 4 : i32
        %add3A_1793 = vector.broadcast %add3A_1792 : i32 to vector<16xi32>
        %add3A_1794 = arith.addi %mul3A_1775, %add3A_1793 : vector<16xi32>
        %gather3A_1795 = tpu.vector_load_idx %arg12[%add3A_1794] : memref<100000xf32, #tpu.memory_space<vmem>>[vector<16xi32>], vector<16xf32>,
        %max3A_1796 = arith.maximumf %max3A_1791, %gather3A_1795 : vector<16xf32>
        %add3A_1797 = arith.constant 5 : i32
        %add3A_1798 = vector.broadcast %add3A_1797 : i32 to vector<16xi32>
        %add3A_1799 = arith.addi %mul3A_1775, %add3A_1798 : vector<16xi32>
        %gather3A_1800 = tpu.vector_load_idx %arg12[%add3A_1799] : memref<100000xf32, #tpu.memory_space<vmem>>[vector<16xi32>], vector<16xf32>,
        %max3A_1801 = arith.maximumf %max3A_1796, %gather3A_1800 : vector<16xf32>
        %add3A_1802 = arith.constant 6 : i32
        %add3A_1803 = vector.broadcast %add3A_1802 : i32 to vector<16xi32>
        %add3A_1804 = arith.addi %mul3A_1775, %add3A_1803 : vector<16xi32>
        %gather3A_1805 = tpu.vector_load_idx %arg12[%add3A_1804] : memref<100000xf32, #tpu.memory_space<vmem>>[vector<16xi32>], vector<16xf32>,
        %max3A_1806 = arith.maximumf %max3A_1801, %gather3A_1805 : vector<16xf32>
        %add3A_1807 = arith.constant 7 : i32
        %add3A_1808 = vector.broadcast %add3A_1807 : i32 to vector<16xi32>
        %add3A_1809 = arith.addi %mul3A_1775, %add3A_1808 : vector<16xi32>
        %gather3A_1810 = tpu.vector_load_idx %arg12[%add3A_1809] : memref<100000xf32, #tpu.memory_space<vmem>>[vector<16xi32>], vector<16xf32>,
        %max3A_1811 = arith.maximumf %max3A_1806, %gather3A_1810 : vector<16xf32>
        %add3A_1812 = arith.constant 8 : i32
        %add3A_1813 = vector.broadcast %add3A_1812 : i32 to vector<16xi32>
        %add3A_1814 = arith.addi %mul3A_1775, %add3A_1813 : vector<16xi32>
        %gather3A_1815 = tpu.vector_load_idx %arg12[%add3A_1814] : memref<100000xf32, #tpu.memory_space<vmem>>[vector<16xi32>], vector<16xf32>,
        %max3A_1816 = arith.maximumf %max3A_1811, %gather3A_1815 : vector<16xf32>
        %add3A_1817 = arith.constant 9 : i32
        %add3A_1818 = vector.broadcast %add3A_1817 : i32 to vector<16xi32>
        %add3A_1819 = arith.addi %mul3A_1775, %add3A_1818 : vector<16xi32>
        %gather3A_1820 = tpu.vector_load_idx %arg12[%add3A_1819] : memref<100000xf32, #tpu.memory_space<vmem>>[vector<16xi32>], vector<16xf32>,
        %max3A_1821 = arith.maximumf %max3A_1816, %gather3A_1820 : vector<16xf32>
        %add3A_1822 = arith.constant 10 : i32
        %add3A_1823 = vector.broadcast %add3A_1822 : i32 to vector<16xi32>
        %add3A_1824 = arith.addi %mul3A_1775, %add3A_1823 : vector<16xi32>
        %gather3A_1825 = tpu.vector_load_idx %arg12[%add3A_1824] : memref<100000xf32, #tpu.memory_space<vmem>>[vector<16xi32>], vector<16xf32>,
        %max3A_1826 = arith.maximumf %max3A_1821, %gather3A_1825 : vector<16xf32>
        %add3A_1827 = arith.constant 11 : i32
        %add3A_1828 = vector.broadcast %add3A_1827 : i32 to vector<16xi32>
        %add3A_1829 = arith.addi %mul3A_1775, %add3A_1828 : vector<16xi32>
        %gather3A_1830 = tpu.vector_load_idx %arg12[%add3A_1829] : memref<100000xf32, #tpu.memory_space<vmem>>[vector<16xi32>], vector<16xf32>,
        %max3A_1831 = arith.maximumf %max3A_1826, %gather3A_1830 : vector<16xf32>
        %add3A_1832 = arith.constant 12 : i32
        %add3A_1833 = vector.broadcast %add3A_1832 : i32 to vector<16xi32>
        %add3A_1834 = arith.addi %mul3A_1775, %add3A_1833 : vector<16xi32>
        %gather3A_1835 = tpu.vector_load_idx %arg12[%add3A_1834] : memref<100000xf32, #tpu.memory_space<vmem>>[vector<16xi32>], vector<16xf32>,
        %max3A_1836 = arith.maximumf %max3A_1831, %gather3A_1835 : vector<16xf32>
        %add3A_1837 = arith.constant 13 : i32
        %add3A_1838 = vector.broadcast %add3A_1837 : i32 to vector<16xi32>
        %add3A_1839 = arith.addi %mul3A_1775, %add3A_1838 : vector<16xi32>
        %gather3A_1840 = tpu.vector_load_idx %arg12[%add3A_1839] : memref<100000xf32, #tpu.memory_space<vmem>>[vector<16xi32>], vector<16xf32>,
        %max3A_1841 = arith.maximumf %max3A_1836, %gather3A_1840 : vector<16xf32>
        %add3A_1842 = arith.constant 14 : i32
        %add3A_1843 = vector.broadcast %add3A_1842 : i32 to vector<16xi32>
        %add3A_1844 = arith.addi %mul3A_1775, %add3A_1843 : vector<16xi32>
        %gather3A_1845 = tpu.vector_load_idx %arg12[%add3A_1844] : memref<100000xf32, #tpu.memory_space<vmem>>[vector<16xi32>], vector<16xf32>,
        %max3A_1846 = arith.maximumf %max3A_1841, %gather3A_1845 : vector<16xf32>
        %add3A_1847 = arith.constant 15 : i32
        %add3A_1848 = vector.broadcast %add3A_1847 : i32 to vector<16xi32>
        %add3A_1849 = arith.addi %mul3A_1775, %add3A_1848 : vector<16xi32>
        %gather3A_1850 = tpu.vector_load_idx %arg12[%add3A_1849] : memref<100000xf32, #tpu.memory_space<vmem>>[vector<16xi32>], vector<16xf32>,
        %max3A_1851 = arith.maximumf %max3A_1846, %gather3A_1850 : vector<16xf32>
        %swap3A_1852 = arith.index_cast %mul3A_1770 : i32 to index
        %swap3A_1853 = tpu.vector_load %arg13[%swap3A_1852] {strides = array<i32>} : memref<1280xf32, #tpu.memory_space<vmem>>, vector<16xf32>,
        tpu.vector_store %arg13[%swap3A_1852], %max3A_1851 {strides = array<i32>} : memref<1280xf32, #tpu.memory_space<vmem>>, vector<16xf32>,
        %scan3A_1854 = arith.constant 0 : i32
        scf.yield %scan3A_1854 : i32
      }
      %scan3A_274 = arith.constant 78 : i32
      %get3A = arith.constant 19968 : index
      %get3A_275 = tpu.vector_load %arg12[%get3A] {strides = array<i32>} : memref<100000xf32, #tpu.memory_space<vmem>>, vector<16xf32>,
      %reduce_max3A = arith.constant true
      %reduce_max3A_276 = vector.broadcast %reduce_max3A : i1 to vector<16xi1>
      %reduce_max3A_277 = tpu.scan <max>, %get3A_275 masked %reduce_max3A_276 : vector<16xf32>, vector<16xi1> -> vector<16xf32>
      %reduce_max3A_278 = vector.extract %reduce_max3A_277[15] : f32 from vector<16xf32>
      %get3A_279 = arith.constant 19984 : index
      %get3A_280 = tpu.vector_load %arg12[%get3A_279] {strides = array<i32>} : memref<100000xf32, #tpu.memory_space<vmem>>, vector<16xf32>,
      %reduce_max3A_281 = arith.constant true
      %reduce_max3A_282 = vector.broadcast %reduce_max3A_281 : i1 to vector<16xi1>
      %reduce_max3A_283 = tpu.scan <max>, %get3A_280 masked %reduce_max3A_282 : vector<16xf32>, vector<16xi1> -> vector<16xf32>
      %reduce_max3A_284 = vector.extract %reduce_max3A_283[15] : f32 from vector<16xf32>
      %eq3A = arith.constant 0 : i32
      %eq3A_285 = vector.broadcast %eq3A : i32 to vector<16xi32>
      %eq3A_286 = arith.cmpi eq, %iota3A, %eq3A_285 : vector<16xi32>
      %eq3A_287 = arith.constant 1 : i32
      %eq3A_288 = vector.broadcast %eq3A_287 : i32 to vector<16xi32>
      %eq3A_289 = arith.cmpi eq, %iota3A, %eq3A_288 : vector<16xi32>
      %broadcast_in_dim3A_290 = vector.broadcast %reduce_max3A_284 : f32 to vector<16xf32>
      %select_n3A = arith.select %eq3A_289, %broadcast_in_dim3A_290, %broadcast_in_dim3A_1 : vector<16xi1>, vector<16xf32>
      %broadcast_in_dim3A_291 = vector.broadcast %reduce_max3A_278 : f32 to vector<16xf32>
      %select_n3A_292 = arith.select %eq3A_286, %broadcast_in_dim3A_291, %select_n3A : vector<16xi1>, vector<16xf32>
      %swap3A_293 = arith.constant 1248 : index
      %swap3A_294 = tpu.vector_load %arg13[%swap3A_293] {strides = array<i32>} : memref<1280xf32, #tpu.memory_space<vmem>>, vector<16xf32>,
      tpu.vector_store %arg13[%swap3A_293], %select_n3A_292 {strides = array<i32>} : memref<1280xf32, #tpu.memory_space<vmem>>, vector<16xf32>,
      %add3A_295 = arith.constant 0 : i32
      %add3A_296 = vector.broadcast %add3A_295 : i32 to vector<16xi32>
      %add3A_297 = arith.addi %add3A_296, %iota3A : vector<16xi32>
      %mul3A_298 = arith.constant 16 : i32
      %mul3A_299 = vector.broadcast %mul3A_298 : i32 to vector<16xi32>
      %mul3A_300 = arith.muli %add3A_297, %mul3A_299 : vector<16xi32>
      %gather3A = tpu.vector_load_idx %arg13[%mul3A_300] : memref<1280xf32, #tpu.memory_space<vmem>>[vector<16xi32>], vector<16xf32>,
      %add3A_301 = arith.constant 1 : i32
      %add3A_302 = vector.broadcast %add3A_301 : i32 to vector<16xi32>
      %add3A_303 = arith.addi %mul3A_300, %add3A_302 : vector<16xi32>
      %gather3A_304 = tpu.vector_load_idx %arg13[%add3A_303] : memref<1280xf32, #tpu.memory_space<vmem>>[vector<16xi32>], vector<16xf32>,
      %max3A = arith.maximumf %gather3A, %gather3A_304 : vector<16xf32>
      %add3A_305 = arith.constant 2 : i32
      %add3A_306 = vector.broadcast %add3A_305 : i32 to vector<16xi32>
      %add3A_307 = arith.addi %mul3A_300, %add3A_306 : vector<16xi32>
      %gather3A_308 = tpu.vector_load_idx %arg13[%add3A_307] : memref<1280xf32, #tpu.memory_space<vmem>>[vector<16xi32>], vector<16xf32>,
      %max3A_309 = arith.maximumf %max3A, %gather3A_308 : vector<16xf32>
      %add3A_310 = arith.constant 3 : i32
      %add3A_311 = vector.broadcast %add3A_310 : i32 to vector<16xi32>
      %add3A_312 = arith.addi %mul3A_300, %add3A_311 : vector<16xi32>
      %gather3A_313 = tpu.vector_load_idx %arg13[%add3A_312] : memref<1280xf32, #tpu.memory_space<vmem>>[vector<16xi32>], vector<16xf32>,
      %max3A_314 = arith.maximumf %max3A_309, %gather3A_313 : vector<16xf32>
      %add3A_315 = arith.constant 4 : i32
      %add3A_316 = vector.broadcast %add3A_315 : i32 to vector<16xi32>
      %add3A_317 = arith.addi %mul3A_300, %add3A_316 : vector<16xi32>
      %gather3A_318 = tpu.vector_load_idx %arg13[%add3A_317] : memref<1280xf32, #tpu.memory_space<vmem>>[vector<16xi32>], vector<16xf32>,
      %max3A_319 = arith.maximumf %max3A_314, %gather3A_318 : vector<16xf32>
      %add3A_320 = arith.constant 5 : i32
      %add3A_321 = vector.broadcast %add3A_320 : i32 to vector<16xi32>
      %add3A_322 = arith.addi %mul3A_300, %add3A_321 : vector<16xi32>
      %gather3A_323 = tpu.vector_load_idx %arg13[%add3A_322] : memref<1280xf32, #tpu.memory_space<vmem>>[vector<16xi32>], vector<16xf32>,
      %max3A_324 = arith.maximumf %max3A_319, %gather3A_323 : vector<16xf32>
      %add3A_325 = arith.constant 6 : i32
      %add3A_326 = vector.broadcast %add3A_325 : i32 to vector<16xi32>
      %add3A_327 = arith.addi %mul3A_300, %add3A_326 : vector<16xi32>
      %gather3A_328 = tpu.vector_load_idx %arg13[%add3A_327] : memref<1280xf32, #tpu.memory_space<vmem>>[vector<16xi32>], vector<16xf32>,
      %max3A_329 = arith.maximumf %max3A_324, %gather3A_328 : vector<16xf32>
      %add3A_330 = arith.constant 7 : i32
      %add3A_331 = vector.broadcast %add3A_330 : i32 to vector<16xi32>
      %add3A_332 = arith.addi %mul3A_300, %add3A_331 : vector<16xi32>
      %gather3A_333 = tpu.vector_load_idx %arg13[%add3A_332] : memref<1280xf32, #tpu.memory_space<vmem>>[vector<16xi32>], vector<16xf32>,
      %max3A_334 = arith.maximumf %max3A_329, %gather3A_333 : vector<16xf32>
      %add3A_335 = arith.constant 8 : i32
      %add3A_336 = vector.broadcast %add3A_335 : i32 to vector<16xi32>
      %add3A_337 = arith.addi %mul3A_300, %add3A_336 : vector<16xi32>
      %gather3A_338 = tpu.vector_load_idx %arg13[%add3A_337] : memref<1280xf32, #tpu.memory_space<vmem>>[vector<16xi32>], vector<16xf32>,
      %max3A_339 = arith.maximumf %max3A_334, %gather3A_338 : vector<16xf32>
      %add3A_340 = arith.constant 9 : i32
      %add3A_341 = vector.broadcast %add3A_340 : i32 to vector<16xi32>
      %add3A_342 = arith.addi %mul3A_300, %add3A_341 : vector<16xi32>
      %gather3A_343 = tpu.vector_load_idx %arg13[%add3A_342] : memref<1280xf32, #tpu.memory_space<vmem>>[vector<16xi32>], vector<16xf32>,
      %max3A_344 = arith.maximumf %max3A_339, %gather3A_343 : vector<16xf32>
      %add3A_345 = arith.constant 10 : i32
      %add3A_346 = vector.broadcast %add3A_345 : i32 to vector<16xi32>
      %add3A_347 = arith.addi %mul3A_300, %add3A_346 : vector<16xi32>
      %gather3A_348 = tpu.vector_load_idx %arg13[%add3A_347] : memref<1280xf32, #tpu.memory_space<vmem>>[vector<16xi32>], vector<16xf32>,
      %max3A_349 = arith.maximumf %max3A_344, %gather3A_348 : vector<16xf32>
      %add3A_350 = arith.constant 11 : i32
      %add3A_351 = vector.broadcast %add3A_350 : i32 to vector<16xi32>
      %add3A_352 = arith.addi %mul3A_300, %add3A_351 : vector<16xi32>
      %gather3A_353 = tpu.vector_load_idx %arg13[%add3A_352] : memref<1280xf32, #tpu.memory_space<vmem>>[vector<16xi32>], vector<16xf32>,
      %max3A_354 = arith.maximumf %max3A_349, %gather3A_353 : vector<16xf32>
      %add3A_355 = arith.constant 12 : i32
      %add3A_356 = vector.broadcast %add3A_355 : i32 to vector<16xi32>
      %add3A_357 = arith.addi %mul3A_300, %add3A_356 : vector<16xi32>
      %gather3A_358 = tpu.vector_load_idx %arg13[%add3A_357] : memref<1280xf32, #tpu.memory_space<vmem>>[vector<16xi32>], vector<16xf32>,
      %max3A_359 = arith.maximumf %max3A_354, %gather3A_358 : vector<16xf32>
      %add3A_360 = arith.constant 13 : i32
      %add3A_361 = vector.broadcast %add3A_360 : i32 to vector<16xi32>
      %add3A_362 = arith.addi %mul3A_300, %add3A_361 : vector<16xi32>
      %gather3A_363 = tpu.vector_load_idx %arg13[%add3A_362] : memref<1280xf32, #tpu.memory_space<vmem>>[vector<16xi32>], vector<16xf32>,
      %max3A_364 = arith.maximumf %max3A_359, %gather3A_363 : vector<16xf32>
      %add3A_365 = arith.constant 14 : i32
      %add3A_366 = vector.broadcast %add3A_365 : i32 to vector<16xi32>
      %add3A_367 = arith.addi %mul3A_300, %add3A_366 : vector<16xi32>
      %gather3A_368 = tpu.vector_load_idx %arg13[%add3A_367] : memref<1280xf32, #tpu.memory_space<vmem>>[vector<16xi32>], vector<16xf32>,
      %max3A_369 = arith.maximumf %max3A_364, %gather3A_368 : vector<16xf32>
      %add3A_370 = arith.constant 15 : i32
      %add3A_371 = vector.broadcast %add3A_370 : i32 to vector<16xi32>
      %add3A_372 = arith.addi %mul3A_300, %add3A_371 : vector<16xi32>
      %gather3A_373 = tpu.vector_load_idx %arg13[%add3A_372] : memref<1280xf32, #tpu.memory_space<vmem>>[vector<16xi32>], vector<16xf32>,
      %max3A_374 = arith.maximumf %max3A_369, %gather3A_373 : vector<16xf32>
      %swap3A_375 = arith.constant 0 : index
      %swap3A_376 = tpu.vector_load %arg14[%swap3A_375] {strides = array<i32>} : memref<80xf32, #tpu.memory_space<vmem>>, vector<16xf32>,
      tpu.vector_store %arg14[%swap3A_375], %max3A_374 {strides = array<i32>} : memref<80xf32, #tpu.memory_space<vmem>>, vector<16xf32>,
      %add3A_377 = arith.constant 16 : i32
      %add3A_378 = vector.broadcast %add3A_377 : i32 to vector<16xi32>
      %add3A_379 = arith.addi %add3A_378, %iota3A : vector<16xi32>
      %mul3A_380 = arith.constant 16 : i32
      %mul3A_381 = vector.broadcast %mul3A_380 : i32 to vector<16xi32>
      %mul3A_382 = arith.muli %add3A_379, %mul3A_381 : vector<16xi32>
      %gather3A_383 = tpu.vector_load_idx %arg13[%mul3A_382] : memref<1280xf32, #tpu.memory_space<vmem>>[vector<16xi32>], vector<16xf32>,
      %add3A_384 = arith.constant 1 : i32
      %add3A_385 = vector.broadcast %add3A_384 : i32 to vector<16xi32>
      %add3A_386 = arith.addi %mul3A_382, %add3A_385 : vector<16xi32>
      %gather3A_387 = tpu.vector_load_idx %arg13[%add3A_386] : memref<1280xf32, #tpu.memory_space<vmem>>[vector<16xi32>], vector<16xf32>,
      %max3A_388 = arith.maximumf %gather3A_383, %gather3A_387 : vector<16xf32>
      %add3A_389 = arith.constant 2 : i32
      %add3A_390 = vector.broadcast %add3A_389 : i32 to vector<16xi32>
      %add3A_391 = arith.addi %mul3A_382, %add3A_390 : vector<16xi32>
      %gather3A_392 = tpu.vector_load_idx %arg13[%add3A_391] : memref<1280xf32, #tpu.memory_space<vmem>>[vector<16xi32>], vector<16xf32>,
      %max3A_393 = arith.maximumf %max3A_388, %gather3A_392 : vector<16xf32>
      %add3A_394 = arith.constant 3 : i32
      %add3A_395 = vector.broadcast %add3A_394 : i32 to vector<16xi32>
      %add3A_396 = arith.addi %mul3A_382, %add3A_395 : vector<16xi32>
      %gather3A_397 = tpu.vector_load_idx %arg13[%add3A_396] : memref<1280xf32, #tpu.memory_space<vmem>>[vector<16xi32>], vector<16xf32>,
      %max3A_398 = arith.maximumf %max3A_393, %gather3A_397 : vector<16xf32>
      %add3A_399 = arith.constant 4 : i32
      %add3A_400 = vector.broadcast %add3A_399 : i32 to vector<16xi32>
      %add3A_401 = arith.addi %mul3A_382, %add3A_400 : vector<16xi32>
      %gather3A_402 = tpu.vector_load_idx %arg13[%add3A_401] : memref<1280xf32, #tpu.memory_space<vmem>>[vector<16xi32>], vector<16xf32>,
      %max3A_403 = arith.maximumf %max3A_398, %gather3A_402 : vector<16xf32>
      %add3A_404 = arith.constant 5 : i32
      %add3A_405 = vector.broadcast %add3A_404 : i32 to vector<16xi32>
      %add3A_406 = arith.addi %mul3A_382, %add3A_405 : vector<16xi32>
      %gather3A_407 = tpu.vector_load_idx %arg13[%add3A_406] : memref<1280xf32, #tpu.memory_space<vmem>>[vector<16xi32>], vector<16xf32>,
      %max3A_408 = arith.maximumf %max3A_403, %gather3A_407 : vector<16xf32>
      %add3A_409 = arith.constant 6 : i32
      %add3A_410 = vector.broadcast %add3A_409 : i32 to vector<16xi32>
      %add3A_411 = arith.addi %mul3A_382, %add3A_410 : vector<16xi32>
      %gather3A_412 = tpu.vector_load_idx %arg13[%add3A_411] : memref<1280xf32, #tpu.memory_space<vmem>>[vector<16xi32>], vector<16xf32>,
      %max3A_413 = arith.maximumf %max3A_408, %gather3A_412 : vector<16xf32>
      %add3A_414 = arith.constant 7 : i32
      %add3A_415 = vector.broadcast %add3A_414 : i32 to vector<16xi32>
      %add3A_416 = arith.addi %mul3A_382, %add3A_415 : vector<16xi32>
      %gather3A_417 = tpu.vector_load_idx %arg13[%add3A_416] : memref<1280xf32, #tpu.memory_space<vmem>>[vector<16xi32>], vector<16xf32>,
      %max3A_418 = arith.maximumf %max3A_413, %gather3A_417 : vector<16xf32>
      %add3A_419 = arith.constant 8 : i32
      %add3A_420 = vector.broadcast %add3A_419 : i32 to vector<16xi32>
      %add3A_421 = arith.addi %mul3A_382, %add3A_420 : vector<16xi32>
      %gather3A_422 = tpu.vector_load_idx %arg13[%add3A_421] : memref<1280xf32, #tpu.memory_space<vmem>>[vector<16xi32>], vector<16xf32>,
      %max3A_423 = arith.maximumf %max3A_418, %gather3A_422 : vector<16xf32>
      %add3A_424 = arith.constant 9 : i32
      %add3A_425 = vector.broadcast %add3A_424 : i32 to vector<16xi32>
      %add3A_426 = arith.addi %mul3A_382, %add3A_425 : vector<16xi32>
      %gather3A_427 = tpu.vector_load_idx %arg13[%add3A_426] : memref<1280xf32, #tpu.memory_space<vmem>>[vector<16xi32>], vector<16xf32>,
      %max3A_428 = arith.maximumf %max3A_423, %gather3A_427 : vector<16xf32>
      %add3A_429 = arith.constant 10 : i32
      %add3A_430 = vector.broadcast %add3A_429 : i32 to vector<16xi32>
      %add3A_431 = arith.addi %mul3A_382, %add3A_430 : vector<16xi32>
      %gather3A_432 = tpu.vector_load_idx %arg13[%add3A_431] : memref<1280xf32, #tpu.memory_space<vmem>>[vector<16xi32>], vector<16xf32>,
      %max3A_433 = arith.maximumf %max3A_428, %gather3A_432 : vector<16xf32>
      %add3A_434 = arith.constant 11 : i32
      %add3A_435 = vector.broadcast %add3A_434 : i32 to vector<16xi32>
      %add3A_436 = arith.addi %mul3A_382, %add3A_435 : vector<16xi32>
      %gather3A_437 = tpu.vector_load_idx %arg13[%add3A_436] : memref<1280xf32, #tpu.memory_space<vmem>>[vector<16xi32>], vector<16xf32>,
      %max3A_438 = arith.maximumf %max3A_433, %gather3A_437 : vector<16xf32>
      %add3A_439 = arith.constant 12 : i32
      %add3A_440 = vector.broadcast %add3A_439 : i32 to vector<16xi32>
      %add3A_441 = arith.addi %mul3A_382, %add3A_440 : vector<16xi32>
      %gather3A_442 = tpu.vector_load_idx %arg13[%add3A_441] : memref<1280xf32, #tpu.memory_space<vmem>>[vector<16xi32>], vector<16xf32>,
      %max3A_443 = arith.maximumf %max3A_438, %gather3A_442 : vector<16xf32>
      %add3A_444 = arith.constant 13 : i32
      %add3A_445 = vector.broadcast %add3A_444 : i32 to vector<16xi32>
      %add3A_446 = arith.addi %mul3A_382, %add3A_445 : vector<16xi32>
      %gather3A_447 = tpu.vector_load_idx %arg13[%add3A_446] : memref<1280xf32, #tpu.memory_space<vmem>>[vector<16xi32>], vector<16xf32>,
      %max3A_448 = arith.maximumf %max3A_443, %gather3A_447 : vector<16xf32>
      %add3A_449 = arith.constant 14 : i32
      %add3A_450 = vector.broadcast %add3A_449 : i32 to vector<16xi32>
      %add3A_451 = arith.addi %mul3A_382, %add3A_450 : vector<16xi32>
      %gather3A_452 = tpu.vector_load_idx %arg13[%add3A_451] : memref<1280xf32, #tpu.memory_space<vmem>>[vector<16xi32>], vector<16xf32>,
      %max3A_453 = arith.maximumf %max3A_448, %gather3A_452 : vector<16xf32>
      %add3A_454 = arith.constant 15 : i32
      %add3A_455 = vector.broadcast %add3A_454 : i32 to vector<16xi32>
      %add3A_456 = arith.addi %mul3A_382, %add3A_455 : vector<16xi32>
      %gather3A_457 = tpu.vector_load_idx %arg13[%add3A_456] : memref<1280xf32, #tpu.memory_space<vmem>>[vector<16xi32>], vector<16xf32>,
      %max3A_458 = arith.maximumf %max3A_453, %gather3A_457 : vector<16xf32>
      %swap3A_459 = arith.constant 16 : index
      %swap3A_460 = tpu.vector_load %arg14[%swap3A_459] {strides = array<i32>} : memref<80xf32, #tpu.memory_space<vmem>>, vector<16xf32>,
      tpu.vector_store %arg14[%swap3A_459], %max3A_458 {strides = array<i32>} : memref<80xf32, #tpu.memory_space<vmem>>, vector<16xf32>,
      %add3A_461 = arith.constant 32 : i32
      %add3A_462 = vector.broadcast %add3A_461 : i32 to vector<16xi32>
      %add3A_463 = arith.addi %add3A_462, %iota3A : vector<16xi32>
      %mul3A_464 = arith.constant 16 : i32
      %mul3A_465 = vector.broadcast %mul3A_464 : i32 to vector<16xi32>
      %mul3A_466 = arith.muli %add3A_463, %mul3A_465 : vector<16xi32>
      %gather3A_467 = tpu.vector_load_idx %arg13[%mul3A_466] : memref<1280xf32, #tpu.memory_space<vmem>>[vector<16xi32>], vector<16xf32>,
      %add3A_468 = arith.constant 1 : i32
      %add3A_469 = vector.broadcast %add3A_468 : i32 to vector<16xi32>
      %add3A_470 = arith.addi %mul3A_466, %add3A_469 : vector<16xi32>
      %gather3A_471 = tpu.vector_load_idx %arg13[%add3A_470] : memref<1280xf32, #tpu.memory_space<vmem>>[vector<16xi32>], vector<16xf32>,
      %max3A_472 = arith.maximumf %gather3A_467, %gather3A_471 : vector<16xf32>
      %add3A_473 = arith.constant 2 : i32
      %add3A_474 = vector.broadcast %add3A_473 : i32 to vector<16xi32>
      %add3A_475 = arith.addi %mul3A_466, %add3A_474 : vector<16xi32>
      %gather3A_476 = tpu.vector_load_idx %arg13[%add3A_475] : memref<1280xf32, #tpu.memory_space<vmem>>[vector<16xi32>], vector<16xf32>,
      %max3A_477 = arith.maximumf %max3A_472, %gather3A_476 : vector<16xf32>
      %add3A_478 = arith.constant 3 : i32
      %add3A_479 = vector.broadcast %add3A_478 : i32 to vector<16xi32>
      %add3A_480 = arith.addi %mul3A_466, %add3A_479 : vector<16xi32>
      %gather3A_481 = tpu.vector_load_idx %arg13[%add3A_480] : memref<1280xf32, #tpu.memory_space<vmem>>[vector<16xi32>], vector<16xf32>,
      %max3A_482 = arith.maximumf %max3A_477, %gather3A_481 : vector<16xf32>
      %add3A_483 = arith.constant 4 : i32
      %add3A_484 = vector.broadcast %add3A_483 : i32 to vector<16xi32>
      %add3A_485 = arith.addi %mul3A_466, %add3A_484 : vector<16xi32>
      %gather3A_486 = tpu.vector_load_idx %arg13[%add3A_485] : memref<1280xf32, #tpu.memory_space<vmem>>[vector<16xi32>], vector<16xf32>,
      %max3A_487 = arith.maximumf %max3A_482, %gather3A_486 : vector<16xf32>
      %add3A_488 = arith.constant 5 : i32
      %add3A_489 = vector.broadcast %add3A_488 : i32 to vector<16xi32>
      %add3A_490 = arith.addi %mul3A_466, %add3A_489 : vector<16xi32>
      %gather3A_491 = tpu.vector_load_idx %arg13[%add3A_490] : memref<1280xf32, #tpu.memory_space<vmem>>[vector<16xi32>], vector<16xf32>,
      %max3A_492 = arith.maximumf %max3A_487, %gather3A_491 : vector<16xf32>
      %add3A_493 = arith.constant 6 : i32
      %add3A_494 = vector.broadcast %add3A_493 : i32 to vector<16xi32>
      %add3A_495 = arith.addi %mul3A_466, %add3A_494 : vector<16xi32>
      %gather3A_496 = tpu.vector_load_idx %arg13[%add3A_495] : memref<1280xf32, #tpu.memory_space<vmem>>[vector<16xi32>], vector<16xf32>,
      %max3A_497 = arith.maximumf %max3A_492, %gather3A_496 : vector<16xf32>
      %add3A_498 = arith.constant 7 : i32
      %add3A_499 = vector.broadcast %add3A_498 : i32 to vector<16xi32>
      %add3A_500 = arith.addi %mul3A_466, %add3A_499 : vector<16xi32>
      %gather3A_501 = tpu.vector_load_idx %arg13[%add3A_500] : memref<1280xf32, #tpu.memory_space<vmem>>[vector<16xi32>], vector<16xf32>,
      %max3A_502 = arith.maximumf %max3A_497, %gather3A_501 : vector<16xf32>
      %add3A_503 = arith.constant 8 : i32
      %add3A_504 = vector.broadcast %add3A_503 : i32 to vector<16xi32>
      %add3A_505 = arith.addi %mul3A_466, %add3A_504 : vector<16xi32>
      %gather3A_506 = tpu.vector_load_idx %arg13[%add3A_505] : memref<1280xf32, #tpu.memory_space<vmem>>[vector<16xi32>], vector<16xf32>,
      %max3A_507 = arith.maximumf %max3A_502, %gather3A_506 : vector<16xf32>
      %add3A_508 = arith.constant 9 : i32
      %add3A_509 = vector.broadcast %add3A_508 : i32 to vector<16xi32>
      %add3A_510 = arith.addi %mul3A_466, %add3A_509 : vector<16xi32>
      %gather3A_511 = tpu.vector_load_idx %arg13[%add3A_510] : memref<1280xf32, #tpu.memory_space<vmem>>[vector<16xi32>], vector<16xf32>,
      %max3A_512 = arith.maximumf %max3A_507, %gather3A_511 : vector<16xf32>
      %add3A_513 = arith.constant 10 : i32
      %add3A_514 = vector.broadcast %add3A_513 : i32 to vector<16xi32>
      %add3A_515 = arith.addi %mul3A_466, %add3A_514 : vector<16xi32>
      %gather3A_516 = tpu.vector_load_idx %arg13[%add3A_515] : memref<1280xf32, #tpu.memory_space<vmem>>[vector<16xi32>], vector<16xf32>,
      %max3A_517 = arith.maximumf %max3A_512, %gather3A_516 : vector<16xf32>
      %add3A_518 = arith.constant 11 : i32
      %add3A_519 = vector.broadcast %add3A_518 : i32 to vector<16xi32>
      %add3A_520 = arith.addi %mul3A_466, %add3A_519 : vector<16xi32>
      %gather3A_521 = tpu.vector_load_idx %arg13[%add3A_520] : memref<1280xf32, #tpu.memory_space<vmem>>[vector<16xi32>], vector<16xf32>,
      %max3A_522 = arith.maximumf %max3A_517, %gather3A_521 : vector<16xf32>
      %add3A_523 = arith.constant 12 : i32
      %add3A_524 = vector.broadcast %add3A_523 : i32 to vector<16xi32>
      %add3A_525 = arith.addi %mul3A_466, %add3A_524 : vector<16xi32>
      %gather3A_526 = tpu.vector_load_idx %arg13[%add3A_525] : memref<1280xf32, #tpu.memory_space<vmem>>[vector<16xi32>], vector<16xf32>,
      %max3A_527 = arith.maximumf %max3A_522, %gather3A_526 : vector<16xf32>
      %add3A_528 = arith.constant 13 : i32
      %add3A_529 = vector.broadcast %add3A_528 : i32 to vector<16xi32>
      %add3A_530 = arith.addi %mul3A_466, %add3A_529 : vector<16xi32>
      %gather3A_531 = tpu.vector_load_idx %arg13[%add3A_530] : memref<1280xf32, #tpu.memory_space<vmem>>[vector<16xi32>], vector<16xf32>,
      %max3A_532 = arith.maximumf %max3A_527, %gather3A_531 : vector<16xf32>
      %add3A_533 = arith.constant 14 : i32
      %add3A_534 = vector.broadcast %add3A_533 : i32 to vector<16xi32>
      %add3A_535 = arith.addi %mul3A_466, %add3A_534 : vector<16xi32>
      %gather3A_536 = tpu.vector_load_idx %arg13[%add3A_535] : memref<1280xf32, #tpu.memory_space<vmem>>[vector<16xi32>], vector<16xf32>,
      %max3A_537 = arith.maximumf %max3A_532, %gather3A_536 : vector<16xf32>
      %add3A_538 = arith.constant 15 : i32
      %add3A_539 = vector.broadcast %add3A_538 : i32 to vector<16xi32>
      %add3A_540 = arith.addi %mul3A_466, %add3A_539 : vector<16xi32>
      %gather3A_541 = tpu.vector_load_idx %arg13[%add3A_540] : memref<1280xf32, #tpu.memory_space<vmem>>[vector<16xi32>], vector<16xf32>,
      %max3A_542 = arith.maximumf %max3A_537, %gather3A_541 : vector<16xf32>
      %swap3A_543 = arith.constant 32 : index
      %swap3A_544 = tpu.vector_load %arg14[%swap3A_543] {strides = array<i32>} : memref<80xf32, #tpu.memory_space<vmem>>, vector<16xf32>,
      tpu.vector_store %arg14[%swap3A_543], %max3A_542 {strides = array<i32>} : memref<80xf32, #tpu.memory_space<vmem>>, vector<16xf32>,
      %add3A_545 = arith.constant 48 : i32
      %add3A_546 = vector.broadcast %add3A_545 : i32 to vector<16xi32>
      %add3A_547 = arith.addi %add3A_546, %iota3A : vector<16xi32>
      %mul3A_548 = arith.constant 16 : i32
      %mul3A_549 = vector.broadcast %mul3A_548 : i32 to vector<16xi32>
      %mul3A_550 = arith.muli %add3A_547, %mul3A_549 : vector<16xi32>
      %gather3A_551 = tpu.vector_load_idx %arg13[%mul3A_550] : memref<1280xf32, #tpu.memory_space<vmem>>[vector<16xi32>], vector<16xf32>,
      %add3A_552 = arith.constant 1 : i32
      %add3A_553 = vector.broadcast %add3A_552 : i32 to vector<16xi32>
      %add3A_554 = arith.addi %mul3A_550, %add3A_553 : vector<16xi32>
      %gather3A_555 = tpu.vector_load_idx %arg13[%add3A_554] : memref<1280xf32, #tpu.memory_space<vmem>>[vector<16xi32>], vector<16xf32>,
      %max3A_556 = arith.maximumf %gather3A_551, %gather3A_555 : vector<16xf32>
      %add3A_557 = arith.constant 2 : i32
      %add3A_558 = vector.broadcast %add3A_557 : i32 to vector<16xi32>
      %add3A_559 = arith.addi %mul3A_550, %add3A_558 : vector<16xi32>
      %gather3A_560 = tpu.vector_load_idx %arg13[%add3A_559] : memref<1280xf32, #tpu.memory_space<vmem>>[vector<16xi32>], vector<16xf32>,
      %max3A_561 = arith.maximumf %max3A_556, %gather3A_560 : vector<16xf32>
      %add3A_562 = arith.constant 3 : i32
      %add3A_563 = vector.broadcast %add3A_562 : i32 to vector<16xi32>
      %add3A_564 = arith.addi %mul3A_550, %add3A_563 : vector<16xi32>
      %gather3A_565 = tpu.vector_load_idx %arg13[%add3A_564] : memref<1280xf32, #tpu.memory_space<vmem>>[vector<16xi32>], vector<16xf32>,
      %max3A_566 = arith.maximumf %max3A_561, %gather3A_565 : vector<16xf32>
      %add3A_567 = arith.constant 4 : i32
      %add3A_568 = vector.broadcast %add3A_567 : i32 to vector<16xi32>
      %add3A_569 = arith.addi %mul3A_550, %add3A_568 : vector<16xi32>
      %gather3A_570 = tpu.vector_load_idx %arg13[%add3A_569] : memref<1280xf32, #tpu.memory_space<vmem>>[vector<16xi32>], vector<16xf32>,
      %max3A_571 = arith.maximumf %max3A_566, %gather3A_570 : vector<16xf32>
      %add3A_572 = arith.constant 5 : i32
      %add3A_573 = vector.broadcast %add3A_572 : i32 to vector<16xi32>
      %add3A_574 = arith.addi %mul3A_550, %add3A_573 : vector<16xi32>
      %gather3A_575 = tpu.vector_load_idx %arg13[%add3A_574] : memref<1280xf32, #tpu.memory_space<vmem>>[vector<16xi32>], vector<16xf32>,
      %max3A_576 = arith.maximumf %max3A_571, %gather3A_575 : vector<16xf32>
      %add3A_577 = arith.constant 6 : i32
      %add3A_578 = vector.broadcast %add3A_577 : i32 to vector<16xi32>
      %add3A_579 = arith.addi %mul3A_550, %add3A_578 : vector<16xi32>
      %gather3A_580 = tpu.vector_load_idx %arg13[%add3A_579] : memref<1280xf32, #tpu.memory_space<vmem>>[vector<16xi32>], vector<16xf32>,
      %max3A_581 = arith.maximumf %max3A_576, %gather3A_580 : vector<16xf32>
      %add3A_582 = arith.constant 7 : i32
      %add3A_583 = vector.broadcast %add3A_582 : i32 to vector<16xi32>
      %add3A_584 = arith.addi %mul3A_550, %add3A_583 : vector<16xi32>
      %gather3A_585 = tpu.vector_load_idx %arg13[%add3A_584] : memref<1280xf32, #tpu.memory_space<vmem>>[vector<16xi32>], vector<16xf32>,
      %max3A_586 = arith.maximumf %max3A_581, %gather3A_585 : vector<16xf32>
      %add3A_587 = arith.constant 8 : i32
      %add3A_588 = vector.broadcast %add3A_587 : i32 to vector<16xi32>
      %add3A_589 = arith.addi %mul3A_550, %add3A_588 : vector<16xi32>
      %gather3A_590 = tpu.vector_load_idx %arg13[%add3A_589] : memref<1280xf32, #tpu.memory_space<vmem>>[vector<16xi32>], vector<16xf32>,
      %max3A_591 = arith.maximumf %max3A_586, %gather3A_590 : vector<16xf32>
      %add3A_592 = arith.constant 9 : i32
      %add3A_593 = vector.broadcast %add3A_592 : i32 to vector<16xi32>
      %add3A_594 = arith.addi %mul3A_550, %add3A_593 : vector<16xi32>
      %gather3A_595 = tpu.vector_load_idx %arg13[%add3A_594] : memref<1280xf32, #tpu.memory_space<vmem>>[vector<16xi32>], vector<16xf32>,
      %max3A_596 = arith.maximumf %max3A_591, %gather3A_595 : vector<16xf32>
      %add3A_597 = arith.constant 10 : i32
      %add3A_598 = vector.broadcast %add3A_597 : i32 to vector<16xi32>
      %add3A_599 = arith.addi %mul3A_550, %add3A_598 : vector<16xi32>
      %gather3A_600 = tpu.vector_load_idx %arg13[%add3A_599] : memref<1280xf32, #tpu.memory_space<vmem>>[vector<16xi32>], vector<16xf32>,
      %max3A_601 = arith.maximumf %max3A_596, %gather3A_600 : vector<16xf32>
      %add3A_602 = arith.constant 11 : i32
      %add3A_603 = vector.broadcast %add3A_602 : i32 to vector<16xi32>
      %add3A_604 = arith.addi %mul3A_550, %add3A_603 : vector<16xi32>
      %gather3A_605 = tpu.vector_load_idx %arg13[%add3A_604] : memref<1280xf32, #tpu.memory_space<vmem>>[vector<16xi32>], vector<16xf32>,
      %max3A_606 = arith.maximumf %max3A_601, %gather3A_605 : vector<16xf32>
      %add3A_607 = arith.constant 12 : i32
      %add3A_608 = vector.broadcast %add3A_607 : i32 to vector<16xi32>
      %add3A_609 = arith.addi %mul3A_550, %add3A_608 : vector<16xi32>
      %gather3A_610 = tpu.vector_load_idx %arg13[%add3A_609] : memref<1280xf32, #tpu.memory_space<vmem>>[vector<16xi32>], vector<16xf32>,
      %max3A_611 = arith.maximumf %max3A_606, %gather3A_610 : vector<16xf32>
      %add3A_612 = arith.constant 13 : i32
      %add3A_613 = vector.broadcast %add3A_612 : i32 to vector<16xi32>
      %add3A_614 = arith.addi %mul3A_550, %add3A_613 : vector<16xi32>
      %gather3A_615 = tpu.vector_load_idx %arg13[%add3A_614] : memref<1280xf32, #tpu.memory_space<vmem>>[vector<16xi32>], vector<16xf32>,
      %max3A_616 = arith.maximumf %max3A_611, %gather3A_615 : vector<16xf32>
      %add3A_617 = arith.constant 14 : i32
      %add3A_618 = vector.broadcast %add3A_617 : i32 to vector<16xi32>
      %add3A_619 = arith.addi %mul3A_550, %add3A_618 : vector<16xi32>
      %gather3A_620 = tpu.vector_load_idx %arg13[%add3A_619] : memref<1280xf32, #tpu.memory_space<vmem>>[vector<16xi32>], vector<16xf32>,
      %max3A_621 = arith.maximumf %max3A_616, %gather3A_620 : vector<16xf32>
      %add3A_622 = arith.constant 15 : i32
      %add3A_623 = vector.broadcast %add3A_622 : i32 to vector<16xi32>
      %add3A_624 = arith.addi %mul3A_550, %add3A_623 : vector<16xi32>
      %gather3A_625 = tpu.vector_load_idx %arg13[%add3A_624] : memref<1280xf32, #tpu.memory_space<vmem>>[vector<16xi32>], vector<16xf32>,
      %max3A_626 = arith.maximumf %max3A_621, %gather3A_625 : vector<16xf32>
      %swap3A_627 = arith.constant 48 : index
      %swap3A_628 = tpu.vector_load %arg14[%swap3A_627] {strides = array<i32>} : memref<80xf32, #tpu.memory_space<vmem>>, vector<16xf32>,
      tpu.vector_store %arg14[%swap3A_627], %max3A_626 {strides = array<i32>} : memref<80xf32, #tpu.memory_space<vmem>>, vector<16xf32>,
      %add3A_629 = arith.constant 64 : i32
      %add3A_630 = vector.broadcast %add3A_629 : i32 to vector<16xi32>
      %add3A_631 = arith.addi %add3A_630, %iota3A : vector<16xi32>
      %mul3A_632 = arith.constant 16 : i32
      %mul3A_633 = vector.broadcast %mul3A_632 : i32 to vector<16xi32>
      %mul3A_634 = arith.muli %add3A_631, %mul3A_633 : vector<16xi32>
      %gather3A_635 = tpu.vector_load_idx %arg13[%mul3A_634] : memref<1280xf32, #tpu.memory_space<vmem>>[vector<16xi32>], vector<16xf32>,
      %add3A_636 = arith.constant 1 : i32
      %add3A_637 = vector.broadcast %add3A_636 : i32 to vector<16xi32>
      %add3A_638 = arith.addi %mul3A_634, %add3A_637 : vector<16xi32>
      %gather3A_639 = tpu.vector_load_idx %arg13[%add3A_638] : memref<1280xf32, #tpu.memory_space<vmem>>[vector<16xi32>], vector<16xf32>,
      %max3A_640 = arith.maximumf %gather3A_635, %gather3A_639 : vector<16xf32>
      %add3A_641 = arith.constant 2 : i32
      %add3A_642 = vector.broadcast %add3A_641 : i32 to vector<16xi32>
      %add3A_643 = arith.addi %mul3A_634, %add3A_642 : vector<16xi32>
      %gather3A_644 = tpu.vector_load_idx %arg13[%add3A_643] : memref<1280xf32, #tpu.memory_space<vmem>>[vector<16xi32>], vector<16xf32>,
      %max3A_645 = arith.maximumf %max3A_640, %gather3A_644 : vector<16xf32>
      %add3A_646 = arith.constant 3 : i32
      %add3A_647 = vector.broadcast %add3A_646 : i32 to vector<16xi32>
      %add3A_648 = arith.addi %mul3A_634, %add3A_647 : vector<16xi32>
      %gather3A_649 = tpu.vector_load_idx %arg13[%add3A_648] : memref<1280xf32, #tpu.memory_space<vmem>>[vector<16xi32>], vector<16xf32>,
      %max3A_650 = arith.maximumf %max3A_645, %gather3A_649 : vector<16xf32>
      %add3A_651 = arith.constant 4 : i32
      %add3A_652 = vector.broadcast %add3A_651 : i32 to vector<16xi32>
      %add3A_653 = arith.addi %mul3A_634, %add3A_652 : vector<16xi32>
      %gather3A_654 = tpu.vector_load_idx %arg13[%add3A_653] : memref<1280xf32, #tpu.memory_space<vmem>>[vector<16xi32>], vector<16xf32>,
      %max3A_655 = arith.maximumf %max3A_650, %gather3A_654 : vector<16xf32>
      %add3A_656 = arith.constant 5 : i32
      %add3A_657 = vector.broadcast %add3A_656 : i32 to vector<16xi32>
      %add3A_658 = arith.addi %mul3A_634, %add3A_657 : vector<16xi32>
      %gather3A_659 = tpu.vector_load_idx %arg13[%add3A_658] : memref<1280xf32, #tpu.memory_space<vmem>>[vector<16xi32>], vector<16xf32>,
      %max3A_660 = arith.maximumf %max3A_655, %gather3A_659 : vector<16xf32>
      %add3A_661 = arith.constant 6 : i32
      %add3A_662 = vector.broadcast %add3A_661 : i32 to vector<16xi32>
      %add3A_663 = arith.addi %mul3A_634, %add3A_662 : vector<16xi32>
      %gather3A_664 = tpu.vector_load_idx %arg13[%add3A_663] : memref<1280xf32, #tpu.memory_space<vmem>>[vector<16xi32>], vector<16xf32>,
      %max3A_665 = arith.maximumf %max3A_660, %gather3A_664 : vector<16xf32>
      %add3A_666 = arith.constant 7 : i32
      %add3A_667 = vector.broadcast %add3A_666 : i32 to vector<16xi32>
      %add3A_668 = arith.addi %mul3A_634, %add3A_667 : vector<16xi32>
      %gather3A_669 = tpu.vector_load_idx %arg13[%add3A_668] : memref<1280xf32, #tpu.memory_space<vmem>>[vector<16xi32>], vector<16xf32>,
      %max3A_670 = arith.maximumf %max3A_665, %gather3A_669 : vector<16xf32>
      %add3A_671 = arith.constant 8 : i32
      %add3A_672 = vector.broadcast %add3A_671 : i32 to vector<16xi32>
      %add3A_673 = arith.addi %mul3A_634, %add3A_672 : vector<16xi32>
      %gather3A_674 = tpu.vector_load_idx %arg13[%add3A_673] : memref<1280xf32, #tpu.memory_space<vmem>>[vector<16xi32>], vector<16xf32>,
      %max3A_675 = arith.maximumf %max3A_670, %gather3A_674 : vector<16xf32>
      %add3A_676 = arith.constant 9 : i32
      %add3A_677 = vector.broadcast %add3A_676 : i32 to vector<16xi32>
      %add3A_678 = arith.addi %mul3A_634, %add3A_677 : vector<16xi32>
      %gather3A_679 = tpu.vector_load_idx %arg13[%add3A_678] : memref<1280xf32, #tpu.memory_space<vmem>>[vector<16xi32>], vector<16xf32>,
      %max3A_680 = arith.maximumf %max3A_675, %gather3A_679 : vector<16xf32>
      %add3A_681 = arith.constant 10 : i32
      %add3A_682 = vector.broadcast %add3A_681 : i32 to vector<16xi32>
      %add3A_683 = arith.addi %mul3A_634, %add3A_682 : vector<16xi32>
      %gather3A_684 = tpu.vector_load_idx %arg13[%add3A_683] : memref<1280xf32, #tpu.memory_space<vmem>>[vector<16xi32>], vector<16xf32>,
      %max3A_685 = arith.maximumf %max3A_680, %gather3A_684 : vector<16xf32>
      %add3A_686 = arith.constant 11 : i32
      %add3A_687 = vector.broadcast %add3A_686 : i32 to vector<16xi32>
      %add3A_688 = arith.addi %mul3A_634, %add3A_687 : vector<16xi32>
      %gather3A_689 = tpu.vector_load_idx %arg13[%add3A_688] : memref<1280xf32, #tpu.memory_space<vmem>>[vector<16xi32>], vector<16xf32>,
      %max3A_690 = arith.maximumf %max3A_685, %gather3A_689 : vector<16xf32>
      %add3A_691 = arith.constant 12 : i32
      %add3A_692 = vector.broadcast %add3A_691 : i32 to vector<16xi32>
      %add3A_693 = arith.addi %mul3A_634, %add3A_692 : vector<16xi32>
      %gather3A_694 = tpu.vector_load_idx %arg13[%add3A_693] : memref<1280xf32, #tpu.memory_space<vmem>>[vector<16xi32>], vector<16xf32>,
      %max3A_695 = arith.maximumf %max3A_690, %gather3A_694 : vector<16xf32>
      %add3A_696 = arith.constant 13 : i32
      %add3A_697 = vector.broadcast %add3A_696 : i32 to vector<16xi32>
      %add3A_698 = arith.addi %mul3A_634, %add3A_697 : vector<16xi32>
      %gather3A_699 = tpu.vector_load_idx %arg13[%add3A_698] : memref<1280xf32, #tpu.memory_space<vmem>>[vector<16xi32>], vector<16xf32>,
      %max3A_700 = arith.maximumf %max3A_695, %gather3A_699 : vector<16xf32>
      %add3A_701 = arith.constant 14 : i32
      %add3A_702 = vector.broadcast %add3A_701 : i32 to vector<16xi32>
      %add3A_703 = arith.addi %mul3A_634, %add3A_702 : vector<16xi32>
      %gather3A_704 = tpu.vector_load_idx %arg13[%add3A_703] : memref<1280xf32, #tpu.memory_space<vmem>>[vector<16xi32>], vector<16xf32>,
      %max3A_705 = arith.maximumf %max3A_700, %gather3A_704 : vector<16xf32>
      %add3A_706 = arith.constant 15 : i32
      %add3A_707 = vector.broadcast %add3A_706 : i32 to vector<16xi32>
      %add3A_708 = arith.addi %mul3A_634, %add3A_707 : vector<16xi32>
      %gather3A_709 = tpu.vector_load_idx %arg13[%add3A_708] : memref<1280xf32, #tpu.memory_space<vmem>>[vector<16xi32>], vector<16xf32>,
      %max3A_710 = arith.maximumf %max3A_705, %gather3A_709 : vector<16xf32>
      %swap3A_711 = arith.constant 64 : index
      %swap3A_712 = tpu.vector_load %arg14[%swap3A_711] {strides = array<i32>} : memref<80xf32, #tpu.memory_space<vmem>>, vector<16xf32>,
      tpu.vector_store %arg14[%swap3A_711], %max3A_710 {strides = array<i32>} : memref<80xf32, #tpu.memory_space<vmem>>, vector<16xf32>,
      %dma_wait3A_713 = arith.constant 0 : i32
      %dma_wait3A_714 = arith.constant 20000 : i32
      %dma_wait3A_715 = tpu.memref_slice %arg12[%dma_wait3A_714] : memref<100000xf32, #tpu.memory_space<vmem>> -> memref<20000xf32, #tpu.memory_space<vmem>>
      %dma_wait3A_716 = arith.constant 0 : i32
      %dma_wait3A_717 = tpu.memref_slice %arg3[%dma_wait3A_713, %add3A, %dma_wait3A_716] : memref<4x8x20000xf32, #tpu.memory_space<hbm>> -> memref<1x1x20000xf32, #tpu.memory_space<hbm>>
      %dma_wait3A_718 = tpu.memref_squeeze %dma_wait3A_717 : memref<1x1x20000xf32, #tpu.memory_space<hbm>> -> memref<20000xf32, #tpu.memory_space<hbm>>
      %dma_wait3A_719 = arith.constant 20000 : i32
      %dma_wait3A_720 = tpu.memref_slice %arg12[%dma_wait3A_719] : memref<100000xf32, #tpu.memory_space<vmem>> -> memref<20000xf32, #tpu.memory_space<vmem>>
      %dma_wait3A_721 = arith.constant 0 : i32
      %dma_wait3A_722 = tpu.memref_slice %arg3[%dma_wait3A_713, %add3A, %dma_wait3A_721] : memref<4x8x20000xf32, #tpu.memory_space<hbm>> -> memref<1x1x20000xf32, #tpu.memory_space<hbm>>
      %dma_wait3A_723 = tpu.memref_squeeze %dma_wait3A_722 : memref<1x1x20000xf32, #tpu.memory_space<hbm>> -> memref<20000xf32, #tpu.memory_space<hbm>>
      tpu.wait_dma2 semaphore(%arg27 : memref<!tpu.dma_semaphore, #tpu.memory_space<semaphore_mem>>) src(%dma_wait3A_723 : memref<20000xf32, #tpu.memory_space<hbm>>) dst(%dma_wait3A_720 : memref<20000xf32, #tpu.memory_space<vmem>>)
      %dma_wait3A_724 = arith.constant 1 : i32
      %dma_wait3A_725 = arith.constant 40000 : i32
      %dma_wait3A_726 = tpu.memref_slice %arg12[%dma_wait3A_725] : memref<100000xf32, #tpu.memory_space<vmem>> -> memref<20000xf32, #tpu.memory_space<vmem>>
      %dma_wait3A_727 = arith.constant 0 : i32
      %dma_wait3A_728 = tpu.memref_slice %arg3[%dma_wait3A_724, %add3A, %dma_wait3A_727] : memref<4x8x20000xf32, #tpu.memory_space<hbm>> -> memref<1x1x20000xf32, #tpu.memory_space<hbm>>
      %dma_wait3A_729 = tpu.memref_squeeze %dma_wait3A_728 : memref<1x1x20000xf32, #tpu.memory_space<hbm>> -> memref<20000xf32, #tpu.memory_space<hbm>>
      %dma_wait3A_730 = arith.constant 40000 : i32
      %dma_wait3A_731 = tpu.memref_slice %arg12[%dma_wait3A_730] : memref<100000xf32, #tpu.memory_space<vmem>> -> memref<20000xf32, #tpu.memory_space<vmem>>
      %dma_wait3A_732 = arith.constant 0 : i32
      %dma_wait3A_733 = tpu.memref_slice %arg3[%dma_wait3A_724, %add3A, %dma_wait3A_732] : memref<4x8x20000xf32, #tpu.memory_space<hbm>> -> memref<1x1x20000xf32, #tpu.memory_space<hbm>>
      %dma_wait3A_734 = tpu.memref_squeeze %dma_wait3A_733 : memref<1x1x20000xf32, #tpu.memory_space<hbm>> -> memref<20000xf32, #tpu.memory_space<hbm>>
      tpu.wait_dma2 semaphore(%arg27 : memref<!tpu.dma_semaphore, #tpu.memory_space<semaphore_mem>>) src(%dma_wait3A_734 : memref<20000xf32, #tpu.memory_space<hbm>>) dst(%dma_wait3A_731 : memref<20000xf32, #tpu.memory_space<vmem>>)
      %dma_wait3A_735 = arith.constant 2 : i32
      %dma_wait3A_736 = arith.constant 60000 : i32
      %dma_wait3A_737 = tpu.memref_slice %arg12[%dma_wait3A_736] : memref<100000xf32, #tpu.memory_space<vmem>> -> memref<20000xf32, #tpu.memory_space<vmem>>
      %dma_wait3A_738 = arith.constant 0 : i32
      %dma_wait3A_739 = tpu.memref_slice %arg3[%dma_wait3A_735, %add3A, %dma_wait3A_738] : memref<4x8x20000xf32, #tpu.memory_space<hbm>> -> memref<1x1x20000xf32, #tpu.memory_space<hbm>>
      %dma_wait3A_740 = tpu.memref_squeeze %dma_wait3A_739 : memref<1x1x20000xf32, #tpu.memory_space<hbm>> -> memref<20000xf32, #tpu.memory_space<hbm>>
      %dma_wait3A_741 = arith.constant 60000 : i32
      %dma_wait3A_742 = tpu.memref_slice %arg12[%dma_wait3A_741] : memref<100000xf32, #tpu.memory_space<vmem>> -> memref<20000xf32, #tpu.memory_space<vmem>>
      %dma_wait3A_743 = arith.constant 0 : i32
      %dma_wait3A_744 = tpu.memref_slice %arg3[%dma_wait3A_735, %add3A, %dma_wait3A_743] : memref<4x8x20000xf32, #tpu.memory_space<hbm>> -> memref<1x1x20000xf32, #tpu.memory_space<hbm>>
      %dma_wait3A_745 = tpu.memref_squeeze %dma_wait3A_744 : memref<1x1x20000xf32, #tpu.memory_space<hbm>> -> memref<20000xf32, #tpu.memory_space<hbm>>
      tpu.wait_dma2 semaphore(%arg27 : memref<!tpu.dma_semaphore, #tpu.memory_space<semaphore_mem>>) src(%dma_wait3A_745 : memref<20000xf32, #tpu.memory_space<hbm>>) dst(%dma_wait3A_742 : memref<20000xf32, #tpu.memory_space<vmem>>)
      %dma_wait3A_746 = arith.constant 3 : i32
      %dma_wait3A_747 = arith.constant 80000 : i32
      %dma_wait3A_748 = tpu.memref_slice %arg12[%dma_wait3A_747] : memref<100000xf32, #tpu.memory_space<vmem>> -> memref<20000xf32, #tpu.memory_space<vmem>>
      %dma_wait3A_749 = arith.constant 0 : i32
      %dma_wait3A_750 = tpu.memref_slice %arg3[%dma_wait3A_746, %add3A, %dma_wait3A_749] : memref<4x8x20000xf32, #tpu.memory_space<hbm>> -> memref<1x1x20000xf32, #tpu.memory_space<hbm>>
      %dma_wait3A_751 = tpu.memref_squeeze %dma_wait3A_750 : memref<1x1x20000xf32, #tpu.memory_space<hbm>> -> memref<20000xf32, #tpu.memory_space<hbm>>
      %dma_wait3A_752 = arith.constant 80000 : i32
      %dma_wait3A_753 = tpu.memref_slice %arg12[%dma_wait3A_752] : memref<100000xf32, #tpu.memory_space<vmem>> -> memref<20000xf32, #tpu.memory_space<vmem>>
      %dma_wait3A_754 = arith.constant 0 : i32
      %dma_wait3A_755 = tpu.memref_slice %arg3[%dma_wait3A_746, %add3A, %dma_wait3A_754] : memref<4x8x20000xf32, #tpu.memory_space<hbm>> -> memref<1x1x20000xf32, #tpu.memory_space<hbm>>
      %dma_wait3A_756 = tpu.memref_squeeze %dma_wait3A_755 : memref<1x1x20000xf32, #tpu.memory_space<hbm>> -> memref<20000xf32, #tpu.memory_space<hbm>>
      tpu.wait_dma2 semaphore(%arg27 : memref<!tpu.dma_semaphore, #tpu.memory_space<semaphore_mem>>) src(%dma_wait3A_756 : memref<20000xf32, #tpu.memory_space<hbm>>) dst(%dma_wait3A_753 : memref<20000xf32, #tpu.memory_space<vmem>>)
      %eq3A_757 = arith.constant 0 : i32
      %eq3A_758 = vector.broadcast %eq3A_757 : i32 to vector<16xi32>
      %eq3A_759 = arith.cmpi eq, %iota3A, %eq3A_758 : vector<16xi32>
      %while3A = arith.constant 0 : i32
      %while3A_760 = arith.constant false
      %while3A_761:2 = scf.while (%while3A_1767 = %while3A, %while3A_1768 = %while3A_760) : (i32, i1) -> (i32, i1) {
        %lt3A_1769 = arith.constant 100 : i32
        %lt3A_1770 = arith.cmpi slt, %while3A_1767, %lt3A_1769 : i32
        %not3A = arith.constant true
        %not3A_1771 = arith.xori %while3A_1768, %not3A : i1
        %and3A = arith.andi %lt3A_1770, %not3A_1771 : i1
        scf.condition(%and3A) %while3A_1767, %while3A_1768 : i32, i1
      } do {
      ^bb0(%while3A_1767: i32, %while3A_1768: i1):
        %get3A_1769 = arith.constant 0 : index
        %get3A_1770 = tpu.vector_load %arg14[%get3A_1769] {strides = array<i32>} : memref<80xf32, #tpu.memory_space<vmem>>, vector<16xf32>,
        %get3A_1771 = arith.constant 16 : index
        %get3A_1772 = tpu.vector_load %arg14[%get3A_1771] {strides = array<i32>} : memref<80xf32, #tpu.memory_space<vmem>>, vector<16xf32>,
        %get3A_1773 = arith.constant 32 : index
        %get3A_1774 = tpu.vector_load %arg14[%get3A_1773] {strides = array<i32>} : memref<80xf32, #tpu.memory_space<vmem>>, vector<16xf32>,
        %get3A_1775 = arith.constant 48 : index
        %get3A_1776 = tpu.vector_load %arg14[%get3A_1775] {strides = array<i32>} : memref<80xf32, #tpu.memory_space<vmem>>, vector<16xf32>,
        %get3A_1777 = arith.constant 64 : index
        %get3A_1778 = tpu.vector_load %arg14[%get3A_1777] {strides = array<i32>} : memref<80xf32, #tpu.memory_space<vmem>>, vector<16xf32>,
        %max3A_1779 = arith.maximumf %get3A_1770, %get3A_1772 : vector<16xf32>
        %max3A_1780 = arith.maximumf %max3A_1779, %get3A_1774 : vector<16xf32>
        %max3A_1781 = arith.maximumf %max3A_1780, %get3A_1776 : vector<16xf32>
        %max3A_1782 = arith.maximumf %max3A_1781, %get3A_1778 : vector<16xf32>
        %reduce_max3A_1783 = arith.constant true
        %reduce_max3A_1784 = vector.broadcast %reduce_max3A_1783 : i1 to vector<16xi1>
        %reduce_max3A_1785 = tpu.scan <max>, %max3A_1782 masked %reduce_max3A_1784 : vector<16xf32>, vector<16xi1> -> vector<16xf32>
        %reduce_max3A_1786 = vector.extract %reduce_max3A_1785[15] : f32 from vector<16xf32>
        %eq3A_1787 = arith.constant 0xFF800000 : f32
        %eq3A_1788 = arith.cmpf oeq, %reduce_max3A_1786, %eq3A_1787 : f32
        %broadcast_in_dim3A_1789 = vector.broadcast %reduce_max3A_1786 : f32 to vector<16xf32>
        %broadcast_in_dim3A_1790 = arith.constant 9999 : i32
        %broadcast_in_dim3A_1791 = vector.broadcast %broadcast_in_dim3A_1790 : i32 to vector<16xi32>
        %eq3A_1792 = arith.cmpf oeq, %get3A_1770, %broadcast_in_dim3A_1789 : vector<16xf32>
        %all_reduce_ffs3A = tpu.all_reduce %eq3A_1792 {dim = 0 : i64, kind = #tpu.reduction_kind<find_first_set>} : vector<16xi1> -> vector<16xi32>
        %lt3A_1793 = arith.constant 16 : i32
        %lt3A_1794 = vector.broadcast %lt3A_1793 : i32 to vector<16xi32>
        %lt3A_1795 = arith.cmpi slt, %all_reduce_ffs3A, %lt3A_1794 : vector<16xi32>
        %add3A_1796 = arith.constant 0 : i32
        %add3A_1797 = vector.broadcast %add3A_1796 : i32 to vector<16xi32>
        %add3A_1798 = arith.addi %all_reduce_ffs3A, %add3A_1797 : vector<16xi32>
        %select_n3A_1799 = arith.select %lt3A_1795, %add3A_1798, %broadcast_in_dim3A_1791 : vector<16xi1>, vector<16xi32>
        %min3A = arith.minsi %broadcast_in_dim3A_1791, %select_n3A_1799 : vector<16xi32>
        %eq3A_1800 = arith.cmpf oeq, %get3A_1772, %broadcast_in_dim3A_1789 : vector<16xf32>
        %all_reduce_ffs3A_1801 = tpu.all_reduce %eq3A_1800 {dim = 0 : i64, kind = #tpu.reduction_kind<find_first_set>} : vector<16xi1> -> vector<16xi32>
        %lt3A_1802 = arith.constant 16 : i32
        %lt3A_1803 = vector.broadcast %lt3A_1802 : i32 to vector<16xi32>
        %lt3A_1804 = arith.cmpi slt, %all_reduce_ffs3A_1801, %lt3A_1803 : vector<16xi32>
        %add3A_1805 = arith.constant 16 : i32
        %add3A_1806 = vector.broadcast %add3A_1805 : i32 to vector<16xi32>
        %add3A_1807 = arith.addi %all_reduce_ffs3A_1801, %add3A_1806 : vector<16xi32>
        %select_n3A_1808 = arith.select %lt3A_1804, %add3A_1807, %broadcast_in_dim3A_1791 : vector<16xi1>, vector<16xi32>
        %min3A_1809 = arith.minsi %min3A, %select_n3A_1808 : vector<16xi32>
        %eq3A_1810 = arith.cmpf oeq, %get3A_1774, %broadcast_in_dim3A_1789 : vector<16xf32>
        %all_reduce_ffs3A_1811 = tpu.all_reduce %eq3A_1810 {dim = 0 : i64, kind = #tpu.reduction_kind<find_first_set>} : vector<16xi1> -> vector<16xi32>
        %lt3A_1812 = arith.constant 16 : i32
        %lt3A_1813 = vector.broadcast %lt3A_1812 : i32 to vector<16xi32>
        %lt3A_1814 = arith.cmpi slt, %all_reduce_ffs3A_1811, %lt3A_1813 : vector<16xi32>
        %add3A_1815 = arith.constant 32 : i32
        %add3A_1816 = vector.broadcast %add3A_1815 : i32 to vector<16xi32>
        %add3A_1817 = arith.addi %all_reduce_ffs3A_1811, %add3A_1816 : vector<16xi32>
        %select_n3A_1818 = arith.select %lt3A_1814, %add3A_1817, %broadcast_in_dim3A_1791 : vector<16xi1>, vector<16xi32>
        %min3A_1819 = arith.minsi %min3A_1809, %select_n3A_1818 : vector<16xi32>
        %eq3A_1820 = arith.cmpf oeq, %get3A_1776, %broadcast_in_dim3A_1789 : vector<16xf32>
        %all_reduce_ffs3A_1821 = tpu.all_reduce %eq3A_1820 {dim = 0 : i64, kind = #tpu.reduction_kind<find_first_set>} : vector<16xi1> -> vector<16xi32>
        %lt3A_1822 = arith.constant 16 : i32
        %lt3A_1823 = vector.broadcast %lt3A_1822 : i32 to vector<16xi32>
        %lt3A_1824 = arith.cmpi slt, %all_reduce_ffs3A_1821, %lt3A_1823 : vector<16xi32>
        %add3A_1825 = arith.constant 48 : i32
        %add3A_1826 = vector.broadcast %add3A_1825 : i32 to vector<16xi32>
        %add3A_1827 = arith.addi %all_reduce_ffs3A_1821, %add3A_1826 : vector<16xi32>
        %select_n3A_1828 = arith.select %lt3A_1824, %add3A_1827, %broadcast_in_dim3A_1791 : vector<16xi1>, vector<16xi32>
        %min3A_1829 = arith.minsi %min3A_1819, %select_n3A_1828 : vector<16xi32>
        %eq3A_1830 = arith.cmpf oeq, %get3A_1778, %broadcast_in_dim3A_1789 : vector<16xf32>
        %all_reduce_ffs3A_1831 = tpu.all_reduce %eq3A_1830 {dim = 0 : i64, kind = #tpu.reduction_kind<find_first_set>} : vector<16xi1> -> vector<16xi32>
        %lt3A_1832 = arith.constant 16 : i32
        %lt3A_1833 = vector.broadcast %lt3A_1832 : i32 to vector<16xi32>
        %lt3A_1834 = arith.cmpi slt, %all_reduce_ffs3A_1831, %lt3A_1833 : vector<16xi32>
        %add3A_1835 = arith.constant 64 : i32
        %add3A_1836 = vector.broadcast %add3A_1835 : i32 to vector<16xi32>
        %add3A_1837 = arith.addi %all_reduce_ffs3A_1831, %add3A_1836 : vector<16xi32>
        %select_n3A_1838 = arith.select %lt3A_1834, %add3A_1837, %broadcast_in_dim3A_1791 : vector<16xi1>, vector<16xi32>
        %min3A_1839 = arith.minsi %min3A_1829, %select_n3A_1838 : vector<16xi32>
        %mul3A_1840 = arith.constant 16 : i32
        %mul3A_1841 = vector.broadcast %mul3A_1840 : i32 to vector<16xi32>
        %mul3A_1842 = arith.muli %min3A_1839, %mul3A_1841 : vector<16xi32>
        %add3A_1843 = arith.addi %mul3A_1842, %iota3A : vector<16xi32>
        %gather3A_1844 = tpu.vector_load_idx %arg13[%add3A_1843] : memref<1280xf32, #tpu.memory_space<vmem>>[vector<16xi32>], vector<16xf32>,
        %eq3A_1845 = arith.cmpf oeq, %gather3A_1844, %broadcast_in_dim3A_1789 : vector<16xf32>
        %all_reduce_ffs3A_1846 = tpu.all_reduce %eq3A_1845 {dim = 0 : i64, kind = #tpu.reduction_kind<find_first_set>} : vector<16xi1> -> vector<16xi32>
        %mul3A_1847 = arith.constant 16 : i32
        %mul3A_1848 = vector.broadcast %mul3A_1847 : i32 to vector<16xi32>
        %mul3A_1849 = arith.muli %min3A_1839, %mul3A_1848 : vector<16xi32>
        %add3A_1850 = arith.addi %mul3A_1849, %all_reduce_ffs3A_1846 : vector<16xi32>
        %mul3A_1851 = arith.constant 16 : i32
        %mul3A_1852 = vector.broadcast %mul3A_1851 : i32 to vector<16xi32>
        %mul3A_1853 = arith.muli %add3A_1850, %mul3A_1852 : vector<16xi32>
        %add3A_1854 = arith.addi %mul3A_1853, %iota3A : vector<16xi32>
        %gather3A_1855 = tpu.vector_load_idx %arg12[%add3A_1854] : memref<100000xf32, #tpu.memory_space<vmem>>[vector<16xi32>], vector<16xf32>,
        %eq3A_1856 = arith.cmpf oeq, %gather3A_1855, %broadcast_in_dim3A_1789 : vector<16xf32>
        %all_reduce_ffs3A_1857 = tpu.all_reduce %eq3A_1856 {dim = 0 : i64, kind = #tpu.reduction_kind<find_first_set>} : vector<16xi1> -> vector<16xi32>
        %mul3A_1858 = arith.constant 16 : i32
        %mul3A_1859 = vector.broadcast %mul3A_1858 : i32 to vector<16xi32>
        %mul3A_1860 = arith.muli %add3A_1850, %mul3A_1859 : vector<16xi32>
        %add3A_1861 = arith.addi %mul3A_1860, %all_reduce_ffs3A_1857 : vector<16xi32>
        %add3A_1862 = arith.constant 20000 : i32
        %add3A_1863 = vector.broadcast %add3A_1862 : i32 to vector<16xi32>
        %add3A_1864 = arith.addi %add3A_1863, %add3A_1861 : vector<16xi32>
        %gather3A_1865 = tpu.vector_load_idx %arg12[%add3A_1864] : memref<100000xf32, #tpu.memory_space<vmem>>[vector<16xi32>], vector<16xf32>,
        %add3A_1866 = arith.constant 20000 : i32
        %add3A_1867 = vector.broadcast %add3A_1866 : i32 to vector<16xi32>
        %add3A_1868 = arith.addi %add3A_1864, %add3A_1867 : vector<16xi32>
        %gather3A_1869 = tpu.vector_load_idx %arg12[%add3A_1868] : memref<100000xf32, #tpu.memory_space<vmem>>[vector<16xi32>], vector<16xf32>,
        %add3A_1870 = arith.constant 40000 : i32
        %add3A_1871 = vector.broadcast %add3A_1870 : i32 to vector<16xi32>
        %add3A_1872 = arith.addi %add3A_1864, %add3A_1871 : vector<16xi32>
        %gather3A_1873 = tpu.vector_load_idx %arg12[%add3A_1872] : memref<100000xf32, #tpu.memory_space<vmem>>[vector<16xi32>], vector<16xf32>,
        %add3A_1874 = arith.constant 60000 : i32
        %add3A_1875 = vector.broadcast %add3A_1874 : i32 to vector<16xi32>
        %add3A_1876 = arith.addi %add3A_1864, %add3A_1875 : vector<16xi32>
        %gather3A_1877 = tpu.vector_load_idx %arg12[%add3A_1876] : memref<100000xf32, #tpu.memory_space<vmem>>[vector<16xi32>], vector<16xf32>,
        %sub3A = arith.subf %gather3A_1873, %gather3A_1865 : vector<16xf32>
        %sub3A_1878 = arith.subf %gather3A_1877, %gather3A_1869 : vector<16xf32>
        %mul3A_1879 = arith.mulf %sub3A, %sub3A_1878 : vector<16xf32>
        %broadcast_in_dim3A_1880 = arith.constant false
        %broadcast_in_dim3A_1881 = vector.broadcast %broadcast_in_dim3A_1880 : i1 to vector<16xi1>
        %get3A_1882 = arith.constant 0 : index
        %get3A_1883 = tpu.vector_load %arg15[%get3A_1882] {strides = array<i32>} : memref<112xf32, #tpu.memory_space<vmem>>, vector<16xf32>,
        %max3A_1884 = arith.maximumf %gather3A_1865, %get3A_1883 : vector<16xf32>
        %get3A_1885 = arith.constant 0 : index
        %get3A_1886 = tpu.vector_load %arg16[%get3A_1885] {strides = array<i32>} : memref<112xf32, #tpu.memory_space<vmem>>, vector<16xf32>,
        %max3A_1887 = arith.maximumf %gather3A_1869, %get3A_1886 : vector<16xf32>
        %get3A_1888 = arith.constant 0 : index
        %get3A_1889 = tpu.vector_load %arg17[%get3A_1888] {strides = array<i32>} : memref<112xf32, #tpu.memory_space<vmem>>, vector<16xf32>,
        %min3A_1890 = arith.minimumf %gather3A_1873, %get3A_1889 : vector<16xf32>
        %get3A_1891 = arith.constant 0 : index
        %get3A_1892 = tpu.vector_load %arg18[%get3A_1891] {strides = array<i32>} : memref<112xf32, #tpu.memory_space<vmem>>, vector<16xf32>,
        %min3A_1893 = arith.minimumf %gather3A_1877, %get3A_1892 : vector<16xf32>
        %sub3A_1894 = arith.subf %min3A_1890, %max3A_1884 : vector<16xf32>
        %max3A_1895 = arith.constant 0.000000e+00 : f32
        %max3A_1896 = vector.broadcast %max3A_1895 : f32 to vector<16xf32>
        %max3A_1897 = arith.maximumf %sub3A_1894, %max3A_1896 : vector<16xf32>
        %sub3A_1898 = arith.subf %min3A_1893, %max3A_1887 : vector<16xf32>
        %max3A_1899 = arith.constant 0.000000e+00 : f32
        %max3A_1900 = vector.broadcast %max3A_1899 : f32 to vector<16xf32>
        %max3A_1901 = arith.maximumf %sub3A_1898, %max3A_1900 : vector<16xf32>
        %mul3A_1902 = arith.mulf %max3A_1897, %max3A_1901 : vector<16xf32>
        %get3A_1903 = arith.constant 0 : index
        %get3A_1904 = tpu.vector_load %arg19[%get3A_1903] {strides = array<i32>} : memref<112xf32, #tpu.memory_space<vmem>>, vector<16xf32>,
        %add3A_1905 = arith.addf %mul3A_1879, %get3A_1904 : vector<16xf32>
        %sub3A_1906 = arith.subf %add3A_1905, %mul3A_1902 : vector<16xf32>
        %max3A_1907 = arith.constant 9.99999993E-9 : f32
        %max3A_1908 = vector.broadcast %max3A_1907 : f32 to vector<16xf32>
        %max3A_1909 = arith.maximumf %sub3A_1906, %max3A_1908 : vector<16xf32>
        %div3A = arith.divf %mul3A_1902, %max3A_1909 : vector<16xf32>
        %gt3A = arith.constant 5.000000e-01 : f32
        %gt3A_1910 = vector.broadcast %gt3A : f32 to vector<16xf32>
        %gt3A_1911 = arith.cmpf ogt, %div3A, %gt3A_1910 : vector<16xf32>
        %or3A = arith.ori %broadcast_in_dim3A_1881, %gt3A_1911 : vector<16xi1>
        %get3A_1912 = arith.constant 16 : index
        %get3A_1913 = tpu.vector_load %arg15[%get3A_1912] {strides = array<i32>} : memref<112xf32, #tpu.memory_space<vmem>>, vector<16xf32>,
        %max3A_1914 = arith.maximumf %gather3A_1865, %get3A_1913 : vector<16xf32>
        %get3A_1915 = arith.constant 16 : index
        %get3A_1916 = tpu.vector_load %arg16[%get3A_1915] {strides = array<i32>} : memref<112xf32, #tpu.memory_space<vmem>>, vector<16xf32>,
        %max3A_1917 = arith.maximumf %gather3A_1869, %get3A_1916 : vector<16xf32>
        %get3A_1918 = arith.constant 16 : index
        %get3A_1919 = tpu.vector_load %arg17[%get3A_1918] {strides = array<i32>} : memref<112xf32, #tpu.memory_space<vmem>>, vector<16xf32>,
        %min3A_1920 = arith.minimumf %gather3A_1873, %get3A_1919 : vector<16xf32>
        %get3A_1921 = arith.constant 16 : index
        %get3A_1922 = tpu.vector_load %arg18[%get3A_1921] {strides = array<i32>} : memref<112xf32, #tpu.memory_space<vmem>>, vector<16xf32>,
        %min3A_1923 = arith.minimumf %gather3A_1877, %get3A_1922 : vector<16xf32>
        %sub3A_1924 = arith.subf %min3A_1920, %max3A_1914 : vector<16xf32>
        %max3A_1925 = arith.constant 0.000000e+00 : f32
        %max3A_1926 = vector.broadcast %max3A_1925 : f32 to vector<16xf32>
        %max3A_1927 = arith.maximumf %sub3A_1924, %max3A_1926 : vector<16xf32>
        %sub3A_1928 = arith.subf %min3A_1923, %max3A_1917 : vector<16xf32>
        %max3A_1929 = arith.constant 0.000000e+00 : f32
        %max3A_1930 = vector.broadcast %max3A_1929 : f32 to vector<16xf32>
        %max3A_1931 = arith.maximumf %sub3A_1928, %max3A_1930 : vector<16xf32>
        %mul3A_1932 = arith.mulf %max3A_1927, %max3A_1931 : vector<16xf32>
        %get3A_1933 = arith.constant 16 : index
        %get3A_1934 = tpu.vector_load %arg19[%get3A_1933] {strides = array<i32>} : memref<112xf32, #tpu.memory_space<vmem>>, vector<16xf32>,
        %add3A_1935 = arith.addf %mul3A_1879, %get3A_1934 : vector<16xf32>
        %sub3A_1936 = arith.subf %add3A_1935, %mul3A_1932 : vector<16xf32>
        %max3A_1937 = arith.constant 9.99999993E-9 : f32
        %max3A_1938 = vector.broadcast %max3A_1937 : f32 to vector<16xf32>
        %max3A_1939 = arith.maximumf %sub3A_1936, %max3A_1938 : vector<16xf32>
        %div3A_1940 = arith.divf %mul3A_1932, %max3A_1939 : vector<16xf32>
        %gt3A_1941 = arith.constant 5.000000e-01 : f32
        %gt3A_1942 = vector.broadcast %gt3A_1941 : f32 to vector<16xf32>
        %gt3A_1943 = arith.cmpf ogt, %div3A_1940, %gt3A_1942 : vector<16xf32>
        %or3A_1944 = arith.ori %or3A, %gt3A_1943 : vector<16xi1>
        %get3A_1945 = arith.constant 32 : index
        %get3A_1946 = tpu.vector_load %arg15[%get3A_1945] {strides = array<i32>} : memref<112xf32, #tpu.memory_space<vmem>>, vector<16xf32>,
        %max3A_1947 = arith.maximumf %gather3A_1865, %get3A_1946 : vector<16xf32>
        %get3A_1948 = arith.constant 32 : index
        %get3A_1949 = tpu.vector_load %arg16[%get3A_1948] {strides = array<i32>} : memref<112xf32, #tpu.memory_space<vmem>>, vector<16xf32>,
        %max3A_1950 = arith.maximumf %gather3A_1869, %get3A_1949 : vector<16xf32>
        %get3A_1951 = arith.constant 32 : index
        %get3A_1952 = tpu.vector_load %arg17[%get3A_1951] {strides = array<i32>} : memref<112xf32, #tpu.memory_space<vmem>>, vector<16xf32>,
        %min3A_1953 = arith.minimumf %gather3A_1873, %get3A_1952 : vector<16xf32>
        %get3A_1954 = arith.constant 32 : index
        %get3A_1955 = tpu.vector_load %arg18[%get3A_1954] {strides = array<i32>} : memref<112xf32, #tpu.memory_space<vmem>>, vector<16xf32>,
        %min3A_1956 = arith.minimumf %gather3A_1877, %get3A_1955 : vector<16xf32>
        %sub3A_1957 = arith.subf %min3A_1953, %max3A_1947 : vector<16xf32>
        %max3A_1958 = arith.constant 0.000000e+00 : f32
        %max3A_1959 = vector.broadcast %max3A_1958 : f32 to vector<16xf32>
        %max3A_1960 = arith.maximumf %sub3A_1957, %max3A_1959 : vector<16xf32>
        %sub3A_1961 = arith.subf %min3A_1956, %max3A_1950 : vector<16xf32>
        %max3A_1962 = arith.constant 0.000000e+00 : f32
        %max3A_1963 = vector.broadcast %max3A_1962 : f32 to vector<16xf32>
        %max3A_1964 = arith.maximumf %sub3A_1961, %max3A_1963 : vector<16xf32>
        %mul3A_1965 = arith.mulf %max3A_1960, %max3A_1964 : vector<16xf32>
        %get3A_1966 = arith.constant 32 : index
        %get3A_1967 = tpu.vector_load %arg19[%get3A_1966] {strides = array<i32>} : memref<112xf32, #tpu.memory_space<vmem>>, vector<16xf32>,
        %add3A_1968 = arith.addf %mul3A_1879, %get3A_1967 : vector<16xf32>
        %sub3A_1969 = arith.subf %add3A_1968, %mul3A_1965 : vector<16xf32>
        %max3A_1970 = arith.constant 9.99999993E-9 : f32
        %max3A_1971 = vector.broadcast %max3A_1970 : f32 to vector<16xf32>
        %max3A_1972 = arith.maximumf %sub3A_1969, %max3A_1971 : vector<16xf32>
        %div3A_1973 = arith.divf %mul3A_1965, %max3A_1972 : vector<16xf32>
        %gt3A_1974 = arith.constant 5.000000e-01 : f32
        %gt3A_1975 = vector.broadcast %gt3A_1974 : f32 to vector<16xf32>
        %gt3A_1976 = arith.cmpf ogt, %div3A_1973, %gt3A_1975 : vector<16xf32>
        %or3A_1977 = arith.ori %or3A_1944, %gt3A_1976 : vector<16xi1>
        %get3A_1978 = arith.constant 48 : index
        %get3A_1979 = tpu.vector_load %arg15[%get3A_1978] {strides = array<i32>} : memref<112xf32, #tpu.memory_space<vmem>>, vector<16xf32>,
        %max3A_1980 = arith.maximumf %gather3A_1865, %get3A_1979 : vector<16xf32>
        %get3A_1981 = arith.constant 48 : index
        %get3A_1982 = tpu.vector_load %arg16[%get3A_1981] {strides = array<i32>} : memref<112xf32, #tpu.memory_space<vmem>>, vector<16xf32>,
        %max3A_1983 = arith.maximumf %gather3A_1869, %get3A_1982 : vector<16xf32>
        %get3A_1984 = arith.constant 48 : index
        %get3A_1985 = tpu.vector_load %arg17[%get3A_1984] {strides = array<i32>} : memref<112xf32, #tpu.memory_space<vmem>>, vector<16xf32>,
        %min3A_1986 = arith.minimumf %gather3A_1873, %get3A_1985 : vector<16xf32>
        %get3A_1987 = arith.constant 48 : index
        %get3A_1988 = tpu.vector_load %arg18[%get3A_1987] {strides = array<i32>} : memref<112xf32, #tpu.memory_space<vmem>>, vector<16xf32>,
        %min3A_1989 = arith.minimumf %gather3A_1877, %get3A_1988 : vector<16xf32>
        %sub3A_1990 = arith.subf %min3A_1986, %max3A_1980 : vector<16xf32>
        %max3A_1991 = arith.constant 0.000000e+00 : f32
        %max3A_1992 = vector.broadcast %max3A_1991 : f32 to vector<16xf32>
        %max3A_1993 = arith.maximumf %sub3A_1990, %max3A_1992 : vector<16xf32>
        %sub3A_1994 = arith.subf %min3A_1989, %max3A_1983 : vector<16xf32>
        %max3A_1995 = arith.constant 0.000000e+00 : f32
        %max3A_1996 = vector.broadcast %max3A_1995 : f32 to vector<16xf32>
        %max3A_1997 = arith.maximumf %sub3A_1994, %max3A_1996 : vector<16xf32>
        %mul3A_1998 = arith.mulf %max3A_1993, %max3A_1997 : vector<16xf32>
        %get3A_1999 = arith.constant 48 : index
        %get3A_2000 = tpu.vector_load %arg19[%get3A_1999] {strides = array<i32>} : memref<112xf32, #tpu.memory_space<vmem>>, vector<16xf32>,
        %add3A_2001 = arith.addf %mul3A_1879, %get3A_2000 : vector<16xf32>
        %sub3A_2002 = arith.subf %add3A_2001, %mul3A_1998 : vector<16xf32>
        %max3A_2003 = arith.constant 9.99999993E-9 : f32
        %max3A_2004 = vector.broadcast %max3A_2003 : f32 to vector<16xf32>
        %max3A_2005 = arith.maximumf %sub3A_2002, %max3A_2004 : vector<16xf32>
        %div3A_2006 = arith.divf %mul3A_1998, %max3A_2005 : vector<16xf32>
        %gt3A_2007 = arith.constant 5.000000e-01 : f32
        %gt3A_2008 = vector.broadcast %gt3A_2007 : f32 to vector<16xf32>
        %gt3A_2009 = arith.cmpf ogt, %div3A_2006, %gt3A_2008 : vector<16xf32>
        %or3A_2010 = arith.ori %or3A_1977, %gt3A_2009 : vector<16xi1>
        %get3A_2011 = arith.constant 64 : index
        %get3A_2012 = tpu.vector_load %arg15[%get3A_2011] {strides = array<i32>} : memref<112xf32, #tpu.memory_space<vmem>>, vector<16xf32>,
        %max3A_2013 = arith.maximumf %gather3A_1865, %get3A_2012 : vector<16xf32>
        %get3A_2014 = arith.constant 64 : index
        %get3A_2015 = tpu.vector_load %arg16[%get3A_2014] {strides = array<i32>} : memref<112xf32, #tpu.memory_space<vmem>>, vector<16xf32>,
        %max3A_2016 = arith.maximumf %gather3A_1869, %get3A_2015 : vector<16xf32>
        %get3A_2017 = arith.constant 64 : index
        %get3A_2018 = tpu.vector_load %arg17[%get3A_2017] {strides = array<i32>} : memref<112xf32, #tpu.memory_space<vmem>>, vector<16xf32>,
        %min3A_2019 = arith.minimumf %gather3A_1873, %get3A_2018 : vector<16xf32>
        %get3A_2020 = arith.constant 64 : index
        %get3A_2021 = tpu.vector_load %arg18[%get3A_2020] {strides = array<i32>} : memref<112xf32, #tpu.memory_space<vmem>>, vector<16xf32>,
        %min3A_2022 = arith.minimumf %gather3A_1877, %get3A_2021 : vector<16xf32>
        %sub3A_2023 = arith.subf %min3A_2019, %max3A_2013 : vector<16xf32>
        %max3A_2024 = arith.constant 0.000000e+00 : f32
        %max3A_2025 = vector.broadcast %max3A_2024 : f32 to vector<16xf32>
        %max3A_2026 = arith.maximumf %sub3A_2023, %max3A_2025 : vector<16xf32>
        %sub3A_2027 = arith.subf %min3A_2022, %max3A_2016 : vector<16xf32>
        %max3A_2028 = arith.constant 0.000000e+00 : f32
        %max3A_2029 = vector.broadcast %max3A_2028 : f32 to vector<16xf32>
        %max3A_2030 = arith.maximumf %sub3A_2027, %max3A_2029 : vector<16xf32>
        %mul3A_2031 = arith.mulf %max3A_2026, %max3A_2030 : vector<16xf32>
        %get3A_2032 = arith.constant 64 : index
        %get3A_2033 = tpu.vector_load %arg19[%get3A_2032] {strides = array<i32>} : memref<112xf32, #tpu.memory_space<vmem>>, vector<16xf32>,
        %add3A_2034 = arith.addf %mul3A_1879, %get3A_2033 : vector<16xf32>
        %sub3A_2035 = arith.subf %add3A_2034, %mul3A_2031 : vector<16xf32>
        %max3A_2036 = arith.constant 9.99999993E-9 : f32
        %max3A_2037 = vector.broadcast %max3A_2036 : f32 to vector<16xf32>
        %max3A_2038 = arith.maximumf %sub3A_2035, %max3A_2037 : vector<16xf32>
        %div3A_2039 = arith.divf %mul3A_2031, %max3A_2038 : vector<16xf32>
        %gt3A_2040 = arith.constant 5.000000e-01 : f32
        %gt3A_2041 = vector.broadcast %gt3A_2040 : f32 to vector<16xf32>
        %gt3A_2042 = arith.cmpf ogt, %div3A_2039, %gt3A_2041 : vector<16xf32>
        %or3A_2043 = arith.ori %or3A_2010, %gt3A_2042 : vector<16xi1>
        %get3A_2044 = arith.constant 80 : index
        %get3A_2045 = tpu.vector_load %arg15[%get3A_2044] {strides = array<i32>} : memref<112xf32, #tpu.memory_space<vmem>>, vector<16xf32>,
        %max3A_2046 = arith.maximumf %gather3A_1865, %get3A_2045 : vector<16xf32>
        %get3A_2047 = arith.constant 80 : index
        %get3A_2048 = tpu.vector_load %arg16[%get3A_2047] {strides = array<i32>} : memref<112xf32, #tpu.memory_space<vmem>>, vector<16xf32>,
        %max3A_2049 = arith.maximumf %gather3A_1869, %get3A_2048 : vector<16xf32>
        %get3A_2050 = arith.constant 80 : index
        %get3A_2051 = tpu.vector_load %arg17[%get3A_2050] {strides = array<i32>} : memref<112xf32, #tpu.memory_space<vmem>>, vector<16xf32>,
        %min3A_2052 = arith.minimumf %gather3A_1873, %get3A_2051 : vector<16xf32>
        %get3A_2053 = arith.constant 80 : index
        %get3A_2054 = tpu.vector_load %arg18[%get3A_2053] {strides = array<i32>} : memref<112xf32, #tpu.memory_space<vmem>>, vector<16xf32>,
        %min3A_2055 = arith.minimumf %gather3A_1877, %get3A_2054 : vector<16xf32>
        %sub3A_2056 = arith.subf %min3A_2052, %max3A_2046 : vector<16xf32>
        %max3A_2057 = arith.constant 0.000000e+00 : f32
        %max3A_2058 = vector.broadcast %max3A_2057 : f32 to vector<16xf32>
        %max3A_2059 = arith.maximumf %sub3A_2056, %max3A_2058 : vector<16xf32>
        %sub3A_2060 = arith.subf %min3A_2055, %max3A_2049 : vector<16xf32>
        %max3A_2061 = arith.constant 0.000000e+00 : f32
        %max3A_2062 = vector.broadcast %max3A_2061 : f32 to vector<16xf32>
        %max3A_2063 = arith.maximumf %sub3A_2060, %max3A_2062 : vector<16xf32>
        %mul3A_2064 = arith.mulf %max3A_2059, %max3A_2063 : vector<16xf32>
        %get3A_2065 = arith.constant 80 : index
        %get3A_2066 = tpu.vector_load %arg19[%get3A_2065] {strides = array<i32>} : memref<112xf32, #tpu.memory_space<vmem>>, vector<16xf32>,
        %add3A_2067 = arith.addf %mul3A_1879, %get3A_2066 : vector<16xf32>
        %sub3A_2068 = arith.subf %add3A_2067, %mul3A_2064 : vector<16xf32>
        %max3A_2069 = arith.constant 9.99999993E-9 : f32
        %max3A_2070 = vector.broadcast %max3A_2069 : f32 to vector<16xf32>
        %max3A_2071 = arith.maximumf %sub3A_2068, %max3A_2070 : vector<16xf32>
        %div3A_2072 = arith.divf %mul3A_2064, %max3A_2071 : vector<16xf32>
        %gt3A_2073 = arith.constant 5.000000e-01 : f32
        %gt3A_2074 = vector.broadcast %gt3A_2073 : f32 to vector<16xf32>
        %gt3A_2075 = arith.cmpf ogt, %div3A_2072, %gt3A_2074 : vector<16xf32>
        %or3A_2076 = arith.ori %or3A_2043, %gt3A_2075 : vector<16xi1>
        %get3A_2077 = arith.constant 96 : index
        %get3A_2078 = tpu.vector_load %arg15[%get3A_2077] {strides = array<i32>} : memref<112xf32, #tpu.memory_space<vmem>>, vector<16xf32>,
        %max3A_2079 = arith.maximumf %gather3A_1865, %get3A_2078 : vector<16xf32>
        %get3A_2080 = arith.constant 96 : index
        %get3A_2081 = tpu.vector_load %arg16[%get3A_2080] {strides = array<i32>} : memref<112xf32, #tpu.memory_space<vmem>>, vector<16xf32>,
        %max3A_2082 = arith.maximumf %gather3A_1869, %get3A_2081 : vector<16xf32>
        %get3A_2083 = arith.constant 96 : index
        %get3A_2084 = tpu.vector_load %arg17[%get3A_2083] {strides = array<i32>} : memref<112xf32, #tpu.memory_space<vmem>>, vector<16xf32>,
        %min3A_2085 = arith.minimumf %gather3A_1873, %get3A_2084 : vector<16xf32>
        %get3A_2086 = arith.constant 96 : index
        %get3A_2087 = tpu.vector_load %arg18[%get3A_2086] {strides = array<i32>} : memref<112xf32, #tpu.memory_space<vmem>>, vector<16xf32>,
        %min3A_2088 = arith.minimumf %gather3A_1877, %get3A_2087 : vector<16xf32>
        %sub3A_2089 = arith.subf %min3A_2085, %max3A_2079 : vector<16xf32>
        %max3A_2090 = arith.constant 0.000000e+00 : f32
        %max3A_2091 = vector.broadcast %max3A_2090 : f32 to vector<16xf32>
        %max3A_2092 = arith.maximumf %sub3A_2089, %max3A_2091 : vector<16xf32>
        %sub3A_2093 = arith.subf %min3A_2088, %max3A_2082 : vector<16xf32>
        %max3A_2094 = arith.constant 0.000000e+00 : f32
        %max3A_2095 = vector.broadcast %max3A_2094 : f32 to vector<16xf32>
        %max3A_2096 = arith.maximumf %sub3A_2093, %max3A_2095 : vector<16xf32>
        %mul3A_2097 = arith.mulf %max3A_2092, %max3A_2096 : vector<16xf32>
        %get3A_2098 = arith.constant 96 : index
        %get3A_2099 = tpu.vector_load %arg19[%get3A_2098] {strides = array<i32>} : memref<112xf32, #tpu.memory_space<vmem>>, vector<16xf32>,
        %add3A_2100 = arith.addf %mul3A_1879, %get3A_2099 : vector<16xf32>
        %sub3A_2101 = arith.subf %add3A_2100, %mul3A_2097 : vector<16xf32>
        %max3A_2102 = arith.constant 9.99999993E-9 : f32
        %max3A_2103 = vector.broadcast %max3A_2102 : f32 to vector<16xf32>
        %max3A_2104 = arith.maximumf %sub3A_2101, %max3A_2103 : vector<16xf32>
        %div3A_2105 = arith.divf %mul3A_2097, %max3A_2104 : vector<16xf32>
        %gt3A_2106 = arith.constant 5.000000e-01 : f32
        %gt3A_2107 = vector.broadcast %gt3A_2106 : f32 to vector<16xf32>
        %gt3A_2108 = arith.cmpf ogt, %div3A_2105, %gt3A_2107 : vector<16xf32>
        %or3A_2109 = arith.ori %or3A_2076, %gt3A_2108 : vector<16xi1>
        %all_reduce_population_count3A = tpu.all_reduce %or3A_2109 {dim = 0 : i64, kind = #tpu.reduction_kind<sum>} : vector<16xi1> -> vector<16xi32>
        %slice3A = vector.extract_strided_slice %all_reduce_population_count3A {offsets = [0], sizes = [1], strides = [1]} : vector<16xi32> to vector<1xi32>
        %squeeze3A = vector.extract %slice3A[0] : i32 from vector<1xi32>
        %eq3A_2110 = arith.constant 0 : i32
        %eq3A_2111 = arith.cmpi eq, %squeeze3A, %eq3A_2110 : i32
        %not3A = arith.constant true
        %not3A_2112 = arith.xori %eq3A_1788, %not3A : i1
        %and3A = arith.andi %eq3A_2111, %not3A_2112 : i1
        %broadcast_in_dim3A_2113 = vector.broadcast %while3A_1767 : i32 to vector<16xi32>
        %convert_element_type3A_2114 = arith.extui %and3A : i1 to i32
        %cond3A_2115 = arith.constant 0 : i32
        %cond3A_2116 = arith.cmpi ne, %convert_element_type3A_2114, %cond3A_2115 : i32
        scf.if %cond3A_2116 {
          tpu.vector_store_idx %arg15[%broadcast_in_dim3A_2113], %gather3A_1865 masked %eq3A_759 : memref<112xf32, #tpu.memory_space<vmem>>[vector<16xi32>], vector<16xf32>, vector<16xi1>
          tpu.vector_store_idx %arg16[%broadcast_in_dim3A_2113], %gather3A_1869 masked %eq3A_759 : memref<112xf32, #tpu.memory_space<vmem>>[vector<16xi32>], vector<16xf32>, vector<16xi1>
          tpu.vector_store_idx %arg17[%broadcast_in_dim3A_2113], %gather3A_1873 masked %eq3A_759 : memref<112xf32, #tpu.memory_space<vmem>>[vector<16xi32>], vector<16xf32>, vector<16xi1>
          tpu.vector_store_idx %arg18[%broadcast_in_dim3A_2113], %gather3A_1877 masked %eq3A_759 : memref<112xf32, #tpu.memory_space<vmem>>[vector<16xi32>], vector<16xf32>, vector<16xi1>
          tpu.vector_store_idx %arg19[%broadcast_in_dim3A_2113], %mul3A_1879 masked %eq3A_759 : memref<112xf32, #tpu.memory_space<vmem>>[vector<16xi32>], vector<16xf32>, vector<16xi1>
          tpu.vector_store_idx %arg20[%broadcast_in_dim3A_2113], %broadcast_in_dim3A_1789 masked %eq3A_759 : memref<112xf32, #tpu.memory_space<vmem>>[vector<16xi32>], vector<16xf32>, vector<16xi1>
          tpu.vector_store_idx %arg21[%broadcast_in_dim3A_2113], %add3A_1861 masked %eq3A_759 : memref<112xi32, #tpu.memory_space<vmem>>[vector<16xi32>], vector<16xi32>, vector<16xi1>
        } else {
        }
        %not3A_2117 = arith.constant true
        %not3A_2118 = arith.xori %eq3A_1788, %not3A_2117 : i1
        %convert_element_type3A_2119 = arith.extui %not3A_2118 : i1 to i32
        %cond3A_2120 = arith.constant 0 : i32
        %cond3A_2121 = arith.cmpi ne, %convert_element_type3A_2119, %cond3A_2120 : i32
        scf.if %cond3A_2121 {
          %eq3A_2125 = arith.cmpi eq, %iota3A, %all_reduce_ffs3A_1857 : vector<16xi32>
          %jit3A_2126 = arith.constant 0xFF800000 : f32
          %broadcast_in_dim3A_2127 = vector.broadcast %jit3A_2126 : f32 to vector<16xf32>
          %select_n3A_2128 = arith.select %eq3A_2125, %broadcast_in_dim3A_2127, %gather3A_1855 : vector<16xi1>, vector<16xf32>
          %mul3A_2129 = arith.constant 16 : i32
          %mul3A_2130 = vector.broadcast %mul3A_2129 : i32 to vector<16xi32>
          %mul3A_2131 = arith.muli %add3A_1850, %mul3A_2130 : vector<16xi32>
          %add3A_2132 = arith.addi %mul3A_2131, %iota3A : vector<16xi32>
          tpu.vector_store_idx %arg12[%add3A_2132], %select_n3A_2128 : memref<100000xf32, #tpu.memory_space<vmem>>[vector<16xi32>], vector<16xf32>,
          %reduce_max3A_2133 = arith.constant true
          %reduce_max3A_2134 = vector.broadcast %reduce_max3A_2133 : i1 to vector<16xi1>
          %reduce_max3A_2135 = tpu.scan <max>, %select_n3A_2128 masked %reduce_max3A_2134 : vector<16xf32>, vector<16xi1> -> vector<16xf32>
          %reduce_max3A_2136 = vector.extract %reduce_max3A_2135[15] : f32 from vector<16xf32>
          %broadcast_in_dim3A_2137 = vector.broadcast %reduce_max3A_2136 : f32 to vector<16xf32>
          tpu.vector_store_idx %arg13[%add3A_1850], %broadcast_in_dim3A_2137 masked %eq3A_759 : memref<1280xf32, #tpu.memory_space<vmem>>[vector<16xi32>], vector<16xf32>, vector<16xi1>
          %eq3A_2138 = arith.cmpi eq, %iota3A, %all_reduce_ffs3A_1846 : vector<16xi32>
          %broadcast_in_dim3A_2139 = vector.broadcast %reduce_max3A_2136 : f32 to vector<16xf32>
          %select_n3A_2140 = arith.select %eq3A_2138, %broadcast_in_dim3A_2139, %gather3A_1844 : vector<16xi1>, vector<16xf32>
          %reduce_max3A_2141 = arith.constant true
          %reduce_max3A_2142 = vector.broadcast %reduce_max3A_2141 : i1 to vector<16xi1>
          %reduce_max3A_2143 = tpu.scan <max>, %select_n3A_2140 masked %reduce_max3A_2142 : vector<16xf32>, vector<16xi1> -> vector<16xf32>
          %reduce_max3A_2144 = vector.extract %reduce_max3A_2143[15] : f32 from vector<16xf32>
          %broadcast_in_dim3A_2145 = vector.broadcast %reduce_max3A_2144 : f32 to vector<16xf32>
          tpu.vector_store_idx %arg14[%min3A_1839], %broadcast_in_dim3A_2145 masked %eq3A_759 : memref<80xf32, #tpu.memory_space<vmem>>[vector<16xi32>], vector<16xf32>, vector<16xi1>
        } else {
        }
        %add3A_2122 = arith.constant 1 : i32
        %add3A_2123 = arith.addi %while3A_1767, %add3A_2122 : i32
        %select_n3A_2124 = arith.select %and3A, %add3A_2123, %while3A_1767 : i32
        scf.yield %select_n3A_2124, %eq3A_1788 : i32, i1
      }
      %dma_wait3A_762 = arith.constant 0 : i32
      %dma_wait3A_763 = tpu.memref_slice %arg6[%add3A, %dma_wait3A_762] : memref<8x20000xi32, #tpu.memory_space<hbm>> -> memref<1x20000xi32, #tpu.memory_space<hbm>>
      %dma_wait3A_764 = tpu.memref_squeeze %dma_wait3A_763 : memref<1x20000xi32, #tpu.memory_space<hbm>> -> memref<20000xi32, #tpu.memory_space<hbm>>
      %dma_wait3A_765 = arith.constant 0 : i32
      %dma_wait3A_766 = tpu.memref_slice %arg6[%add3A, %dma_wait3A_765] : memref<8x20000xi32, #tpu.memory_space<hbm>> -> memref<1x20000xi32, #tpu.memory_space<hbm>>
      %dma_wait3A_767 = tpu.memref_squeeze %dma_wait3A_766 : memref<1x20000xi32, #tpu.memory_space<hbm>> -> memref<20000xi32, #tpu.memory_space<hbm>>
      tpu.wait_dma2 semaphore(%arg27 : memref<!tpu.dma_semaphore, #tpu.memory_space<semaphore_mem>>) src(%dma_wait3A_767 : memref<20000xi32, #tpu.memory_space<hbm>>) dst(%arg22 : memref<20000xi32, #tpu.memory_space<vmem>>)
      %add3A_768 = arith.constant 0 : i32
      %add3A_769 = vector.broadcast %add3A_768 : i32 to vector<16xi32>
      %add3A_770 = arith.addi %iota3A, %add3A_769 : vector<16xi32>
      %lt3A_771 = vector.broadcast %while3A_761#0 : i32 to vector<16xi32>
      %lt3A_772 = arith.cmpi slt, %add3A_770, %lt3A_771 : vector<16xi32>
      %get3A_773 = arith.constant 0 : index
      %get3A_774 = tpu.vector_load %arg20[%get3A_773] {strides = array<i32>} : memref<112xf32, #tpu.memory_space<vmem>>, vector<16xf32>,
      %jit3A = arith.constant -1.000000e+00 : f32
      %broadcast_in_dim3A_775 = vector.broadcast %jit3A : f32 to vector<16xf32>
      %select_n3A_776 = arith.select %lt3A_772, %get3A_774, %broadcast_in_dim3A_775 : vector<16xi1>, vector<16xf32>
      %swap3A_777 = arith.constant 0 : index
      %swap3A_778 = tpu.vector_load %arg20[%swap3A_777] {strides = array<i32>} : memref<112xf32, #tpu.memory_space<vmem>>, vector<16xf32>,
      tpu.vector_store %arg20[%swap3A_777], %select_n3A_776 {strides = array<i32>} : memref<112xf32, #tpu.memory_space<vmem>>, vector<16xf32>,
      %get3A_779 = arith.constant 0 : index
      %get3A_780 = tpu.vector_load %arg21[%get3A_779] {strides = array<i32>} : memref<112xi32, #tpu.memory_space<vmem>>, vector<16xi32>,
      %add3A_781 = arith.constant 20000 : i32
      %add3A_782 = vector.broadcast %add3A_781 : i32 to vector<16xi32>
      %add3A_783 = arith.addi %add3A_782, %get3A_780 : vector<16xi32>
      %gather3A_784 = tpu.vector_load_idx %arg12[%add3A_783] : memref<100000xf32, #tpu.memory_space<vmem>>[vector<16xi32>], vector<16xf32>,
      %jit3A_785 = arith.constant -1.000000e+00 : f32
      %broadcast_in_dim3A_786 = vector.broadcast %jit3A_785 : f32 to vector<16xf32>
      %select_n3A_787 = arith.select %lt3A_772, %gather3A_784, %broadcast_in_dim3A_786 : vector<16xi1>, vector<16xf32>
      %broadcast_in_dim3A_788 = arith.constant 0 : i32
      %broadcast_in_dim3A_789 = vector.broadcast %broadcast_in_dim3A_788 : i32 to vector<16xi32>
      tpu.vector_store_idx %arg23[%add3A_770, %broadcast_in_dim3A_789], %select_n3A_787 : memref<112x4xf32, #tpu.memory_space<vmem>>[vector<16xi32>, vector<16xi32>], vector<16xf32>,
      %add3A_790 = arith.constant 40000 : i32
      %add3A_791 = vector.broadcast %add3A_790 : i32 to vector<16xi32>
      %add3A_792 = arith.addi %add3A_791, %get3A_780 : vector<16xi32>
      %gather3A_793 = tpu.vector_load_idx %arg12[%add3A_792] : memref<100000xf32, #tpu.memory_space<vmem>>[vector<16xi32>], vector<16xf32>,
      %jit3A_794 = arith.constant -1.000000e+00 : f32
      %broadcast_in_dim3A_795 = vector.broadcast %jit3A_794 : f32 to vector<16xf32>
      %select_n3A_796 = arith.select %lt3A_772, %gather3A_793, %broadcast_in_dim3A_795 : vector<16xi1>, vector<16xf32>
      %broadcast_in_dim3A_797 = arith.constant 1 : i32
      %broadcast_in_dim3A_798 = vector.broadcast %broadcast_in_dim3A_797 : i32 to vector<16xi32>
      tpu.vector_store_idx %arg23[%add3A_770, %broadcast_in_dim3A_798], %select_n3A_796 : memref<112x4xf32, #tpu.memory_space<vmem>>[vector<16xi32>, vector<16xi32>], vector<16xf32>,
      %add3A_799 = arith.constant 60000 : i32
      %add3A_800 = vector.broadcast %add3A_799 : i32 to vector<16xi32>
      %add3A_801 = arith.addi %add3A_800, %get3A_780 : vector<16xi32>
      %gather3A_802 = tpu.vector_load_idx %arg12[%add3A_801] : memref<100000xf32, #tpu.memory_space<vmem>>[vector<16xi32>], vector<16xf32>,
      %jit3A_803 = arith.constant -1.000000e+00 : f32
      %broadcast_in_dim3A_804 = vector.broadcast %jit3A_803 : f32 to vector<16xf32>
      %select_n3A_805 = arith.select %lt3A_772, %gather3A_802, %broadcast_in_dim3A_804 : vector<16xi1>, vector<16xf32>
      %broadcast_in_dim3A_806 = arith.constant 2 : i32
      %broadcast_in_dim3A_807 = vector.broadcast %broadcast_in_dim3A_806 : i32 to vector<16xi32>
      tpu.vector_store_idx %arg23[%add3A_770, %broadcast_in_dim3A_807], %select_n3A_805 : memref<112x4xf32, #tpu.memory_space<vmem>>[vector<16xi32>, vector<16xi32>], vector<16xf32>,
      %add3A_808 = arith.constant 80000 : i32
      %add3A_809 = vector.broadcast %add3A_808 : i32 to vector<16xi32>
      %add3A_810 = arith.addi %add3A_809, %get3A_780 : vector<16xi32>
      %gather3A_811 = tpu.vector_load_idx %arg12[%add3A_810] : memref<100000xf32, #tpu.memory_space<vmem>>[vector<16xi32>], vector<16xf32>,
      %jit3A_812 = arith.constant -1.000000e+00 : f32
      %broadcast_in_dim3A_813 = vector.broadcast %jit3A_812 : f32 to vector<16xf32>
      %select_n3A_814 = arith.select %lt3A_772, %gather3A_811, %broadcast_in_dim3A_813 : vector<16xi1>, vector<16xf32>
      %broadcast_in_dim3A_815 = arith.constant 3 : i32
      %broadcast_in_dim3A_816 = vector.broadcast %broadcast_in_dim3A_815 : i32 to vector<16xi32>
      tpu.vector_store_idx %arg23[%add3A_770, %broadcast_in_dim3A_816], %select_n3A_814 : memref<112x4xf32, #tpu.memory_space<vmem>>[vector<16xi32>, vector<16xi32>], vector<16xf32>,
      %gather3A_817 = tpu.vector_load_idx %arg22[%get3A_780] : memref<20000xi32, #tpu.memory_space<vmem>>[vector<16xi32>], vector<16xi32>,
      %jit3A_818 = arith.constant -1 : i32
      %broadcast_in_dim3A_819 = vector.broadcast %jit3A_818 : i32 to vector<16xi32>
      %select_n3A_820 = arith.select %lt3A_772, %gather3A_817, %broadcast_in_dim3A_819 : vector<16xi1>, vector<16xi32>
      %broadcast_in_dim3A_821 = arith.constant 0 : i32
      %broadcast_in_dim3A_822 = vector.broadcast %broadcast_in_dim3A_821 : i32 to vector<16xi32>
      tpu.vector_store_idx %arg26[%add3A_770, %broadcast_in_dim3A_822], %select_n3A_820 : memref<112x1xi32, #tpu.memory_space<vmem>>[vector<16xi32>, vector<16xi32>], vector<16xi32>,
      %add3A_823 = arith.constant 16 : i32
      %add3A_824 = vector.broadcast %add3A_823 : i32 to vector<16xi32>
      %add3A_825 = arith.addi %iota3A, %add3A_824 : vector<16xi32>
      %lt3A_826 = vector.broadcast %while3A_761#0 : i32 to vector<16xi32>
      %lt3A_827 = arith.cmpi slt, %add3A_825, %lt3A_826 : vector<16xi32>
      %get3A_828 = arith.constant 16 : index
      %get3A_829 = tpu.vector_load %arg20[%get3A_828] {strides = array<i32>} : memref<112xf32, #tpu.memory_space<vmem>>, vector<16xf32>,
      %jit3A_830 = arith.constant -1.000000e+00 : f32
      %broadcast_in_dim3A_831 = vector.broadcast %jit3A_830 : f32 to vector<16xf32>
      %select_n3A_832 = arith.select %lt3A_827, %get3A_829, %broadcast_in_dim3A_831 : vector<16xi1>, vector<16xf32>
      %swap3A_833 = arith.constant 16 : index
      %swap3A_834 = tpu.vector_load %arg20[%swap3A_833] {strides = array<i32>} : memref<112xf32, #tpu.memory_space<vmem>>, vector<16xf32>,
      tpu.vector_store %arg20[%swap3A_833], %select_n3A_832 {strides = array<i32>} : memref<112xf32, #tpu.memory_space<vmem>>, vector<16xf32>,
      %get3A_835 = arith.constant 16 : index
      %get3A_836 = tpu.vector_load %arg21[%get3A_835] {strides = array<i32>} : memref<112xi32, #tpu.memory_space<vmem>>, vector<16xi32>,
      %add3A_837 = arith.constant 20000 : i32
      %add3A_838 = vector.broadcast %add3A_837 : i32 to vector<16xi32>
      %add3A_839 = arith.addi %add3A_838, %get3A_836 : vector<16xi32>
      %gather3A_840 = tpu.vector_load_idx %arg12[%add3A_839] : memref<100000xf32, #tpu.memory_space<vmem>>[vector<16xi32>], vector<16xf32>,
      %jit3A_841 = arith.constant -1.000000e+00 : f32
      %broadcast_in_dim3A_842 = vector.broadcast %jit3A_841 : f32 to vector<16xf32>
      %select_n3A_843 = arith.select %lt3A_827, %gather3A_840, %broadcast_in_dim3A_842 : vector<16xi1>, vector<16xf32>
      %broadcast_in_dim3A_844 = arith.constant 0 : i32
      %broadcast_in_dim3A_845 = vector.broadcast %broadcast_in_dim3A_844 : i32 to vector<16xi32>
      tpu.vector_store_idx %arg23[%add3A_825, %broadcast_in_dim3A_845], %select_n3A_843 : memref<112x4xf32, #tpu.memory_space<vmem>>[vector<16xi32>, vector<16xi32>], vector<16xf32>,
      %add3A_846 = arith.constant 40000 : i32
      %add3A_847 = vector.broadcast %add3A_846 : i32 to vector<16xi32>
      %add3A_848 = arith.addi %add3A_847, %get3A_836 : vector<16xi32>
      %gather3A_849 = tpu.vector_load_idx %arg12[%add3A_848] : memref<100000xf32, #tpu.memory_space<vmem>>[vector<16xi32>], vector<16xf32>,
      %jit3A_850 = arith.constant -1.000000e+00 : f32
      %broadcast_in_dim3A_851 = vector.broadcast %jit3A_850 : f32 to vector<16xf32>
      %select_n3A_852 = arith.select %lt3A_827, %gather3A_849, %broadcast_in_dim3A_851 : vector<16xi1>, vector<16xf32>
      %broadcast_in_dim3A_853 = arith.constant 1 : i32
      %broadcast_in_dim3A_854 = vector.broadcast %broadcast_in_dim3A_853 : i32 to vector<16xi32>
      tpu.vector_store_idx %arg23[%add3A_825, %broadcast_in_dim3A_854], %select_n3A_852 : memref<112x4xf32, #tpu.memory_space<vmem>>[vector<16xi32>, vector<16xi32>], vector<16xf32>,
      %add3A_855 = arith.constant 60000 : i32
      %add3A_856 = vector.broadcast %add3A_855 : i32 to vector<16xi32>
      %add3A_857 = arith.addi %add3A_856, %get3A_836 : vector<16xi32>
      %gather3A_858 = tpu.vector_load_idx %arg12[%add3A_857] : memref<100000xf32, #tpu.memory_space<vmem>>[vector<16xi32>], vector<16xf32>,
      %jit3A_859 = arith.constant -1.000000e+00 : f32
      %broadcast_in_dim3A_860 = vector.broadcast %jit3A_859 : f32 to vector<16xf32>
      %select_n3A_861 = arith.select %lt3A_827, %gather3A_858, %broadcast_in_dim3A_860 : vector<16xi1>, vector<16xf32>
      %broadcast_in_dim3A_862 = arith.constant 2 : i32
      %broadcast_in_dim3A_863 = vector.broadcast %broadcast_in_dim3A_862 : i32 to vector<16xi32>
      tpu.vector_store_idx %arg23[%add3A_825, %broadcast_in_dim3A_863], %select_n3A_861 : memref<112x4xf32, #tpu.memory_space<vmem>>[vector<16xi32>, vector<16xi32>], vector<16xf32>,
      %add3A_864 = arith.constant 80000 : i32
      %add3A_865 = vector.broadcast %add3A_864 : i32 to vector<16xi32>
      %add3A_866 = arith.addi %add3A_865, %get3A_836 : vector<16xi32>
      %gather3A_867 = tpu.vector_load_idx %arg12[%add3A_866] : memref<100000xf32, #tpu.memory_space<vmem>>[vector<16xi32>], vector<16xf32>,
      %jit3A_868 = arith.constant -1.000000e+00 : f32
      %broadcast_in_dim3A_869 = vector.broadcast %jit3A_868 : f32 to vector<16xf32>
      %select_n3A_870 = arith.select %lt3A_827, %gather3A_867, %broadcast_in_dim3A_869 : vector<16xi1>, vector<16xf32>
      %broadcast_in_dim3A_871 = arith.constant 3 : i32
      %broadcast_in_dim3A_872 = vector.broadcast %broadcast_in_dim3A_871 : i32 to vector<16xi32>
      tpu.vector_store_idx %arg23[%add3A_825, %broadcast_in_dim3A_872], %select_n3A_870 : memref<112x4xf32, #tpu.memory_space<vmem>>[vector<16xi32>, vector<16xi32>], vector<16xf32>,
      %gather3A_873 = tpu.vector_load_idx %arg22[%get3A_836] : memref<20000xi32, #tpu.memory_space<vmem>>[vector<16xi32>], vector<16xi32>,
      %jit3A_874 = arith.constant -1 : i32
      %broadcast_in_dim3A_875 = vector.broadcast %jit3A_874 : i32 to vector<16xi32>
      %select_n3A_876 = arith.select %lt3A_827, %gather3A_873, %broadcast_in_dim3A_875 : vector<16xi1>, vector<16xi32>
      %broadcast_in_dim3A_877 = arith.constant 0 : i32
      %broadcast_in_dim3A_878 = vector.broadcast %broadcast_in_dim3A_877 : i32 to vector<16xi32>
      tpu.vector_store_idx %arg26[%add3A_825, %broadcast_in_dim3A_878], %select_n3A_876 : memref<112x1xi32, #tpu.memory_space<vmem>>[vector<16xi32>, vector<16xi32>], vector<16xi32>,
      %add3A_879 = arith.constant 32 : i32
      %add3A_880 = vector.broadcast %add3A_879 : i32 to vector<16xi32>
      %add3A_881 = arith.addi %iota3A, %add3A_880 : vector<16xi32>
      %lt3A_882 = vector.broadcast %while3A_761#0 : i32 to vector<16xi32>
      %lt3A_883 = arith.cmpi slt, %add3A_881, %lt3A_882 : vector<16xi32>
      %get3A_884 = arith.constant 32 : index
      %get3A_885 = tpu.vector_load %arg20[%get3A_884] {strides = array<i32>} : memref<112xf32, #tpu.memory_space<vmem>>, vector<16xf32>,
      %jit3A_886 = arith.constant -1.000000e+00 : f32
      %broadcast_in_dim3A_887 = vector.broadcast %jit3A_886 : f32 to vector<16xf32>
      %select_n3A_888 = arith.select %lt3A_883, %get3A_885, %broadcast_in_dim3A_887 : vector<16xi1>, vector<16xf32>
      %swap3A_889 = arith.constant 32 : index
      %swap3A_890 = tpu.vector_load %arg20[%swap3A_889] {strides = array<i32>} : memref<112xf32, #tpu.memory_space<vmem>>, vector<16xf32>,
      tpu.vector_store %arg20[%swap3A_889], %select_n3A_888 {strides = array<i32>} : memref<112xf32, #tpu.memory_space<vmem>>, vector<16xf32>,
      %get3A_891 = arith.constant 32 : index
      %get3A_892 = tpu.vector_load %arg21[%get3A_891] {strides = array<i32>} : memref<112xi32, #tpu.memory_space<vmem>>, vector<16xi32>,
      %add3A_893 = arith.constant 20000 : i32
      %add3A_894 = vector.broadcast %add3A_893 : i32 to vector<16xi32>
      %add3A_895 = arith.addi %add3A_894, %get3A_892 : vector<16xi32>
      %gather3A_896 = tpu.vector_load_idx %arg12[%add3A_895] : memref<100000xf32, #tpu.memory_space<vmem>>[vector<16xi32>], vector<16xf32>,
      %jit3A_897 = arith.constant -1.000000e+00 : f32
      %broadcast_in_dim3A_898 = vector.broadcast %jit3A_897 : f32 to vector<16xf32>
      %select_n3A_899 = arith.select %lt3A_883, %gather3A_896, %broadcast_in_dim3A_898 : vector<16xi1>, vector<16xf32>
      %broadcast_in_dim3A_900 = arith.constant 0 : i32
      %broadcast_in_dim3A_901 = vector.broadcast %broadcast_in_dim3A_900 : i32 to vector<16xi32>
      tpu.vector_store_idx %arg23[%add3A_881, %broadcast_in_dim3A_901], %select_n3A_899 : memref<112x4xf32, #tpu.memory_space<vmem>>[vector<16xi32>, vector<16xi32>], vector<16xf32>,
      %add3A_902 = arith.constant 40000 : i32
      %add3A_903 = vector.broadcast %add3A_902 : i32 to vector<16xi32>
      %add3A_904 = arith.addi %add3A_903, %get3A_892 : vector<16xi32>
      %gather3A_905 = tpu.vector_load_idx %arg12[%add3A_904] : memref<100000xf32, #tpu.memory_space<vmem>>[vector<16xi32>], vector<16xf32>,
      %jit3A_906 = arith.constant -1.000000e+00 : f32
      %broadcast_in_dim3A_907 = vector.broadcast %jit3A_906 : f32 to vector<16xf32>
      %select_n3A_908 = arith.select %lt3A_883, %gather3A_905, %broadcast_in_dim3A_907 : vector<16xi1>, vector<16xf32>
      %broadcast_in_dim3A_909 = arith.constant 1 : i32
      %broadcast_in_dim3A_910 = vector.broadcast %broadcast_in_dim3A_909 : i32 to vector<16xi32>
      tpu.vector_store_idx %arg23[%add3A_881, %broadcast_in_dim3A_910], %select_n3A_908 : memref<112x4xf32, #tpu.memory_space<vmem>>[vector<16xi32>, vector<16xi32>], vector<16xf32>,
      %add3A_911 = arith.constant 60000 : i32
      %add3A_912 = vector.broadcast %add3A_911 : i32 to vector<16xi32>
      %add3A_913 = arith.addi %add3A_912, %get3A_892 : vector<16xi32>
      %gather3A_914 = tpu.vector_load_idx %arg12[%add3A_913] : memref<100000xf32, #tpu.memory_space<vmem>>[vector<16xi32>], vector<16xf32>,
      %jit3A_915 = arith.constant -1.000000e+00 : f32
      %broadcast_in_dim3A_916 = vector.broadcast %jit3A_915 : f32 to vector<16xf32>
      %select_n3A_917 = arith.select %lt3A_883, %gather3A_914, %broadcast_in_dim3A_916 : vector<16xi1>, vector<16xf32>
      %broadcast_in_dim3A_918 = arith.constant 2 : i32
      %broadcast_in_dim3A_919 = vector.broadcast %broadcast_in_dim3A_918 : i32 to vector<16xi32>
      tpu.vector_store_idx %arg23[%add3A_881, %broadcast_in_dim3A_919], %select_n3A_917 : memref<112x4xf32, #tpu.memory_space<vmem>>[vector<16xi32>, vector<16xi32>], vector<16xf32>,
      %add3A_920 = arith.constant 80000 : i32
      %add3A_921 = vector.broadcast %add3A_920 : i32 to vector<16xi32>
      %add3A_922 = arith.addi %add3A_921, %get3A_892 : vector<16xi32>
      %gather3A_923 = tpu.vector_load_idx %arg12[%add3A_922] : memref<100000xf32, #tpu.memory_space<vmem>>[vector<16xi32>], vector<16xf32>,
      %jit3A_924 = arith.constant -1.000000e+00 : f32
      %broadcast_in_dim3A_925 = vector.broadcast %jit3A_924 : f32 to vector<16xf32>
      %select_n3A_926 = arith.select %lt3A_883, %gather3A_923, %broadcast_in_dim3A_925 : vector<16xi1>, vector<16xf32>
      %broadcast_in_dim3A_927 = arith.constant 3 : i32
      %broadcast_in_dim3A_928 = vector.broadcast %broadcast_in_dim3A_927 : i32 to vector<16xi32>
      tpu.vector_store_idx %arg23[%add3A_881, %broadcast_in_dim3A_928], %select_n3A_926 : memref<112x4xf32, #tpu.memory_space<vmem>>[vector<16xi32>, vector<16xi32>], vector<16xf32>,
      %gather3A_929 = tpu.vector_load_idx %arg22[%get3A_892] : memref<20000xi32, #tpu.memory_space<vmem>>[vector<16xi32>], vector<16xi32>,
      %jit3A_930 = arith.constant -1 : i32
      %broadcast_in_dim3A_931 = vector.broadcast %jit3A_930 : i32 to vector<16xi32>
      %select_n3A_932 = arith.select %lt3A_883, %gather3A_929, %broadcast_in_dim3A_931 : vector<16xi1>, vector<16xi32>
      %broadcast_in_dim3A_933 = arith.constant 0 : i32
      %broadcast_in_dim3A_934 = vector.broadcast %broadcast_in_dim3A_933 : i32 to vector<16xi32>
      tpu.vector_store_idx %arg26[%add3A_881, %broadcast_in_dim3A_934], %select_n3A_932 : memref<112x1xi32, #tpu.memory_space<vmem>>[vector<16xi32>, vector<16xi32>], vector<16xi32>,
      %add3A_935 = arith.constant 48 : i32
      %add3A_936 = vector.broadcast %add3A_935 : i32 to vector<16xi32>
      %add3A_937 = arith.addi %iota3A, %add3A_936 : vector<16xi32>
      %lt3A_938 = vector.broadcast %while3A_761#0 : i32 to vector<16xi32>
      %lt3A_939 = arith.cmpi slt, %add3A_937, %lt3A_938 : vector<16xi32>
      %get3A_940 = arith.constant 48 : index
      %get3A_941 = tpu.vector_load %arg20[%get3A_940] {strides = array<i32>} : memref<112xf32, #tpu.memory_space<vmem>>, vector<16xf32>,
      %jit3A_942 = arith.constant -1.000000e+00 : f32
      %broadcast_in_dim3A_943 = vector.broadcast %jit3A_942 : f32 to vector<16xf32>
      %select_n3A_944 = arith.select %lt3A_939, %get3A_941, %broadcast_in_dim3A_943 : vector<16xi1>, vector<16xf32>
      %swap3A_945 = arith.constant 48 : index
      %swap3A_946 = tpu.vector_load %arg20[%swap3A_945] {strides = array<i32>} : memref<112xf32, #tpu.memory_space<vmem>>, vector<16xf32>,
      tpu.vector_store %arg20[%swap3A_945], %select_n3A_944 {strides = array<i32>} : memref<112xf32, #tpu.memory_space<vmem>>, vector<16xf32>,
      %get3A_947 = arith.constant 48 : index
      %get3A_948 = tpu.vector_load %arg21[%get3A_947] {strides = array<i32>} : memref<112xi32, #tpu.memory_space<vmem>>, vector<16xi32>,
      %add3A_949 = arith.constant 20000 : i32
      %add3A_950 = vector.broadcast %add3A_949 : i32 to vector<16xi32>
      %add3A_951 = arith.addi %add3A_950, %get3A_948 : vector<16xi32>
      %gather3A_952 = tpu.vector_load_idx %arg12[%add3A_951] : memref<100000xf32, #tpu.memory_space<vmem>>[vector<16xi32>], vector<16xf32>,
      %jit3A_953 = arith.constant -1.000000e+00 : f32
      %broadcast_in_dim3A_954 = vector.broadcast %jit3A_953 : f32 to vector<16xf32>
      %select_n3A_955 = arith.select %lt3A_939, %gather3A_952, %broadcast_in_dim3A_954 : vector<16xi1>, vector<16xf32>
      %broadcast_in_dim3A_956 = arith.constant 0 : i32
      %broadcast_in_dim3A_957 = vector.broadcast %broadcast_in_dim3A_956 : i32 to vector<16xi32>
      tpu.vector_store_idx %arg23[%add3A_937, %broadcast_in_dim3A_957], %select_n3A_955 : memref<112x4xf32, #tpu.memory_space<vmem>>[vector<16xi32>, vector<16xi32>], vector<16xf32>,
      %add3A_958 = arith.constant 40000 : i32
      %add3A_959 = vector.broadcast %add3A_958 : i32 to vector<16xi32>
      %add3A_960 = arith.addi %add3A_959, %get3A_948 : vector<16xi32>
      %gather3A_961 = tpu.vector_load_idx %arg12[%add3A_960] : memref<100000xf32, #tpu.memory_space<vmem>>[vector<16xi32>], vector<16xf32>,
      %jit3A_962 = arith.constant -1.000000e+00 : f32
      %broadcast_in_dim3A_963 = vector.broadcast %jit3A_962 : f32 to vector<16xf32>
      %select_n3A_964 = arith.select %lt3A_939, %gather3A_961, %broadcast_in_dim3A_963 : vector<16xi1>, vector<16xf32>
      %broadcast_in_dim3A_965 = arith.constant 1 : i32
      %broadcast_in_dim3A_966 = vector.broadcast %broadcast_in_dim3A_965 : i32 to vector<16xi32>
      tpu.vector_store_idx %arg23[%add3A_937, %broadcast_in_dim3A_966], %select_n3A_964 : memref<112x4xf32, #tpu.memory_space<vmem>>[vector<16xi32>, vector<16xi32>], vector<16xf32>,
      %add3A_967 = arith.constant 60000 : i32
      %add3A_968 = vector.broadcast %add3A_967 : i32 to vector<16xi32>
      %add3A_969 = arith.addi %add3A_968, %get3A_948 : vector<16xi32>
      %gather3A_970 = tpu.vector_load_idx %arg12[%add3A_969] : memref<100000xf32, #tpu.memory_space<vmem>>[vector<16xi32>], vector<16xf32>,
      %jit3A_971 = arith.constant -1.000000e+00 : f32
      %broadcast_in_dim3A_972 = vector.broadcast %jit3A_971 : f32 to vector<16xf32>
      %select_n3A_973 = arith.select %lt3A_939, %gather3A_970, %broadcast_in_dim3A_972 : vector<16xi1>, vector<16xf32>
      %broadcast_in_dim3A_974 = arith.constant 2 : i32
      %broadcast_in_dim3A_975 = vector.broadcast %broadcast_in_dim3A_974 : i32 to vector<16xi32>
      tpu.vector_store_idx %arg23[%add3A_937, %broadcast_in_dim3A_975], %select_n3A_973 : memref<112x4xf32, #tpu.memory_space<vmem>>[vector<16xi32>, vector<16xi32>], vector<16xf32>,
      %add3A_976 = arith.constant 80000 : i32
      %add3A_977 = vector.broadcast %add3A_976 : i32 to vector<16xi32>
      %add3A_978 = arith.addi %add3A_977, %get3A_948 : vector<16xi32>
      %gather3A_979 = tpu.vector_load_idx %arg12[%add3A_978] : memref<100000xf32, #tpu.memory_space<vmem>>[vector<16xi32>], vector<16xf32>,
      %jit3A_980 = arith.constant -1.000000e+00 : f32
      %broadcast_in_dim3A_981 = vector.broadcast %jit3A_980 : f32 to vector<16xf32>
      %select_n3A_982 = arith.select %lt3A_939, %gather3A_979, %broadcast_in_dim3A_981 : vector<16xi1>, vector<16xf32>
      %broadcast_in_dim3A_983 = arith.constant 3 : i32
      %broadcast_in_dim3A_984 = vector.broadcast %broadcast_in_dim3A_983 : i32 to vector<16xi32>
      tpu.vector_store_idx %arg23[%add3A_937, %broadcast_in_dim3A_984], %select_n3A_982 : memref<112x4xf32, #tpu.memory_space<vmem>>[vector<16xi32>, vector<16xi32>], vector<16xf32>,
      %gather3A_985 = tpu.vector_load_idx %arg22[%get3A_948] : memref<20000xi32, #tpu.memory_space<vmem>>[vector<16xi32>], vector<16xi32>,
      %jit3A_986 = arith.constant -1 : i32
      %broadcast_in_dim3A_987 = vector.broadcast %jit3A_986 : i32 to vector<16xi32>
      %select_n3A_988 = arith.select %lt3A_939, %gather3A_985, %broadcast_in_dim3A_987 : vector<16xi1>, vector<16xi32>
      %broadcast_in_dim3A_989 = arith.constant 0 : i32
      %broadcast_in_dim3A_990 = vector.broadcast %broadcast_in_dim3A_989 : i32 to vector<16xi32>
      tpu.vector_store_idx %arg26[%add3A_937, %broadcast_in_dim3A_990], %select_n3A_988 : memref<112x1xi32, #tpu.memory_space<vmem>>[vector<16xi32>, vector<16xi32>], vector<16xi32>,
      %add3A_991 = arith.constant 64 : i32
      %add3A_992 = vector.broadcast %add3A_991 : i32 to vector<16xi32>
      %add3A_993 = arith.addi %iota3A, %add3A_992 : vector<16xi32>
      %lt3A_994 = vector.broadcast %while3A_761#0 : i32 to vector<16xi32>
      %lt3A_995 = arith.cmpi slt, %add3A_993, %lt3A_994 : vector<16xi32>
      %get3A_996 = arith.constant 64 : index
      %get3A_997 = tpu.vector_load %arg20[%get3A_996] {strides = array<i32>} : memref<112xf32, #tpu.memory_space<vmem>>, vector<16xf32>,
      %jit3A_998 = arith.constant -1.000000e+00 : f32
      %broadcast_in_dim3A_999 = vector.broadcast %jit3A_998 : f32 to vector<16xf32>
      %select_n3A_1000 = arith.select %lt3A_995, %get3A_997, %broadcast_in_dim3A_999 : vector<16xi1>, vector<16xf32>
      %swap3A_1001 = arith.constant 64 : index
      %swap3A_1002 = tpu.vector_load %arg20[%swap3A_1001] {strides = array<i32>} : memref<112xf32, #tpu.memory_space<vmem>>, vector<16xf32>,
      tpu.vector_store %arg20[%swap3A_1001], %select_n3A_1000 {strides = array<i32>} : memref<112xf32, #tpu.memory_space<vmem>>, vector<16xf32>,
      %get3A_1003 = arith.constant 64 : index
      %get3A_1004 = tpu.vector_load %arg21[%get3A_1003] {strides = array<i32>} : memref<112xi32, #tpu.memory_space<vmem>>, vector<16xi32>,
      %add3A_1005 = arith.constant 20000 : i32
      %add3A_1006 = vector.broadcast %add3A_1005 : i32 to vector<16xi32>
      %add3A_1007 = arith.addi %add3A_1006, %get3A_1004 : vector<16xi32>
      %gather3A_1008 = tpu.vector_load_idx %arg12[%add3A_1007] : memref<100000xf32, #tpu.memory_space<vmem>>[vector<16xi32>], vector<16xf32>,
      %jit3A_1009 = arith.constant -1.000000e+00 : f32
      %broadcast_in_dim3A_1010 = vector.broadcast %jit3A_1009 : f32 to vector<16xf32>
      %select_n3A_1011 = arith.select %lt3A_995, %gather3A_1008, %broadcast_in_dim3A_1010 : vector<16xi1>, vector<16xf32>
      %broadcast_in_dim3A_1012 = arith.constant 0 : i32
      %broadcast_in_dim3A_1013 = vector.broadcast %broadcast_in_dim3A_1012 : i32 to vector<16xi32>
      tpu.vector_store_idx %arg23[%add3A_993, %broadcast_in_dim3A_1013], %select_n3A_1011 : memref<112x4xf32, #tpu.memory_space<vmem>>[vector<16xi32>, vector<16xi32>], vector<16xf32>,
      %add3A_1014 = arith.constant 40000 : i32
      %add3A_1015 = vector.broadcast %add3A_1014 : i32 to vector<16xi32>
      %add3A_1016 = arith.addi %add3A_1015, %get3A_1004 : vector<16xi32>
      %gather3A_1017 = tpu.vector_load_idx %arg12[%add3A_1016] : memref<100000xf32, #tpu.memory_space<vmem>>[vector<16xi32>], vector<16xf32>,
      %jit3A_1018 = arith.constant -1.000000e+00 : f32
      %broadcast_in_dim3A_1019 = vector.broadcast %jit3A_1018 : f32 to vector<16xf32>
      %select_n3A_1020 = arith.select %lt3A_995, %gather3A_1017, %broadcast_in_dim3A_1019 : vector<16xi1>, vector<16xf32>
      %broadcast_in_dim3A_1021 = arith.constant 1 : i32
      %broadcast_in_dim3A_1022 = vector.broadcast %broadcast_in_dim3A_1021 : i32 to vector<16xi32>
      tpu.vector_store_idx %arg23[%add3A_993, %broadcast_in_dim3A_1022], %select_n3A_1020 : memref<112x4xf32, #tpu.memory_space<vmem>>[vector<16xi32>, vector<16xi32>], vector<16xf32>,
      %add3A_1023 = arith.constant 60000 : i32
      %add3A_1024 = vector.broadcast %add3A_1023 : i32 to vector<16xi32>
      %add3A_1025 = arith.addi %add3A_1024, %get3A_1004 : vector<16xi32>
      %gather3A_1026 = tpu.vector_load_idx %arg12[%add3A_1025] : memref<100000xf32, #tpu.memory_space<vmem>>[vector<16xi32>], vector<16xf32>,
      %jit3A_1027 = arith.constant -1.000000e+00 : f32
      %broadcast_in_dim3A_1028 = vector.broadcast %jit3A_1027 : f32 to vector<16xf32>
      %select_n3A_1029 = arith.select %lt3A_995, %gather3A_1026, %broadcast_in_dim3A_1028 : vector<16xi1>, vector<16xf32>
      %broadcast_in_dim3A_1030 = arith.constant 2 : i32
      %broadcast_in_dim3A_1031 = vector.broadcast %broadcast_in_dim3A_1030 : i32 to vector<16xi32>
      tpu.vector_store_idx %arg23[%add3A_993, %broadcast_in_dim3A_1031], %select_n3A_1029 : memref<112x4xf32, #tpu.memory_space<vmem>>[vector<16xi32>, vector<16xi32>], vector<16xf32>,
      %add3A_1032 = arith.constant 80000 : i32
      %add3A_1033 = vector.broadcast %add3A_1032 : i32 to vector<16xi32>
      %add3A_1034 = arith.addi %add3A_1033, %get3A_1004 : vector<16xi32>
      %gather3A_1035 = tpu.vector_load_idx %arg12[%add3A_1034] : memref<100000xf32, #tpu.memory_space<vmem>>[vector<16xi32>], vector<16xf32>,
      %jit3A_1036 = arith.constant -1.000000e+00 : f32
      %broadcast_in_dim3A_1037 = vector.broadcast %jit3A_1036 : f32 to vector<16xf32>
      %select_n3A_1038 = arith.select %lt3A_995, %gather3A_1035, %broadcast_in_dim3A_1037 : vector<16xi1>, vector<16xf32>
      %broadcast_in_dim3A_1039 = arith.constant 3 : i32
      %broadcast_in_dim3A_1040 = vector.broadcast %broadcast_in_dim3A_1039 : i32 to vector<16xi32>
      tpu.vector_store_idx %arg23[%add3A_993, %broadcast_in_dim3A_1040], %select_n3A_1038 : memref<112x4xf32, #tpu.memory_space<vmem>>[vector<16xi32>, vector<16xi32>], vector<16xf32>,
      %gather3A_1041 = tpu.vector_load_idx %arg22[%get3A_1004] : memref<20000xi32, #tpu.memory_space<vmem>>[vector<16xi32>], vector<16xi32>,
      %jit3A_1042 = arith.constant -1 : i32
      %broadcast_in_dim3A_1043 = vector.broadcast %jit3A_1042 : i32 to vector<16xi32>
      %select_n3A_1044 = arith.select %lt3A_995, %gather3A_1041, %broadcast_in_dim3A_1043 : vector<16xi1>, vector<16xi32>
      %broadcast_in_dim3A_1045 = arith.constant 0 : i32
      %broadcast_in_dim3A_1046 = vector.broadcast %broadcast_in_dim3A_1045 : i32 to vector<16xi32>
      tpu.vector_store_idx %arg26[%add3A_993, %broadcast_in_dim3A_1046], %select_n3A_1044 : memref<112x1xi32, #tpu.memory_space<vmem>>[vector<16xi32>, vector<16xi32>], vector<16xi32>,
      %add3A_1047 = arith.constant 80 : i32
      %add3A_1048 = vector.broadcast %add3A_1047 : i32 to vector<16xi32>
      %add3A_1049 = arith.addi %iota3A, %add3A_1048 : vector<16xi32>
      %lt3A_1050 = vector.broadcast %while3A_761#0 : i32 to vector<16xi32>
      %lt3A_1051 = arith.cmpi slt, %add3A_1049, %lt3A_1050 : vector<16xi32>
      %get3A_1052 = arith.constant 80 : index
      %get3A_1053 = tpu.vector_load %arg20[%get3A_1052] {strides = array<i32>} : memref<112xf32, #tpu.memory_space<vmem>>, vector<16xf32>,
      %jit3A_1054 = arith.constant -1.000000e+00 : f32
      %broadcast_in_dim3A_1055 = vector.broadcast %jit3A_1054 : f32 to vector<16xf32>
      %select_n3A_1056 = arith.select %lt3A_1051, %get3A_1053, %broadcast_in_dim3A_1055 : vector<16xi1>, vector<16xf32>
      %swap3A_1057 = arith.constant 80 : index
      %swap3A_1058 = tpu.vector_load %arg20[%swap3A_1057] {strides = array<i32>} : memref<112xf32, #tpu.memory_space<vmem>>, vector<16xf32>,
      tpu.vector_store %arg20[%swap3A_1057], %select_n3A_1056 {strides = array<i32>} : memref<112xf32, #tpu.memory_space<vmem>>, vector<16xf32>,
      %get3A_1059 = arith.constant 80 : index
      %get3A_1060 = tpu.vector_load %arg21[%get3A_1059] {strides = array<i32>} : memref<112xi32, #tpu.memory_space<vmem>>, vector<16xi32>,
      %add3A_1061 = arith.constant 20000 : i32
      %add3A_1062 = vector.broadcast %add3A_1061 : i32 to vector<16xi32>
      %add3A_1063 = arith.addi %add3A_1062, %get3A_1060 : vector<16xi32>
      %gather3A_1064 = tpu.vector_load_idx %arg12[%add3A_1063] : memref<100000xf32, #tpu.memory_space<vmem>>[vector<16xi32>], vector<16xf32>,
      %jit3A_1065 = arith.constant -1.000000e+00 : f32
      %broadcast_in_dim3A_1066 = vector.broadcast %jit3A_1065 : f32 to vector<16xf32>
      %select_n3A_1067 = arith.select %lt3A_1051, %gather3A_1064, %broadcast_in_dim3A_1066 : vector<16xi1>, vector<16xf32>
      %broadcast_in_dim3A_1068 = arith.constant 0 : i32
      %broadcast_in_dim3A_1069 = vector.broadcast %broadcast_in_dim3A_1068 : i32 to vector<16xi32>
      tpu.vector_store_idx %arg23[%add3A_1049, %broadcast_in_dim3A_1069], %select_n3A_1067 : memref<112x4xf32, #tpu.memory_space<vmem>>[vector<16xi32>, vector<16xi32>], vector<16xf32>,
      %add3A_1070 = arith.constant 40000 : i32
      %add3A_1071 = vector.broadcast %add3A_1070 : i32 to vector<16xi32>
      %add3A_1072 = arith.addi %add3A_1071, %get3A_1060 : vector<16xi32>
      %gather3A_1073 = tpu.vector_load_idx %arg12[%add3A_1072] : memref<100000xf32, #tpu.memory_space<vmem>>[vector<16xi32>], vector<16xf32>,
      %jit3A_1074 = arith.constant -1.000000e+00 : f32
      %broadcast_in_dim3A_1075 = vector.broadcast %jit3A_1074 : f32 to vector<16xf32>
      %select_n3A_1076 = arith.select %lt3A_1051, %gather3A_1073, %broadcast_in_dim3A_1075 : vector<16xi1>, vector<16xf32>
      %broadcast_in_dim3A_1077 = arith.constant 1 : i32
      %broadcast_in_dim3A_1078 = vector.broadcast %broadcast_in_dim3A_1077 : i32 to vector<16xi32>
      tpu.vector_store_idx %arg23[%add3A_1049, %broadcast_in_dim3A_1078], %select_n3A_1076 : memref<112x4xf32, #tpu.memory_space<vmem>>[vector<16xi32>, vector<16xi32>], vector<16xf32>,
      %add3A_1079 = arith.constant 60000 : i32
      %add3A_1080 = vector.broadcast %add3A_1079 : i32 to vector<16xi32>
      %add3A_1081 = arith.addi %add3A_1080, %get3A_1060 : vector<16xi32>
      %gather3A_1082 = tpu.vector_load_idx %arg12[%add3A_1081] : memref<100000xf32, #tpu.memory_space<vmem>>[vector<16xi32>], vector<16xf32>,
      %jit3A_1083 = arith.constant -1.000000e+00 : f32
      %broadcast_in_dim3A_1084 = vector.broadcast %jit3A_1083 : f32 to vector<16xf32>
      %select_n3A_1085 = arith.select %lt3A_1051, %gather3A_1082, %broadcast_in_dim3A_1084 : vector<16xi1>, vector<16xf32>
      %broadcast_in_dim3A_1086 = arith.constant 2 : i32
      %broadcast_in_dim3A_1087 = vector.broadcast %broadcast_in_dim3A_1086 : i32 to vector<16xi32>
      tpu.vector_store_idx %arg23[%add3A_1049, %broadcast_in_dim3A_1087], %select_n3A_1085 : memref<112x4xf32, #tpu.memory_space<vmem>>[vector<16xi32>, vector<16xi32>], vector<16xf32>,
      %add3A_1088 = arith.constant 80000 : i32
      %add3A_1089 = vector.broadcast %add3A_1088 : i32 to vector<16xi32>
      %add3A_1090 = arith.addi %add3A_1089, %get3A_1060 : vector<16xi32>
      %gather3A_1091 = tpu.vector_load_idx %arg12[%add3A_1090] : memref<100000xf32, #tpu.memory_space<vmem>>[vector<16xi32>], vector<16xf32>,
      %jit3A_1092 = arith.constant -1.000000e+00 : f32
      %broadcast_in_dim3A_1093 = vector.broadcast %jit3A_1092 : f32 to vector<16xf32>
      %select_n3A_1094 = arith.select %lt3A_1051, %gather3A_1091, %broadcast_in_dim3A_1093 : vector<16xi1>, vector<16xf32>
      %broadcast_in_dim3A_1095 = arith.constant 3 : i32
      %broadcast_in_dim3A_1096 = vector.broadcast %broadcast_in_dim3A_1095 : i32 to vector<16xi32>
      tpu.vector_store_idx %arg23[%add3A_1049, %broadcast_in_dim3A_1096], %select_n3A_1094 : memref<112x4xf32, #tpu.memory_space<vmem>>[vector<16xi32>, vector<16xi32>], vector<16xf32>,
      %gather3A_1097 = tpu.vector_load_idx %arg22[%get3A_1060] : memref<20000xi32, #tpu.memory_space<vmem>>[vector<16xi32>], vector<16xi32>,
      %jit3A_1098 = arith.constant -1 : i32
      %broadcast_in_dim3A_1099 = vector.broadcast %jit3A_1098 : i32 to vector<16xi32>
      %select_n3A_1100 = arith.select %lt3A_1051, %gather3A_1097, %broadcast_in_dim3A_1099 : vector<16xi1>, vector<16xi32>
      %broadcast_in_dim3A_1101 = arith.constant 0 : i32
      %broadcast_in_dim3A_1102 = vector.broadcast %broadcast_in_dim3A_1101 : i32 to vector<16xi32>
      tpu.vector_store_idx %arg26[%add3A_1049, %broadcast_in_dim3A_1102], %select_n3A_1100 : memref<112x1xi32, #tpu.memory_space<vmem>>[vector<16xi32>, vector<16xi32>], vector<16xi32>,
      %add3A_1103 = arith.constant 96 : i32
      %add3A_1104 = vector.broadcast %add3A_1103 : i32 to vector<16xi32>
      %add3A_1105 = arith.addi %iota3A, %add3A_1104 : vector<16xi32>
      %lt3A_1106 = vector.broadcast %while3A_761#0 : i32 to vector<16xi32>
      %lt3A_1107 = arith.cmpi slt, %add3A_1105, %lt3A_1106 : vector<16xi32>
      %get3A_1108 = arith.constant 96 : index
      %get3A_1109 = tpu.vector_load %arg20[%get3A_1108] {strides = array<i32>} : memref<112xf32, #tpu.memory_space<vmem>>, vector<16xf32>,
      %jit3A_1110 = arith.constant -1.000000e+00 : f32
      %broadcast_in_dim3A_1111 = vector.broadcast %jit3A_1110 : f32 to vector<16xf32>
      %select_n3A_1112 = arith.select %lt3A_1107, %get3A_1109, %broadcast_in_dim3A_1111 : vector<16xi1>, vector<16xf32>
      %swap3A_1113 = arith.constant 96 : index
      %swap3A_1114 = tpu.vector_load %arg20[%swap3A_1113] {strides = array<i32>} : memref<112xf32, #tpu.memory_space<vmem>>, vector<16xf32>,
      tpu.vector_store %arg20[%swap3A_1113], %select_n3A_1112 {strides = array<i32>} : memref<112xf32, #tpu.memory_space<vmem>>, vector<16xf32>,
      %get3A_1115 = arith.constant 96 : index
      %get3A_1116 = tpu.vector_load %arg21[%get3A_1115] {strides = array<i32>} : memref<112xi32, #tpu.memory_space<vmem>>, vector<16xi32>,
      %add3A_1117 = arith.constant 20000 : i32
      %add3A_1118 = vector.broadcast %add3A_1117 : i32 to vector<16xi32>
      %add3A_1119 = arith.addi %add3A_1118, %get3A_1116 : vector<16xi32>
      %gather3A_1120 = tpu.vector_load_idx %arg12[%add3A_1119] : memref<100000xf32, #tpu.memory_space<vmem>>[vector<16xi32>], vector<16xf32>,
      %jit3A_1121 = arith.constant -1.000000e+00 : f32
      %broadcast_in_dim3A_1122 = vector.broadcast %jit3A_1121 : f32 to vector<16xf32>
      %select_n3A_1123 = arith.select %lt3A_1107, %gather3A_1120, %broadcast_in_dim3A_1122 : vector<16xi1>, vector<16xf32>
      %broadcast_in_dim3A_1124 = arith.constant 0 : i32
      %broadcast_in_dim3A_1125 = vector.broadcast %broadcast_in_dim3A_1124 : i32 to vector<16xi32>
      tpu.vector_store_idx %arg23[%add3A_1105, %broadcast_in_dim3A_1125], %select_n3A_1123 : memref<112x4xf32, #tpu.memory_space<vmem>>[vector<16xi32>, vector<16xi32>], vector<16xf32>,
      %add3A_1126 = arith.constant 40000 : i32
      %add3A_1127 = vector.broadcast %add3A_1126 : i32 to vector<16xi32>
      %add3A_1128 = arith.addi %add3A_1127, %get3A_1116 : vector<16xi32>
      %gather3A_1129 = tpu.vector_load_idx %arg12[%add3A_1128] : memref<100000xf32, #tpu.memory_space<vmem>>[vector<16xi32>], vector<16xf32>,
      %jit3A_1130 = arith.constant -1.000000e+00 : f32
      %broadcast_in_dim3A_1131 = vector.broadcast %jit3A_1130 : f32 to vector<16xf32>
      %select_n3A_1132 = arith.select %lt3A_1107, %gather3A_1129, %broadcast_in_dim3A_1131 : vector<16xi1>, vector<16xf32>
      %broadcast_in_dim3A_1133 = arith.constant 1 : i32
      %broadcast_in_dim3A_1134 = vector.broadcast %broadcast_in_dim3A_1133 : i32 to vector<16xi32>
      tpu.vector_store_idx %arg23[%add3A_1105, %broadcast_in_dim3A_1134], %select_n3A_1132 : memref<112x4xf32, #tpu.memory_space<vmem>>[vector<16xi32>, vector<16xi32>], vector<16xf32>,
      %add3A_1135 = arith.constant 60000 : i32
      %add3A_1136 = vector.broadcast %add3A_1135 : i32 to vector<16xi32>
      %add3A_1137 = arith.addi %add3A_1136, %get3A_1116 : vector<16xi32>
      %gather3A_1138 = tpu.vector_load_idx %arg12[%add3A_1137] : memref<100000xf32, #tpu.memory_space<vmem>>[vector<16xi32>], vector<16xf32>,
      %jit3A_1139 = arith.constant -1.000000e+00 : f32
      %broadcast_in_dim3A_1140 = vector.broadcast %jit3A_1139 : f32 to vector<16xf32>
      %select_n3A_1141 = arith.select %lt3A_1107, %gather3A_1138, %broadcast_in_dim3A_1140 : vector<16xi1>, vector<16xf32>
      %broadcast_in_dim3A_1142 = arith.constant 2 : i32
      %broadcast_in_dim3A_1143 = vector.broadcast %broadcast_in_dim3A_1142 : i32 to vector<16xi32>
      tpu.vector_store_idx %arg23[%add3A_1105, %broadcast_in_dim3A_1143], %select_n3A_1141 : memref<112x4xf32, #tpu.memory_space<vmem>>[vector<16xi32>, vector<16xi32>], vector<16xf32>,
      %add3A_1144 = arith.constant 80000 : i32
      %add3A_1145 = vector.broadcast %add3A_1144 : i32 to vector<16xi32>
      %add3A_1146 = arith.addi %add3A_1145, %get3A_1116 : vector<16xi32>
      %gather3A_1147 = tpu.vector_load_idx %arg12[%add3A_1146] : memref<100000xf32, #tpu.memory_space<vmem>>[vector<16xi32>], vector<16xf32>,
      %jit3A_1148 = arith.constant -1.000000e+00 : f32
      %broadcast_in_dim3A_1149 = vector.broadcast %jit3A_1148 : f32 to vector<16xf32>
      %select_n3A_1150 = arith.select %lt3A_1107, %gather3A_1147, %broadcast_in_dim3A_1149 : vector<16xi1>, vector<16xf32>
      %broadcast_in_dim3A_1151 = arith.constant 3 : i32
      %broadcast_in_dim3A_1152 = vector.broadcast %broadcast_in_dim3A_1151 : i32 to vector<16xi32>
      tpu.vector_store_idx %arg23[%add3A_1105, %broadcast_in_dim3A_1152], %select_n3A_1150 : memref<112x4xf32, #tpu.memory_space<vmem>>[vector<16xi32>, vector<16xi32>], vector<16xf32>,
      %gather3A_1153 = tpu.vector_load_idx %arg22[%get3A_1116] : memref<20000xi32, #tpu.memory_space<vmem>>[vector<16xi32>], vector<16xi32>,
      %jit3A_1154 = arith.constant -1 : i32
      %broadcast_in_dim3A_1155 = vector.broadcast %jit3A_1154 : i32 to vector<16xi32>
      %select_n3A_1156 = arith.select %lt3A_1107, %gather3A_1153, %broadcast_in_dim3A_1155 : vector<16xi1>, vector<16xi32>
      %broadcast_in_dim3A_1157 = arith.constant 0 : i32
      %broadcast_in_dim3A_1158 = vector.broadcast %broadcast_in_dim3A_1157 : i32 to vector<16xi32>
      tpu.vector_store_idx %arg26[%add3A_1105, %broadcast_in_dim3A_1158], %select_n3A_1156 : memref<112x1xi32, #tpu.memory_space<vmem>>[vector<16xi32>, vector<16xi32>], vector<16xi32>,
      %dma_start3A_1159 = arith.constant 0 : i32
      %dma_start3A_1160 = arith.constant 20000 : i32
      %dma_start3A_1161 = tpu.memref_slice %arg12[%dma_start3A_1160] : memref<100000xf32, #tpu.memory_space<vmem>> -> memref<20000xf32, #tpu.memory_space<vmem>>
      %dma_start3A_1162 = arith.constant 0 : i32
      %dma_start3A_1163 = tpu.memref_slice %arg4[%dma_start3A_1159, %add3A, %dma_start3A_1162] : memref<3x8x20000xf32, #tpu.memory_space<hbm>> -> memref<1x1x20000xf32, #tpu.memory_space<hbm>>
      %dma_start3A_1164 = tpu.memref_squeeze %dma_start3A_1163 : memref<1x1x20000xf32, #tpu.memory_space<hbm>> -> memref<20000xf32, #tpu.memory_space<hbm>>
      %dma_start3A_1165 = arith.constant 20000 : i32
      %dma_start3A_1166 = tpu.memref_slice %arg12[%dma_start3A_1165] : memref<100000xf32, #tpu.memory_space<vmem>> -> memref<20000xf32, #tpu.memory_space<vmem>>
      %dma_start3A_1167 = arith.constant 0 : i32
      %dma_start3A_1168 = tpu.memref_slice %arg4[%dma_start3A_1159, %add3A, %dma_start3A_1167] : memref<3x8x20000xf32, #tpu.memory_space<hbm>> -> memref<1x1x20000xf32, #tpu.memory_space<hbm>>
      %dma_start3A_1169 = tpu.memref_squeeze %dma_start3A_1168 : memref<1x1x20000xf32, #tpu.memory_space<hbm>> -> memref<20000xf32, #tpu.memory_space<hbm>>
      tpu.enqueue_dma source(%dma_start3A_1169 : memref<20000xf32, #tpu.memory_space<hbm>>) target(%dma_start3A_1166 : memref<20000xf32, #tpu.memory_space<vmem>>) target_semaphore(%arg27 : memref<!tpu.dma_semaphore, #tpu.memory_space<semaphore_mem>>)
      %dma_start3A_1170 = arith.constant 1 : i32
      %dma_start3A_1171 = arith.constant 40000 : i32
      %dma_start3A_1172 = tpu.memref_slice %arg12[%dma_start3A_1171] : memref<100000xf32, #tpu.memory_space<vmem>> -> memref<20000xf32, #tpu.memory_space<vmem>>
      %dma_start3A_1173 = arith.constant 0 : i32
      %dma_start3A_1174 = tpu.memref_slice %arg4[%dma_start3A_1170, %add3A, %dma_start3A_1173] : memref<3x8x20000xf32, #tpu.memory_space<hbm>> -> memref<1x1x20000xf32, #tpu.memory_space<hbm>>
      %dma_start3A_1175 = tpu.memref_squeeze %dma_start3A_1174 : memref<1x1x20000xf32, #tpu.memory_space<hbm>> -> memref<20000xf32, #tpu.memory_space<hbm>>
      %dma_start3A_1176 = arith.constant 40000 : i32
      %dma_start3A_1177 = tpu.memref_slice %arg12[%dma_start3A_1176] : memref<100000xf32, #tpu.memory_space<vmem>> -> memref<20000xf32, #tpu.memory_space<vmem>>
      %dma_start3A_1178 = arith.constant 0 : i32
      %dma_start3A_1179 = tpu.memref_slice %arg4[%dma_start3A_1170, %add3A, %dma_start3A_1178] : memref<3x8x20000xf32, #tpu.memory_space<hbm>> -> memref<1x1x20000xf32, #tpu.memory_space<hbm>>
      %dma_start3A_1180 = tpu.memref_squeeze %dma_start3A_1179 : memref<1x1x20000xf32, #tpu.memory_space<hbm>> -> memref<20000xf32, #tpu.memory_space<hbm>>
      tpu.enqueue_dma source(%dma_start3A_1180 : memref<20000xf32, #tpu.memory_space<hbm>>) target(%dma_start3A_1177 : memref<20000xf32, #tpu.memory_space<vmem>>) target_semaphore(%arg27 : memref<!tpu.dma_semaphore, #tpu.memory_space<semaphore_mem>>)
      %dma_start3A_1181 = arith.constant 2 : i32
      %dma_start3A_1182 = arith.constant 60000 : i32
      %dma_start3A_1183 = tpu.memref_slice %arg12[%dma_start3A_1182] : memref<100000xf32, #tpu.memory_space<vmem>> -> memref<20000xf32, #tpu.memory_space<vmem>>
      %dma_start3A_1184 = arith.constant 0 : i32
      %dma_start3A_1185 = tpu.memref_slice %arg4[%dma_start3A_1181, %add3A, %dma_start3A_1184] : memref<3x8x20000xf32, #tpu.memory_space<hbm>> -> memref<1x1x20000xf32, #tpu.memory_space<hbm>>
      %dma_start3A_1186 = tpu.memref_squeeze %dma_start3A_1185 : memref<1x1x20000xf32, #tpu.memory_space<hbm>> -> memref<20000xf32, #tpu.memory_space<hbm>>
      %dma_start3A_1187 = arith.constant 60000 : i32
      %dma_start3A_1188 = tpu.memref_slice %arg12[%dma_start3A_1187] : memref<100000xf32, #tpu.memory_space<vmem>> -> memref<20000xf32, #tpu.memory_space<vmem>>
      %dma_start3A_1189 = arith.constant 0 : i32
      %dma_start3A_1190 = tpu.memref_slice %arg4[%dma_start3A_1181, %add3A, %dma_start3A_1189] : memref<3x8x20000xf32, #tpu.memory_space<hbm>> -> memref<1x1x20000xf32, #tpu.memory_space<hbm>>
      %dma_start3A_1191 = tpu.memref_squeeze %dma_start3A_1190 : memref<1x1x20000xf32, #tpu.memory_space<hbm>> -> memref<20000xf32, #tpu.memory_space<hbm>>
      tpu.enqueue_dma source(%dma_start3A_1191 : memref<20000xf32, #tpu.memory_space<hbm>>) target(%dma_start3A_1188 : memref<20000xf32, #tpu.memory_space<vmem>>) target_semaphore(%arg27 : memref<!tpu.dma_semaphore, #tpu.memory_space<semaphore_mem>>)
      %dma_wait3A_1192 = arith.constant 0 : i32
      %dma_wait3A_1193 = arith.constant 20000 : i32
      %dma_wait3A_1194 = tpu.memref_slice %arg12[%dma_wait3A_1193] : memref<100000xf32, #tpu.memory_space<vmem>> -> memref<20000xf32, #tpu.memory_space<vmem>>
      %dma_wait3A_1195 = arith.constant 0 : i32
      %dma_wait3A_1196 = tpu.memref_slice %arg4[%dma_wait3A_1192, %add3A, %dma_wait3A_1195] : memref<3x8x20000xf32, #tpu.memory_space<hbm>> -> memref<1x1x20000xf32, #tpu.memory_space<hbm>>
      %dma_wait3A_1197 = tpu.memref_squeeze %dma_wait3A_1196 : memref<1x1x20000xf32, #tpu.memory_space<hbm>> -> memref<20000xf32, #tpu.memory_space<hbm>>
      %dma_wait3A_1198 = arith.constant 20000 : i32
      %dma_wait3A_1199 = tpu.memref_slice %arg12[%dma_wait3A_1198] : memref<100000xf32, #tpu.memory_space<vmem>> -> memref<20000xf32, #tpu.memory_space<vmem>>
      %dma_wait3A_1200 = arith.constant 0 : i32
      %dma_wait3A_1201 = tpu.memref_slice %arg4[%dma_wait3A_1192, %add3A, %dma_wait3A_1200] : memref<3x8x20000xf32, #tpu.memory_space<hbm>> -> memref<1x1x20000xf32, #tpu.memory_space<hbm>>
      %dma_wait3A_1202 = tpu.memref_squeeze %dma_wait3A_1201 : memref<1x1x20000xf32, #tpu.memory_space<hbm>> -> memref<20000xf32, #tpu.memory_space<hbm>>
      tpu.wait_dma2 semaphore(%arg27 : memref<!tpu.dma_semaphore, #tpu.memory_space<semaphore_mem>>) src(%dma_wait3A_1202 : memref<20000xf32, #tpu.memory_space<hbm>>) dst(%dma_wait3A_1199 : memref<20000xf32, #tpu.memory_space<vmem>>)
      %dma_wait3A_1203 = arith.constant 1 : i32
      %dma_wait3A_1204 = arith.constant 40000 : i32
      %dma_wait3A_1205 = tpu.memref_slice %arg12[%dma_wait3A_1204] : memref<100000xf32, #tpu.memory_space<vmem>> -> memref<20000xf32, #tpu.memory_space<vmem>>
      %dma_wait3A_1206 = arith.constant 0 : i32
      %dma_wait3A_1207 = tpu.memref_slice %arg4[%dma_wait3A_1203, %add3A, %dma_wait3A_1206] : memref<3x8x20000xf32, #tpu.memory_space<hbm>> -> memref<1x1x20000xf32, #tpu.memory_space<hbm>>
      %dma_wait3A_1208 = tpu.memref_squeeze %dma_wait3A_1207 : memref<1x1x20000xf32, #tpu.memory_space<hbm>> -> memref<20000xf32, #tpu.memory_space<hbm>>
      %dma_wait3A_1209 = arith.constant 40000 : i32
      %dma_wait3A_1210 = tpu.memref_slice %arg12[%dma_wait3A_1209] : memref<100000xf32, #tpu.memory_space<vmem>> -> memref<20000xf32, #tpu.memory_space<vmem>>
      %dma_wait3A_1211 = arith.constant 0 : i32
      %dma_wait3A_1212 = tpu.memref_slice %arg4[%dma_wait3A_1203, %add3A, %dma_wait3A_1211] : memref<3x8x20000xf32, #tpu.memory_space<hbm>> -> memref<1x1x20000xf32, #tpu.memory_space<hbm>>
      %dma_wait3A_1213 = tpu.memref_squeeze %dma_wait3A_1212 : memref<1x1x20000xf32, #tpu.memory_space<hbm>> -> memref<20000xf32, #tpu.memory_space<hbm>>
      tpu.wait_dma2 semaphore(%arg27 : memref<!tpu.dma_semaphore, #tpu.memory_space<semaphore_mem>>) src(%dma_wait3A_1213 : memref<20000xf32, #tpu.memory_space<hbm>>) dst(%dma_wait3A_1210 : memref<20000xf32, #tpu.memory_space<vmem>>)
      %dma_wait3A_1214 = arith.constant 2 : i32
      %dma_wait3A_1215 = arith.constant 60000 : i32
      %dma_wait3A_1216 = tpu.memref_slice %arg12[%dma_wait3A_1215] : memref<100000xf32, #tpu.memory_space<vmem>> -> memref<20000xf32, #tpu.memory_space<vmem>>
      %dma_wait3A_1217 = arith.constant 0 : i32
      %dma_wait3A_1218 = tpu.memref_slice %arg4[%dma_wait3A_1214, %add3A, %dma_wait3A_1217] : memref<3x8x20000xf32, #tpu.memory_space<hbm>> -> memref<1x1x20000xf32, #tpu.memory_space<hbm>>
      %dma_wait3A_1219 = tpu.memref_squeeze %dma_wait3A_1218 : memref<1x1x20000xf32, #tpu.memory_space<hbm>> -> memref<20000xf32, #tpu.memory_space<hbm>>
      %dma_wait3A_1220 = arith.constant 60000 : i32
      %dma_wait3A_1221 = tpu.memref_slice %arg12[%dma_wait3A_1220] : memref<100000xf32, #tpu.memory_space<vmem>> -> memref<20000xf32, #tpu.memory_space<vmem>>
      %dma_wait3A_1222 = arith.constant 0 : i32
      %dma_wait3A_1223 = tpu.memref_slice %arg4[%dma_wait3A_1214, %add3A, %dma_wait3A_1222] : memref<3x8x20000xf32, #tpu.memory_space<hbm>> -> memref<1x1x20000xf32, #tpu.memory_space<hbm>>
      %dma_wait3A_1224 = tpu.memref_squeeze %dma_wait3A_1223 : memref<1x1x20000xf32, #tpu.memory_space<hbm>> -> memref<20000xf32, #tpu.memory_space<hbm>>
      tpu.wait_dma2 semaphore(%arg27 : memref<!tpu.dma_semaphore, #tpu.memory_space<semaphore_mem>>) src(%dma_wait3A_1224 : memref<20000xf32, #tpu.memory_space<hbm>>) dst(%dma_wait3A_1221 : memref<20000xf32, #tpu.memory_space<vmem>>)
      %add3A_1225 = arith.constant 0 : i32
      %add3A_1226 = vector.broadcast %add3A_1225 : i32 to vector<16xi32>
      %add3A_1227 = arith.addi %iota3A, %add3A_1226 : vector<16xi32>
      %lt3A_1228 = vector.broadcast %while3A_761#0 : i32 to vector<16xi32>
      %lt3A_1229 = arith.cmpi slt, %add3A_1227, %lt3A_1228 : vector<16xi32>
      %get3A_1230 = arith.constant 0 : index
      %get3A_1231 = tpu.vector_load %arg21[%get3A_1230] {strides = array<i32>} : memref<112xi32, #tpu.memory_space<vmem>>, vector<16xi32>,
      %add3A_1232 = arith.constant 20000 : i32
      %add3A_1233 = vector.broadcast %add3A_1232 : i32 to vector<16xi32>
      %add3A_1234 = arith.addi %add3A_1233, %get3A_1231 : vector<16xi32>
      %gather3A_1235 = tpu.vector_load_idx %arg12[%add3A_1234] : memref<100000xf32, #tpu.memory_space<vmem>>[vector<16xi32>], vector<16xf32>,
      %jit3A_1236 = arith.constant -1.000000e+00 : f32
      %broadcast_in_dim3A_1237 = vector.broadcast %jit3A_1236 : f32 to vector<16xf32>
      %select_n3A_1238 = arith.select %lt3A_1229, %gather3A_1235, %broadcast_in_dim3A_1237 : vector<16xi1>, vector<16xf32>
      %broadcast_in_dim3A_1239 = arith.constant 0 : i32
      %broadcast_in_dim3A_1240 = vector.broadcast %broadcast_in_dim3A_1239 : i32 to vector<16xi32>
      tpu.vector_store_idx %arg24[%add3A_1227, %broadcast_in_dim3A_1240], %select_n3A_1238 : memref<112x3xf32, #tpu.memory_space<vmem>>[vector<16xi32>, vector<16xi32>], vector<16xf32>,
      %add3A_1241 = arith.constant 40000 : i32
      %add3A_1242 = vector.broadcast %add3A_1241 : i32 to vector<16xi32>
      %add3A_1243 = arith.addi %add3A_1242, %get3A_1231 : vector<16xi32>
      %gather3A_1244 = tpu.vector_load_idx %arg12[%add3A_1243] : memref<100000xf32, #tpu.memory_space<vmem>>[vector<16xi32>], vector<16xf32>,
      %jit3A_1245 = arith.constant -1.000000e+00 : f32
      %broadcast_in_dim3A_1246 = vector.broadcast %jit3A_1245 : f32 to vector<16xf32>
      %select_n3A_1247 = arith.select %lt3A_1229, %gather3A_1244, %broadcast_in_dim3A_1246 : vector<16xi1>, vector<16xf32>
      %broadcast_in_dim3A_1248 = arith.constant 1 : i32
      %broadcast_in_dim3A_1249 = vector.broadcast %broadcast_in_dim3A_1248 : i32 to vector<16xi32>
      tpu.vector_store_idx %arg24[%add3A_1227, %broadcast_in_dim3A_1249], %select_n3A_1247 : memref<112x3xf32, #tpu.memory_space<vmem>>[vector<16xi32>, vector<16xi32>], vector<16xf32>,
      %add3A_1250 = arith.constant 60000 : i32
      %add3A_1251 = vector.broadcast %add3A_1250 : i32 to vector<16xi32>
      %add3A_1252 = arith.addi %add3A_1251, %get3A_1231 : vector<16xi32>
      %gather3A_1253 = tpu.vector_load_idx %arg12[%add3A_1252] : memref<100000xf32, #tpu.memory_space<vmem>>[vector<16xi32>], vector<16xf32>,
      %jit3A_1254 = arith.constant -1.000000e+00 : f32
      %broadcast_in_dim3A_1255 = vector.broadcast %jit3A_1254 : f32 to vector<16xf32>
      %select_n3A_1256 = arith.select %lt3A_1229, %gather3A_1253, %broadcast_in_dim3A_1255 : vector<16xi1>, vector<16xf32>
      %broadcast_in_dim3A_1257 = arith.constant 2 : i32
      %broadcast_in_dim3A_1258 = vector.broadcast %broadcast_in_dim3A_1257 : i32 to vector<16xi32>
      tpu.vector_store_idx %arg24[%add3A_1227, %broadcast_in_dim3A_1258], %select_n3A_1256 : memref<112x3xf32, #tpu.memory_space<vmem>>[vector<16xi32>, vector<16xi32>], vector<16xf32>,
      %add3A_1259 = arith.constant 16 : i32
      %add3A_1260 = vector.broadcast %add3A_1259 : i32 to vector<16xi32>
      %add3A_1261 = arith.addi %iota3A, %add3A_1260 : vector<16xi32>
      %lt3A_1262 = vector.broadcast %while3A_761#0 : i32 to vector<16xi32>
      %lt3A_1263 = arith.cmpi slt, %add3A_1261, %lt3A_1262 : vector<16xi32>
      %get3A_1264 = arith.constant 16 : index
      %get3A_1265 = tpu.vector_load %arg21[%get3A_1264] {strides = array<i32>} : memref<112xi32, #tpu.memory_space<vmem>>, vector<16xi32>,
      %add3A_1266 = arith.constant 20000 : i32
      %add3A_1267 = vector.broadcast %add3A_1266 : i32 to vector<16xi32>
      %add3A_1268 = arith.addi %add3A_1267, %get3A_1265 : vector<16xi32>
      %gather3A_1269 = tpu.vector_load_idx %arg12[%add3A_1268] : memref<100000xf32, #tpu.memory_space<vmem>>[vector<16xi32>], vector<16xf32>,
      %jit3A_1270 = arith.constant -1.000000e+00 : f32
      %broadcast_in_dim3A_1271 = vector.broadcast %jit3A_1270 : f32 to vector<16xf32>
      %select_n3A_1272 = arith.select %lt3A_1263, %gather3A_1269, %broadcast_in_dim3A_1271 : vector<16xi1>, vector<16xf32>
      %broadcast_in_dim3A_1273 = arith.constant 0 : i32
      %broadcast_in_dim3A_1274 = vector.broadcast %broadcast_in_dim3A_1273 : i32 to vector<16xi32>
      tpu.vector_store_idx %arg24[%add3A_1261, %broadcast_in_dim3A_1274], %select_n3A_1272 : memref<112x3xf32, #tpu.memory_space<vmem>>[vector<16xi32>, vector<16xi32>], vector<16xf32>,
      %add3A_1275 = arith.constant 40000 : i32
      %add3A_1276 = vector.broadcast %add3A_1275 : i32 to vector<16xi32>
      %add3A_1277 = arith.addi %add3A_1276, %get3A_1265 : vector<16xi32>
      %gather3A_1278 = tpu.vector_load_idx %arg12[%add3A_1277] : memref<100000xf32, #tpu.memory_space<vmem>>[vector<16xi32>], vector<16xf32>,
      %jit3A_1279 = arith.constant -1.000000e+00 : f32
      %broadcast_in_dim3A_1280 = vector.broadcast %jit3A_1279 : f32 to vector<16xf32>
      %select_n3A_1281 = arith.select %lt3A_1263, %gather3A_1278, %broadcast_in_dim3A_1280 : vector<16xi1>, vector<16xf32>
      %broadcast_in_dim3A_1282 = arith.constant 1 : i32
      %broadcast_in_dim3A_1283 = vector.broadcast %broadcast_in_dim3A_1282 : i32 to vector<16xi32>
      tpu.vector_store_idx %arg24[%add3A_1261, %broadcast_in_dim3A_1283], %select_n3A_1281 : memref<112x3xf32, #tpu.memory_space<vmem>>[vector<16xi32>, vector<16xi32>], vector<16xf32>,
      %add3A_1284 = arith.constant 60000 : i32
      %add3A_1285 = vector.broadcast %add3A_1284 : i32 to vector<16xi32>
      %add3A_1286 = arith.addi %add3A_1285, %get3A_1265 : vector<16xi32>
      %gather3A_1287 = tpu.vector_load_idx %arg12[%add3A_1286] : memref<100000xf32, #tpu.memory_space<vmem>>[vector<16xi32>], vector<16xf32>,
      %jit3A_1288 = arith.constant -1.000000e+00 : f32
      %broadcast_in_dim3A_1289 = vector.broadcast %jit3A_1288 : f32 to vector<16xf32>
      %select_n3A_1290 = arith.select %lt3A_1263, %gather3A_1287, %broadcast_in_dim3A_1289 : vector<16xi1>, vector<16xf32>
      %broadcast_in_dim3A_1291 = arith.constant 2 : i32
      %broadcast_in_dim3A_1292 = vector.broadcast %broadcast_in_dim3A_1291 : i32 to vector<16xi32>
      tpu.vector_store_idx %arg24[%add3A_1261, %broadcast_in_dim3A_1292], %select_n3A_1290 : memref<112x3xf32, #tpu.memory_space<vmem>>[vector<16xi32>, vector<16xi32>], vector<16xf32>,
      %add3A_1293 = arith.constant 32 : i32
      %add3A_1294 = vector.broadcast %add3A_1293 : i32 to vector<16xi32>
      %add3A_1295 = arith.addi %iota3A, %add3A_1294 : vector<16xi32>
      %lt3A_1296 = vector.broadcast %while3A_761#0 : i32 to vector<16xi32>
      %lt3A_1297 = arith.cmpi slt, %add3A_1295, %lt3A_1296 : vector<16xi32>
      %get3A_1298 = arith.constant 32 : index
      %get3A_1299 = tpu.vector_load %arg21[%get3A_1298] {strides = array<i32>} : memref<112xi32, #tpu.memory_space<vmem>>, vector<16xi32>,
      %add3A_1300 = arith.constant 20000 : i32
      %add3A_1301 = vector.broadcast %add3A_1300 : i32 to vector<16xi32>
      %add3A_1302 = arith.addi %add3A_1301, %get3A_1299 : vector<16xi32>
      %gather3A_1303 = tpu.vector_load_idx %arg12[%add3A_1302] : memref<100000xf32, #tpu.memory_space<vmem>>[vector<16xi32>], vector<16xf32>,
      %jit3A_1304 = arith.constant -1.000000e+00 : f32
      %broadcast_in_dim3A_1305 = vector.broadcast %jit3A_1304 : f32 to vector<16xf32>
      %select_n3A_1306 = arith.select %lt3A_1297, %gather3A_1303, %broadcast_in_dim3A_1305 : vector<16xi1>, vector<16xf32>
      %broadcast_in_dim3A_1307 = arith.constant 0 : i32
      %broadcast_in_dim3A_1308 = vector.broadcast %broadcast_in_dim3A_1307 : i32 to vector<16xi32>
      tpu.vector_store_idx %arg24[%add3A_1295, %broadcast_in_dim3A_1308], %select_n3A_1306 : memref<112x3xf32, #tpu.memory_space<vmem>>[vector<16xi32>, vector<16xi32>], vector<16xf32>,
      %add3A_1309 = arith.constant 40000 : i32
      %add3A_1310 = vector.broadcast %add3A_1309 : i32 to vector<16xi32>
      %add3A_1311 = arith.addi %add3A_1310, %get3A_1299 : vector<16xi32>
      %gather3A_1312 = tpu.vector_load_idx %arg12[%add3A_1311] : memref<100000xf32, #tpu.memory_space<vmem>>[vector<16xi32>], vector<16xf32>,
      %jit3A_1313 = arith.constant -1.000000e+00 : f32
      %broadcast_in_dim3A_1314 = vector.broadcast %jit3A_1313 : f32 to vector<16xf32>
      %select_n3A_1315 = arith.select %lt3A_1297, %gather3A_1312, %broadcast_in_dim3A_1314 : vector<16xi1>, vector<16xf32>
      %broadcast_in_dim3A_1316 = arith.constant 1 : i32
      %broadcast_in_dim3A_1317 = vector.broadcast %broadcast_in_dim3A_1316 : i32 to vector<16xi32>
      tpu.vector_store_idx %arg24[%add3A_1295, %broadcast_in_dim3A_1317], %select_n3A_1315 : memref<112x3xf32, #tpu.memory_space<vmem>>[vector<16xi32>, vector<16xi32>], vector<16xf32>,
      %add3A_1318 = arith.constant 60000 : i32
      %add3A_1319 = vector.broadcast %add3A_1318 : i32 to vector<16xi32>
      %add3A_1320 = arith.addi %add3A_1319, %get3A_1299 : vector<16xi32>
      %gather3A_1321 = tpu.vector_load_idx %arg12[%add3A_1320] : memref<100000xf32, #tpu.memory_space<vmem>>[vector<16xi32>], vector<16xf32>,
      %jit3A_1322 = arith.constant -1.000000e+00 : f32
      %broadcast_in_dim3A_1323 = vector.broadcast %jit3A_1322 : f32 to vector<16xf32>
      %select_n3A_1324 = arith.select %lt3A_1297, %gather3A_1321, %broadcast_in_dim3A_1323 : vector<16xi1>, vector<16xf32>
      %broadcast_in_dim3A_1325 = arith.constant 2 : i32
      %broadcast_in_dim3A_1326 = vector.broadcast %broadcast_in_dim3A_1325 : i32 to vector<16xi32>
      tpu.vector_store_idx %arg24[%add3A_1295, %broadcast_in_dim3A_1326], %select_n3A_1324 : memref<112x3xf32, #tpu.memory_space<vmem>>[vector<16xi32>, vector<16xi32>], vector<16xf32>,
      %add3A_1327 = arith.constant 48 : i32
      %add3A_1328 = vector.broadcast %add3A_1327 : i32 to vector<16xi32>
      %add3A_1329 = arith.addi %iota3A, %add3A_1328 : vector<16xi32>
      %lt3A_1330 = vector.broadcast %while3A_761#0 : i32 to vector<16xi32>
      %lt3A_1331 = arith.cmpi slt, %add3A_1329, %lt3A_1330 : vector<16xi32>
      %get3A_1332 = arith.constant 48 : index
      %get3A_1333 = tpu.vector_load %arg21[%get3A_1332] {strides = array<i32>} : memref<112xi32, #tpu.memory_space<vmem>>, vector<16xi32>,
      %add3A_1334 = arith.constant 20000 : i32
      %add3A_1335 = vector.broadcast %add3A_1334 : i32 to vector<16xi32>
      %add3A_1336 = arith.addi %add3A_1335, %get3A_1333 : vector<16xi32>
      %gather3A_1337 = tpu.vector_load_idx %arg12[%add3A_1336] : memref<100000xf32, #tpu.memory_space<vmem>>[vector<16xi32>], vector<16xf32>,
      %jit3A_1338 = arith.constant -1.000000e+00 : f32
      %broadcast_in_dim3A_1339 = vector.broadcast %jit3A_1338 : f32 to vector<16xf32>
      %select_n3A_1340 = arith.select %lt3A_1331, %gather3A_1337, %broadcast_in_dim3A_1339 : vector<16xi1>, vector<16xf32>
      %broadcast_in_dim3A_1341 = arith.constant 0 : i32
      %broadcast_in_dim3A_1342 = vector.broadcast %broadcast_in_dim3A_1341 : i32 to vector<16xi32>
      tpu.vector_store_idx %arg24[%add3A_1329, %broadcast_in_dim3A_1342], %select_n3A_1340 : memref<112x3xf32, #tpu.memory_space<vmem>>[vector<16xi32>, vector<16xi32>], vector<16xf32>,
      %add3A_1343 = arith.constant 40000 : i32
      %add3A_1344 = vector.broadcast %add3A_1343 : i32 to vector<16xi32>
      %add3A_1345 = arith.addi %add3A_1344, %get3A_1333 : vector<16xi32>
      %gather3A_1346 = tpu.vector_load_idx %arg12[%add3A_1345] : memref<100000xf32, #tpu.memory_space<vmem>>[vector<16xi32>], vector<16xf32>,
      %jit3A_1347 = arith.constant -1.000000e+00 : f32
      %broadcast_in_dim3A_1348 = vector.broadcast %jit3A_1347 : f32 to vector<16xf32>
      %select_n3A_1349 = arith.select %lt3A_1331, %gather3A_1346, %broadcast_in_dim3A_1348 : vector<16xi1>, vector<16xf32>
      %broadcast_in_dim3A_1350 = arith.constant 1 : i32
      %broadcast_in_dim3A_1351 = vector.broadcast %broadcast_in_dim3A_1350 : i32 to vector<16xi32>
      tpu.vector_store_idx %arg24[%add3A_1329, %broadcast_in_dim3A_1351], %select_n3A_1349 : memref<112x3xf32, #tpu.memory_space<vmem>>[vector<16xi32>, vector<16xi32>], vector<16xf32>,
      %add3A_1352 = arith.constant 60000 : i32
      %add3A_1353 = vector.broadcast %add3A_1352 : i32 to vector<16xi32>
      %add3A_1354 = arith.addi %add3A_1353, %get3A_1333 : vector<16xi32>
      %gather3A_1355 = tpu.vector_load_idx %arg12[%add3A_1354] : memref<100000xf32, #tpu.memory_space<vmem>>[vector<16xi32>], vector<16xf32>,
      %jit3A_1356 = arith.constant -1.000000e+00 : f32
      %broadcast_in_dim3A_1357 = vector.broadcast %jit3A_1356 : f32 to vector<16xf32>
      %select_n3A_1358 = arith.select %lt3A_1331, %gather3A_1355, %broadcast_in_dim3A_1357 : vector<16xi1>, vector<16xf32>
      %broadcast_in_dim3A_1359 = arith.constant 2 : i32
      %broadcast_in_dim3A_1360 = vector.broadcast %broadcast_in_dim3A_1359 : i32 to vector<16xi32>
      tpu.vector_store_idx %arg24[%add3A_1329, %broadcast_in_dim3A_1360], %select_n3A_1358 : memref<112x3xf32, #tpu.memory_space<vmem>>[vector<16xi32>, vector<16xi32>], vector<16xf32>,
      %add3A_1361 = arith.constant 64 : i32
      %add3A_1362 = vector.broadcast %add3A_1361 : i32 to vector<16xi32>
      %add3A_1363 = arith.addi %iota3A, %add3A_1362 : vector<16xi32>
      %lt3A_1364 = vector.broadcast %while3A_761#0 : i32 to vector<16xi32>
      %lt3A_1365 = arith.cmpi slt, %add3A_1363, %lt3A_1364 : vector<16xi32>
      %get3A_1366 = arith.constant 64 : index
      %get3A_1367 = tpu.vector_load %arg21[%get3A_1366] {strides = array<i32>} : memref<112xi32, #tpu.memory_space<vmem>>, vector<16xi32>,
      %add3A_1368 = arith.constant 20000 : i32
      %add3A_1369 = vector.broadcast %add3A_1368 : i32 to vector<16xi32>
      %add3A_1370 = arith.addi %add3A_1369, %get3A_1367 : vector<16xi32>
      %gather3A_1371 = tpu.vector_load_idx %arg12[%add3A_1370] : memref<100000xf32, #tpu.memory_space<vmem>>[vector<16xi32>], vector<16xf32>,
      %jit3A_1372 = arith.constant -1.000000e+00 : f32
      %broadcast_in_dim3A_1373 = vector.broadcast %jit3A_1372 : f32 to vector<16xf32>
      %select_n3A_1374 = arith.select %lt3A_1365, %gather3A_1371, %broadcast_in_dim3A_1373 : vector<16xi1>, vector<16xf32>
      %broadcast_in_dim3A_1375 = arith.constant 0 : i32
      %broadcast_in_dim3A_1376 = vector.broadcast %broadcast_in_dim3A_1375 : i32 to vector<16xi32>
      tpu.vector_store_idx %arg24[%add3A_1363, %broadcast_in_dim3A_1376], %select_n3A_1374 : memref<112x3xf32, #tpu.memory_space<vmem>>[vector<16xi32>, vector<16xi32>], vector<16xf32>,
      %add3A_1377 = arith.constant 40000 : i32
      %add3A_1378 = vector.broadcast %add3A_1377 : i32 to vector<16xi32>
      %add3A_1379 = arith.addi %add3A_1378, %get3A_1367 : vector<16xi32>
      %gather3A_1380 = tpu.vector_load_idx %arg12[%add3A_1379] : memref<100000xf32, #tpu.memory_space<vmem>>[vector<16xi32>], vector<16xf32>,
      %jit3A_1381 = arith.constant -1.000000e+00 : f32
      %broadcast_in_dim3A_1382 = vector.broadcast %jit3A_1381 : f32 to vector<16xf32>
      %select_n3A_1383 = arith.select %lt3A_1365, %gather3A_1380, %broadcast_in_dim3A_1382 : vector<16xi1>, vector<16xf32>
      %broadcast_in_dim3A_1384 = arith.constant 1 : i32
      %broadcast_in_dim3A_1385 = vector.broadcast %broadcast_in_dim3A_1384 : i32 to vector<16xi32>
      tpu.vector_store_idx %arg24[%add3A_1363, %broadcast_in_dim3A_1385], %select_n3A_1383 : memref<112x3xf32, #tpu.memory_space<vmem>>[vector<16xi32>, vector<16xi32>], vector<16xf32>,
      %add3A_1386 = arith.constant 60000 : i32
      %add3A_1387 = vector.broadcast %add3A_1386 : i32 to vector<16xi32>
      %add3A_1388 = arith.addi %add3A_1387, %get3A_1367 : vector<16xi32>
      %gather3A_1389 = tpu.vector_load_idx %arg12[%add3A_1388] : memref<100000xf32, #tpu.memory_space<vmem>>[vector<16xi32>], vector<16xf32>,
      %jit3A_1390 = arith.constant -1.000000e+00 : f32
      %broadcast_in_dim3A_1391 = vector.broadcast %jit3A_1390 : f32 to vector<16xf32>
      %select_n3A_1392 = arith.select %lt3A_1365, %gather3A_1389, %broadcast_in_dim3A_1391 : vector<16xi1>, vector<16xf32>
      %broadcast_in_dim3A_1393 = arith.constant 2 : i32
      %broadcast_in_dim3A_1394 = vector.broadcast %broadcast_in_dim3A_1393 : i32 to vector<16xi32>
      tpu.vector_store_idx %arg24[%add3A_1363, %broadcast_in_dim3A_1394], %select_n3A_1392 : memref<112x3xf32, #tpu.memory_space<vmem>>[vector<16xi32>, vector<16xi32>], vector<16xf32>,
      %add3A_1395 = arith.constant 80 : i32
      %add3A_1396 = vector.broadcast %add3A_1395 : i32 to vector<16xi32>
      %add3A_1397 = arith.addi %iota3A, %add3A_1396 : vector<16xi32>
      %lt3A_1398 = vector.broadcast %while3A_761#0 : i32 to vector<16xi32>
      %lt3A_1399 = arith.cmpi slt, %add3A_1397, %lt3A_1398 : vector<16xi32>
      %get3A_1400 = arith.constant 80 : index
      %get3A_1401 = tpu.vector_load %arg21[%get3A_1400] {strides = array<i32>} : memref<112xi32, #tpu.memory_space<vmem>>, vector<16xi32>,
      %add3A_1402 = arith.constant 20000 : i32
      %add3A_1403 = vector.broadcast %add3A_1402 : i32 to vector<16xi32>
      %add3A_1404 = arith.addi %add3A_1403, %get3A_1401 : vector<16xi32>
      %gather3A_1405 = tpu.vector_load_idx %arg12[%add3A_1404] : memref<100000xf32, #tpu.memory_space<vmem>>[vector<16xi32>], vector<16xf32>,
      %jit3A_1406 = arith.constant -1.000000e+00 : f32
      %broadcast_in_dim3A_1407 = vector.broadcast %jit3A_1406 : f32 to vector<16xf32>
      %select_n3A_1408 = arith.select %lt3A_1399, %gather3A_1405, %broadcast_in_dim3A_1407 : vector<16xi1>, vector<16xf32>
      %broadcast_in_dim3A_1409 = arith.constant 0 : i32
      %broadcast_in_dim3A_1410 = vector.broadcast %broadcast_in_dim3A_1409 : i32 to vector<16xi32>
      tpu.vector_store_idx %arg24[%add3A_1397, %broadcast_in_dim3A_1410], %select_n3A_1408 : memref<112x3xf32, #tpu.memory_space<vmem>>[vector<16xi32>, vector<16xi32>], vector<16xf32>,
      %add3A_1411 = arith.constant 40000 : i32
      %add3A_1412 = vector.broadcast %add3A_1411 : i32 to vector<16xi32>
      %add3A_1413 = arith.addi %add3A_1412, %get3A_1401 : vector<16xi32>
      %gather3A_1414 = tpu.vector_load_idx %arg12[%add3A_1413] : memref<100000xf32, #tpu.memory_space<vmem>>[vector<16xi32>], vector<16xf32>,
      %jit3A_1415 = arith.constant -1.000000e+00 : f32
      %broadcast_in_dim3A_1416 = vector.broadcast %jit3A_1415 : f32 to vector<16xf32>
      %select_n3A_1417 = arith.select %lt3A_1399, %gather3A_1414, %broadcast_in_dim3A_1416 : vector<16xi1>, vector<16xf32>
      %broadcast_in_dim3A_1418 = arith.constant 1 : i32
      %broadcast_in_dim3A_1419 = vector.broadcast %broadcast_in_dim3A_1418 : i32 to vector<16xi32>
      tpu.vector_store_idx %arg24[%add3A_1397, %broadcast_in_dim3A_1419], %select_n3A_1417 : memref<112x3xf32, #tpu.memory_space<vmem>>[vector<16xi32>, vector<16xi32>], vector<16xf32>,
      %add3A_1420 = arith.constant 60000 : i32
      %add3A_1421 = vector.broadcast %add3A_1420 : i32 to vector<16xi32>
      %add3A_1422 = arith.addi %add3A_1421, %get3A_1401 : vector<16xi32>
      %gather3A_1423 = tpu.vector_load_idx %arg12[%add3A_1422] : memref<100000xf32, #tpu.memory_space<vmem>>[vector<16xi32>], vector<16xf32>,
      %jit3A_1424 = arith.constant -1.000000e+00 : f32
      %broadcast_in_dim3A_1425 = vector.broadcast %jit3A_1424 : f32 to vector<16xf32>
      %select_n3A_1426 = arith.select %lt3A_1399, %gather3A_1423, %broadcast_in_dim3A_1425 : vector<16xi1>, vector<16xf32>
      %broadcast_in_dim3A_1427 = arith.constant 2 : i32
      %broadcast_in_dim3A_1428 = vector.broadcast %broadcast_in_dim3A_1427 : i32 to vector<16xi32>
      tpu.vector_store_idx %arg24[%add3A_1397, %broadcast_in_dim3A_1428], %select_n3A_1426 : memref<112x3xf32, #tpu.memory_space<vmem>>[vector<16xi32>, vector<16xi32>], vector<16xf32>,
      %add3A_1429 = arith.constant 96 : i32
      %add3A_1430 = vector.broadcast %add3A_1429 : i32 to vector<16xi32>
      %add3A_1431 = arith.addi %iota3A, %add3A_1430 : vector<16xi32>
      %lt3A_1432 = vector.broadcast %while3A_761#0 : i32 to vector<16xi32>
      %lt3A_1433 = arith.cmpi slt, %add3A_1431, %lt3A_1432 : vector<16xi32>
      %get3A_1434 = arith.constant 96 : index
      %get3A_1435 = tpu.vector_load %arg21[%get3A_1434] {strides = array<i32>} : memref<112xi32, #tpu.memory_space<vmem>>, vector<16xi32>,
      %add3A_1436 = arith.constant 20000 : i32
      %add3A_1437 = vector.broadcast %add3A_1436 : i32 to vector<16xi32>
      %add3A_1438 = arith.addi %add3A_1437, %get3A_1435 : vector<16xi32>
      %gather3A_1439 = tpu.vector_load_idx %arg12[%add3A_1438] : memref<100000xf32, #tpu.memory_space<vmem>>[vector<16xi32>], vector<16xf32>,
      %jit3A_1440 = arith.constant -1.000000e+00 : f32
      %broadcast_in_dim3A_1441 = vector.broadcast %jit3A_1440 : f32 to vector<16xf32>
      %select_n3A_1442 = arith.select %lt3A_1433, %gather3A_1439, %broadcast_in_dim3A_1441 : vector<16xi1>, vector<16xf32>
      %broadcast_in_dim3A_1443 = arith.constant 0 : i32
      %broadcast_in_dim3A_1444 = vector.broadcast %broadcast_in_dim3A_1443 : i32 to vector<16xi32>
      tpu.vector_store_idx %arg24[%add3A_1431, %broadcast_in_dim3A_1444], %select_n3A_1442 : memref<112x3xf32, #tpu.memory_space<vmem>>[vector<16xi32>, vector<16xi32>], vector<16xf32>,
      %add3A_1445 = arith.constant 40000 : i32
      %add3A_1446 = vector.broadcast %add3A_1445 : i32 to vector<16xi32>
      %add3A_1447 = arith.addi %add3A_1446, %get3A_1435 : vector<16xi32>
      %gather3A_1448 = tpu.vector_load_idx %arg12[%add3A_1447] : memref<100000xf32, #tpu.memory_space<vmem>>[vector<16xi32>], vector<16xf32>,
      %jit3A_1449 = arith.constant -1.000000e+00 : f32
      %broadcast_in_dim3A_1450 = vector.broadcast %jit3A_1449 : f32 to vector<16xf32>
      %select_n3A_1451 = arith.select %lt3A_1433, %gather3A_1448, %broadcast_in_dim3A_1450 : vector<16xi1>, vector<16xf32>
      %broadcast_in_dim3A_1452 = arith.constant 1 : i32
      %broadcast_in_dim3A_1453 = vector.broadcast %broadcast_in_dim3A_1452 : i32 to vector<16xi32>
      tpu.vector_store_idx %arg24[%add3A_1431, %broadcast_in_dim3A_1453], %select_n3A_1451 : memref<112x3xf32, #tpu.memory_space<vmem>>[vector<16xi32>, vector<16xi32>], vector<16xf32>,
      %add3A_1454 = arith.constant 60000 : i32
      %add3A_1455 = vector.broadcast %add3A_1454 : i32 to vector<16xi32>
      %add3A_1456 = arith.addi %add3A_1455, %get3A_1435 : vector<16xi32>
      %gather3A_1457 = tpu.vector_load_idx %arg12[%add3A_1456] : memref<100000xf32, #tpu.memory_space<vmem>>[vector<16xi32>], vector<16xf32>,
      %jit3A_1458 = arith.constant -1.000000e+00 : f32
      %broadcast_in_dim3A_1459 = vector.broadcast %jit3A_1458 : f32 to vector<16xf32>
      %select_n3A_1460 = arith.select %lt3A_1433, %gather3A_1457, %broadcast_in_dim3A_1459 : vector<16xi1>, vector<16xf32>
      %broadcast_in_dim3A_1461 = arith.constant 2 : i32
      %broadcast_in_dim3A_1462 = vector.broadcast %broadcast_in_dim3A_1461 : i32 to vector<16xi32>
      tpu.vector_store_idx %arg24[%add3A_1431, %broadcast_in_dim3A_1462], %select_n3A_1460 : memref<112x3xf32, #tpu.memory_space<vmem>>[vector<16xi32>, vector<16xi32>], vector<16xf32>,
      %dma_start3A_1463 = arith.constant 0 : i32
      %dma_start3A_1464 = arith.constant 20000 : i32
      %dma_start3A_1465 = tpu.memref_slice %arg12[%dma_start3A_1464] : memref<100000xf32, #tpu.memory_space<vmem>> -> memref<20000xf32, #tpu.memory_space<vmem>>
      %dma_start3A_1466 = arith.constant 0 : i32
      %dma_start3A_1467 = tpu.memref_slice %arg5[%dma_start3A_1463, %add3A, %dma_start3A_1466] : memref<3x8x20000xf32, #tpu.memory_space<hbm>> -> memref<1x1x20000xf32, #tpu.memory_space<hbm>>
      %dma_start3A_1468 = tpu.memref_squeeze %dma_start3A_1467 : memref<1x1x20000xf32, #tpu.memory_space<hbm>> -> memref<20000xf32, #tpu.memory_space<hbm>>
      %dma_start3A_1469 = arith.constant 20000 : i32
      %dma_start3A_1470 = tpu.memref_slice %arg12[%dma_start3A_1469] : memref<100000xf32, #tpu.memory_space<vmem>> -> memref<20000xf32, #tpu.memory_space<vmem>>
      %dma_start3A_1471 = arith.constant 0 : i32
      %dma_start3A_1472 = tpu.memref_slice %arg5[%dma_start3A_1463, %add3A, %dma_start3A_1471] : memref<3x8x20000xf32, #tpu.memory_space<hbm>> -> memref<1x1x20000xf32, #tpu.memory_space<hbm>>
      %dma_start3A_1473 = tpu.memref_squeeze %dma_start3A_1472 : memref<1x1x20000xf32, #tpu.memory_space<hbm>> -> memref<20000xf32, #tpu.memory_space<hbm>>
      tpu.enqueue_dma source(%dma_start3A_1473 : memref<20000xf32, #tpu.memory_space<hbm>>) target(%dma_start3A_1470 : memref<20000xf32, #tpu.memory_space<vmem>>) target_semaphore(%arg27 : memref<!tpu.dma_semaphore, #tpu.memory_space<semaphore_mem>>)
      %dma_start3A_1474 = arith.constant 1 : i32
      %dma_start3A_1475 = arith.constant 40000 : i32
      %dma_start3A_1476 = tpu.memref_slice %arg12[%dma_start3A_1475] : memref<100000xf32, #tpu.memory_space<vmem>> -> memref<20000xf32, #tpu.memory_space<vmem>>
      %dma_start3A_1477 = arith.constant 0 : i32
      %dma_start3A_1478 = tpu.memref_slice %arg5[%dma_start3A_1474, %add3A, %dma_start3A_1477] : memref<3x8x20000xf32, #tpu.memory_space<hbm>> -> memref<1x1x20000xf32, #tpu.memory_space<hbm>>
      %dma_start3A_1479 = tpu.memref_squeeze %dma_start3A_1478 : memref<1x1x20000xf32, #tpu.memory_space<hbm>> -> memref<20000xf32, #tpu.memory_space<hbm>>
      %dma_start3A_1480 = arith.constant 40000 : i32
      %dma_start3A_1481 = tpu.memref_slice %arg12[%dma_start3A_1480] : memref<100000xf32, #tpu.memory_space<vmem>> -> memref<20000xf32, #tpu.memory_space<vmem>>
      %dma_start3A_1482 = arith.constant 0 : i32
      %dma_start3A_1483 = tpu.memref_slice %arg5[%dma_start3A_1474, %add3A, %dma_start3A_1482] : memref<3x8x20000xf32, #tpu.memory_space<hbm>> -> memref<1x1x20000xf32, #tpu.memory_space<hbm>>
      %dma_start3A_1484 = tpu.memref_squeeze %dma_start3A_1483 : memref<1x1x20000xf32, #tpu.memory_space<hbm>> -> memref<20000xf32, #tpu.memory_space<hbm>>
      tpu.enqueue_dma source(%dma_start3A_1484 : memref<20000xf32, #tpu.memory_space<hbm>>) target(%dma_start3A_1481 : memref<20000xf32, #tpu.memory_space<vmem>>) target_semaphore(%arg27 : memref<!tpu.dma_semaphore, #tpu.memory_space<semaphore_mem>>)
      %dma_start3A_1485 = arith.constant 2 : i32
      %dma_start3A_1486 = arith.constant 60000 : i32
      %dma_start3A_1487 = tpu.memref_slice %arg12[%dma_start3A_1486] : memref<100000xf32, #tpu.memory_space<vmem>> -> memref<20000xf32, #tpu.memory_space<vmem>>
      %dma_start3A_1488 = arith.constant 0 : i32
      %dma_start3A_1489 = tpu.memref_slice %arg5[%dma_start3A_1485, %add3A, %dma_start3A_1488] : memref<3x8x20000xf32, #tpu.memory_space<hbm>> -> memref<1x1x20000xf32, #tpu.memory_space<hbm>>
      %dma_start3A_1490 = tpu.memref_squeeze %dma_start3A_1489 : memref<1x1x20000xf32, #tpu.memory_space<hbm>> -> memref<20000xf32, #tpu.memory_space<hbm>>
      %dma_start3A_1491 = arith.constant 60000 : i32
      %dma_start3A_1492 = tpu.memref_slice %arg12[%dma_start3A_1491] : memref<100000xf32, #tpu.memory_space<vmem>> -> memref<20000xf32, #tpu.memory_space<vmem>>
      %dma_start3A_1493 = arith.constant 0 : i32
      %dma_start3A_1494 = tpu.memref_slice %arg5[%dma_start3A_1485, %add3A, %dma_start3A_1493] : memref<3x8x20000xf32, #tpu.memory_space<hbm>> -> memref<1x1x20000xf32, #tpu.memory_space<hbm>>
      %dma_start3A_1495 = tpu.memref_squeeze %dma_start3A_1494 : memref<1x1x20000xf32, #tpu.memory_space<hbm>> -> memref<20000xf32, #tpu.memory_space<hbm>>
      tpu.enqueue_dma source(%dma_start3A_1495 : memref<20000xf32, #tpu.memory_space<hbm>>) target(%dma_start3A_1492 : memref<20000xf32, #tpu.memory_space<vmem>>) target_semaphore(%arg27 : memref<!tpu.dma_semaphore, #tpu.memory_space<semaphore_mem>>)
      %dma_wait3A_1496 = arith.constant 0 : i32
      %dma_wait3A_1497 = arith.constant 20000 : i32
      %dma_wait3A_1498 = tpu.memref_slice %arg12[%dma_wait3A_1497] : memref<100000xf32, #tpu.memory_space<vmem>> -> memref<20000xf32, #tpu.memory_space<vmem>>
      %dma_wait3A_1499 = arith.constant 0 : i32
      %dma_wait3A_1500 = tpu.memref_slice %arg5[%dma_wait3A_1496, %add3A, %dma_wait3A_1499] : memref<3x8x20000xf32, #tpu.memory_space<hbm>> -> memref<1x1x20000xf32, #tpu.memory_space<hbm>>
      %dma_wait3A_1501 = tpu.memref_squeeze %dma_wait3A_1500 : memref<1x1x20000xf32, #tpu.memory_space<hbm>> -> memref<20000xf32, #tpu.memory_space<hbm>>
      %dma_wait3A_1502 = arith.constant 20000 : i32
      %dma_wait3A_1503 = tpu.memref_slice %arg12[%dma_wait3A_1502] : memref<100000xf32, #tpu.memory_space<vmem>> -> memref<20000xf32, #tpu.memory_space<vmem>>
      %dma_wait3A_1504 = arith.constant 0 : i32
      %dma_wait3A_1505 = tpu.memref_slice %arg5[%dma_wait3A_1496, %add3A, %dma_wait3A_1504] : memref<3x8x20000xf32, #tpu.memory_space<hbm>> -> memref<1x1x20000xf32, #tpu.memory_space<hbm>>
      %dma_wait3A_1506 = tpu.memref_squeeze %dma_wait3A_1505 : memref<1x1x20000xf32, #tpu.memory_space<hbm>> -> memref<20000xf32, #tpu.memory_space<hbm>>
      tpu.wait_dma2 semaphore(%arg27 : memref<!tpu.dma_semaphore, #tpu.memory_space<semaphore_mem>>) src(%dma_wait3A_1506 : memref<20000xf32, #tpu.memory_space<hbm>>) dst(%dma_wait3A_1503 : memref<20000xf32, #tpu.memory_space<vmem>>)
      %dma_wait3A_1507 = arith.constant 1 : i32
      %dma_wait3A_1508 = arith.constant 40000 : i32
      %dma_wait3A_1509 = tpu.memref_slice %arg12[%dma_wait3A_1508] : memref<100000xf32, #tpu.memory_space<vmem>> -> memref<20000xf32, #tpu.memory_space<vmem>>
      %dma_wait3A_1510 = arith.constant 0 : i32
      %dma_wait3A_1511 = tpu.memref_slice %arg5[%dma_wait3A_1507, %add3A, %dma_wait3A_1510] : memref<3x8x20000xf32, #tpu.memory_space<hbm>> -> memref<1x1x20000xf32, #tpu.memory_space<hbm>>
      %dma_wait3A_1512 = tpu.memref_squeeze %dma_wait3A_1511 : memref<1x1x20000xf32, #tpu.memory_space<hbm>> -> memref<20000xf32, #tpu.memory_space<hbm>>
      %dma_wait3A_1513 = arith.constant 40000 : i32
      %dma_wait3A_1514 = tpu.memref_slice %arg12[%dma_wait3A_1513] : memref<100000xf32, #tpu.memory_space<vmem>> -> memref<20000xf32, #tpu.memory_space<vmem>>
      %dma_wait3A_1515 = arith.constant 0 : i32
      %dma_wait3A_1516 = tpu.memref_slice %arg5[%dma_wait3A_1507, %add3A, %dma_wait3A_1515] : memref<3x8x20000xf32, #tpu.memory_space<hbm>> -> memref<1x1x20000xf32, #tpu.memory_space<hbm>>
      %dma_wait3A_1517 = tpu.memref_squeeze %dma_wait3A_1516 : memref<1x1x20000xf32, #tpu.memory_space<hbm>> -> memref<20000xf32, #tpu.memory_space<hbm>>
      tpu.wait_dma2 semaphore(%arg27 : memref<!tpu.dma_semaphore, #tpu.memory_space<semaphore_mem>>) src(%dma_wait3A_1517 : memref<20000xf32, #tpu.memory_space<hbm>>) dst(%dma_wait3A_1514 : memref<20000xf32, #tpu.memory_space<vmem>>)
      %dma_wait3A_1518 = arith.constant 2 : i32
      %dma_wait3A_1519 = arith.constant 60000 : i32
      %dma_wait3A_1520 = tpu.memref_slice %arg12[%dma_wait3A_1519] : memref<100000xf32, #tpu.memory_space<vmem>> -> memref<20000xf32, #tpu.memory_space<vmem>>
      %dma_wait3A_1521 = arith.constant 0 : i32
      %dma_wait3A_1522 = tpu.memref_slice %arg5[%dma_wait3A_1518, %add3A, %dma_wait3A_1521] : memref<3x8x20000xf32, #tpu.memory_space<hbm>> -> memref<1x1x20000xf32, #tpu.memory_space<hbm>>
      %dma_wait3A_1523 = tpu.memref_squeeze %dma_wait3A_1522 : memref<1x1x20000xf32, #tpu.memory_space<hbm>> -> memref<20000xf32, #tpu.memory_space<hbm>>
      %dma_wait3A_1524 = arith.constant 60000 : i32
      %dma_wait3A_1525 = tpu.memref_slice %arg12[%dma_wait3A_1524] : memref<100000xf32, #tpu.memory_space<vmem>> -> memref<20000xf32, #tpu.memory_space<vmem>>
      %dma_wait3A_1526 = arith.constant 0 : i32
      %dma_wait3A_1527 = tpu.memref_slice %arg5[%dma_wait3A_1518, %add3A, %dma_wait3A_1526] : memref<3x8x20000xf32, #tpu.memory_space<hbm>> -> memref<1x1x20000xf32, #tpu.memory_space<hbm>>
      %dma_wait3A_1528 = tpu.memref_squeeze %dma_wait3A_1527 : memref<1x1x20000xf32, #tpu.memory_space<hbm>> -> memref<20000xf32, #tpu.memory_space<hbm>>
      tpu.wait_dma2 semaphore(%arg27 : memref<!tpu.dma_semaphore, #tpu.memory_space<semaphore_mem>>) src(%dma_wait3A_1528 : memref<20000xf32, #tpu.memory_space<hbm>>) dst(%dma_wait3A_1525 : memref<20000xf32, #tpu.memory_space<vmem>>)
      %add3A_1529 = arith.constant 0 : i32
      %add3A_1530 = vector.broadcast %add3A_1529 : i32 to vector<16xi32>
      %add3A_1531 = arith.addi %iota3A, %add3A_1530 : vector<16xi32>
      %lt3A_1532 = vector.broadcast %while3A_761#0 : i32 to vector<16xi32>
      %lt3A_1533 = arith.cmpi slt, %add3A_1531, %lt3A_1532 : vector<16xi32>
      %get3A_1534 = arith.constant 0 : index
      %get3A_1535 = tpu.vector_load %arg21[%get3A_1534] {strides = array<i32>} : memref<112xi32, #tpu.memory_space<vmem>>, vector<16xi32>,
      %add3A_1536 = arith.constant 20000 : i32
      %add3A_1537 = vector.broadcast %add3A_1536 : i32 to vector<16xi32>
      %add3A_1538 = arith.addi %add3A_1537, %get3A_1535 : vector<16xi32>
      %gather3A_1539 = tpu.vector_load_idx %arg12[%add3A_1538] : memref<100000xf32, #tpu.memory_space<vmem>>[vector<16xi32>], vector<16xf32>,
      %jit3A_1540 = arith.constant -1.000000e+00 : f32
      %broadcast_in_dim3A_1541 = vector.broadcast %jit3A_1540 : f32 to vector<16xf32>
      %select_n3A_1542 = arith.select %lt3A_1533, %gather3A_1539, %broadcast_in_dim3A_1541 : vector<16xi1>, vector<16xf32>
      %broadcast_in_dim3A_1543 = arith.constant 0 : i32
      %broadcast_in_dim3A_1544 = vector.broadcast %broadcast_in_dim3A_1543 : i32 to vector<16xi32>
      tpu.vector_store_idx %arg25[%add3A_1531, %broadcast_in_dim3A_1544], %select_n3A_1542 : memref<112x3xf32, #tpu.memory_space<vmem>>[vector<16xi32>, vector<16xi32>], vector<16xf32>,
      %add3A_1545 = arith.constant 40000 : i32
      %add3A_1546 = vector.broadcast %add3A_1545 : i32 to vector<16xi32>
      %add3A_1547 = arith.addi %add3A_1546, %get3A_1535 : vector<16xi32>
      %gather3A_1548 = tpu.vector_load_idx %arg12[%add3A_1547] : memref<100000xf32, #tpu.memory_space<vmem>>[vector<16xi32>], vector<16xf32>,
      %jit3A_1549 = arith.constant -1.000000e+00 : f32
      %broadcast_in_dim3A_1550 = vector.broadcast %jit3A_1549 : f32 to vector<16xf32>
      %select_n3A_1551 = arith.select %lt3A_1533, %gather3A_1548, %broadcast_in_dim3A_1550 : vector<16xi1>, vector<16xf32>
      %broadcast_in_dim3A_1552 = arith.constant 1 : i32
      %broadcast_in_dim3A_1553 = vector.broadcast %broadcast_in_dim3A_1552 : i32 to vector<16xi32>
      tpu.vector_store_idx %arg25[%add3A_1531, %broadcast_in_dim3A_1553], %select_n3A_1551 : memref<112x3xf32, #tpu.memory_space<vmem>>[vector<16xi32>, vector<16xi32>], vector<16xf32>,
      %add3A_1554 = arith.constant 60000 : i32
      %add3A_1555 = vector.broadcast %add3A_1554 : i32 to vector<16xi32>
      %add3A_1556 = arith.addi %add3A_1555, %get3A_1535 : vector<16xi32>
      %gather3A_1557 = tpu.vector_load_idx %arg12[%add3A_1556] : memref<100000xf32, #tpu.memory_space<vmem>>[vector<16xi32>], vector<16xf32>,
      %jit3A_1558 = arith.constant -1.000000e+00 : f32
      %broadcast_in_dim3A_1559 = vector.broadcast %jit3A_1558 : f32 to vector<16xf32>
      %select_n3A_1560 = arith.select %lt3A_1533, %gather3A_1557, %broadcast_in_dim3A_1559 : vector<16xi1>, vector<16xf32>
      %broadcast_in_dim3A_1561 = arith.constant 2 : i32
      %broadcast_in_dim3A_1562 = vector.broadcast %broadcast_in_dim3A_1561 : i32 to vector<16xi32>
      tpu.vector_store_idx %arg25[%add3A_1531, %broadcast_in_dim3A_1562], %select_n3A_1560 : memref<112x3xf32, #tpu.memory_space<vmem>>[vector<16xi32>, vector<16xi32>], vector<16xf32>,
      %add3A_1563 = arith.constant 16 : i32
      %add3A_1564 = vector.broadcast %add3A_1563 : i32 to vector<16xi32>
      %add3A_1565 = arith.addi %iota3A, %add3A_1564 : vector<16xi32>
      %lt3A_1566 = vector.broadcast %while3A_761#0 : i32 to vector<16xi32>
      %lt3A_1567 = arith.cmpi slt, %add3A_1565, %lt3A_1566 : vector<16xi32>
      %get3A_1568 = arith.constant 16 : index
      %get3A_1569 = tpu.vector_load %arg21[%get3A_1568] {strides = array<i32>} : memref<112xi32, #tpu.memory_space<vmem>>, vector<16xi32>,
      %add3A_1570 = arith.constant 20000 : i32
      %add3A_1571 = vector.broadcast %add3A_1570 : i32 to vector<16xi32>
      %add3A_1572 = arith.addi %add3A_1571, %get3A_1569 : vector<16xi32>
      %gather3A_1573 = tpu.vector_load_idx %arg12[%add3A_1572] : memref<100000xf32, #tpu.memory_space<vmem>>[vector<16xi32>], vector<16xf32>,
      %jit3A_1574 = arith.constant -1.000000e+00 : f32
      %broadcast_in_dim3A_1575 = vector.broadcast %jit3A_1574 : f32 to vector<16xf32>
      %select_n3A_1576 = arith.select %lt3A_1567, %gather3A_1573, %broadcast_in_dim3A_1575 : vector<16xi1>, vector<16xf32>
      %broadcast_in_dim3A_1577 = arith.constant 0 : i32
      %broadcast_in_dim3A_1578 = vector.broadcast %broadcast_in_dim3A_1577 : i32 to vector<16xi32>
      tpu.vector_store_idx %arg25[%add3A_1565, %broadcast_in_dim3A_1578], %select_n3A_1576 : memref<112x3xf32, #tpu.memory_space<vmem>>[vector<16xi32>, vector<16xi32>], vector<16xf32>,
      %add3A_1579 = arith.constant 40000 : i32
      %add3A_1580 = vector.broadcast %add3A_1579 : i32 to vector<16xi32>
      %add3A_1581 = arith.addi %add3A_1580, %get3A_1569 : vector<16xi32>
      %gather3A_1582 = tpu.vector_load_idx %arg12[%add3A_1581] : memref<100000xf32, #tpu.memory_space<vmem>>[vector<16xi32>], vector<16xf32>,
      %jit3A_1583 = arith.constant -1.000000e+00 : f32
      %broadcast_in_dim3A_1584 = vector.broadcast %jit3A_1583 : f32 to vector<16xf32>
      %select_n3A_1585 = arith.select %lt3A_1567, %gather3A_1582, %broadcast_in_dim3A_1584 : vector<16xi1>, vector<16xf32>
      %broadcast_in_dim3A_1586 = arith.constant 1 : i32
      %broadcast_in_dim3A_1587 = vector.broadcast %broadcast_in_dim3A_1586 : i32 to vector<16xi32>
      tpu.vector_store_idx %arg25[%add3A_1565, %broadcast_in_dim3A_1587], %select_n3A_1585 : memref<112x3xf32, #tpu.memory_space<vmem>>[vector<16xi32>, vector<16xi32>], vector<16xf32>,
      %add3A_1588 = arith.constant 60000 : i32
      %add3A_1589 = vector.broadcast %add3A_1588 : i32 to vector<16xi32>
      %add3A_1590 = arith.addi %add3A_1589, %get3A_1569 : vector<16xi32>
      %gather3A_1591 = tpu.vector_load_idx %arg12[%add3A_1590] : memref<100000xf32, #tpu.memory_space<vmem>>[vector<16xi32>], vector<16xf32>,
      %jit3A_1592 = arith.constant -1.000000e+00 : f32
      %broadcast_in_dim3A_1593 = vector.broadcast %jit3A_1592 : f32 to vector<16xf32>
      %select_n3A_1594 = arith.select %lt3A_1567, %gather3A_1591, %broadcast_in_dim3A_1593 : vector<16xi1>, vector<16xf32>
      %broadcast_in_dim3A_1595 = arith.constant 2 : i32
      %broadcast_in_dim3A_1596 = vector.broadcast %broadcast_in_dim3A_1595 : i32 to vector<16xi32>
      tpu.vector_store_idx %arg25[%add3A_1565, %broadcast_in_dim3A_1596], %select_n3A_1594 : memref<112x3xf32, #tpu.memory_space<vmem>>[vector<16xi32>, vector<16xi32>], vector<16xf32>,
      %add3A_1597 = arith.constant 32 : i32
      %add3A_1598 = vector.broadcast %add3A_1597 : i32 to vector<16xi32>
      %add3A_1599 = arith.addi %iota3A, %add3A_1598 : vector<16xi32>
      %lt3A_1600 = vector.broadcast %while3A_761#0 : i32 to vector<16xi32>
      %lt3A_1601 = arith.cmpi slt, %add3A_1599, %lt3A_1600 : vector<16xi32>
      %get3A_1602 = arith.constant 32 : index
      %get3A_1603 = tpu.vector_load %arg21[%get3A_1602] {strides = array<i32>} : memref<112xi32, #tpu.memory_space<vmem>>, vector<16xi32>,
      %add3A_1604 = arith.constant 20000 : i32
      %add3A_1605 = vector.broadcast %add3A_1604 : i32 to vector<16xi32>
      %add3A_1606 = arith.addi %add3A_1605, %get3A_1603 : vector<16xi32>
      %gather3A_1607 = tpu.vector_load_idx %arg12[%add3A_1606] : memref<100000xf32, #tpu.memory_space<vmem>>[vector<16xi32>], vector<16xf32>,
      %jit3A_1608 = arith.constant -1.000000e+00 : f32
      %broadcast_in_dim3A_1609 = vector.broadcast %jit3A_1608 : f32 to vector<16xf32>
      %select_n3A_1610 = arith.select %lt3A_1601, %gather3A_1607, %broadcast_in_dim3A_1609 : vector<16xi1>, vector<16xf32>
      %broadcast_in_dim3A_1611 = arith.constant 0 : i32
      %broadcast_in_dim3A_1612 = vector.broadcast %broadcast_in_dim3A_1611 : i32 to vector<16xi32>
      tpu.vector_store_idx %arg25[%add3A_1599, %broadcast_in_dim3A_1612], %select_n3A_1610 : memref<112x3xf32, #tpu.memory_space<vmem>>[vector<16xi32>, vector<16xi32>], vector<16xf32>,
      %add3A_1613 = arith.constant 40000 : i32
      %add3A_1614 = vector.broadcast %add3A_1613 : i32 to vector<16xi32>
      %add3A_1615 = arith.addi %add3A_1614, %get3A_1603 : vector<16xi32>
      %gather3A_1616 = tpu.vector_load_idx %arg12[%add3A_1615] : memref<100000xf32, #tpu.memory_space<vmem>>[vector<16xi32>], vector<16xf32>,
      %jit3A_1617 = arith.constant -1.000000e+00 : f32
      %broadcast_in_dim3A_1618 = vector.broadcast %jit3A_1617 : f32 to vector<16xf32>
      %select_n3A_1619 = arith.select %lt3A_1601, %gather3A_1616, %broadcast_in_dim3A_1618 : vector<16xi1>, vector<16xf32>
      %broadcast_in_dim3A_1620 = arith.constant 1 : i32
      %broadcast_in_dim3A_1621 = vector.broadcast %broadcast_in_dim3A_1620 : i32 to vector<16xi32>
      tpu.vector_store_idx %arg25[%add3A_1599, %broadcast_in_dim3A_1621], %select_n3A_1619 : memref<112x3xf32, #tpu.memory_space<vmem>>[vector<16xi32>, vector<16xi32>], vector<16xf32>,
      %add3A_1622 = arith.constant 60000 : i32
      %add3A_1623 = vector.broadcast %add3A_1622 : i32 to vector<16xi32>
      %add3A_1624 = arith.addi %add3A_1623, %get3A_1603 : vector<16xi32>
      %gather3A_1625 = tpu.vector_load_idx %arg12[%add3A_1624] : memref<100000xf32, #tpu.memory_space<vmem>>[vector<16xi32>], vector<16xf32>,
      %jit3A_1626 = arith.constant -1.000000e+00 : f32
      %broadcast_in_dim3A_1627 = vector.broadcast %jit3A_1626 : f32 to vector<16xf32>
      %select_n3A_1628 = arith.select %lt3A_1601, %gather3A_1625, %broadcast_in_dim3A_1627 : vector<16xi1>, vector<16xf32>
      %broadcast_in_dim3A_1629 = arith.constant 2 : i32
      %broadcast_in_dim3A_1630 = vector.broadcast %broadcast_in_dim3A_1629 : i32 to vector<16xi32>
      tpu.vector_store_idx %arg25[%add3A_1599, %broadcast_in_dim3A_1630], %select_n3A_1628 : memref<112x3xf32, #tpu.memory_space<vmem>>[vector<16xi32>, vector<16xi32>], vector<16xf32>,
      %add3A_1631 = arith.constant 48 : i32
      %add3A_1632 = vector.broadcast %add3A_1631 : i32 to vector<16xi32>
      %add3A_1633 = arith.addi %iota3A, %add3A_1632 : vector<16xi32>
      %lt3A_1634 = vector.broadcast %while3A_761#0 : i32 to vector<16xi32>
      %lt3A_1635 = arith.cmpi slt, %add3A_1633, %lt3A_1634 : vector<16xi32>
      %get3A_1636 = arith.constant 48 : index
      %get3A_1637 = tpu.vector_load %arg21[%get3A_1636] {strides = array<i32>} : memref<112xi32, #tpu.memory_space<vmem>>, vector<16xi32>,
      %add3A_1638 = arith.constant 20000 : i32
      %add3A_1639 = vector.broadcast %add3A_1638 : i32 to vector<16xi32>
      %add3A_1640 = arith.addi %add3A_1639, %get3A_1637 : vector<16xi32>
      %gather3A_1641 = tpu.vector_load_idx %arg12[%add3A_1640] : memref<100000xf32, #tpu.memory_space<vmem>>[vector<16xi32>], vector<16xf32>,
      %jit3A_1642 = arith.constant -1.000000e+00 : f32
      %broadcast_in_dim3A_1643 = vector.broadcast %jit3A_1642 : f32 to vector<16xf32>
      %select_n3A_1644 = arith.select %lt3A_1635, %gather3A_1641, %broadcast_in_dim3A_1643 : vector<16xi1>, vector<16xf32>
      %broadcast_in_dim3A_1645 = arith.constant 0 : i32
      %broadcast_in_dim3A_1646 = vector.broadcast %broadcast_in_dim3A_1645 : i32 to vector<16xi32>
      tpu.vector_store_idx %arg25[%add3A_1633, %broadcast_in_dim3A_1646], %select_n3A_1644 : memref<112x3xf32, #tpu.memory_space<vmem>>[vector<16xi32>, vector<16xi32>], vector<16xf32>,
      %add3A_1647 = arith.constant 40000 : i32
      %add3A_1648 = vector.broadcast %add3A_1647 : i32 to vector<16xi32>
      %add3A_1649 = arith.addi %add3A_1648, %get3A_1637 : vector<16xi32>
      %gather3A_1650 = tpu.vector_load_idx %arg12[%add3A_1649] : memref<100000xf32, #tpu.memory_space<vmem>>[vector<16xi32>], vector<16xf32>,
      %jit3A_1651 = arith.constant -1.000000e+00 : f32
      %broadcast_in_dim3A_1652 = vector.broadcast %jit3A_1651 : f32 to vector<16xf32>
      %select_n3A_1653 = arith.select %lt3A_1635, %gather3A_1650, %broadcast_in_dim3A_1652 : vector<16xi1>, vector<16xf32>
      %broadcast_in_dim3A_1654 = arith.constant 1 : i32
      %broadcast_in_dim3A_1655 = vector.broadcast %broadcast_in_dim3A_1654 : i32 to vector<16xi32>
      tpu.vector_store_idx %arg25[%add3A_1633, %broadcast_in_dim3A_1655], %select_n3A_1653 : memref<112x3xf32, #tpu.memory_space<vmem>>[vector<16xi32>, vector<16xi32>], vector<16xf32>,
      %add3A_1656 = arith.constant 60000 : i32
      %add3A_1657 = vector.broadcast %add3A_1656 : i32 to vector<16xi32>
      %add3A_1658 = arith.addi %add3A_1657, %get3A_1637 : vector<16xi32>
      %gather3A_1659 = tpu.vector_load_idx %arg12[%add3A_1658] : memref<100000xf32, #tpu.memory_space<vmem>>[vector<16xi32>], vector<16xf32>,
      %jit3A_1660 = arith.constant -1.000000e+00 : f32
      %broadcast_in_dim3A_1661 = vector.broadcast %jit3A_1660 : f32 to vector<16xf32>
      %select_n3A_1662 = arith.select %lt3A_1635, %gather3A_1659, %broadcast_in_dim3A_1661 : vector<16xi1>, vector<16xf32>
      %broadcast_in_dim3A_1663 = arith.constant 2 : i32
      %broadcast_in_dim3A_1664 = vector.broadcast %broadcast_in_dim3A_1663 : i32 to vector<16xi32>
      tpu.vector_store_idx %arg25[%add3A_1633, %broadcast_in_dim3A_1664], %select_n3A_1662 : memref<112x3xf32, #tpu.memory_space<vmem>>[vector<16xi32>, vector<16xi32>], vector<16xf32>,
      %add3A_1665 = arith.constant 64 : i32
      %add3A_1666 = vector.broadcast %add3A_1665 : i32 to vector<16xi32>
      %add3A_1667 = arith.addi %iota3A, %add3A_1666 : vector<16xi32>
      %lt3A_1668 = vector.broadcast %while3A_761#0 : i32 to vector<16xi32>
      %lt3A_1669 = arith.cmpi slt, %add3A_1667, %lt3A_1668 : vector<16xi32>
      %get3A_1670 = arith.constant 64 : index
      %get3A_1671 = tpu.vector_load %arg21[%get3A_1670] {strides = array<i32>} : memref<112xi32, #tpu.memory_space<vmem>>, vector<16xi32>,
      %add3A_1672 = arith.constant 20000 : i32
      %add3A_1673 = vector.broadcast %add3A_1672 : i32 to vector<16xi32>
      %add3A_1674 = arith.addi %add3A_1673, %get3A_1671 : vector<16xi32>
      %gather3A_1675 = tpu.vector_load_idx %arg12[%add3A_1674] : memref<100000xf32, #tpu.memory_space<vmem>>[vector<16xi32>], vector<16xf32>,
      %jit3A_1676 = arith.constant -1.000000e+00 : f32
      %broadcast_in_dim3A_1677 = vector.broadcast %jit3A_1676 : f32 to vector<16xf32>
      %select_n3A_1678 = arith.select %lt3A_1669, %gather3A_1675, %broadcast_in_dim3A_1677 : vector<16xi1>, vector<16xf32>
      %broadcast_in_dim3A_1679 = arith.constant 0 : i32
      %broadcast_in_dim3A_1680 = vector.broadcast %broadcast_in_dim3A_1679 : i32 to vector<16xi32>
      tpu.vector_store_idx %arg25[%add3A_1667, %broadcast_in_dim3A_1680], %select_n3A_1678 : memref<112x3xf32, #tpu.memory_space<vmem>>[vector<16xi32>, vector<16xi32>], vector<16xf32>,
      %add3A_1681 = arith.constant 40000 : i32
      %add3A_1682 = vector.broadcast %add3A_1681 : i32 to vector<16xi32>
      %add3A_1683 = arith.addi %add3A_1682, %get3A_1671 : vector<16xi32>
      %gather3A_1684 = tpu.vector_load_idx %arg12[%add3A_1683] : memref<100000xf32, #tpu.memory_space<vmem>>[vector<16xi32>], vector<16xf32>,
      %jit3A_1685 = arith.constant -1.000000e+00 : f32
      %broadcast_in_dim3A_1686 = vector.broadcast %jit3A_1685 : f32 to vector<16xf32>
      %select_n3A_1687 = arith.select %lt3A_1669, %gather3A_1684, %broadcast_in_dim3A_1686 : vector<16xi1>, vector<16xf32>
      %broadcast_in_dim3A_1688 = arith.constant 1 : i32
      %broadcast_in_dim3A_1689 = vector.broadcast %broadcast_in_dim3A_1688 : i32 to vector<16xi32>
      tpu.vector_store_idx %arg25[%add3A_1667, %broadcast_in_dim3A_1689], %select_n3A_1687 : memref<112x3xf32, #tpu.memory_space<vmem>>[vector<16xi32>, vector<16xi32>], vector<16xf32>,
      %add3A_1690 = arith.constant 60000 : i32
      %add3A_1691 = vector.broadcast %add3A_1690 : i32 to vector<16xi32>
      %add3A_1692 = arith.addi %add3A_1691, %get3A_1671 : vector<16xi32>
      %gather3A_1693 = tpu.vector_load_idx %arg12[%add3A_1692] : memref<100000xf32, #tpu.memory_space<vmem>>[vector<16xi32>], vector<16xf32>,
      %jit3A_1694 = arith.constant -1.000000e+00 : f32
      %broadcast_in_dim3A_1695 = vector.broadcast %jit3A_1694 : f32 to vector<16xf32>
      %select_n3A_1696 = arith.select %lt3A_1669, %gather3A_1693, %broadcast_in_dim3A_1695 : vector<16xi1>, vector<16xf32>
      %broadcast_in_dim3A_1697 = arith.constant 2 : i32
      %broadcast_in_dim3A_1698 = vector.broadcast %broadcast_in_dim3A_1697 : i32 to vector<16xi32>
      tpu.vector_store_idx %arg25[%add3A_1667, %broadcast_in_dim3A_1698], %select_n3A_1696 : memref<112x3xf32, #tpu.memory_space<vmem>>[vector<16xi32>, vector<16xi32>], vector<16xf32>,
      %add3A_1699 = arith.constant 80 : i32
      %add3A_1700 = vector.broadcast %add3A_1699 : i32 to vector<16xi32>
      %add3A_1701 = arith.addi %iota3A, %add3A_1700 : vector<16xi32>
      %lt3A_1702 = vector.broadcast %while3A_761#0 : i32 to vector<16xi32>
      %lt3A_1703 = arith.cmpi slt, %add3A_1701, %lt3A_1702 : vector<16xi32>
      %get3A_1704 = arith.constant 80 : index
      %get3A_1705 = tpu.vector_load %arg21[%get3A_1704] {strides = array<i32>} : memref<112xi32, #tpu.memory_space<vmem>>, vector<16xi32>,
      %add3A_1706 = arith.constant 20000 : i32
      %add3A_1707 = vector.broadcast %add3A_1706 : i32 to vector<16xi32>
      %add3A_1708 = arith.addi %add3A_1707, %get3A_1705 : vector<16xi32>
      %gather3A_1709 = tpu.vector_load_idx %arg12[%add3A_1708] : memref<100000xf32, #tpu.memory_space<vmem>>[vector<16xi32>], vector<16xf32>,
      %jit3A_1710 = arith.constant -1.000000e+00 : f32
      %broadcast_in_dim3A_1711 = vector.broadcast %jit3A_1710 : f32 to vector<16xf32>
      %select_n3A_1712 = arith.select %lt3A_1703, %gather3A_1709, %broadcast_in_dim3A_1711 : vector<16xi1>, vector<16xf32>
      %broadcast_in_dim3A_1713 = arith.constant 0 : i32
      %broadcast_in_dim3A_1714 = vector.broadcast %broadcast_in_dim3A_1713 : i32 to vector<16xi32>
      tpu.vector_store_idx %arg25[%add3A_1701, %broadcast_in_dim3A_1714], %select_n3A_1712 : memref<112x3xf32, #tpu.memory_space<vmem>>[vector<16xi32>, vector<16xi32>], vector<16xf32>,
      %add3A_1715 = arith.constant 40000 : i32
      %add3A_1716 = vector.broadcast %add3A_1715 : i32 to vector<16xi32>
      %add3A_1717 = arith.addi %add3A_1716, %get3A_1705 : vector<16xi32>
      %gather3A_1718 = tpu.vector_load_idx %arg12[%add3A_1717] : memref<100000xf32, #tpu.memory_space<vmem>>[vector<16xi32>], vector<16xf32>,
      %jit3A_1719 = arith.constant -1.000000e+00 : f32
      %broadcast_in_dim3A_1720 = vector.broadcast %jit3A_1719 : f32 to vector<16xf32>
      %select_n3A_1721 = arith.select %lt3A_1703, %gather3A_1718, %broadcast_in_dim3A_1720 : vector<16xi1>, vector<16xf32>
      %broadcast_in_dim3A_1722 = arith.constant 1 : i32
      %broadcast_in_dim3A_1723 = vector.broadcast %broadcast_in_dim3A_1722 : i32 to vector<16xi32>
      tpu.vector_store_idx %arg25[%add3A_1701, %broadcast_in_dim3A_1723], %select_n3A_1721 : memref<112x3xf32, #tpu.memory_space<vmem>>[vector<16xi32>, vector<16xi32>], vector<16xf32>,
      %add3A_1724 = arith.constant 60000 : i32
      %add3A_1725 = vector.broadcast %add3A_1724 : i32 to vector<16xi32>
      %add3A_1726 = arith.addi %add3A_1725, %get3A_1705 : vector<16xi32>
      %gather3A_1727 = tpu.vector_load_idx %arg12[%add3A_1726] : memref<100000xf32, #tpu.memory_space<vmem>>[vector<16xi32>], vector<16xf32>,
      %jit3A_1728 = arith.constant -1.000000e+00 : f32
      %broadcast_in_dim3A_1729 = vector.broadcast %jit3A_1728 : f32 to vector<16xf32>
      %select_n3A_1730 = arith.select %lt3A_1703, %gather3A_1727, %broadcast_in_dim3A_1729 : vector<16xi1>, vector<16xf32>
      %broadcast_in_dim3A_1731 = arith.constant 2 : i32
      %broadcast_in_dim3A_1732 = vector.broadcast %broadcast_in_dim3A_1731 : i32 to vector<16xi32>
      tpu.vector_store_idx %arg25[%add3A_1701, %broadcast_in_dim3A_1732], %select_n3A_1730 : memref<112x3xf32, #tpu.memory_space<vmem>>[vector<16xi32>, vector<16xi32>], vector<16xf32>,
      %add3A_1733 = arith.constant 96 : i32
      %add3A_1734 = vector.broadcast %add3A_1733 : i32 to vector<16xi32>
      %add3A_1735 = arith.addi %iota3A, %add3A_1734 : vector<16xi32>
      %lt3A_1736 = vector.broadcast %while3A_761#0 : i32 to vector<16xi32>
      %lt3A_1737 = arith.cmpi slt, %add3A_1735, %lt3A_1736 : vector<16xi32>
      %get3A_1738 = arith.constant 96 : index
      %get3A_1739 = tpu.vector_load %arg21[%get3A_1738] {strides = array<i32>} : memref<112xi32, #tpu.memory_space<vmem>>, vector<16xi32>,
      %add3A_1740 = arith.constant 20000 : i32
      %add3A_1741 = vector.broadcast %add3A_1740 : i32 to vector<16xi32>
      %add3A_1742 = arith.addi %add3A_1741, %get3A_1739 : vector<16xi32>
      %gather3A_1743 = tpu.vector_load_idx %arg12[%add3A_1742] : memref<100000xf32, #tpu.memory_space<vmem>>[vector<16xi32>], vector<16xf32>,
      %jit3A_1744 = arith.constant -1.000000e+00 : f32
      %broadcast_in_dim3A_1745 = vector.broadcast %jit3A_1744 : f32 to vector<16xf32>
      %select_n3A_1746 = arith.select %lt3A_1737, %gather3A_1743, %broadcast_in_dim3A_1745 : vector<16xi1>, vector<16xf32>
      %broadcast_in_dim3A_1747 = arith.constant 0 : i32
      %broadcast_in_dim3A_1748 = vector.broadcast %broadcast_in_dim3A_1747 : i32 to vector<16xi32>
      tpu.vector_store_idx %arg25[%add3A_1735, %broadcast_in_dim3A_1748], %select_n3A_1746 : memref<112x3xf32, #tpu.memory_space<vmem>>[vector<16xi32>, vector<16xi32>], vector<16xf32>,
      %add3A_1749 = arith.constant 40000 : i32
      %add3A_1750 = vector.broadcast %add3A_1749 : i32 to vector<16xi32>
      %add3A_1751 = arith.addi %add3A_1750, %get3A_1739 : vector<16xi32>
      %gather3A_1752 = tpu.vector_load_idx %arg12[%add3A_1751] : memref<100000xf32, #tpu.memory_space<vmem>>[vector<16xi32>], vector<16xf32>,
      %jit3A_1753 = arith.constant -1.000000e+00 : f32
      %broadcast_in_dim3A_1754 = vector.broadcast %jit3A_1753 : f32 to vector<16xf32>
      %select_n3A_1755 = arith.select %lt3A_1737, %gather3A_1752, %broadcast_in_dim3A_1754 : vector<16xi1>, vector<16xf32>
      %broadcast_in_dim3A_1756 = arith.constant 1 : i32
      %broadcast_in_dim3A_1757 = vector.broadcast %broadcast_in_dim3A_1756 : i32 to vector<16xi32>
      tpu.vector_store_idx %arg25[%add3A_1735, %broadcast_in_dim3A_1757], %select_n3A_1755 : memref<112x3xf32, #tpu.memory_space<vmem>>[vector<16xi32>, vector<16xi32>], vector<16xf32>,
      %add3A_1758 = arith.constant 60000 : i32
      %add3A_1759 = vector.broadcast %add3A_1758 : i32 to vector<16xi32>
      %add3A_1760 = arith.addi %add3A_1759, %get3A_1739 : vector<16xi32>
      %gather3A_1761 = tpu.vector_load_idx %arg12[%add3A_1760] : memref<100000xf32, #tpu.memory_space<vmem>>[vector<16xi32>], vector<16xf32>,
      %jit3A_1762 = arith.constant -1.000000e+00 : f32
      %broadcast_in_dim3A_1763 = vector.broadcast %jit3A_1762 : f32 to vector<16xf32>
      %select_n3A_1764 = arith.select %lt3A_1737, %gather3A_1761, %broadcast_in_dim3A_1763 : vector<16xi1>, vector<16xf32>
      %broadcast_in_dim3A_1765 = arith.constant 2 : i32
      %broadcast_in_dim3A_1766 = vector.broadcast %broadcast_in_dim3A_1765 : i32 to vector<16xi32>
      tpu.vector_store_idx %arg25[%add3A_1735, %broadcast_in_dim3A_1766], %select_n3A_1764 : memref<112x3xf32, #tpu.memory_space<vmem>>[vector<16xi32>, vector<16xi32>], vector<16xf32>,
      "tpu.region"() ({
        %run_scoped3A = tpu.sem_alloc : memref<!tpu.dma_semaphore, #tpu.memory_space<semaphore_mem>>
        %dma_start3A_1767 = arith.constant 0 : i32
        %dma_start3A_1768 = tpu.memref_slice %arg8[%add3A, %dma_start3A_1767] : memref<8x112xf32, #tpu.memory_space<hbm>> -> memref<1x112xf32, #tpu.memory_space<hbm>>
        %dma_start3A_1769 = tpu.memref_squeeze %dma_start3A_1768 : memref<1x112xf32, #tpu.memory_space<hbm>> -> memref<112xf32, #tpu.memory_space<hbm>>
        %dma_start3A_1770 = arith.constant 0 : i32
        %dma_start3A_1771 = tpu.memref_slice %arg8[%add3A, %dma_start3A_1770] : memref<8x112xf32, #tpu.memory_space<hbm>> -> memref<1x112xf32, #tpu.memory_space<hbm>>
        %dma_start3A_1772 = tpu.memref_squeeze %dma_start3A_1771 : memref<1x112xf32, #tpu.memory_space<hbm>> -> memref<112xf32, #tpu.memory_space<hbm>>
        tpu.enqueue_dma source(%arg20 : memref<112xf32, #tpu.memory_space<vmem>>) target(%dma_start3A_1772 : memref<112xf32, #tpu.memory_space<hbm>>) target_semaphore(%run_scoped3A : memref<!tpu.dma_semaphore, #tpu.memory_space<semaphore_mem>>)
        %dma_wait3A_1773 = arith.constant 0 : i32
        %dma_wait3A_1774 = tpu.memref_slice %arg8[%add3A, %dma_wait3A_1773] : memref<8x112xf32, #tpu.memory_space<hbm>> -> memref<1x112xf32, #tpu.memory_space<hbm>>
        %dma_wait3A_1775 = tpu.memref_squeeze %dma_wait3A_1774 : memref<1x112xf32, #tpu.memory_space<hbm>> -> memref<112xf32, #tpu.memory_space<hbm>>
        %dma_wait3A_1776 = arith.constant 0 : i32
        %dma_wait3A_1777 = tpu.memref_slice %arg8[%add3A, %dma_wait3A_1776] : memref<8x112xf32, #tpu.memory_space<hbm>> -> memref<1x112xf32, #tpu.memory_space<hbm>>
        %dma_wait3A_1778 = tpu.memref_squeeze %dma_wait3A_1777 : memref<1x112xf32, #tpu.memory_space<hbm>> -> memref<112xf32, #tpu.memory_space<hbm>>
        tpu.wait_dma2 semaphore(%run_scoped3A : memref<!tpu.dma_semaphore, #tpu.memory_space<semaphore_mem>>) src(%arg20 : memref<112xf32, #tpu.memory_space<vmem>>) dst(%dma_wait3A_1778 : memref<112xf32, #tpu.memory_space<hbm>>)
        tpu.yield
      }) : () -> ()
      "tpu.region"() ({
        %run_scoped3A = tpu.sem_alloc : memref<!tpu.dma_semaphore, #tpu.memory_space<semaphore_mem>>
        %dma_start3A_1767 = arith.constant 0 : i32
        %dma_start3A_1768 = arith.constant 0 : i32
        %dma_start3A_1769 = tpu.memref_slice %arg7[%add3A, %dma_start3A_1767, %dma_start3A_1768] : memref<8x112x4xf32, #tpu.memory_space<hbm>> -> memref<1x112x4xf32, #tpu.memory_space<hbm>>
        %dma_start3A_1770 = tpu.memref_squeeze %dma_start3A_1769 : memref<1x112x4xf32, #tpu.memory_space<hbm>> -> memref<112x4xf32, #tpu.memory_space<hbm>>
        %dma_start3A_1771 = arith.constant 0 : i32
        %dma_start3A_1772 = arith.constant 0 : i32
        %dma_start3A_1773 = tpu.memref_slice %arg7[%add3A, %dma_start3A_1771, %dma_start3A_1772] : memref<8x112x4xf32, #tpu.memory_space<hbm>> -> memref<1x112x4xf32, #tpu.memory_space<hbm>>
        %dma_start3A_1774 = tpu.memref_squeeze %dma_start3A_1773 : memref<1x112x4xf32, #tpu.memory_space<hbm>> -> memref<112x4xf32, #tpu.memory_space<hbm>>
        tpu.enqueue_dma source(%arg23 : memref<112x4xf32, #tpu.memory_space<vmem>>) target(%dma_start3A_1774 : memref<112x4xf32, #tpu.memory_space<hbm>>) target_semaphore(%run_scoped3A : memref<!tpu.dma_semaphore, #tpu.memory_space<semaphore_mem>>)
        %dma_wait3A_1775 = arith.constant 0 : i32
        %dma_wait3A_1776 = arith.constant 0 : i32
        %dma_wait3A_1777 = tpu.memref_slice %arg7[%add3A, %dma_wait3A_1775, %dma_wait3A_1776] : memref<8x112x4xf32, #tpu.memory_space<hbm>> -> memref<1x112x4xf32, #tpu.memory_space<hbm>>
        %dma_wait3A_1778 = tpu.memref_squeeze %dma_wait3A_1777 : memref<1x112x4xf32, #tpu.memory_space<hbm>> -> memref<112x4xf32, #tpu.memory_space<hbm>>
        %dma_wait3A_1779 = arith.constant 0 : i32
        %dma_wait3A_1780 = arith.constant 0 : i32
        %dma_wait3A_1781 = tpu.memref_slice %arg7[%add3A, %dma_wait3A_1779, %dma_wait3A_1780] : memref<8x112x4xf32, #tpu.memory_space<hbm>> -> memref<1x112x4xf32, #tpu.memory_space<hbm>>
        %dma_wait3A_1782 = tpu.memref_squeeze %dma_wait3A_1781 : memref<1x112x4xf32, #tpu.memory_space<hbm>> -> memref<112x4xf32, #tpu.memory_space<hbm>>
        tpu.wait_dma2 semaphore(%run_scoped3A : memref<!tpu.dma_semaphore, #tpu.memory_space<semaphore_mem>>) src(%arg23 : memref<112x4xf32, #tpu.memory_space<vmem>>) dst(%dma_wait3A_1782 : memref<112x4xf32, #tpu.memory_space<hbm>>)
        tpu.yield
      }) : () -> ()
      "tpu.region"() ({
        %run_scoped3A = tpu.sem_alloc : memref<!tpu.dma_semaphore, #tpu.memory_space<semaphore_mem>>
        %dma_start3A_1767 = arith.constant 0 : i32
        %dma_start3A_1768 = arith.constant 0 : i32
        %dma_start3A_1769 = tpu.memref_slice %arg10[%add3A, %dma_start3A_1767, %dma_start3A_1768] : memref<8x112x3xf32, #tpu.memory_space<hbm>> -> memref<1x112x3xf32, #tpu.memory_space<hbm>>
        %dma_start3A_1770 = tpu.memref_squeeze %dma_start3A_1769 : memref<1x112x3xf32, #tpu.memory_space<hbm>> -> memref<112x3xf32, #tpu.memory_space<hbm>>
        %dma_start3A_1771 = arith.constant 0 : i32
        %dma_start3A_1772 = arith.constant 0 : i32
        %dma_start3A_1773 = tpu.memref_slice %arg10[%add3A, %dma_start3A_1771, %dma_start3A_1772] : memref<8x112x3xf32, #tpu.memory_space<hbm>> -> memref<1x112x3xf32, #tpu.memory_space<hbm>>
        %dma_start3A_1774 = tpu.memref_squeeze %dma_start3A_1773 : memref<1x112x3xf32, #tpu.memory_space<hbm>> -> memref<112x3xf32, #tpu.memory_space<hbm>>
        tpu.enqueue_dma source(%arg24 : memref<112x3xf32, #tpu.memory_space<vmem>>) target(%dma_start3A_1774 : memref<112x3xf32, #tpu.memory_space<hbm>>) target_semaphore(%run_scoped3A : memref<!tpu.dma_semaphore, #tpu.memory_space<semaphore_mem>>)
        %dma_wait3A_1775 = arith.constant 0 : i32
        %dma_wait3A_1776 = arith.constant 0 : i32
        %dma_wait3A_1777 = tpu.memref_slice %arg10[%add3A, %dma_wait3A_1775, %dma_wait3A_1776] : memref<8x112x3xf32, #tpu.memory_space<hbm>> -> memref<1x112x3xf32, #tpu.memory_space<hbm>>
        %dma_wait3A_1778 = tpu.memref_squeeze %dma_wait3A_1777 : memref<1x112x3xf32, #tpu.memory_space<hbm>> -> memref<112x3xf32, #tpu.memory_space<hbm>>
        %dma_wait3A_1779 = arith.constant 0 : i32
        %dma_wait3A_1780 = arith.constant 0 : i32
        %dma_wait3A_1781 = tpu.memref_slice %arg10[%add3A, %dma_wait3A_1779, %dma_wait3A_1780] : memref<8x112x3xf32, #tpu.memory_space<hbm>> -> memref<1x112x3xf32, #tpu.memory_space<hbm>>
        %dma_wait3A_1782 = tpu.memref_squeeze %dma_wait3A_1781 : memref<1x112x3xf32, #tpu.memory_space<hbm>> -> memref<112x3xf32, #tpu.memory_space<hbm>>
        tpu.wait_dma2 semaphore(%run_scoped3A : memref<!tpu.dma_semaphore, #tpu.memory_space<semaphore_mem>>) src(%arg24 : memref<112x3xf32, #tpu.memory_space<vmem>>) dst(%dma_wait3A_1782 : memref<112x3xf32, #tpu.memory_space<hbm>>)
        tpu.yield
      }) : () -> ()
      "tpu.region"() ({
        %run_scoped3A = tpu.sem_alloc : memref<!tpu.dma_semaphore, #tpu.memory_space<semaphore_mem>>
        %dma_start3A_1767 = arith.constant 0 : i32
        %dma_start3A_1768 = arith.constant 0 : i32
        %dma_start3A_1769 = tpu.memref_slice %arg11[%add3A, %dma_start3A_1767, %dma_start3A_1768] : memref<8x112x3xf32, #tpu.memory_space<hbm>> -> memref<1x112x3xf32, #tpu.memory_space<hbm>>
        %dma_start3A_1770 = tpu.memref_squeeze %dma_start3A_1769 : memref<1x112x3xf32, #tpu.memory_space<hbm>> -> memref<112x3xf32, #tpu.memory_space<hbm>>
        %dma_start3A_1771 = arith.constant 0 : i32
        %dma_start3A_1772 = arith.constant 0 : i32
        %dma_start3A_1773 = tpu.memref_slice %arg11[%add3A, %dma_start3A_1771, %dma_start3A_1772] : memref<8x112x3xf32, #tpu.memory_space<hbm>> -> memref<1x112x3xf32, #tpu.memory_space<hbm>>
        %dma_start3A_1774 = tpu.memref_squeeze %dma_start3A_1773 : memref<1x112x3xf32, #tpu.memory_space<hbm>> -> memref<112x3xf32, #tpu.memory_space<hbm>>
        tpu.enqueue_dma source(%arg25 : memref<112x3xf32, #tpu.memory_space<vmem>>) target(%dma_start3A_1774 : memref<112x3xf32, #tpu.memory_space<hbm>>) target_semaphore(%run_scoped3A : memref<!tpu.dma_semaphore, #tpu.memory_space<semaphore_mem>>)
        %dma_wait3A_1775 = arith.constant 0 : i32
        %dma_wait3A_1776 = arith.constant 0 : i32
        %dma_wait3A_1777 = tpu.memref_slice %arg11[%add3A, %dma_wait3A_1775, %dma_wait3A_1776] : memref<8x112x3xf32, #tpu.memory_space<hbm>> -> memref<1x112x3xf32, #tpu.memory_space<hbm>>
        %dma_wait3A_1778 = tpu.memref_squeeze %dma_wait3A_1777 : memref<1x112x3xf32, #tpu.memory_space<hbm>> -> memref<112x3xf32, #tpu.memory_space<hbm>>
        %dma_wait3A_1779 = arith.constant 0 : i32
        %dma_wait3A_1780 = arith.constant 0 : i32
        %dma_wait3A_1781 = tpu.memref_slice %arg11[%add3A, %dma_wait3A_1779, %dma_wait3A_1780] : memref<8x112x3xf32, #tpu.memory_space<hbm>> -> memref<1x112x3xf32, #tpu.memory_space<hbm>>
        %dma_wait3A_1782 = tpu.memref_squeeze %dma_wait3A_1781 : memref<1x112x3xf32, #tpu.memory_space<hbm>> -> memref<112x3xf32, #tpu.memory_space<hbm>>
        tpu.wait_dma2 semaphore(%run_scoped3A : memref<!tpu.dma_semaphore, #tpu.memory_space<semaphore_mem>>) src(%arg25 : memref<112x3xf32, #tpu.memory_space<vmem>>) dst(%dma_wait3A_1782 : memref<112x3xf32, #tpu.memory_space<hbm>>)
        tpu.yield
      }) : () -> ()
      "tpu.region"() ({
        %run_scoped3A = tpu.sem_alloc : memref<!tpu.dma_semaphore, #tpu.memory_space<semaphore_mem>>
        %dma_start3A_1767 = arith.constant 0 : i32
        %dma_start3A_1768 = arith.constant 0 : i32
        %dma_start3A_1769 = tpu.memref_slice %arg9[%add3A, %dma_start3A_1767, %dma_start3A_1768] : memref<8x112x1xi32, #tpu.memory_space<hbm>> -> memref<1x112x1xi32, #tpu.memory_space<hbm>>
        %dma_start3A_1770 = tpu.memref_squeeze %dma_start3A_1769 : memref<1x112x1xi32, #tpu.memory_space<hbm>> -> memref<112x1xi32, #tpu.memory_space<hbm>>
        %dma_start3A_1771 = arith.constant 0 : i32
        %dma_start3A_1772 = arith.constant 0 : i32
        %dma_start3A_1773 = tpu.memref_slice %arg9[%add3A, %dma_start3A_1771, %dma_start3A_1772] : memref<8x112x1xi32, #tpu.memory_space<hbm>> -> memref<1x112x1xi32, #tpu.memory_space<hbm>>
        %dma_start3A_1774 = tpu.memref_squeeze %dma_start3A_1773 : memref<1x112x1xi32, #tpu.memory_space<hbm>> -> memref<112x1xi32, #tpu.memory_space<hbm>>
        tpu.enqueue_dma source(%arg26 : memref<112x1xi32, #tpu.memory_space<vmem>>) target(%dma_start3A_1774 : memref<112x1xi32, #tpu.memory_space<hbm>>) target_semaphore(%run_scoped3A : memref<!tpu.dma_semaphore, #tpu.memory_space<semaphore_mem>>)
        %dma_wait3A_1775 = arith.constant 0 : i32
        %dma_wait3A_1776 = arith.constant 0 : i32
        %dma_wait3A_1777 = tpu.memref_slice %arg9[%add3A, %dma_wait3A_1775, %dma_wait3A_1776] : memref<8x112x1xi32, #tpu.memory_space<hbm>> -> memref<1x112x1xi32, #tpu.memory_space<hbm>>
        %dma_wait3A_1778 = tpu.memref_squeeze %dma_wait3A_1777 : memref<1x112x1xi32, #tpu.memory_space<hbm>> -> memref<112x1xi32, #tpu.memory_space<hbm>>
        %dma_wait3A_1779 = arith.constant 0 : i32
        %dma_wait3A_1780 = arith.constant 0 : i32
        %dma_wait3A_1781 = tpu.memref_slice %arg9[%add3A, %dma_wait3A_1779, %dma_wait3A_1780] : memref<8x112x1xi32, #tpu.memory_space<hbm>> -> memref<1x112x1xi32, #tpu.memory_space<hbm>>
        %dma_wait3A_1782 = tpu.memref_squeeze %dma_wait3A_1781 : memref<1x112x1xi32, #tpu.memory_space<hbm>> -> memref<112x1xi32, #tpu.memory_space<hbm>>
        tpu.wait_dma2 semaphore(%run_scoped3A : memref<!tpu.dma_semaphore, #tpu.memory_space<semaphore_mem>>) src(%arg26 : memref<112x1xi32, #tpu.memory_space<vmem>>) dst(%dma_wait3A_1782 : memref<112x1xi32, #tpu.memory_space<hbm>>)
        tpu.yield
      }) : () -> ()
    } else {
    }
    return
  }
}

module attributes {stable_mosaic.version = 14 : i64} {
  func.func @_class_max_body(%arg0: memref<8x8x20000xf32, #tpu.memory_space<vmem>>, %arg1: memref<8x20000xf32, #tpu.memory_space<vmem>>, %arg2: memref<8x20000xi32, #tpu.memory_space<vmem>>) attributes {dimension_semantics = [], scalar_prefetch = 0 : i64, scratch_operands = 0 : i64, tpu.core_type = #tpu.core_type<tc>} {
    %get3A = arith.constant 0 : index
    %get3A_0 = arith.constant 0 : index
    %get3A_1 = arith.constant 0 : index
    %get3A_2 = vector.load %arg0[%get3A, %get3A_0, %get3A_1] : memref<8x8x20000xf32, #tpu.memory_space<vmem>>, vector<8x8x20000xf32>
    %reduce_max3A = arith.constant dense<0xFF800000> : vector<8x20000xf32>
    %reduce_max3A_3 = vector.multi_reduction <maximumf>, %get3A_2, %reduce_max3A [0] : vector<8x8x20000xf32> to vector<8x20000xf32>
    %gt3A = arith.constant 0.00999999977 : f32
    %gt3A_4 = vector.broadcast %gt3A : f32 to vector<8x20000xf32>
    %gt3A_5 = arith.cmpf ogt, %reduce_max3A_3, %gt3A_4 : vector<8x20000xf32>
    %jit3A = arith.constant 0xFF800000 : f32
    %broadcast_in_dim3A = vector.broadcast %jit3A : f32 to vector<8x20000xf32>
    %select_n3A = arith.select %gt3A_5, %reduce_max3A_3, %broadcast_in_dim3A : vector<8x20000xi1>, vector<8x20000xf32>
    %swap3A = arith.constant 0 : index
    %swap3A_6 = arith.constant 0 : index
    %swap3A_7 = vector.load %arg1[%swap3A, %swap3A_6] : memref<8x20000xf32, #tpu.memory_space<vmem>>, vector<8x20000xf32>
    tpu.vector_store %arg1[%swap3A, %swap3A_6], %select_n3A {strides = array<i32>} : memref<8x20000xf32, #tpu.memory_space<vmem>>, vector<8x20000xf32>,
    %iota3A = tpu.iota {dimensions = array<i32: 0>} : vector<8x8x20000xi32>
    %broadcast_in_dim3A_8 = vector.shape_cast %reduce_max3A_3 : vector<8x20000xf32> to vector<1x8x20000xf32>
    %eq3A = vector.broadcast %broadcast_in_dim3A_8 : vector<1x8x20000xf32> to vector<8x8x20000xf32>
    %eq3A_9 = arith.cmpf oeq, %get3A_2, %eq3A : vector<8x8x20000xf32>
    %jit3A_10 = arith.constant 8 : i32
    %broadcast_in_dim3A_11 = vector.broadcast %jit3A_10 : i32 to vector<8x8x20000xi32>
    %select_n3A_12 = arith.select %eq3A_9, %iota3A, %broadcast_in_dim3A_11 : vector<8x8x20000xi1>, vector<8x8x20000xi32>
    %reduce_min3A = arith.constant dense<2147483647> : vector<8x20000xi32>
    %reduce_min3A_13 = vector.multi_reduction <minsi>, %select_n3A_12, %reduce_min3A [0] : vector<8x8x20000xi32> to vector<8x20000xi32>
    %swap3A_14 = arith.constant 0 : index
    %swap3A_15 = arith.constant 0 : index
    %swap3A_16 = vector.load %arg2[%swap3A_14, %swap3A_15] : memref<8x20000xi32, #tpu.memory_space<vmem>>, vector<8x20000xi32>
    tpu.vector_store %arg2[%swap3A_14, %swap3A_15], %reduce_min3A_13 {strides = array<i32>} : memref<8x20000xi32, #tpu.memory_space<vmem>>, vector<8x20000xi32>,
    return
  }
}

</mosaic_0001>

<sc_bundles>
// kernel: kernel.4.cloned.1.call-start
scs
__scs_entry_jumppad:
0x0: {  	(pc) =	sbr.rel $0x88, $3  }
0x1: {  	(tag) =	ssettag $0x0;
	lr =	simm.s32 $0x1  }
0x2: {  	[smem:$0x3F9D] =	sst lr;
	_ =	strace $0xD0000000  }
0x3: {  	_ = 	snop  }
0x4: {  	_ = 	snop  }
0x5: {  	_ = 	snop  }
0x6: {  	_ = 	snop  }
0x7: {  	_ = 	snop  }
__scs_overlays_trampoline_lowered:
0x8: {  	[smem:$0x3FAC] =	sst s0  }
0x9: {  	[smem:$0x3FAD] =	sst s1  }
0xa: {  	[smem:$0x3FAE] =	sst s2  }
0xb: {  	[smem:$0x3FAF] =	sst s3  }
0xc: {  	[smem:$0x3FB0] =	sst s4  }
0xd: {  	[smem:$0x3FB1] =	sst s5  }
0xe: {  	[smem:$0x3FB2] =	sst s6  }
0xf: {  	[smem:$0x3FB3] =	sst s7  }
0x10: {  	[smem:$0x3FB4] =	sst s8  }
0x11: {  	[smem:$0x3FB5] =	sst s9;
	s0 =	simm.s32 @!p0 $0x0  }
0x12: {  	s1 =	sld [smem:$0x3F9B];
	s0 =	simm.s32 @p0 $0x1  }
0x13: {  	[smem:$0x3FB6] =	sst s0;
	s0 =	simm.s32 @!p1 $0x0  }
0x14: {  	s2 =	sld [smem:$0x3F9A];
	s0 =	simm.s32 @p1 $0x1  }
0x15: {  	[smem:$0x3FB7] =	sst s0;
	s0 =	simm.s32 @!p2 $0x0  }
0x16: {  	s3 =	sld [smem:$0x3FDB];
	s0 =	simm.s32 @p2 $0x1  }
0x17: {  	s4 =	simm.s32 $0x1BF5;
	[smem:$0x3FB9] =	sst s0  }
0x18: {  	s0 =	sld [smem:$0x3F9C];
	_ =	swait.ge [sflag:s4], $0x0  }
0x19: {  	s7 =	sld [smem:$0x3F9D]  }
0x1a: {  	s8 =	sadd.s32 $0xFFFFE003, lr  }
0x1b: {  	s9 =	sadd.s32 $0xFFFFFEF7, lr;
	s5 =	simm.s32 $0xFFFFFFFF;
	p2 =	slt.u32 s8, $0xFFFFF086  }
0x1c: {  	p1 =	slt.u32 s9, $0xF7A;
	s5 =	simm.s32 @!p2 $0x0  }
0x1d: {  	s5 =	simm.s32 @p1 $0x1;
	p0 =	seq.s32 s7, s2  }
0x1e: {  	s7 =	smul.u32 @!p0 $0xF7A, s2;
	p2 =	seq.s32 @!p0 s5, $0x0  }
0x1f: {  	s9 =	smul.u32 $0xF7A, s1;
	s8 =	simm.s32 @!p0 $0x1BF5;
	p2 =	por !p2, p0  }
0x20: {  	[sflag:s8] =	ssyncset.s32 @!p0 $0xFFFFF086;
	s6 =	sadd.s32 @!p0 s3, s7;
	s7 =	simm.s32 @!p0 $0x108  }
0x21: {  	s3 =	sadd.s32 s3, s9;
	s6 =	sadd.s32 @!p0 $0x88, s6;
	s7 =	simm.s32 @p2 $0x1082  }
0x22: {  	[simem:s7], [sflag:s8] =	dma.local @!p0 [hbm:s6], $0xF7A  }
0x23: {  	s9 =	sor.u32 $0xD0000000, s2;
	s6 =	simm.s32 $0x108;
	_ =	swait.ge @!p0 [sflag:s8], $0x0  }
0x24: {  	s3 =	sadd.s32 $0x88, s3;
	s6 =	simm.s32 @!p1 $0x1082;
	[sflag:s4] =	ssyncset.s32 $0xFFFFF086  }
0x25: {  	[simem:s6], [sflag:s4] =	dma.local [hbm:s3], $0xF7A  }
0x26: {  	[smem:$0x3F9D] =	sst s1;
	(tag) =	ssettag s2;
	_ =	strace s9  }
0x27: {  	s1 =	sld [smem:$0x3FAD]  }
0x28: {  	s2 =	sld [smem:$0x3FAE]  }
0x29: {  	s4 =	sld [smem:$0x3FB0]  }
0x2a: {  	p0 =	seq.s32 s5, $0x0;
	s5 =	sld [smem:$0x3FB1]  }
0x2b: {  	s6 =	sld [smem:$0x3FB2]  }
0x2c: {  	s7 =	sld [smem:$0x3FB3]  }
0x2d: {  	s3 =	simm.s32 $0x108;
	s8 =	sld [smem:$0x3FB4]  }
0x2e: {  	s3 =	simm.s32 @!p0 $0x1082;
	s9 =	sld [smem:$0x3FB5]  }
0x2f: {  	lr =	sadd.s32 s0, s3;
	s0 =	sld [smem:$0x3FAC]  }
0x30: {  	s3 =	sld [smem:$0x3FAF]  }
0x31: {  	[smem:$0x3FB8] =	sst s10  }
0x32: {  	s10 =	sld [smem:$0x3FB6];
	_ =	sdelay $0x3  }
0x33: {  	p0 =	seq.s32 s10, $0x1;
	s10 =	sld [smem:$0x3FB8];
	_ =	sdelay $0x3  }
0x34: {  	[smem:$0x3FB8] =	sst s10  }
0x35: {  	s10 =	sld [smem:$0x3FB7];
	_ =	sdelay $0x3  }
0x36: {  	p1 =	seq.s32 s10, $0x1;
	s10 =	sld [smem:$0x3FB8];
	_ =	sdelay $0x3  }
0x37: {  	[smem:$0x3FB8] =	sst s10  }
0x38: {  	s10 =	sld [smem:$0x3FB9]  }
0x39: {  	_ = 	snop;
	(pc) =	sbr.ind lr, $3  }
0x3a: {  	_ = 	snop  }
0x3b: {  	_ = 	snop  }
0x3c: {  	p2 =	seq.s32 s10, $0x1;
	s10 =	sld [smem:$0x3FB8]  }
0x3d: {  	_ =	shalt  }
0x3e: {  	_ =	shalt  }
0x3f: {  	_ =	shalt  }
0x40: {  	_ =	shalt  }
0x41: {  	_ =	shalt  }
0x42: {  	_ =	shalt  }
0x43: {  	_ =	shalt  }
0x44: {  	_ =	shalt  }
0x45: {  	_ =	shalt  }
0x46: {  	_ =	shalt  }
0x47: {  	_ =	shalt  }
0x48: {  	_ =	shalt  }
0x49: {  	_ =	shalt  }
0x4a: {  	_ =	shalt  }
0x4b: {  	_ =	shalt  }
0x4c: {  	_ =	shalt  }
0x4d: {  	_ =	shalt  }
0x4e: {  	_ =	shalt  }
0x4f: {  	_ =	shalt  }
0x50: {  	_ =	shalt  }
0x51: {  	_ =	shalt  }
0x52: {  	_ =	shalt  }
0x53: {  	_ =	shalt  }
0x54: {  	_ =	shalt  }
0x55: {  	_ =	shalt  }
0x56: {  	_ =	shalt  }
0x57: {  	_ =	shalt  }
0x58: {  	_ =	shalt  }
0x59: {  	_ =	shalt  }
0x5a: {  	_ =	shalt  }
0x5b: {  	_ =	shalt  }
0x5c: {  	_ =	shalt  }
0x5d: {  	_ =	shalt  }
0x5e: {  	_ =	shalt  }
0x5f: {  	_ =	shalt  }
0x60: {  	_ =	shalt  }
0x61: {  	_ =	shalt  }
0x62: {  	_ =	shalt  }
0x63: {  	_ =	shalt  }
0x64: {  	_ =	shalt  }
0x65: {  	_ =	shalt  }
0x66: {  	_ =	shalt  }
0x67: {  	_ =	shalt  }
0x68: {  	_ =	shalt  }
0x69: {  	_ =	shalt  }
0x6a: {  	_ =	shalt  }
0x6b: {  	_ =	shalt  }
0x6c: {  	_ =	shalt  }
0x6d: {  	_ =	shalt  }
0x6e: {  	_ =	shalt  }
0x6f: {  	_ =	shalt  }
0x70: {  	_ =	shalt  }
0x71: {  	_ =	shalt  }
0x72: {  	_ =	shalt  }
0x73: {  	_ =	shalt  }
0x74: {  	_ =	shalt  }
0x75: {  	_ =	shalt  }
0x76: {  	_ =	shalt  }
0x77: {  	_ =	shalt  }
0x78: {  	_ =	shalt  }
0x79: {  	_ =	shalt  }
0x7a: {  	_ =	shalt  }
0x7b: {  	_ =	shalt  }
0x7c: {  	_ =	shalt  }
0x7d: {  	_ =	shalt  }
0x7e: {  	_ =	shalt  }
0x7f: {  	_ =	shalt  }
0x80: {  	_ =	shalt  }
0x81: {  	_ =	shalt  }
0x82: {  	_ =	shalt  }
0x83: {  	_ =	shalt  }
0x84: {  	_ =	shalt  }
0x85: {  	_ =	shalt  }
0x86: {  	_ =	shalt  }
0x87: {  	_ =	shalt  }
.Lfunc_end0:
.L_simem_size_0:
called_computation_lowered:
.L_overlay_start_0:
0x88: {  	s2 =	sld [smem:$0x3FD9]  }
0x89: {  	s3 =	sld [smem:$0x3FFE];
	_ =	sdelay $0x1  }
0x8a: {  	s1 =	srdreg.scid  }
0x8b: {  	s0 =	sand.u32 $0x1, s1  }
0x8c: {  	s14 =	sshll.u32 s0, $0xA;
	s2 =	sadd.s32 s3, s2  }
0x8d: {  	s2 =	sadd.s32 s2, s14  }
0x8e: {  	[smem:$0x3FC4] =	sst s2  }
0x8f: {  	_ = 	snop  }
0x90: {  	s2 =	sld [smem:$0x3FD0];
	_ =	sdelay $0x2  }
0x91: {  	s15 =	simm.s32 $0xA;
	s4 =	simm.s32 $0x10  }
0x92: {  	[smem:s4], [sflag:s15] =	dma.local [hbm:s2], $0x1  }
0x93: {  	_ =	swait.eq [sflag:s15], $0x1  }
0x94: {  	[sflag:s15] =	ssyncset.done $0x0  }
0x95: {  	[sflag:s15] =	ssyncadd.s32 $0xFFFFFFFF  }
0x96: {  	s16 =	sld [smem:$0x11];
	(tm) =	ssettm $0x1  }
0x97: {  	s17 =	sld [smem:$0x3FFB];
	_ =	sdelay $0x3  }
0x98: {  	_ =	strace s17  }
0x99: {  	s3 =	sld [smem:$0x3FFC];
	_ =	sdelay $0x3  }
0x9a: {  	_ =	strace s3  }
0x9b: {  	s3 =	sld [smem:$0x3FFD];
	_ =	sdelay $0x3  }
0x9c: {  	_ =	strace s3  }
0x9d: {  	_ =	strace $0x8FFFFFFF  }
0x9e: {  	s18 =	sld [smem:$0x3FDB];
	_ =	sdelay $0x1  }
0x9f: {  	s19 =	simm.s32 $_scs_section_size  }
0xa0: {  	s5 =	simm.s32 $_size__tile_overlayer_lowered;
	s6 =	simm.s32 $_tile_overlayer_lowered  }
0xa1: {  	s22 =	simm.s32 $0x1BFF;
	s21 =	sshll.u32 s6, $0x1;
	s3 =	sadd.s32 s19, s18  }
0xa2: {  	s7 =	simm.s32 $0x0;
	s20 =	sshll.u32 s5, $0x1;
	s5 =	sadd.s32 s21, s3  }
0xa3: {  	[timem:s7], [sflag:s22] =	dma.local [hbm:s5], s20  }
0xa4: {  	_ =	swait.ge [sflag:s22], s20  }
0xa5: {  	s4 =	ssub.s32 $0x0, s20;
	[sflag:s22] =	ssyncset.done $0x0  }
0xa6: {  	[sflag:s22] =	ssyncadd.s32 s4;
	_ =	sdelay $0x1  }
0xa7: {  	s23 =	simm.s32 $0x1B8B  }
0xa8: {  	_ =	swait.ge [sflag:s23], $0x1  }
0xa9: {  	[sflag:s23] =	ssyncset.done $0x0  }
0xaa: {  	s25 =	simm.s32 $0x1B8E;
	s24 =	sld [smem:$0x3FFE];
	[sflag:s23] =	ssyncadd.s32 $0xFFFFFFFF  }
0xab: {  	s26 =	simm.s32 $execute0_lowered;
	[smem:$0x3FD2] =	sst s25  }
0xac: {  	s5 =	sshll.u32 s26, $0x1;
	_ =	strace $0x80000046;
	[dreg:$0x1] =	wrdreg $0xFFFFFFFF  }
0xad: {  	s28 =	simm.s32 $_size_execute0_lowered;
	s3 =	sadd.s32 s3, s5;
	[dreg:$0x0] =	wrdreg $0x0  }
0xae: {  	s5 =	sshll.u32 s28, $0x1;
	[dreg:$0x2] =	wrdreg s3  }
0xaf: {  	[dreg:$0x3] =	wrdreg s5  }
0xb0: {  	[dreg:$0x4] =	wrdreg $0xC0  }
0xb1: {  	_ =	task [dreg:s7], $0x5FFFF  }
0xb2: {  	[dreg:$0x1] =	wrdreg $0xFFFFFFFF  }
0xb3: {  	[dreg:$0x0] =	wrdreg $0x60  }
0xb4: {  	[dreg:$0x2] =	wrdreg s24  }
0xb5: {  	[dreg:$0x3] =	wrdreg s16  }
0xb6: {  	[dreg:$0x4] =	wrdreg $0x9  }
0xb7: {  	_ =	task.clear_ibuf [dreg:s7], $0x5FFFF;
	_ =	strace $0x90000046  }
0xb8: {  	s29 =	simm.s32 $0x9;
	_ =	strace $0x80000048  }
0xb9: {  	_ =	swait.ge [sflag:s29], $0x1  }
0xba: {  	[sflag:s29] =	ssyncadd.s32 $0xFFFFFFFF  }
0xbb: {  	_ =	strace $0x90000048  }
0xbc: {  	_ =	sfence  }
0xbd: {  	s30 =	sld [smem:$0x0];
	_ =	sdelay $0x2  }
0xbe: {  	s31 =	sshll.u32 s1, $0xD;
	s1 =	sshrl.u32 s1, $0x2  }
0xbf: {  	s3 =	sand.u32 $0x4000, s31;
	s1 =	sadd.s32 s1, s30  }
0xc0: {  	s0 =	sor.u32 s3, s0;
	s1 =	sshll.u32 s1, $0x11  }
0xc1: {  	s0 =	sor.u32 s1, s0  }
0xc2: {  	s0 =	sadd.s32 $0x8F2B, s0  }
0xc3: {  	[sflag:s0] =	ssyncadd.remote.s32 $0x1  }
0xc4: {  	_ =	sfence.sel $0xFFFF  }
0xc5: {  	[dreg:$0x0] =	wrdreg $0xFFFFFFFF;
	(pc) =	sbr.abs _section_cstart, $3  }
0xc6: {  	[dreg:$0x1] =	wrdreg $0xFFFFFFFF  }
0xc7: {  	_ =	task.clear_ibuf [dreg:s7], $0x2FFFF;
	_ =	strace $0x9FFFFFFF  }
0xc8: {  	(tm) =	ssettm $0x7FFFFFFF  }
0xc9: {  	_ =	shalt  }
tec
execute0_lowered:
.L_overlay_start_1:
0x0: {  	(tag) =	ssettag $0x1  }
0x1: {  	s3 =	stileid.u32  }
0x2: {  	p0 =	sgt.u32 s3, $0x3  }
.Ltmp0:
0x3: {  	_ = 	snop;
	(pc) =	sbr.rel @p0 .LBB2_7-.Ltmp0, $4  }
0x4: {  	_ = 	snop  }
0x5: {  	s1 =	rddreg [dreg:$0x0];
	s2 =	simm.s32 $0x0  }
0x6: {  	[smem:$0x7FF] =	sst s2  }
0x7: {  	s0 =	rddreg [dreg:$0x1];
	_ =	strace $0x80000047  }
0x8: {  	v0 =	vlaneseq.u32  }
0x9: {  	v3 =	vmul.u32 $0x10, v0;
	_ =	sdelay $0x1  }
0xa: {  	v6 =	vor.u32 $0x1, v3  }
0xb: {  	[tilespmem:$0x1FE10] =	vst v6;
	v6 =	vor.u32 $0x2, v3  }
0xc: {  	[tilespmem:$0x1FE20] =	vst v6;
	v6 =	vor.u32 $0x3, v3  }
0xd: {  	[tilespmem:$0x1FE30] =	vst v6;
	v6 =	vor.u32 $0x4, v3  }
0xe: {  	[tilespmem:$0x1FE40] =	vst v6;
	v6 =	vor.u32 $0x5, v3  }
0xf: {  	[tilespmem:$0x1FE50] =	vst v6;
	v6 =	vor.u32 $0x6, v3  }
0x10: {  	[tilespmem:$0x1FE60] =	vst v6;
	v6 =	vor.u32 $0x7, v3  }
0x11: {  	[tilespmem:$0x1FE70] =	vst v6;
	v6 =	vor.u32 $0x8, v3  }
0x12: {  	[tilespmem:$0x1FE80] =	vst v6;
	v6 =	vor.u32 $0x9, v3  }
0x13: {  	[tilespmem:$0x1FE90] =	vst v6;
	v6 =	vor.u32 $0xA, v3  }
0x14: {  	[tilespmem:$0x1FEA0] =	vst v6;
	v6 =	vor.u32 $0xB, v3  }
0x15: {  	[tilespmem:$0x1FEB0] =	vst v6;
	v6 =	vor.u32 $0xC, v3  }
0x16: {  	[tilespmem:$0x1FEC0] =	vst v6;
	v6 =	vor.u32 $0xD, v3  }
0x17: {  	[tilespmem:$0x1FED0] =	vst v6;
	v6 =	vor.u32 $0xE, v3  }
0x18: {  	s3 =	srdreg.scid;
	s4 =	stileid.u32;
	s19 =	sadd.s32 $0x6200, s1;
	[tilespmem:$0x1FEE0] =	vst v6;
	v6 =	vor.u32 $0xF, v3  }
0x19: {  	v1 =	vimm.f32 $2.000000000e+09;
	s18 =	sadd.s32 $0xB200, s1;
	s3 =	sand.u32 $0x1, s3;
	s4 =	sshll.u32 s4, $0x1;
	[tilespmem:$0x1FEF0] =	vst v6;
	v6 =	vor.u32 $0x100, v3  }
0x1a: {  	vm0 =	vcmask $0x704;
	s6 =	sadd.s32 $0x2D800, s1;
	s8 =	sadd.s32 $0x1EC00, s1;
	s4 =	sor.u32 s3, s4;
	[tilespmem:$0x1FF00] =	vst v6;
	v6 =	vor.u32 $0x101, v3  }
0x1b: {  	v2 =	vimm.f32 $0.0e+00;
	vm1 =	vcmask $0x3F04;
	s15 =	sadd.s32 $0x1200, s1;
	s28 =	simm.s32 $0x186A0;
	s5 =	smul.u32 $0x4E20, s4;
	[tilespmem:$0x1FF10] =	vst v6;
	v6 =	vor.u32 $0x102, v3  }
0x1c: {  	v4 =	vimm.f32 $-1.000000000e+00;
	s29 =	simm.s32 $0x1DD20;
	s30 =	simm.s32 $0x1E7A0;
	s7 =	smul.u32 $0x70, s4;
	v38 =	vor.u32 $0x200, v3;
	[tilespmem:$0x1FF20] =	vst v6;
	v6 =	vor.u32 $0x103, v3  }
0x1d: {  	s31 =	simm.s32 $0x1E0A0;
	s25 =	ssub.s32 $0x2, s3;
	s4 =	smul.u32 $0xE, s4;
	v39 =	vor.u32 $0x201, v3;
	v40 =	vor.u32 $0x202, v3;
	[tilespmem:$0x1FF30] =	vst v6;
	v6 =	vor.u32 $0x104, v3  }
0x1e: {  	s26 =	sshrl.u32 s25, $0x1;
	v41 =	vor.u32 $0x203, v3;
	v42 =	vor.u32 $0x204, v3;
	s20 =	sshrl.u32 s5, $0x3;
	s16 =	sadd.s32 s7, s1;
	[tilespmem:$0x1FF40] =	vst v6;
	v6 =	vor.u32 $0x105, v3  }
0x1f: {  	v43 =	vor.u32 $0x205, v3;
	v44 =	vor.u32 $0x206, v3;
	s9 =	sadd.s32 s0, s4;
	s0 =	ssub.s32 s25, s26;
	s25 =	simm.s32 $0x18F00;
	[tilespmem:$0x1FF50] =	vst v6;
	v6 =	vor.u32 $0x106, v3  }
0x20: {  	v45 =	vor.u32 $0x207, v3;
	v46 =	vor.u32 $0x208, v3;
	s26 =	simm.s32 $0x1;
	s1 =	simm.s32 $0x0;
	s21 =	sadd.s32 $0x4E20, s20;
	[tilespmem:$0x1FF60] =	vst v6;
	v6 =	vor.u32 $0x107, v3  }
0x21: {  	v47 =	vor.u32 $0x209, v3;
	v48 =	vor.u32 $0x20A, v3;
	s17 =	sadd.s32 $0x9C40, s20;
	s5 =	sadd.s32 s6, s20;
	s24 =	sadd.s32 s8, s20;
	[tilespmem:$0x1FF70] =	vst v6;
	v6 =	vor.u32 $0x108, v3  }
0x22: {  	v5 =	vimm.s32 $0x0;
	v49 =	vor.u32 $0x20B, v3;
	s10 =	sadd.s32 $0x3C400, s16;
	s11 =	sadd.s32 $0x3C800, s16;
	s12 =	sadd.s32 $0x3CC00, s16;
	[tilespmem:$0x1FF80] =	vst v6;
	v6 =	vor.u32 $0x109, v3  }
0x23: {  	v50 =	vor.u32 $0x20C, v3;
	v51 =	vor.u32 $0x20D, v3;
	s13 =	sadd.s32 $0x3D000, s16;
	s14 =	sadd.s32 s18, s20;
	s15 =	sadd.s32 s15, s20;
	[tilespmem:$0x1FF90] =	vst v6;
	v6 =	vor.u32 $0x10A, v3  }
0x24: {  	v52 =	vor.u32 $0x20E, v3;
	v53 =	vor.u32 $0x20F, v3;
	s19 =	sadd.s32 s19, s20;
	s20 =	smax.u32 s0, $0x1;
	s0 =	simm.s32 $0x1E420;
	[tilespmem:$0x1FFA0] =	vst v6;
	v6 =	vor.u32 $0x10B, v3  }
0x25: {  	v54 =	vor.u32 $0x300, v3;
	v55 =	vor.u32 $0x301, v3;
	[dreg:$0x3] =	wrdreg s5;
	s22 =	sadd.s32 s6, s21;
	s23 =	sadd.s32 s6, s17;
	[tilespmem:$0x1FFB0] =	vst v6;
	v6 =	vor.u32 $0x10C, v3  }
0x26: {  	v56 =	vor.u32 $0x302, v3;
	v57 =	vor.u32 $0x303, v3;
	[dreg:$0x6] =	wrdreg s24;
	s7 =	sadd.s32 s8, s21;
	s8 =	sadd.s32 s8, s17;
	[tilespmem:$0x1FFC0] =	vst v6;
	v6 =	vor.u32 $0x10D, v3  }
0x27: {  	v58 =	vor.u32 $0x304, v3;
	v59 =	vor.u32 $0x305, v3;
	s16 =	sadd.s32 $0xEA60, s14;
	s17 =	sadd.s32 s18, s17;
	s18 =	sadd.s32 s18, s21;
	[tilespmem:$0x1FFD0] =	vst v6;
	v6 =	vor.u32 $0x10E, v3  }
0x28: {  	v60 =	vor.u32 $0x306, v3;
	v61 =	vor.u32 $0x307, v3;
	s21 =	simm.s32 $0x4E20;
	s24 =	simm.s32 $0x2;
	[dreg:$0x4] =	wrdreg s22;
	[tilespmem:$0x1FFE0] =	vst v6;
	v6 =	vor.u32 $0x10F, v3  }
0x29: {  	v62 =	vor.u32 $0x308, v3;
	v63 =	vor.u32 $0x309, v3;
	[dreg:$0x5] =	wrdreg s23;
	s22 =	simm.s32 $0x9C40;
	s23 =	simm.s32 $0xEA60;
	[tilespmem:$0x1FFF0] =	vst v6;
	v6 =	vor.u32 $0x30A, v3  }
.LBB2_2:
0x2a: {  	s3 =	simm.s32 $0x0  }
0x2b: {  	[tilespmem:s3], [sflag:$0x1] =	stream.linear.gather [hbm4b:s19+s3], $0x4E20, $0x38;
	[tilespmem:$0x1EB20] =	vst v63  }
0x2c: {  	_ = 	snop  }
0x2d: {  	[tilespmem:s21], [sflag:$0x1] =	stream.linear.gather [hbm4b:s14+s3], $0x4E20, $0x38;
	[tilespmem:$0x1EB20] =	vst v63  }
0x2e: {  	_ = 	snop  }
0x2f: {  	[tilespmem:s22], [sflag:$0x1] =	stream.linear.gather [hbm4b:s18+s3], $0x4E20, $0x38;
	[tilespmem:$0x1EB20] =	vst v63  }
0x30: {  	_ = 	snop  }
0x31: {  	[tilespmem:s23], [sflag:$0x1] =	stream.linear.gather [hbm4b:s17+s3], $0x4E20, $0x38;
	[tilespmem:$0x1EB20] =	vst v63  }
0x32: {  	s4 =	simm.s32 $0x13880  }
0x33: {  	[tilespmem:s4], [sflag:$0x1] =	stream.linear.gather [hbm4b:s16+s3], $0x4E20, $0x38;
	[tilespmem:$0x1EB20] =	vst v63  }
0x34: {  	_ = 	snop  }
0x35: {  	[tilespmem:s25], [sflag:$0x1] =	stream.linear.gather [hbm4b:s15+s3], $0x4E20, $0x38;
	[tilespmem:$0x1EB20] =	vst v63  }
0x36: {  	[tilespmem:$0x18BF0] =	vst v1  }
0x37: {  	[tilespmem:$0x18C60] =	vst v1  }
0x38: {  	[tilespmem:$0x18CD0] =	vst v1  }
0x39: {  	[tilespmem:$0x18D40] =	vst v1  }
0x3a: {  	[tilespmem:$0x18DB0] =	vst v2  }
0x3b: {  	[tilespmem:$0x18E20] =	vst v4  }
0x3c: {  	[tilespmem:$0x18E90] =	vst v5  }
0x3d: {  	[tilespmem:$0x18C00] =	vst v1  }
0x3e: {  	[tilespmem:$0x18C70] =	vst v1  }
0x3f: {  	[tilespmem:$0x18CE0] =	vst v1  }
0x40: {  	[tilespmem:$0x18D50] =	vst v1  }
0x41: {  	[tilespmem:$0x18DC0] =	vst v2  }
0x42: {  	[tilespmem:$0x18E30] =	vst v4  }
0x43: {  	[tilespmem:$0x18EA0] =	vst v5  }
0x44: {  	[tilespmem:$0x18C10] =	vst v1  }
0x45: {  	[tilespmem:$0x18C80] =	vst v1  }
0x46: {  	[tilespmem:$0x18CF0] =	vst v1  }
0x47: {  	[tilespmem:$0x18D60] =	vst v1  }
0x48: {  	[tilespmem:$0x18DD0] =	vst v2  }
0x49: {  	[tilespmem:$0x18E40] =	vst v4  }
0x4a: {  	[tilespmem:$0x18EB0] =	vst v5  }
0x4b: {  	[tilespmem:$0x18C20] =	vst v1  }
0x4c: {  	[tilespmem:$0x18C90] =	vst v1  }
0x4d: {  	[tilespmem:$0x18D00] =	vst v1  }
0x4e: {  	[tilespmem:$0x18D70] =	vst v1  }
0x4f: {  	[tilespmem:$0x18DE0] =	vst v2  }
0x50: {  	[tilespmem:$0x18E50] =	vst v4  }
0x51: {  	[tilespmem:$0x18EC0] =	vst v5  }
0x52: {  	[tilespmem:$0x18C30] =	vst v1  }
0x53: {  	[tilespmem:$0x18CA0] =	vst v1  }
0x54: {  	[tilespmem:$0x18D10] =	vst v1  }
0x55: {  	[tilespmem:$0x18D80] =	vst v1  }
0x56: {  	[tilespmem:$0x18DF0] =	vst v2  }
0x57: {  	[tilespmem:$0x18E60] =	vst v4  }
0x58: {  	[tilespmem:$0x18ED0] =	vst v5  }
0x59: {  	[tilespmem:$0x18C40] =	vst v1  }
0x5a: {  	[tilespmem:$0x18CB0] =	vst v1  }
0x5b: {  	[tilespmem:$0x18D20] =	vst v1  }
0x5c: {  	[tilespmem:$0x18D90] =	vst v1  }
0x5d: {  	[tilespmem:$0x18E00] =	vst v2  }
0x5e: {  	[tilespmem:$0x18E70] =	vst v4  }
0x5f: {  	[tilespmem:$0x18EE0] =	vst v5  }
0x60: {  	[tilespmem:$0x18C50] =	vst v1  }
0x61: {  	[tilespmem:$0x18CC0] =	vst v1  }
0x62: {  	[tilespmem:$0x18D30] =	vst v1  }
0x63: {  	v7 =	vmov s3;
	[tilespmem:$0x18DA0] =	vst v1  }
0x64: {  	v7 =	vshll.u32 v7, $0x4;
	[tilespmem:$0x18E10] =	vst v2  }
0x65: {  	v7 =	vor.u32 v3, v7;
	[tilespmem:$0x18E80] =	vst v4  }
0x66: {  	v8 =	vor.u32 $0x1, v7;
	[tilespmem:$0x18EF0] =	vst v5  }
0x67: {  	_ =	swait.ge [sflag:s26], $0x4E20  }
0x68: {  	v9 =	vor.u32 $0x2, v7;
	[sflag:s26] =	ssyncset.done $0x0  }
0x69: {  	v11 =	vimm.f32 $-Inf;
	v10 =	vor.u32 $0x3, v7;
	[sflag:s26] =	ssyncadd.s32 $0xFFFFB1E0  }
0x6a: {  	[tilespmem:$0x18B90] =	vst v11;
	v11 =	vor.u32 $0x4, v7  }
0x6b: {  	v12 =	vor.u32 $0x5, v7;
	v8 =	vld.idx.msk [tilespmem:v8+s2+$0x0], $0xffff  }
0x6c: {  	v14 =	vor.u32 $0x6, v7;
	v13 =	vld.idx.msk [tilespmem:v7+s2+$0x0], $0xffff  }
0x6d: {  	v15 =	vor.u32 $0x7, v7;
	v9 =	vld.idx.msk [tilespmem:v9+s2+$0x0], $0xffff  }
0x6e: {  	v16 =	vor.u32 $0x8, v7;
	v10 =	vld.idx.msk [tilespmem:v10+s2+$0x0], $0xffff  }
0x6f: {  	v17 =	vor.u32 $0x9, v7;
	v11 =	vld.idx.msk [tilespmem:v11+s2+$0x0], $0xffff  }
0x70: {  	v18 =	vor.u32 $0xA, v7;
	v12 =	vld.idx.msk [tilespmem:v12+s2+$0x0], $0xffff  }
0x71: {  	v19 =	vor.u32 $0xB, v7;
	v14 =	vld.idx.msk [tilespmem:v14+s2+$0x0], $0xffff;
	v8 =	vmax.f32 v13, v8  }
0x72: {  	v13 =	vld.idx.msk [tilespmem:v15+s2+$0x0], $0xffff;
	v15 =	vor.u32 $0xC, v7;
	v8 =	vmax.f32 v8, v9  }
0x73: {  	v31 =	vor.u32 $0xD, v7;
	v9 =	vld.idx.msk [tilespmem:v16+s2+$0x0], $0xffff;
	v8 =	vmax.f32 v8, v10  }
0x74: {  	v32 =	vor.u32 $0xE, v7;
	v10 =	vld.idx.msk [tilespmem:v17+s2+$0x0], $0xffff;
	v8 =	vmax.f32 v8, v11  }
0x75: {  	v7 =	vor.u32 $0xF, v7;
	v11 =	vld.idx.msk [tilespmem:v18+s2+$0x0], $0xffff;
	v8 =	vmax.f32 v8, v12  }
0x76: {  	v12 =	vld.idx.msk [tilespmem:v19+s2+$0x0], $0xffff;
	v8 =	vmax.f32 v8, v14  }
0x77: {  	v14 =	vld.idx.msk [tilespmem:v15+s2+$0x0], $0xffff;
	v8 =	vmax.f32 v8, v13  }
0x78: {  	s5 =	simm.s32 $0x10;
	v13 =	vld.idx.msk [tilespmem:v31+s2+$0x0], $0xffff;
	v8 =	vmax.f32 v8, v9  }
0x79: {  	v15 =	vmov s5;
	v9 =	vld.idx.msk [tilespmem:v32+s2+$0x0], $0xffff;
	v8 =	vmax.f32 v8, v10  }
0x7a: {  	v7 =	vld.idx.msk [tilespmem:v7+s2+$0x0], $0xffff;
	v10 =	vshll.u32 v15, $0x4;
	v8 =	vmax.f32 v8, v11  }
0x7b: {  	v10 =	vor.u32 v3, v10;
	v8 =	vmax.f32 v8, v12  }
0x7c: {  	v11 =	vor.u32 $0x1, v10;
	v8 =	vmax.f32 v8, v14  }
0x7d: {  	v8 =	vmax.f32 v8, v13  }
0x7e: {  	v12 =	vor.u32 $0x2, v10;
	v8 =	vmax.f32 v8, v9  }
0x7f: {  	v9 =	vor.u32 $0x3, v10;
	v7 =	vmax.f32 v8, v7  }
0x80: {  	v8 =	vor.u32 $0x4, v10;
	[tilespmem:s28+$0x0] =	vst v7  }
0x81: {  	v7 =	vld.idx.msk [tilespmem:v11+s2+$0x0], $0xffff;
	v11 =	vor.u32 $0x5, v10  }
0x82: {  	v14 =	vor.u32 $0x6, v10;
	v13 =	vld.idx.msk [tilespmem:v10+s2+$0x0], $0xffff  }
0x83: {  	v15 =	vor.u32 $0x7, v10;
	v12 =	vld.idx.msk [tilespmem:v12+s2+$0x0], $0xffff  }
0x84: {  	v33 =	vor.u32 $0x8, v10;
	v9 =	vld.idx.msk [tilespmem:v9+s2+$0x0], $0xffff  }
0x85: {  	v34 =	vor.u32 $0x9, v10;
	v8 =	vld.idx.msk [tilespmem:v8+s2+$0x0], $0xffff  }
0x86: {  	v35 =	vor.u32 $0xA, v10;
	v11 =	vld.idx.msk [tilespmem:v11+s2+$0x0], $0xffff  }
0x87: {  	v36 =	vor.u32 $0xB, v10;
	v14 =	vld.idx.msk [tilespmem:v14+s2+$0x0], $0xffff;
	v7 =	vmax.f32 v13, v7  }
0x88: {  	v13 =	vld.idx.msk [tilespmem:v15+s2+$0x0], $0xffff;
	v15 =	vor.u32 $0xC, v10;
	v7 =	vmax.f32 v7, v12  }
0x89: {  	v37 =	vor.u32 $0xD, v10;
	v12 =	vld.idx.msk [tilespmem:v33+s2+$0x0], $0xffff;
	v7 =	vmax.f32 v7, v9  }
0x8a: {  	v20 =	vor.u32 $0xE, v10;
	v17 =	vld.idx.msk [tilespmem:v34+s2+$0x0], $0xffff;
	v7 =	vmax.f32 v7, v8  }
0x8b: {  	v21 =	vor.u32 $0xF, v10;
	v18 =	vld.idx.msk [tilespmem:v35+s2+$0x0], $0xffff;
	v8 =	vmax.f32 v7, v11  }
0x8c: {  	v7 =	vld.idx.msk [tilespmem:v36+s2+$0x0], $0xffff;
	v9 =	vmax.f32 v8, v14  }
0x8d: {  	v8 =	vld.idx.msk [tilespmem:v15+s2+$0x0], $0xffff;
	v10 =	vmax.f32 v9, v13  }
0x8e: {  	s6 =	simm.s32 $0x20;
	v9 =	vld.idx.msk [tilespmem:v37+s2+$0x0], $0xffff;
	v11 =	vmax.f32 v10, v12  }
0x8f: {  	v10 =	vld.idx.msk [tilespmem:v20+s2+$0x0], $0xffff;
	v12 =	vmov s6;
	v13 =	vmax.f32 v11, v17  }
0x90: {  	s4 =	simm.s32 $0x30;
	s3 =	simm.s32 $0x186A0;
	v11 =	vld.idx.msk [tilespmem:v21+s2+$0x0], $0xffff;
	v12 =	vshll.u32 v12, $0x4;
	v13 =	vmax.f32 v13, v18  }
.LBB2_3:
0x91: {  	p0 =	sne.s32 s4, $0x4D0;
	v12 =	vor.u32 v3, v12;
	v7 =	vmax.f32 v13, v7  }
0x92: {  	v13 =	vor.u32 $0x1, v12;
	v7 =	vmax.f32 v7, v8  }
0x93: {  	v7 =	vmax.f32 v7, v9  }
0x94: {  	v8 =	vor.u32 $0x2, v12;
	v7 =	vmax.f32 v7, v10  }
0x95: {  	s3 =	sadd.s32 $0x10, s3;
	v9 =	vor.u32 $0x3, v12;
	v7 =	vmax.f32 v7, v11  }
0x96: {  	v10 =	vor.u32 $0x4, v12;
	[tilespmem:s3+$0x0] =	vst v7  }
0x97: {  	v11 =	vor.u32 $0x5, v12;
	v7 =	vld.idx.msk [tilespmem:v13+s2+$0x0], $0xffff  }
0x98: {  	v14 =	vor.u32 $0x6, v12;
	v13 =	vld.idx.msk [tilespmem:v12+s2+$0x0], $0xffff  }
0x99: {  	v15 =	vor.u32 $0x7, v12;
	v8 =	vld.idx.msk [tilespmem:v8+s2+$0x0], $0xffff  }
0x9a: {  	v16 =	vor.u32 $0x8, v12;
	v9 =	vld.idx.msk [tilespmem:v9+s2+$0x0], $0xffff  }
0x9b: {  	v17 =	vor.u32 $0x9, v12;
	v10 =	vld.idx.msk [tilespmem:v10+s2+$0x0], $0xffff  }
0x9c: {  	v18 =	vor.u32 $0xA, v12;
	v11 =	vld.idx.msk [tilespmem:v11+s2+$0x0], $0xffff  }
0x9d: {  	v19 =	vor.u32 $0xB, v12;
	v14 =	vld.idx.msk [tilespmem:v14+s2+$0x0], $0xffff  }
0x9e: {  	v7 =	vmax.f32 v13, v7;
	v13 =	vld.idx.msk [tilespmem:v15+s2+$0x0], $0xffff;
	v15 =	vor.u32 $0xC, v12  }
0x9f: {  	v20 =	vor.u32 $0xD, v12;
	v7 =	vmax.f32 v7, v8;
	v16 =	vld.idx.msk [tilespmem:v16+s2+$0x0], $0xffff  }
0xa0: {  	v21 =	vor.u32 $0xE, v12;
	v7 =	vmax.f32 v7, v9;
	v17 =	vld.idx.msk [tilespmem:v17+s2+$0x0], $0xffff  }
0xa1: {  	v12 =	vor.u32 $0xF, v12;
	v7 =	vmax.f32 v7, v10;
	v18 =	vld.idx.msk [tilespmem:v18+s2+$0x0], $0xffff  }
0xa2: {  	v8 =	vmax.f32 v7, v11;
	v7 =	vld.idx.msk [tilespmem:v19+s2+$0x0], $0xffff  }
.Ltmp1:
0xa3: {  	v9 =	vmax.f32 v8, v14;
	v8 =	vld.idx.msk [tilespmem:v15+s2+$0x0], $0xffff;
	(pc) =	sbr.rel @p0 .LBB2_3-.Ltmp1, $4  }
0xa4: {  	v10 =	vmax.f32 v9, v13;
	v9 =	vld.idx.msk [tilespmem:v20+s2+$0x0], $0xffff  }
0xa5: {  	v11 =	vmax.f32 v10, v16;
	v10 =	vld.idx.msk [tilespmem:v21+s2+$0x0], $0xffff  }
0xa6: {  	v13 =	vmov s4;
	v14 =	vmax.f32 v11, v17;
	v11 =	vld.idx.msk [tilespmem:v12+s2+$0x0], $0xffff  }
0xa7: {  	s4 =	sadd.s32 $0x10, s4;
	v12 =	vshll.u32 v13, $0x4;
	v13 =	vmax.f32 v14, v18  }
0xa8: {  	v12 =	vor.u32 v3, v12;
	v7 =	vmax.f32 v13, v7  }
0xa9: {  	v35 =	vor.u32 $0x1, v12;
	v7 =	vmax.f32 v7, v8  }
0xaa: {  	v7 =	vmax.f32 v7, v9  }
0xab: {  	v8 =	vor.u32 $0x2, v12;
	v7 =	vmax.f32 v7, v10  }
0xac: {  	s3 =	sadd.s32 $0x10, s3;
	v36 =	vor.u32 $0x3, v12;
	v7 =	vmax.f32 v7, v11  }
0xad: {  	v37 =	vor.u32 $0x4, v12;
	[tilespmem:s3+$0x0] =	vst v7  }
0xae: {  	v20 =	vor.u32 $0x5, v12;
	v7 =	vld.idx.msk [tilespmem:v35+s2+$0x0], $0xffff  }
0xaf: {  	v14 =	vor.u32 $0x6, v12;
	v21 =	vld.idx.msk [tilespmem:v12+s2+$0x0], $0xffff  }
0xb0: {  	v15 =	vor.u32 $0x7, v12;
	v8 =	vld.idx.msk [tilespmem:v8+s2+$0x0], $0xffff  }
0xb1: {  	v16 =	vor.u32 $0x8, v12;
	v9 =	vld.idx.msk [tilespmem:v36+s2+$0x0], $0xffff  }
0xb2: {  	v17 =	vor.u32 $0x9, v12;
	v10 =	vld.idx.msk [tilespmem:v37+s2+$0x0], $0xffff  }
0xb3: {  	v18 =	vor.u32 $0xA, v12;
	v11 =	vld.idx.msk [tilespmem:v20+s2+$0x0], $0xffff  }
0xb4: {  	v22 =	vor.u32 $0xB, v12;
	v14 =	vld.idx.msk [tilespmem:v14+s2+$0x0], $0xffff;
	v7 =	vmax.f32 v21, v7  }
0xb5: {  	v15 =	vld.idx.msk [tilespmem:v15+s2+$0x0], $0xffff;
	v7 =	vmax.f32 v7, v8;
	v8 =	vor.u32 $0xC, v12  }
0xb6: {  	v23 =	vor.u32 $0xD, v12;
	v16 =	vld.idx.msk [tilespmem:v16+s2+$0x0], $0xffff;
	v7 =	vmax.f32 v7, v9  }
0xb7: {  	v24 =	vor.u32 $0xE, v12;
	v17 =	vld.idx.msk [tilespmem:v17+s2+$0x0], $0xffff;
	v7 =	vmax.f32 v7, v10  }
0xb8: {  	v25 =	vld.idx.msk [tilespmem:v18+s2+$0x0], $0xffff;
	v12 =	vor.u32 $0xF, v12;
	v7 =	vmax.f32 v7, v11  }
0xb9: {  	v13 =	vld.idx.msk [tilespmem:v22+s2+$0x0], $0xffff;
	v7 =	vmax.f32 v7, v14  }
0xba: {  	v8 =	vld.idx.msk [tilespmem:v8+s2+$0x0], $0xffff;
	v7 =	vmax.f32 v7, v15  }
0xbb: {  	v9 =	vld.idx.msk [tilespmem:v23+s2+$0x0], $0xffff;
	v7 =	vmax.f32 v7, v16  }
0xbc: {  	v10 =	vld.idx.msk [tilespmem:v24+s2+$0x0], $0xffff;
	v7 =	vmax.f32 v7, v17  }
0xbd: {  	v12 =	vld.idx.msk [tilespmem:v12+s2+$0x0], $0xffff;
	v7 =	vmax.f32 v7, v25  }
0xbe: {  	v7 =	vmax.f32 v7, v13  }
0xbf: {  	v7 =	vmax.f32 v7, v8  }
0xc0: {  	v7 =	vmax.f32 v7, v9  }
0xc1: {  	v7 =	vmax.f32 v7, v10  }
0xc2: {  	s3 =	sadd.s32 $0x10, s3;
	v7 =	vmax.f32 v7, v12  }
0xc3: {  	[tilespmem:s3+$0x0] =	vst v7  }
0xc4: {  	v7 =	vld [tilespmem:$0x4E00]  }
0xc5: {  	v8 =	vld [tilespmem:$0x4E10];
	_ =	sdelay $0x3  }
0xc6: {  	(xrf0) =	vmax.scan.msk.f32 $0xffff, v7  }
0xc7: {  	(xrf0) =	vmax.scan.msk.f32 $0xffff, v8;
	_ =	sdelay $0x4  }
0xc8: {  	v7, _, _ =	vpop (xrf0)  }
0xc9: {  	v8, _, _ =	vpop (xrf0)  }
0xca: {  	v8 =	vbroadcast v8, $0xF  }
0xcb: {  	v7 =	vbroadcast v7, $0xF  }
0xcc: {  	v8 =	vnsel vm0, $0xFF800000, v8  }
0xcd: {  	v7 =	vsel vm1, v8, v7;
	v8 =	vld [tilespmem:$0x1FE10];
	_ =	sdelay $0x5  }
0xce: {  	[tilespmem:$0x18B80] =	vst v7  }
0xcf: {  	v7 =	vld.idx.msk [tilespmem:v3+s28+$0x0], $0xffff  }
0xd0: {  	v8 =	vld.idx.msk [tilespmem:v8+s28+$0x0], $0xffff  }
0xd1: {  	v26 =	vld [tilespmem:$0x1FE20]  }
0xd2: {  	v27 =	vld [tilespmem:$0x1FE30]  }
0xd3: {  	v28 =	vld [tilespmem:$0x1FE40]  }
0xd4: {  	v29 =	vld [tilespmem:$0x1FE50]  }
0xd5: {  	v7 =	vmax.f32 v7, v8;
	v8 =	vld [tilespmem:$0x1FE60];
	_ =	sdelay $0x2  }
0xd6: {  	v30 =	vld [tilespmem:$0x1FE70]  }
0xd7: {  	v9 =	vld.idx.msk [tilespmem:v26+s28+$0x0], $0xffff  }
0xd8: {  	v10 =	vld.idx.msk [tilespmem:v27+s28+$0x0], $0xffff  }
0xd9: {  	v11 =	vld.idx.msk [tilespmem:v28+s28+$0x0], $0xffff  }
0xda: {  	v12 =	vld.idx.msk [tilespmem:v29+s28+$0x0], $0xffff  }
0xdb: {  	v8 =	vld.idx.msk [tilespmem:v8+s28+$0x0], $0xffff  }
0xdc: {  	v31 =	vld [tilespmem:$0x1FE80];
	v7 =	vmax.f32 v7, v9  }
0xdd: {  	v32 =	vld [tilespmem:$0x1FE90];
	v7 =	vmax.f32 v7, v10  }
0xde: {  	v33 =	vld [tilespmem:$0x1FEA0];
	v7 =	vmax.f32 v7, v11  }
0xdf: {  	v34 =	vld [tilespmem:$0x1FEC0];
	v7 =	vmax.f32 v7, v12  }
0xe0: {  	v7 =	vmax.f32 v7, v8;
	v8 =	vld [tilespmem:$0x1FEB0]  }
0xe1: {  	v35 =	vld [tilespmem:$0x1FED0]  }
0xe2: {  	v36 =	vld [tilespmem:$0x1FEE0]  }
0xe3: {  	v37 =	vld [tilespmem:$0x1FEF0]  }
0xe4: {  	v9 =	vld.idx.msk [tilespmem:v30+s28+$0x0], $0xffff  }
0xe5: {  	v10 =	vld.idx.msk [tilespmem:v31+s28+$0x0], $0xffff  }
0xe6: {  	v11 =	vld.idx.msk [tilespmem:v32+s28+$0x0], $0xffff  }
0xe7: {  	v12 =	vld.idx.msk [tilespmem:v33+s28+$0x0], $0xffff  }
0xe8: {  	v8 =	vld.idx.msk [tilespmem:v8+s28+$0x0], $0xffff  }
0xe9: {  	v7 =	vmax.f32 v7, v9;
	v9 =	vld.idx.msk [tilespmem:v34+s28+$0x0], $0xffff  }
0xea: {  	v7 =	vmax.f32 v7, v10;
	v10 =	vld.idx.msk [tilespmem:v35+s28+$0x0], $0xffff  }
0xeb: {  	v7 =	vmax.f32 v7, v11;
	v11 =	vld.idx.msk [tilespmem:v36+s28+$0x0], $0xffff  }
0xec: {  	v7 =	vmax.f32 v7, v12;
	v12 =	vld.idx.msk [tilespmem:v37+s28+$0x0], $0xffff  }
0xed: {  	v7 =	vmax.f32 v7, v8  }
0xee: {  	v7 =	vmax.f32 v7, v9  }
0xef: {  	v7 =	vmax.f32 v7, v10  }
0xf0: {  	v7 =	vmax.f32 v7, v11  }
0xf1: {  	v8 =	vld [tilespmem:$0x1FF10];
	v7 =	vmax.f32 v7, v12  }
0xf2: {  	[tilespmem:$0x18BA0] =	vst v7;
	v7 =	vld [tilespmem:$0x1FF00];
	_ =	sdelay $0x6  }
0xf3: {  	v8 =	vld.idx.msk [tilespmem:v8+s28+$0x0], $0xffff  }
0xf4: {  	v7 =	vld.idx.msk [tilespmem:v7+s28+$0x0], $0xffff  }
0xf5: {  	v15 =	vld [tilespmem:$0x1FF20]  }
0xf6: {  	v16 =	vld [tilespmem:$0x1FF30]  }
0xf7: {  	v17 =	vld [tilespmem:$0x1FF40]  }
0xf8: {  	v18 =	vld [tilespmem:$0x1FF50]  }
0xf9: {  	v7 =	vmax.f32 v7, v8;
	v8 =	vld [tilespmem:$0x1FF60];
	_ =	sdelay $0x2  }
0xfa: {  	v19 =	vld [tilespmem:$0x1FF70]  }
0xfb: {  	v9 =	vld.idx.msk [tilespmem:v15+s28+$0x0], $0xffff  }
0xfc: {  	v10 =	vld.idx.msk [tilespmem:v16+s28+$0x0], $0xffff  }
0xfd: {  	v11 =	vld.idx.msk [tilespmem:v17+s28+$0x0], $0xffff  }
0xfe: {  	v12 =	vld.idx.msk [tilespmem:v18+s28+$0x0], $0xffff  }
0xff: {  	v8 =	vld.idx.msk [tilespmem:v8+s28+$0x0], $0xffff  }
0x100: {  	v20 =	vld [tilespmem:$0x1FF80];
	v7 =	vmax.f32 v7, v9  }
0x101: {  	v22 =	vld [tilespmem:$0x1FFA0];
	v7 =	vmax.f32 v7, v10  }
0x102: {  	v21 =	vld [tilespmem:$0x1FF90];
	v7 =	vmax.f32 v7, v11  }
0x103: {  	v23 =	vld [tilespmem:$0x1FFC0];
	v7 =	vmax.f32 v7, v12  }
0x104: {  	v7 =	vmax.f32 v7, v8;
	v8 =	vld [tilespmem:$0x1FFB0]  }
0x105: {  	v24 =	vld [tilespmem:$0x1FFD0]  }
0x106: {  	v25 =	vld [tilespmem:$0x1FFE0]  }
0x107: {  	v26 =	vld [tilespmem:$0x1FFF0]  }
0x108: {  	v9 =	vld.idx.msk [tilespmem:v19+s28+$0x0], $0xffff  }
0x109: {  	v10 =	vld.idx.msk [tilespmem:v20+s28+$0x0], $0xffff  }
0x10a: {  	v11 =	vld.idx.msk [tilespmem:v21+s28+$0x0], $0xffff  }
0x10b: {  	v12 =	vld.idx.msk [tilespmem:v22+s28+$0x0], $0xffff  }
0x10c: {  	v8 =	vld.idx.msk [tilespmem:v8+s28+$0x0], $0xffff  }
0x10d: {  	v7 =	vmax.f32 v7, v9;
	v9 =	vld.idx.msk [tilespmem:v23+s28+$0x0], $0xffff  }
0x10e: {  	v7 =	vmax.f32 v7, v10;
	v10 =	vld.idx.msk [tilespmem:v24+s28+$0x0], $0xffff  }
0x10f: {  	v7 =	vmax.f32 v7, v11;
	v11 =	vld.idx.msk [tilespmem:v25+s28+$0x0], $0xffff  }
0x110: {  	v7 =	vmax.f32 v7, v12;
	v12 =	vld.idx.msk [tilespmem:v26+s28+$0x0], $0xffff  }
0x111: {  	v7 =	vmax.f32 v7, v8  }
0x112: {  	v7 =	vmax.f32 v7, v9  }
0x113: {  	v7 =	vmax.f32 v7, v10  }
0x114: {  	v7 =	vmax.f32 v7, v11  }
0x115: {  	v7 =	vmax.f32 v7, v12  }
0x116: {  	[tilespmem:$0x18BB0] =	vst v7  }
0x117: {  	v7 =	vld.idx.msk [tilespmem:v38+s28+$0x0], $0xffff  }
0x118: {  	v8 =	vld.idx.msk [tilespmem:v39+s28+$0x0], $0xffff  }
0x119: {  	v27 =	vld.idx.msk [tilespmem:v40+s28+$0x0], $0xffff  }
0x11a: {  	v28 =	vld.idx.msk [tilespmem:v41+s28+$0x0], $0xffff  }
0x11b: {  	v29 =	vld.idx.msk [tilespmem:v42+s28+$0x0], $0xffff  }
0x11c: {  	v30 =	vld.idx.msk [tilespmem:v43+s28+$0x0], $0xffff  }
0x11d: {  	v7 =	vmax.f32 v7, v8;
	v8 =	vld.idx.msk [tilespmem:v44+s28+$0x0], $0xffff  }
0x11e: {  	v31 =	vld.idx.msk [tilespmem:v45+s28+$0x0], $0xffff;
	v7 =	vmax.f32 v7, v27  }
0x11f: {  	v32 =	vld.idx.msk [tilespmem:v46+s28+$0x0], $0xffff;
	v7 =	vmax.f32 v7, v28  }
0x120: {  	v33 =	vld.idx.msk [tilespmem:v47+s28+$0x0], $0xffff;
	v7 =	vmax.f32 v7, v29  }
0x121: {  	v34 =	vld.idx.msk [tilespmem:v48+s28+$0x0], $0xffff;
	v7 =	vmax.f32 v7, v30  }
0x122: {  	v7 =	vmax.f32 v7, v8;
	v8 =	vld.idx.msk [tilespmem:v49+s28+$0x0], $0xffff  }
0x123: {  	v35 =	vld.idx.msk [tilespmem:v50+s28+$0x0], $0xffff;
	v7 =	vmax.f32 v7, v31  }
0x124: {  	v36 =	vld.idx.msk [tilespmem:v51+s28+$0x0], $0xffff;
	v7 =	vmax.f32 v7, v32  }
0x125: {  	v37 =	vld.idx.msk [tilespmem:v52+s28+$0x0], $0xffff;
	v7 =	vmax.f32 v7, v33  }
0x126: {  	v16 =	vld.idx.msk [tilespmem:v53+s28+$0x0], $0xffff;
	v7 =	vmax.f32 v7, v34  }
0x127: {  	v7 =	vmax.f32 v7, v8  }
0x128: {  	v7 =	vmax.f32 v7, v35  }
0x129: {  	v7 =	vmax.f32 v7, v36  }
0x12a: {  	v7 =	vmax.f32 v7, v37  }
0x12b: {  	v7 =	vmax.f32 v7, v16  }
0x12c: {  	[tilespmem:$0x18BC0] =	vst v7  }
0x12d: {  	v7 =	vld.idx.msk [tilespmem:v54+s28+$0x0], $0xffff  }
0x12e: {  	v8 =	vld.idx.msk [tilespmem:v55+s28+$0x0], $0xffff  }
0x12f: {  	v17 =	vld.idx.msk [tilespmem:v56+s28+$0x0], $0xffff  }
0x130: {  	v18 =	vld.idx.msk [tilespmem:v57+s28+$0x0], $0xffff  }
0x131: {  	v19 =	vld.idx.msk [tilespmem:v58+s28+$0x0], $0xffff  }
0x132: {  	v20 =	vld.idx.msk [tilespmem:v59+s28+$0x0], $0xffff  }
0x133: {  	v21 =	vor.u32 $0x30B, v3;
	v7 =	vmax.f32 v7, v8;
	v8 =	vld.idx.msk [tilespmem:v60+s28+$0x0], $0xffff  }
0x134: {  	v23 =	vor.u32 $0x30C, v3;
	v22 =	vld.idx.msk [tilespmem:v61+s28+$0x0], $0xffff;
	v7 =	vmax.f32 v7, v17  }
0x135: {  	v25 =	vor.u32 $0x30D, v3;
	v24 =	vld.idx.msk [tilespmem:v62+s28+$0x0], $0xffff;
	v7 =	vmax.f32 v7, v18  }
0x136: {  	v27 =	vor.u32 $0x30E, v3;
	v26 =	vld.idx.msk [tilespmem:v63+s28+$0x0], $0xffff;
	v7 =	vmax.f32 v7, v19  }
0x137: {  	v29 =	vor.u32 $0x30F, v3;
	v28 =	vld.idx.msk [tilespmem:v6+s28+$0x0], $0xffff;
	v7 =	vmax.f32 v7, v20  }
0x138: {  	v7 =	vmax.f32 v7, v8;
	v8 =	vld.idx.msk [tilespmem:v21+s28+$0x0], $0xffff  }
0x139: {  	v30 =	vld.idx.msk [tilespmem:v23+s28+$0x0], $0xffff;
	v7 =	vmax.f32 v7, v22  }
0x13a: {  	v31 =	vld.idx.msk [tilespmem:v25+s28+$0x0], $0xffff;
	v7 =	vmax.f32 v7, v24  }
0x13b: {  	v32 =	vld.idx.msk [tilespmem:v27+s28+$0x0], $0xffff;
	v7 =	vmax.f32 v7, v26  }
0x13c: {  	v33 =	vld.idx.msk [tilespmem:v29+s28+$0x0], $0xffff;
	v7 =	vmax.f32 v7, v28  }
0x13d: {  	v7 =	vmax.f32 v7, v8  }
0x13e: {  	v8 =	vor.u32 $0x400, v3;
	v7 =	vmax.f32 v7, v30  }
0x13f: {  	v34 =	vor.u32 $0x401, v3;
	v7 =	vmax.f32 v7, v31  }
0x140: {  	v35 =	vor.u32 $0x402, v3;
	v7 =	vmax.f32 v7, v32  }
0x141: {  	v36 =	vor.u32 $0x403, v3;
	v7 =	vmax.f32 v7, v33  }
0x142: {  	[tilespmem:$0x18BD0] =	vst v7;
	v7 =	vor.u32 $0x404, v3  }
0x143: {  	v37 =	vor.u32 $0x405, v3;
	v8 =	vld.idx.msk [tilespmem:v8+s28+$0x0], $0xffff  }
0x144: {  	v20 =	vor.u32 $0x406, v3;
	v9 =	vld.idx.msk [tilespmem:v34+s28+$0x0], $0xffff  }
0x145: {  	v21 =	vor.u32 $0x407, v3;
	v10 =	vld.idx.msk [tilespmem:v35+s28+$0x0], $0xffff  }
0x146: {  	v22 =	vor.u32 $0x408, v3;
	v11 =	vld.idx.msk [tilespmem:v36+s28+$0x0], $0xffff  }
0x147: {  	v23 =	vor.u32 $0x409, v3;
	v7 =	vld.idx.msk [tilespmem:v7+s28+$0x0], $0xffff  }
0x148: {  	v24 =	vor.u32 $0x40A, v3;
	v12 =	vld.idx.msk [tilespmem:v37+s28+$0x0], $0xffff  }
0x149: {  	v26 =	vor.u32 $0x40B, v3;
	v25 =	vld.idx.msk [tilespmem:v20+s28+$0x0], $0xffff;
	v8 =	vmax.f32 v8, v9  }
0x14a: {  	v28 =	vor.u32 $0x40C, v3;
	v27 =	vld.idx.msk [tilespmem:v21+s28+$0x0], $0xffff;
	v8 =	vmax.f32 v8, v10  }
0x14b: {  	v30 =	vor.u32 $0x40D, v3;
	v29 =	vld.idx.msk [tilespmem:v22+s28+$0x0], $0xffff;
	v8 =	vmax.f32 v8, v11  }
0x14c: {  	v31 =	vor.u32 $0x40E, v3;
	v7 =	vmax.f32 v8, v7;
	v8 =	vld.idx.msk [tilespmem:v23+s28+$0x0], $0xffff  }
0x14d: {  	v33 =	vor.u32 $0x40F, v3;
	v32 =	vld.idx.msk [tilespmem:v24+s28+$0x0], $0xffff;
	v7 =	vmax.f32 v7, v12  }
0x14e: {  	v34 =	vld.idx.msk [tilespmem:v26+s28+$0x0], $0xffff;
	v7 =	vmax.f32 v7, v25  }
0x14f: {  	v35 =	vld.idx.msk [tilespmem:v28+s28+$0x0], $0xffff;
	v7 =	vmax.f32 v7, v27  }
0x150: {  	v36 =	vld.idx.msk [tilespmem:v30+s28+$0x0], $0xffff;
	v7 =	vmax.f32 v7, v29  }
0x151: {  	v7 =	vmax.f32 v7, v8;
	v8 =	vld.idx.msk [tilespmem:v31+s28+$0x0], $0xffff  }
0x152: {  	v37 =	vld.idx.msk [tilespmem:v33+s28+$0x0], $0xffff;
	v7 =	vmax.f32 v7, v32  }
0x153: {  	v7 =	vmax.f32 v7, v34  }
0x154: {  	v7 =	vmax.f32 v7, v35  }
0x155: {  	v7 =	vmax.f32 v7, v36  }
0x156: {  	v7 =	vmax.f32 v7, v8  }
0x157: {  	v7 =	vmax.f32 v7, v37  }
0x158: {  	[tilespmem:$0x18BE0] =	vst v7  }
0x159: {  	_ =	swait.ge [sflag:s26], $0x4E20  }
0x15a: {  	[sflag:s26] =	ssyncset.done $0x0  }
0x15b: {  	[sflag:s26] =	ssyncadd.s32 $0xFFFFB1E0  }
0x15c: {  	_ =	swait.ge [sflag:s26], $0x4E20  }
0x15d: {  	[sflag:s26] =	ssyncset.done $0x0  }
0x15e: {  	[sflag:s26] =	ssyncadd.s32 $0xFFFFB1E0  }
0x15f: {  	_ =	swait.ge [sflag:s26], $0x4E20  }
0x160: {  	[sflag:s26] =	ssyncset.done $0x0  }
0x161: {  	[sflag:s26] =	ssyncadd.s32 $0xFFFFB1E0  }
0x162: {  	_ =	swait.ge [sflag:s26], $0x4E20  }
0x163: {  	[sflag:s26] =	ssyncset.done $0x0  }
0x164: {  	s3 =	simm.s32 $0x0;
	[sflag:s26] =	ssyncadd.s32 $0xFFFFB1E0  }
.LBB2_5:
0x165: {  	v8 =	vld [tilespmem:$0x18BA0]  }
0x166: {  	v9 =	vld [tilespmem:$0x18BB0]  }
0x167: {  	v10 =	vld [tilespmem:$0x18BC0]  }
0x168: {  	v11 =	vld [tilespmem:$0x18BD0]  }
0x169: {  	v12 =	vld [tilespmem:$0x18BE0];
	_ =	sdelay $0x1  }
0x16a: {  	v7 =	vmax.f32 v8, v9  }
0x16b: {  	v7 =	vmax.f32 v7, v10  }
0x16c: {  	v7 =	vmax.f32 v7, v11  }
0x16d: {  	v7 =	vmax.f32 v7, v12  }
0x16e: {  	(xrf0) =	vmax.scan.msk.f32 $0xffff, v7;
	_ =	sdelay $0x5  }
0x16f: {  	v13, _, _ =	vpop (xrf0)  }
0x170: {  	v7 =	vbroadcast v13, $0xF;
	_ =	sdelay $0x1  }
0x171: {  	vm2 =	veq.f32 v8, v7  }
0x172: {  	v8 =	vmctz.xlane vm2  }
0x173: {  	vm2 =	veq.f32 v9, v7  }
0x174: {  	v9 =	vmctz.xlane vm2;
	vm3 =	vlt.s32 v8, $0x270F  }
0x175: {  	vm2 =	vlt.s32 v8, $0x10;
	v8 =	vnsel vm3, $0x270F, v8  }
0x176: {  	v14 =	vadd.s32 $0x10, v9;
	v8 =	vnsel vm2, $0x270F, v8;
	vm2 =	veq.f32 v10, v7  }
0x177: {  	vm4 =	veq.f32 v11, v7;
	vm3 =	vlt.s32 v8, v14;
	v10 =	vmctz.xlane vm2  }
0x178: {  	v30 =	vmctz.xlane vm4;
	vm2 =	vlt.s32 v9, $0x10;
	v28 =	vsel vm3, v8, v14  }
0x179: {  	vm3 =	vlt.s32 v10, $0x10;
	v10 =	vadd.s32 $0x20, v10;
	v8 =	vsel vm2, v28, v8  }
0x17a: {  	v29 =	vnsel vm3, $0x270F, v10;
	vm3 =	veq.f32 v12, v7;
	v10 =	vadd.s32 $0x30, v30  }
0x17b: {  	vm2 =	vlt.s32 v8, v29;
	v31 =	vmctz.xlane vm3;
	vm3 =	vlt.s32 v30, $0x10  }
0x17c: {  	v8 =	vsel vm2, v8, v29;
	v32 =	vnsel vm3, $0x270F, v10  }
0x17d: {  	vm2 =	vlt.s32 v8, v32;
	vm3 =	vlt.s32 v31, $0x10;
	v33 =	vadd.s32 $0x40, v31  }
0x17e: {  	v8 =	vsel vm2, v8, v32;
	v34 =	vnsel vm3, $0x270F, v33  }
0x17f: {  	vm2 =	vlt.s32 v8, v34  }
0x180: {  	v8 =	vsel vm2, v8, v34  }
0x181: {  	v9 =	vshll.u32 v8, $0x4  }
0x182: {  	v35 =	vor.u32 v0, v9;
	_ =	sdelay $0x4  }
0x183: {  	v12 =	vld.idx.msk [tilespmem:v35+s28+$0x0], $0xffff;
	_ =	sdelay $0x4  }
0x184: {  	vm2 =	veq.f32 v12, v7  }
0x185: {  	v14 =	vmctz.xlane vm2;
	_ =	sdelay $0x1  }
0x186: {  	v9 =	vadd.s32 v14, v9  }
0x187: {  	v36 =	vshll.u32 v9, $0x4  }
0x188: {  	v10 =	vor.u32 v0, v36;
	_ =	sdelay $0x4  }
0x189: {  	v19 =	vld.idx.msk [tilespmem:v10+s2+$0x0], $0xffff;
	_ =	sdelay $0x4  }
0x18a: {  	vm2 =	veq.f32 v19, v7  }
0x18b: {  	v20 =	vmctz.xlane vm2;
	_ =	sdelay $0x1  }
0x18c: {  	v11 =	vadd.s32 v20, v36  }
0x18d: {  	v37 =	vld [tilespmem:$0x18BF0];
	v16 =	vand.u32 $0x7, v20;
	v15 =	vand.u32 $0xFFFFFFF8, v11  }
0x18e: {  	v22 =	vld [tilespmem:$0x18C60];
	v15 =	vor.u32 v16, v15  }
0x18f: {  	v23 =	vld [tilespmem:$0x18CD0];
	v16 =	vadd.s32 $0x4E20, v15  }
0x190: {  	v24 =	vld [tilespmem:$0x18D40];
	v17 =	vadd.s32 $0x9C40, v15  }
0x191: {  	v25 =	vld [tilespmem:$0x18DB0];
	v21 =	vadd.s32 $0xEA60, v15  }
0x192: {  	v26 =	vld [tilespmem:$0x18C00];
	v15 =	vadd.s32 $0x13880, v15  }
0x193: {  	v27 =	vld [tilespmem:$0x18C70]  }
0x194: {  	v18 =	vld.idx.msk [tilespmem:v16+s2+$0x0], $0xffff  }
0x195: {  	v17 =	vld.idx.msk [tilespmem:v17+s2+$0x0], $0xffff  }
0x196: {  	v16 =	vld.idx.msk [tilespmem:v21+s2+$0x0], $0xffff  }
0x197: {  	v15 =	vld.idx.msk [tilespmem:v15+s2+$0x0], $0xffff  }
0x198: {  	v28 =	vld [tilespmem:$0x18CE0]  }
0x199: {  	v29 =	vld [tilespmem:$0x18D50]  }
0x19a: {  	v31 =	vld [tilespmem:$0x18DC0]  }
0x19b: {  	v33 =	vld [tilespmem:$0x18C10]  }
0x19c: {  	v34 =	vld [tilespmem:$0x18C80];
	v30 =	vsub.f32 v16, v18;
	v32 =	vsub.f32 v15, v17;
	v21 =	vmax.f32 v18, v37  }
0x19d: {  	v35 =	vld [tilespmem:$0x18C20];
	v23 =	vmin.f32 v16, v23;
	v22 =	vmax.f32 v17, v22;
	v24 =	vmin.f32 v15, v24  }
0x19e: {  	v27 =	vmax.f32 v17, v27;
	v29 =	vmin.f32 v15, v29;
	v22 =	vsub.f32 v24, v22;
	v24 =	vld [tilespmem:$0x18CF0]  }
0x19f: {  	v26 =	vmax.f32 v18, v26;
	v28 =	vmin.f32 v16, v28;
	v37 =	vsub.f32 v29, v27;
	v27 =	vld [tilespmem:$0x18C90]  }
0x1a0: {  	v23 =	vsub.f32 v23, v21;
	v36 =	vsub.f32 v28, v26;
	v28 =	vld [tilespmem:$0x18D00]  }
0x1a1: {  	v29 =	vld [tilespmem:$0x18D70];
	v21 =	vmul.f32 v32, v30  }
0x1a2: {  	v30 =	vld [tilespmem:$0x18D60];
	v23 =	vmax.f32 v23, $0.0e+00;
	v22 =	vmax.f32 v22, $0.0e+00;
	v26 =	vmax.f32 v37, $0.0e+00  }
0x1a3: {  	v32 =	vld [tilespmem:$0x18DD0];
	v25 =	vadd.f32 v25, v21;
	v22 =	vmul.f32 v22, v23;
	v23 =	vmax.f32 v36, $0.0e+00  }
0x1a4: {  	v37 =	vld [tilespmem:$0x18D10];
	v23 =	vmul.f32 v26, v23;
	v26 =	vadd.f32 v31, v21  }
0x1a5: {  	v33 =	vmax.f32 v18, v33;
	v34 =	vmax.f32 v17, v34;
	v36 =	vld [tilespmem:$0x18CA0];
	v25 =	vsub.f32 v25, v22  }
0x1a6: {  	v31 =	vld [tilespmem:$0x18C30];
	v24 =	vmin.f32 v16, v24;
	v28 =	vmin.f32 v16, v28;
	v26 =	vsub.f32 v26, v23  }
0x1a7: {  	v30 =	vmin.f32 v15, v30;
	v24 =	vsub.f32 v24, v33;
	v33 =	vld [tilespmem:$0x18D80];
	v25 =	vmax.f32 v25, $9.999999930e-09  }
0x1a8: {  	v34 =	vsub.f32 v30, v34;
	v30 =	vld [tilespmem:$0x18C40];
	(erf) = vrcp.f32 v25;
	v25 =	vmax.f32 v26, $9.999999930e-09  }
0x1a9: {  	v27 =	vmax.f32 v17, v27;
	v29 =	vmin.f32 v15, v29;
	(erf) = vrcp.f32 v25;
	v25 =	vld [tilespmem:$0x18CB0]  }
0x1aa: {  	v27 =	vsub.f32 v29, v27;
	v26 =	vmax.f32 v34, $0.0e+00;
	v34 =	vmax.f32 v18, v35;
	v35 =	vld [tilespmem:$0x18D20]  }
0x1ab: {  	v36 =	vmax.f32 v17, v36;
	v29 =	vmax.f32 v18, v31;
	v31 =	vmin.f32 v16, v37;
	v37 =	vld [tilespmem:$0x18C50]  }
0x1ac: {  	v28 =	vsub.f32 v28, v34;
	v34 =	vld [tilespmem:$0x18D90];
	v29 =	vsub.f32 v31, v29;
	v33 =	vmin.f32 v15, v33  }
0x1ad: {  	v24 =	vmax.f32 v24, $0.0e+00;
	v27 =	vmax.f32 v27, $0.0e+00;
	v33 =	vsub.f32 v33, v36;
	v36 =	vld [tilespmem:$0x18D30]  }
0x1ae: {  	v31 =	vld [tilespmem:$0x18CC0];
	v24 =	vmul.f32 v26, v24;
	v28 =	vmax.f32 v28, $0.0e+00;
	v29 =	vmax.f32 v29, $0.0e+00  }
0x1af: {  	v26 =	vmul.f32 v27, v28;
	v27 =	vld [tilespmem:$0x18DA0];
	v28 =	vadd.f32 v32, v21;
	v32 =	vmax.f32 v33, $0.0e+00  }
0x1b0: {  	v30 =	vmax.f32 v18, v30;
	v33 =	vmin.f32 v16, v35;
	v29 =	vmul.f32 v32, v29;
	v32 =	vld [tilespmem:$0x18DE0]  }
0x1b1: {  	v25 =	vmax.f32 v17, v25;
	v30 =	vsub.f32 v33, v30;
	v33 =	vld [tilespmem:$0x18DF0];
	v34 =	vmin.f32 v15, v34  }
0x1b2: {  	v35 =	vmax.f32 v18, v37;
	v25 =	vsub.f32 v34, v25;
	v34 =	vld [tilespmem:$0x18E00];
	v36 =	vmin.f32 v16, v36  }
0x1b3: {  	v31 =	vmax.f32 v17, v31;
	v28 =	vsub.f32 v28, v24;
	v35 =	vsub.f32 v36, v35;
	v36 =	vld [tilespmem:$0x18E10]  }
0x1b4: {  	v30 =	vmax.f32 v30, $0.0e+00;
	v27 =	vmin.f32 v15, v27;
	v25 =	vmax.f32 v25, $0.0e+00  }
0x1b5: {  	v27 =	vsub.f32 v27, v31;
	v25 =	vmul.f32 v25, v30;
	v30 =	vadd.f32 v32, v21  }
0x1b6: {  	v28 =	vmax.f32 v28, $9.999999930e-09;
	v31 =	vadd.f32 v33, v21;
	v37 =	vmax.f32 v35, $0.0e+00  }
0x1b7: {  	v27 =	vmax.f32 v27, $0.0e+00;
	v32 =	vadd.f32 v34, v21;
	v30 =	vsub.f32 v30, v26  }
0x1b8: {  	v27 =	vmul.f32 v27, v37;
	v31 =	vsub.f32 v31, v29;
	v36 =	vadd.f32 v36, v21  }
0x1b9: {  	(erf) = vrcp.f32 v28;
	v34 =	vsub.f32 v32, v25;
	v37 =	vmax.f32 v30, $9.999999930e-09  }
0x1ba: {  	v35 =	vmax.f32 v31, $9.999999930e-09;
	(erf) = vrcp.f32 v37;
	v36 =	vsub.f32 v36, v27  }
0x1bb: {  	v37 =	vmax.f32 v34, $9.999999930e-09;
	(erf) = vrcp.f32 v35  }
0x1bc: {  	(erf) = vrcp.f32 v37;
	v32 =	vmax.f32 v36, $9.999999930e-09  }
0x1bd: {  	(erf) = vrcp.f32 v32;
	_ =	sdelay $0x2  }
0x1be: {  	v33 =	vpop (erf)  }
0x1bf: {  	v34 =	vpop (erf)  }
0x1c0: {  	v22 =	vmul.f32 v33, v22;
	v35 =	vpop (erf);
	v23 =	vmul.f32 v34, v23  }
0x1c1: {  	v37 =	vmul.f32 v35, v24;
	v36 =	vpop (erf)  }
0x1c2: {  	vm2 =	vgt.f32 v22, $5.000000000e-01;
	vm3 =	vgt.f32 v23, $5.000000000e-01;
	v30 =	vpop (erf);
	v31 =	vmul.f32 v36, v26  }
0x1c3: {  	vm2 =	vmor vm2, vm3;
	vm3 =	vgt.f32 v37, $5.000000000e-01;
	v32 =	vpop (erf);
	v33 =	vmul.f32 v30, v29  }
0x1c4: {  	vm2 =	vmor vm2, vm3;
	vm3 =	vgt.f32 v31, $5.000000000e-01;
	v34 =	vmul.f32 v32, v25;
	v35 =	vpop (erf)  }
0x1c5: {  	vm2 =	vmor vm2, vm3;
	vm3 =	vgt.f32 v33, $5.000000000e-01;
	v36 =	vmul.f32 v35, v27  }
0x1c6: {  	vm2 =	vmor vm2, vm3;
	vm3 =	vgt.f32 v34, $5.000000000e-01  }
0x1c7: {  	vm2 =	vmor vm2, vm3;
	vm3 =	vgt.f32 v36, $5.000000000e-01  }
0x1c8: {  	(v2sf) =	vpush v13, $0xF;
	vm2 =	vmor vm2, vm3  }
0x1c9: {  	v37 =	vmpcnt.ones.xlane vm2;
	_ =	sdelay $0x1  }
0x1ca: {  	(v2sf) =	vpush v37, $0x0;
	_ =	sdelay $0xb  }
0x1cb: {  	s4 =	spop (v2sf)  }
0x1cc: {  	p0 =	seq.f32 s4, $-Inf;
	_ =	sdelay $0x1  }
0x1cd: {  	p1 =	sne.f32 s4, $-Inf;
	v13 =	vlaneseq.u32 @!p0;
	s6 =	spop (v2sf)  }
0x1ce: {  	vm2 =	veq.s32 @!p0 v20, v13;
	p2 =	seq.s32 s6, $0x0  }
0x1cf: {  	v19 =	vsel @!p0 vm2, $0xFF800000, v19;
	p1 =	por !p1, !p2  }
0x1d0: {  	(xrf0) =	vmax.scan.msk.f32 @!p0 $0xffff, v19;
	p1 =	por !p1, !p1  }
0x1d1: {  	v20 =	vmov @p1 s3;
	_ =	sdelay $0x3  }
0x1d2: {  	s4 =	smov.u32 s3;
	s3 =	simm.s32 @p1 $0x18BF0  }
0x1d3: {  	v22, _, _ =	vpop @!p0 (xrf0);
	[tilespmem:v20+s3+$0x0] =	vst.idx.msk @p1 $0x1, v18;
	s3 =	simm.s32 @p1 $0x18C60  }
0x1d4: {  	v22 =	vbroadcast @!p0 v22, $0xF;
	[tilespmem:v20+s3+$0x0] =	vst.idx.msk @p1 $0x1, v17;
	s3 =	simm.s32 @p1 $0x18CD0  }
0x1d5: {  	vm2 =	veq.s32 @!p0 v14, v13;
	[tilespmem:v20+s3+$0x0] =	vst.idx.msk @p1 $0x1, v16;
	s3 =	simm.s32 @p1 $0x18D40  }
0x1d6: {  	v12 =	vsel @!p0 vm2, v22, v12;
	[tilespmem:v20+s3+$0x0] =	vst.idx.msk @p1 $0x1, v15;
	s3 =	simm.s32 @p1 $0x18DB0  }
0x1d7: {  	s5 =	simm.s32 @!p0 $0x1;
	(xrf0) =	vmax.scan.msk.f32 @!p0 $0xffff, v12;
	p2 =	por !p1, p0;
	[tilespmem:v20+s3+$0x0] =	vst.idx.msk @p1 $0x1, v21;
	s3 =	simm.s32 @p1 $0x18E20  }
0x1d8: {  	s5 =	simm.s32 @p2 $0x0;
	[tilespmem:v20+s3+$0x0] =	vst.idx.msk @p1 $0x1, v7;
	s3 =	simm.s32 @p1 $0x18E90  }
0x1d9: {  	[tilespmem:v20+s3+$0x0] =	vst.idx.msk @p1 $0x1, v11;
	s3 =	sadd.s32 @!p0 s5, s4  }
0x1da: {  	p1 =	slt.u32 @!p0 s3, $0x64  }
0x1db: {  	p1 =	por p0, !p1  }
.Ltmp2:
0x1dc: {  	_ = 	snop;
	(pc) =	sbr.rel @!p1 .LBB2_5-.Ltmp2, $4  }
0x1dd: {  	s6 =	simm.s32 @!p0 $0x0;
	v7, _, _ =	vpop @!p0 (xrf0)  }
0x1de: {  	s5 =	simm.s32 @!p0 $0x186A0;
	v7 =	vbroadcast @!p0 v7, $0xF;
	[tilespmem:v10+s6+$0x0] =	vst.idx.msk @!p0 $0xffff, v19  }
0x1df: {  	[tilespmem:v9+s5+$0x0] =	vst.idx.msk @!p0 $0x1, v22;
	s5 =	simm.s32 @!p0 $0x18BA0  }
0x1e0: {  	[tilespmem:v8+s5+$0x0] =	vst.idx.msk @!p0 $0x1, v7  }
0x1e1: {  	_ =	swait.ge [sflag:s26], $0x4E20  }
0x1e2: {  	[sflag:s26] =	ssyncset.done $0x0  }
0x1e3: {  	[sflag:s26] =	ssyncadd.s32 $0xFFFFB1E0  }
0x1e4: {  	v10 =	vld [tilespmem:$0x18E90];
	_ =	sdelay $0x2  }
0x1e5: {  	v7 =	vld [tilespmem:$0x18E20];
	_ =	sdelay $0x1  }
0x1e6: {  	s3 =	smov.u32 @p0 s4;
	v8 =	vadd.s32 $0x4E20, v10  }
0x1e7: {  	v25 =	vmov s3  }
0x1e8: {  	vm2 =	vgt.u32 v25, v0  }
0x1e9: {  	v7 =	vnsel vm2, $0xBF800000, v7  }
0x1ea: {  	[tilespmem:$0x18E20] =	vst v7  }
0x1eb: {  	v7 =	vmul.u32 $0x8, v0;
	v8 =	vld.idx.msk [tilespmem:v8+s2+$0x0], $0xffff;
	_ =	sdelay $0x1  }
0x1ec: {  	v9 =	vadd.s32 $0x9C40, v10;
	_ =	sdelay $0x2  }
0x1ed: {  	v8 =	vnsel vm2, $0xBF800000, v8  }
0x1ee: {  	[tilespmem:v7+s29+$0x0] =	vst.idx.msk $0xffff, v8  }
0x1ef: {  	v9 =	vld.idx.msk [tilespmem:v9+s2+$0x0], $0xffff  }
0x1f0: {  	v8 =	vor.u32 $0x1, v7  }
0x1f1: {  	v11 =	vadd.s32 $0xEA60, v10;
	_ =	sdelay $0x2  }
0x1f2: {  	v9 =	vnsel vm2, $0xBF800000, v9  }
0x1f3: {  	[tilespmem:v8+s29+$0x0] =	vst.idx.msk $0xffff, v9  }
0x1f4: {  	v11 =	vld.idx.msk [tilespmem:v11+s2+$0x0], $0xffff  }
0x1f5: {  	v9 =	vor.u32 $0x2, v7  }
0x1f6: {  	v12 =	vadd.s32 $0x13880, v10;
	_ =	sdelay $0x2  }
0x1f7: {  	v11 =	vnsel vm2, $0xBF800000, v11  }
0x1f8: {  	[tilespmem:v9+s29+$0x0] =	vst.idx.msk $0xffff, v11  }
0x1f9: {  	v11 =	vld.idx.msk [tilespmem:v12+s2+$0x0], $0xffff  }
0x1fa: {  	v16 =	vor.u32 $0x3, v7;
	_ =	sdelay $0x3  }
0x1fb: {  	v11 =	vnsel vm2, $0xBF800000, v11  }
0x1fc: {  	[tilespmem:v16+s29+$0x0] =	vst.idx.msk $0xffff, v11  }
0x1fd: {  	v10 =	vld.idx.msk [tilespmem:v10+s25+$0x0], $0xffff;
	_ =	sdelay $0x4  }
0x1fe: {  	v10 =	vnsel vm2, $0xFFFFFFFF, v10  }
0x1ff: {  	[tilespmem:v7+s30+$0x0] =	vst.idx.msk $0xffff, v10  }
0x200: {  	v13 =	vld [tilespmem:$0x18EA0];
	_ =	sdelay $0x2  }
0x201: {  	v10 =	vld [tilespmem:$0x18E30];
	_ =	sdelay $0x1  }
0x202: {  	v17 =	vadd.s32 $0x4E20, v13  }
0x203: {  	v18 =	vor.u32 $0x10, v0  }
0x204: {  	vm3 =	vgt.u32 v25, v18  }
0x205: {  	v10 =	vnsel vm3, $0xBF800000, v10  }
0x206: {  	[tilespmem:$0x18E30] =	vst v10  }
0x207: {  	v11 =	vld.idx.msk [tilespmem:v17+s2+$0x0], $0xffff  }
0x208: {  	v10 =	vor.u32 $0x80, v7  }
0x209: {  	v19 =	vadd.s32 $0x9C40, v13;
	_ =	sdelay $0x2  }
0x20a: {  	v11 =	vnsel vm3, $0xBF800000, v11  }
0x20b: {  	[tilespmem:v10+s29+$0x0] =	vst.idx.msk $0xffff, v11  }
0x20c: {  	v12 =	vld.idx.msk [tilespmem:v19+s2+$0x0], $0xffff  }
0x20d: {  	v11 =	vor.u32 $0x81, v7  }
0x20e: {  	v14 =	vadd.s32 $0xEA60, v13;
	_ =	sdelay $0x2  }
0x20f: {  	v12 =	vnsel vm3, $0xBF800000, v12  }
0x210: {  	[tilespmem:v11+s29+$0x0] =	vst.idx.msk $0xffff, v12  }
0x211: {  	v14 =	vld.idx.msk [tilespmem:v14+s2+$0x0], $0xffff  }
0x212: {  	v12 =	vor.u32 $0x82, v7  }
0x213: {  	v15 =	vadd.s32 $0x13880, v13;
	_ =	sdelay $0x2  }
0x214: {  	v14 =	vnsel vm3, $0xBF800000, v14  }
0x215: {  	[tilespmem:v12+s29+$0x0] =	vst.idx.msk $0xffff, v14  }
0x216: {  	v14 =	vld.idx.msk [tilespmem:v15+s2+$0x0], $0xffff  }
0x217: {  	v20 =	vor.u32 $0x83, v7;
	_ =	sdelay $0x3  }
0x218: {  	v14 =	vnsel vm3, $0xBF800000, v14  }
0x219: {  	[tilespmem:v20+s29+$0x0] =	vst.idx.msk $0xffff, v14  }
0x21a: {  	v13 =	vld.idx.msk [tilespmem:v13+s25+$0x0], $0xffff;
	_ =	sdelay $0x4  }
0x21b: {  	v13 =	vnsel vm3, $0xFFFFFFFF, v13  }
0x21c: {  	[tilespmem:v10+s30+$0x0] =	vst.idx.msk $0xffff, v13  }
0x21d: {  	v16 =	vld [tilespmem:$0x18EB0];
	_ =	sdelay $0x2  }
0x21e: {  	v13 =	vld [tilespmem:$0x18E40];
	_ =	sdelay $0x1  }
0x21f: {  	v21 =	vadd.s32 $0x4E20, v16  }
0x220: {  	v22 =	vor.u32 $0x20, v0  }
0x221: {  	vm4 =	vgt.u32 v25, v22  }
0x222: {  	v13 =	vnsel vm4, $0xBF800000, v13  }
0x223: {  	[tilespmem:$0x18E40] =	vst v13  }
0x224: {  	v14 =	vld.idx.msk [tilespmem:v21+s2+$0x0], $0xffff  }
0x225: {  	v13 =	vor.u32 $0x100, v7  }
0x226: {  	v23 =	vadd.s32 $0x9C40, v16;
	_ =	sdelay $0x2  }
0x227: {  	v14 =	vnsel vm4, $0xBF800000, v14  }
0x228: {  	[tilespmem:v13+s29+$0x0] =	vst.idx.msk $0xffff, v14  }
0x229: {  	v15 =	vld.idx.msk [tilespmem:v23+s2+$0x0], $0xffff  }
0x22a: {  	v14 =	vor.u32 $0x101, v7  }
0x22b: {  	v17 =	vadd.s32 $0xEA60, v16;
	_ =	sdelay $0x2  }
0x22c: {  	v15 =	vnsel vm4, $0xBF800000, v15  }
0x22d: {  	[tilespmem:v14+s29+$0x0] =	vst.idx.msk $0xffff, v15  }
0x22e: {  	v17 =	vld.idx.msk [tilespmem:v17+s2+$0x0], $0xffff  }
0x22f: {  	v15 =	vor.u32 $0x102, v7  }
0x230: {  	v18 =	vadd.s32 $0x13880, v16;
	_ =	sdelay $0x2  }
0x231: {  	v17 =	vnsel vm4, $0xBF800000, v17  }
0x232: {  	[tilespmem:v15+s29+$0x0] =	vst.idx.msk $0xffff, v17  }
0x233: {  	v17 =	vld.idx.msk [tilespmem:v18+s2+$0x0], $0xffff  }
0x234: {  	v24 =	vor.u32 $0x103, v7;
	_ =	sdelay $0x3  }
0x235: {  	v17 =	vnsel vm4, $0xBF800000, v17  }
0x236: {  	[tilespmem:v24+s29+$0x0] =	vst.idx.msk $0xffff, v17  }
0x237: {  	v16 =	vld.idx.msk [tilespmem:v16+s25+$0x0], $0xffff;
	_ =	sdelay $0x4  }
0x238: {  	v16 =	vnsel vm4, $0xFFFFFFFF, v16  }
0x239: {  	[tilespmem:v13+s30+$0x0] =	vst.idx.msk $0xffff, v16  }
0x23a: {  	v19 =	vld [tilespmem:$0x18EC0];
	_ =	sdelay $0x2  }
0x23b: {  	v16 =	vld [tilespmem:$0x18E50];
	_ =	sdelay $0x1  }
0x23c: {  	v26 =	vadd.s32 $0x4E20, v19  }
0x23d: {  	v27 =	vor.u32 $0x30, v0  }
0x23e: {  	vm5 =	vgt.u32 v25, v27  }
0x23f: {  	v16 =	vnsel vm5, $0xBF800000, v16  }
0x240: {  	[tilespmem:$0x18E50] =	vst v16  }
0x241: {  	v17 =	vld.idx.msk [tilespmem:v26+s2+$0x0], $0xffff  }
0x242: {  	v16 =	vor.u32 $0x180, v7  }
0x243: {  	v28 =	vadd.s32 $0x9C40, v19;
	_ =	sdelay $0x2  }
0x244: {  	v17 =	vnsel vm5, $0xBF800000, v17  }
0x245: {  	[tilespmem:v16+s29+$0x0] =	vst.idx.msk $0xffff, v17  }
0x246: {  	v18 =	vld.idx.msk [tilespmem:v28+s2+$0x0], $0xffff  }
0x247: {  	v17 =	vor.u32 $0x181, v7  }
0x248: {  	v20 =	vadd.s32 $0xEA60, v19;
	_ =	sdelay $0x2  }
0x249: {  	v18 =	vnsel vm5, $0xBF800000, v18  }
0x24a: {  	[tilespmem:v17+s29+$0x0] =	vst.idx.msk $0xffff, v18  }
0x24b: {  	v20 =	vld.idx.msk [tilespmem:v20+s2+$0x0], $0xffff  }
0x24c: {  	v18 =	vor.u32 $0x182, v7  }
0x24d: {  	v21 =	vadd.s32 $0x13880, v19;
	_ =	sdelay $0x2  }
0x24e: {  	v20 =	vnsel vm5, $0xBF800000, v20  }
0x24f: {  	[tilespmem:v18+s29+$0x0] =	vst.idx.msk $0xffff, v20  }
0x250: {  	v20 =	vld.idx.msk [tilespmem:v21+s2+$0x0], $0xffff  }
0x251: {  	v29 =	vor.u32 $0x183, v7;
	_ =	sdelay $0x3  }
0x252: {  	v20 =	vnsel vm5, $0xBF800000, v20  }
0x253: {  	[tilespmem:v29+s29+$0x0] =	vst.idx.msk $0xffff, v20  }
0x254: {  	v19 =	vld.idx.msk [tilespmem:v19+s25+$0x0], $0xffff;
	_ =	sdelay $0x4  }
0x255: {  	v19 =	vnsel vm5, $0xFFFFFFFF, v19  }
0x256: {  	[tilespmem:v16+s30+$0x0] =	vst.idx.msk $0xffff, v19  }
0x257: {  	v22 =	vld [tilespmem:$0x18ED0];
	_ =	sdelay $0x2  }
0x258: {  	v19 =	vld [tilespmem:$0x18E60];
	_ =	sdelay $0x1  }
0x259: {  	v30 =	vadd.s32 $0x4E20, v22  }
0x25a: {  	v31 =	vor.u32 $0x40, v0  }
0x25b: {  	vm6 =	vgt.u32 v25, v31  }
0x25c: {  	v19 =	vnsel vm6, $0xBF800000, v19  }
0x25d: {  	[tilespmem:$0x18E60] =	vst v19  }
0x25e: {  	v20 =	vld.idx.msk [tilespmem:v30+s2+$0x0], $0xffff  }
0x25f: {  	v19 =	vor.u32 $0x200, v7  }
0x260: {  	v32 =	vadd.s32 $0x9C40, v22;
	_ =	sdelay $0x2  }
0x261: {  	v20 =	vnsel vm6, $0xBF800000, v20  }
0x262: {  	[tilespmem:v19+s29+$0x0] =	vst.idx.msk $0xffff, v20  }
0x263: {  	v21 =	vld.idx.msk [tilespmem:v32+s2+$0x0], $0xffff  }
0x264: {  	v20 =	vor.u32 $0x201, v7  }
0x265: {  	v23 =	vadd.s32 $0xEA60, v22;
	_ =	sdelay $0x2  }
0x266: {  	v21 =	vnsel vm6, $0xBF800000, v21  }
0x267: {  	[tilespmem:v20+s29+$0x0] =	vst.idx.msk $0xffff, v21  }
0x268: {  	v23 =	vld.idx.msk [tilespmem:v23+s2+$0x0], $0xffff  }
0x269: {  	v21 =	vor.u32 $0x202, v7  }
0x26a: {  	v24 =	vadd.s32 $0x13880, v22;
	_ =	sdelay $0x2  }
0x26b: {  	v23 =	vnsel vm6, $0xBF800000, v23  }
0x26c: {  	[tilespmem:v21+s29+$0x0] =	vst.idx.msk $0xffff, v23  }
0x26d: {  	v23 =	vld.idx.msk [tilespmem:v24+s2+$0x0], $0xffff  }
0x26e: {  	v33 =	vor.u32 $0x203, v7;
	_ =	sdelay $0x3  }
0x26f: {  	v23 =	vnsel vm6, $0xBF800000, v23  }
0x270: {  	[tilespmem:v33+s29+$0x0] =	vst.idx.msk $0xffff, v23  }
0x271: {  	v22 =	vld.idx.msk [tilespmem:v22+s25+$0x0], $0xffff;
	_ =	sdelay $0x4  }
0x272: {  	v22 =	vnsel vm6, $0xFFFFFFFF, v22  }
0x273: {  	[tilespmem:v19+s30+$0x0] =	vst.idx.msk $0xffff, v22  }
0x274: {  	v26 =	vld [tilespmem:$0x18EE0];
	_ =	sdelay $0x2  }
0x275: {  	v22 =	vld [tilespmem:$0x18E70];
	_ =	sdelay $0x1  }
0x276: {  	v34 =	vadd.s32 $0x4E20, v26  }
0x277: {  	v35 =	vor.u32 $0x50, v0  }
0x278: {  	vm7 =	vgt.u32 v25, v35  }
0x279: {  	v22 =	vnsel vm7, $0xBF800000, v22  }
0x27a: {  	[tilespmem:$0x18E70] =	vst v22  }
0x27b: {  	v23 =	vld.idx.msk [tilespmem:v34+s2+$0x0], $0xffff  }
0x27c: {  	v22 =	vor.u32 $0x280, v7  }
0x27d: {  	v36 =	vadd.s32 $0x9C40, v26;
	_ =	sdelay $0x2  }
0x27e: {  	v23 =	vnsel vm7, $0xBF800000, v23  }
0x27f: {  	[tilespmem:v22+s29+$0x0] =	vst.idx.msk $0xffff, v23  }
0x280: {  	v24 =	vld.idx.msk [tilespmem:v36+s2+$0x0], $0xffff  }
0x281: {  	v23 =	vor.u32 $0x281, v7  }
0x282: {  	v27 =	vadd.s32 $0xEA60, v26;
	_ =	sdelay $0x2  }
0x283: {  	v24 =	vnsel vm7, $0xBF800000, v24  }
0x284: {  	[tilespmem:v23+s29+$0x0] =	vst.idx.msk $0xffff, v24  }
0x285: {  	v27 =	vld.idx.msk [tilespmem:v27+s2+$0x0], $0xffff  }
0x286: {  	v24 =	vor.u32 $0x282, v7  }
0x287: {  	v28 =	vadd.s32 $0x13880, v26;
	_ =	sdelay $0x2  }
0x288: {  	v27 =	vnsel vm7, $0xBF800000, v27  }
0x289: {  	[tilespmem:v24+s29+$0x0] =	vst.idx.msk $0xffff, v27  }
0x28a: {  	v27 =	vld.idx.msk [tilespmem:v28+s2+$0x0], $0xffff  }
0x28b: {  	v37 =	vor.u32 $0x283, v7;
	_ =	sdelay $0x3  }
0x28c: {  	v27 =	vnsel vm7, $0xBF800000, v27  }
0x28d: {  	[tilespmem:v37+s29+$0x0] =	vst.idx.msk $0xffff, v27  }
0x28e: {  	v26 =	vld.idx.msk [tilespmem:v26+s25+$0x0], $0xffff;
	_ =	sdelay $0x4  }
0x28f: {  	v26 =	vnsel vm7, $0xFFFFFFFF, v26  }
0x290: {  	[tilespmem:v22+s30+$0x0] =	vst.idx.msk $0xffff, v26  }
0x291: {  	v28 =	vld [tilespmem:$0x18EF0];
	_ =	sdelay $0x2  }
0x292: {  	v26 =	vld [tilespmem:$0x18E80];
	_ =	sdelay $0x1  }
0x293: {  	v32 =	vadd.s32 $0x4E20, v28  }
0x294: {  	v29 =	vor.u32 $0x60, v0  }
0x295: {  	vm8 =	vgt.u32 v25, v29  }
0x296: {  	v25 =	vnsel vm8, $0xBF800000, v26  }
0x297: {  	[tilespmem:$0x18E80] =	vst v25  }
0x298: {  	v33 =	vld.idx.msk [tilespmem:v32+s2+$0x0], $0xffff  }
0x299: {  	v25 =	vor.u32 $0x300, v7  }
0x29a: {  	v34 =	vadd.s32 $0x9C40, v28;
	_ =	sdelay $0x2  }
0x29b: {  	v26 =	vnsel vm8, $0xBF800000, v33  }
0x29c: {  	[tilespmem:v25+s29+$0x0] =	vst.idx.msk $0xffff, v26  }
0x29d: {  	v27 =	vld.idx.msk [tilespmem:v34+s2+$0x0], $0xffff  }
0x29e: {  	v26 =	vor.u32 $0x301, v7  }
0x29f: {  	v35 =	vadd.s32 $0xEA60, v28;
	_ =	sdelay $0x2  }
0x2a0: {  	v27 =	vnsel vm8, $0xBF800000, v27  }
0x2a1: {  	[tilespmem:v26+s29+$0x0] =	vst.idx.msk $0xffff, v27  }
0x2a2: {  	v29 =	vld.idx.msk [tilespmem:v35+s2+$0x0], $0xffff  }
0x2a3: {  	v27 =	vor.u32 $0x302, v7  }
0x2a4: {  	v30 =	vadd.s32 $0x13880, v28;
	_ =	sdelay $0x2  }
0x2a5: {  	v29 =	vnsel vm8, $0xBF800000, v29  }
0x2a6: {  	[tilespmem:v27+s29+$0x0] =	vst.idx.msk $0xffff, v29  }
0x2a7: {  	v29 =	vld.idx.msk [tilespmem:v30+s2+$0x0], $0xffff  }
0x2a8: {  	v36 =	vor.u32 $0x303, v7;
	_ =	sdelay $0x3  }
0x2a9: {  	v29 =	vnsel vm8, $0xBF800000, v29  }
0x2aa: {  	[tilespmem:v36+s29+$0x0] =	vst.idx.msk $0xffff, v29  }
0x2ab: {  	v28 =	vld.idx.msk [tilespmem:v28+s25+$0x0], $0xffff;
	_ =	sdelay $0x4  }
0x2ac: {  	v28 =	vnsel vm8, $0xFFFFFFFF, v28  }
0x2ad: {  	s5 =	rddreg [dreg:$0x3];
	[tilespmem:v25+s30+$0x0] =	vst.idx.msk $0xffff, v28  }
0x2ae: {  	[tilespmem:s21], [sflag:$0x1] =	stream.linear.gather [hbm4b:s5+s2], $0x4E20, $0x38;
	[tilespmem:$0x1EB20] =	vst v63  }
0x2af: {  	s6 =	rddreg [dreg:$0x4]  }
0x2b0: {  	[tilespmem:s22], [sflag:$0x1] =	stream.linear.gather [hbm4b:s6+s2], $0x4E20, $0x38;
	[tilespmem:$0x1EB20] =	vst v63  }
0x2b1: {  	s4 =	rddreg [dreg:$0x5]  }
0x2b2: {  	[tilespmem:s23], [sflag:$0x1] =	stream.linear.gather [hbm4b:s4+s2], $0x4E20, $0x38;
	[tilespmem:$0x1EB20] =	vst v63  }
0x2b3: {  	_ =	swait.ge [sflag:s26], $0x4E20  }
0x2b4: {  	[sflag:s26] =	ssyncset.done $0x0  }
0x2b5: {  	[sflag:s26] =	ssyncadd.s32 $0xFFFFB1E0  }
0x2b6: {  	_ =	swait.ge [sflag:s26], $0x4E20  }
0x2b7: {  	[sflag:s26] =	ssyncset.done $0x0  }
0x2b8: {  	[sflag:s26] =	ssyncadd.s32 $0xFFFFB1E0  }
0x2b9: {  	_ =	swait.ge [sflag:s26], $0x4E20  }
0x2ba: {  	[sflag:s26] =	ssyncset.done $0x0  }
0x2bb: {  	[sflag:s26] =	ssyncadd.s32 $0xFFFFB1E0  }
0x2bc: {  	v37 =	vld [tilespmem:$0x18E90];
	_ =	sdelay $0x4  }
0x2bd: {  	v32 =	vadd.s32 $0x4E20, v37;
	_ =	sdelay $0x4  }
0x2be: {  	v29 =	vld.idx.msk [tilespmem:v32+s2+$0x0], $0xffff;
	_ =	sdelay $0x1  }
0x2bf: {  	v33 =	vadd.s32 $0x9C40, v37;
	_ =	sdelay $0x2  }
0x2c0: {  	v29 =	vnsel vm2, $0xBF800000, v29  }
0x2c1: {  	[tilespmem:v7+s31+$0x0] =	vst.idx.msk $0xffff, v29  }
0x2c2: {  	v29 =	vld.idx.msk [tilespmem:v33+s2+$0x0], $0xffff;
	_ =	sdelay $0x1  }
0x2c3: {  	v28 =	vadd.s32 $0xEA60, v37;
	_ =	sdelay $0x2  }
0x2c4: {  	v29 =	vnsel vm2, $0xBF800000, v29  }
0x2c5: {  	[tilespmem:v8+s31+$0x0] =	vst.idx.msk $0xffff, v29  }
0x2c6: {  	v28 =	vld.idx.msk [tilespmem:v28+s2+$0x0], $0xffff;
	_ =	sdelay $0x4  }
0x2c7: {  	v28 =	vnsel vm2, $0xBF800000, v28  }
0x2c8: {  	[tilespmem:v9+s31+$0x0] =	vst.idx.msk $0xffff, v28  }
0x2c9: {  	v28 =	vld [tilespmem:$0x18EA0];
	_ =	sdelay $0x4  }
0x2ca: {  	v34 =	vadd.s32 $0x4E20, v28;
	_ =	sdelay $0x4  }
0x2cb: {  	v29 =	vld.idx.msk [tilespmem:v34+s2+$0x0], $0xffff;
	_ =	sdelay $0x1  }
0x2cc: {  	v35 =	vadd.s32 $0x9C40, v28;
	_ =	sdelay $0x2  }
0x2cd: {  	v29 =	vnsel vm3, $0xBF800000, v29  }
0x2ce: {  	[tilespmem:v10+s31+$0x0] =	vst.idx.msk $0xffff, v29  }
0x2cf: {  	v29 =	vld.idx.msk [tilespmem:v35+s2+$0x0], $0xffff;
	_ =	sdelay $0x1  }
0x2d0: {  	v28 =	vadd.s32 $0xEA60, v28;
	_ =	sdelay $0x2  }
0x2d1: {  	v29 =	vnsel vm3, $0xBF800000, v29  }
0x2d2: {  	[tilespmem:v11+s31+$0x0] =	vst.idx.msk $0xffff, v29  }
0x2d3: {  	v28 =	vld.idx.msk [tilespmem:v28+s2+$0x0], $0xffff;
	_ =	sdelay $0x4  }
0x2d4: {  	v28 =	vnsel vm3, $0xBF800000, v28  }
0x2d5: {  	[tilespmem:v12+s31+$0x0] =	vst.idx.msk $0xffff, v28  }
0x2d6: {  	v28 =	vld [tilespmem:$0x18EB0];
	_ =	sdelay $0x4  }
0x2d7: {  	v36 =	vadd.s32 $0x4E20, v28;
	_ =	sdelay $0x4  }
0x2d8: {  	v29 =	vld.idx.msk [tilespmem:v36+s2+$0x0], $0xffff;
	_ =	sdelay $0x1  }
0x2d9: {  	v37 =	vadd.s32 $0x9C40, v28;
	_ =	sdelay $0x2  }
0x2da: {  	v29 =	vnsel vm4, $0xBF800000, v29  }
0x2db: {  	[tilespmem:v13+s31+$0x0] =	vst.idx.msk $0xffff, v29  }
0x2dc: {  	v29 =	vld.idx.msk [tilespmem:v37+s2+$0x0], $0xffff;
	_ =	sdelay $0x1  }
0x2dd: {  	v28 =	vadd.s32 $0xEA60, v28;
	_ =	sdelay $0x2  }
0x2de: {  	v29 =	vnsel vm4, $0xBF800000, v29  }
0x2df: {  	[tilespmem:v14+s31+$0x0] =	vst.idx.msk $0xffff, v29  }
0x2e0: {  	v28 =	vld.idx.msk [tilespmem:v28+s2+$0x0], $0xffff;
	_ =	sdelay $0x4  }
0x2e1: {  	v28 =	vnsel vm4, $0xBF800000, v28  }
0x2e2: {  	[tilespmem:v15+s31+$0x0] =	vst.idx.msk $0xffff, v28  }
0x2e3: {  	v28 =	vld [tilespmem:$0x18EC0];
	_ =	sdelay $0x4  }
0x2e4: {  	v32 =	vadd.s32 $0x4E20, v28;
	_ =	sdelay $0x4  }
0x2e5: {  	v29 =	vld.idx.msk [tilespmem:v32+s2+$0x0], $0xffff;
	_ =	sdelay $0x1  }
0x2e6: {  	v33 =	vadd.s32 $0x9C40, v28;
	_ =	sdelay $0x2  }
0x2e7: {  	v29 =	vnsel vm5, $0xBF800000, v29  }
0x2e8: {  	[tilespmem:v16+s31+$0x0] =	vst.idx.msk $0xffff, v29  }
0x2e9: {  	v29 =	vld.idx.msk [tilespmem:v33+s2+$0x0], $0xffff;
	_ =	sdelay $0x1  }
0x2ea: {  	v28 =	vadd.s32 $0xEA60, v28;
	_ =	sdelay $0x2  }
0x2eb: {  	v29 =	vnsel vm5, $0xBF800000, v29  }
0x2ec: {  	[tilespmem:v17+s31+$0x0] =	vst.idx.msk $0xffff, v29  }
0x2ed: {  	v28 =	vld.idx.msk [tilespmem:v28+s2+$0x0], $0xffff;
	_ =	sdelay $0x4  }
0x2ee: {  	v28 =	vnsel vm5, $0xBF800000, v28  }
0x2ef: {  	[tilespmem:v18+s31+$0x0] =	vst.idx.msk $0xffff, v28  }
0x2f0: {  	v28 =	vld [tilespmem:$0x18ED0];
	_ =	sdelay $0x4  }
0x2f1: {  	v34 =	vadd.s32 $0x4E20, v28;
	_ =	sdelay $0x4  }
0x2f2: {  	v29 =	vld.idx.msk [tilespmem:v34+s2+$0x0], $0xffff;
	_ =	sdelay $0x1  }
0x2f3: {  	v35 =	vadd.s32 $0x9C40, v28;
	_ =	sdelay $0x2  }
0x2f4: {  	v29 =	vnsel vm6, $0xBF800000, v29  }
0x2f5: {  	[tilespmem:v19+s31+$0x0] =	vst.idx.msk $0xffff, v29  }
0x2f6: {  	v29 =	vld.idx.msk [tilespmem:v35+s2+$0x0], $0xffff;
	_ =	sdelay $0x1  }
0x2f7: {  	v28 =	vadd.s32 $0xEA60, v28;
	_ =	sdelay $0x2  }
0x2f8: {  	v29 =	vnsel vm6, $0xBF800000, v29  }
0x2f9: {  	[tilespmem:v20+s31+$0x0] =	vst.idx.msk $0xffff, v29  }
0x2fa: {  	v28 =	vld.idx.msk [tilespmem:v28+s2+$0x0], $0xffff;
	_ =	sdelay $0x4  }
0x2fb: {  	v28 =	vnsel vm6, $0xBF800000, v28  }
0x2fc: {  	[tilespmem:v21+s31+$0x0] =	vst.idx.msk $0xffff, v28  }
0x2fd: {  	v28 =	vld [tilespmem:$0x18EE0];
	_ =	sdelay $0x4  }
0x2fe: {  	v36 =	vadd.s32 $0x4E20, v28;
	_ =	sdelay $0x4  }
0x2ff: {  	v29 =	vld.idx.msk [tilespmem:v36+s2+$0x0], $0xffff;
	_ =	sdelay $0x1  }
0x300: {  	v37 =	vadd.s32 $0x9C40, v28;
	_ =	sdelay $0x2  }
0x301: {  	v29 =	vnsel vm7, $0xBF800000, v29  }
0x302: {  	[tilespmem:v22+s31+$0x0] =	vst.idx.msk $0xffff, v29  }
0x303: {  	v29 =	vld.idx.msk [tilespmem:v37+s2+$0x0], $0xffff;
	_ =	sdelay $0x1  }
0x304: {  	v28 =	vadd.s32 $0xEA60, v28;
	_ =	sdelay $0x2  }
0x305: {  	v29 =	vnsel vm7, $0xBF800000, v29  }
0x306: {  	[tilespmem:v23+s31+$0x0] =	vst.idx.msk $0xffff, v29  }
0x307: {  	v28 =	vld.idx.msk [tilespmem:v28+s2+$0x0], $0xffff;
	_ =	sdelay $0x4  }
0x308: {  	v28 =	vnsel vm7, $0xBF800000, v28  }
0x309: {  	[tilespmem:v24+s31+$0x0] =	vst.idx.msk $0xffff, v28  }
0x30a: {  	v28 =	vld [tilespmem:$0x18EF0];
	_ =	sdelay $0x4  }
0x30b: {  	v33 =	vadd.s32 $0x4E20, v28;
	_ =	sdelay $0x4  }
0x30c: {  	v29 =	vld.idx.msk [tilespmem:v33+s2+$0x0], $0xffff;
	_ =	sdelay $0x1  }
0x30d: {  	v34 =	vadd.s32 $0x9C40, v28;
	_ =	sdelay $0x2  }
0x30e: {  	v29 =	vnsel vm8, $0xBF800000, v29  }
0x30f: {  	[tilespmem:v25+s31+$0x0] =	vst.idx.msk $0xffff, v29  }
0x310: {  	v29 =	vld.idx.msk [tilespmem:v34+s2+$0x0], $0xffff;
	_ =	sdelay $0x1  }
0x311: {  	v28 =	vadd.s32 $0xEA60, v28;
	_ =	sdelay $0x2  }
0x312: {  	v29 =	vnsel vm8, $0xBF800000, v29  }
0x313: {  	[tilespmem:v26+s31+$0x0] =	vst.idx.msk $0xffff, v29  }
0x314: {  	v28 =	vld.idx.msk [tilespmem:v28+s2+$0x0], $0xffff;
	_ =	sdelay $0x4  }
0x315: {  	v28 =	vnsel vm8, $0xBF800000, v28  }
0x316: {  	s5 =	rddreg [dreg:$0x6];
	[tilespmem:v27+s31+$0x0] =	vst.idx.msk $0xffff, v28  }
0x317: {  	[tilespmem:s21], [sflag:$0x1] =	stream.linear.gather [hbm4b:s5+s2], $0x4E20, $0x38;
	[tilespmem:$0x1EB20] =	vst v63  }
0x318: {  	_ = 	snop  }
0x319: {  	[tilespmem:s22], [sflag:$0x1] =	stream.linear.gather [hbm4b:s7+s2], $0x4E20, $0x38;
	[tilespmem:$0x1EB20] =	vst v63  }
0x31a: {  	_ = 	snop  }
0x31b: {  	[tilespmem:s23], [sflag:$0x1] =	stream.linear.gather [hbm4b:s8+s2], $0x4E20, $0x38;
	[tilespmem:$0x1EB20] =	vst v63  }
0x31c: {  	_ =	swait.ge [sflag:s26], $0x4E20  }
0x31d: {  	[sflag:s26] =	ssyncset.done $0x0  }
0x31e: {  	[sflag:s26] =	ssyncadd.s32 $0xFFFFB1E0  }
0x31f: {  	_ =	swait.ge [sflag:s26], $0x4E20  }
0x320: {  	[sflag:s26] =	ssyncset.done $0x0  }
0x321: {  	[sflag:s26] =	ssyncadd.s32 $0xFFFFB1E0  }
0x322: {  	_ =	swait.ge [sflag:s26], $0x4E20  }
0x323: {  	[sflag:s26] =	ssyncset.done $0x0  }
0x324: {  	[sflag:s26] =	ssyncadd.s32 $0xFFFFB1E0  }
0x325: {  	v35 =	vld [tilespmem:$0x18E90];
	_ =	sdelay $0x4  }
0x326: {  	v36 =	vadd.s32 $0x4E20, v35;
	_ =	sdelay $0x4  }
0x327: {  	v29 =	vld.idx.msk [tilespmem:v36+s2+$0x0], $0xffff;
	_ =	sdelay $0x1  }
0x328: {  	v37 =	vadd.s32 $0x9C40, v35;
	_ =	sdelay $0x2  }
0x329: {  	v29 =	vnsel vm2, $0xBF800000, v29  }
0x32a: {  	[tilespmem:v7+s0+$0x0] =	vst.idx.msk $0xffff, v29  }
0x32b: {  	v7 =	vld.idx.msk [tilespmem:v37+s2+$0x0], $0xffff;
	_ =	sdelay $0x1  }
0x32c: {  	v28 =	vadd.s32 $0xEA60, v35;
	_ =	sdelay $0x2  }
0x32d: {  	v7 =	vnsel vm2, $0xBF800000, v7  }
0x32e: {  	[tilespmem:v8+s0+$0x0] =	vst.idx.msk $0xffff, v7  }
0x32f: {  	v7 =	vld.idx.msk [tilespmem:v28+s2+$0x0], $0xffff;
	_ =	sdelay $0x4  }
0x330: {  	v7 =	vnsel vm2, $0xBF800000, v7  }
0x331: {  	[tilespmem:v9+s0+$0x0] =	vst.idx.msk $0xffff, v7  }
0x332: {  	v7 =	vld [tilespmem:$0x18EA0];
	_ =	sdelay $0x4  }
0x333: {  	v8 =	vadd.s32 $0x4E20, v7;
	_ =	sdelay $0x4  }
0x334: {  	v8 =	vld.idx.msk [tilespmem:v8+s2+$0x0], $0xffff;
	_ =	sdelay $0x1  }
0x335: {  	v32 =	vadd.s32 $0x9C40, v7;
	_ =	sdelay $0x2  }
0x336: {  	v8 =	vnsel vm3, $0xBF800000, v8  }
0x337: {  	[tilespmem:v10+s0+$0x0] =	vst.idx.msk $0xffff, v8  }
0x338: {  	v8 =	vld.idx.msk [tilespmem:v32+s2+$0x0], $0xffff;
	_ =	sdelay $0x1  }
0x339: {  	v7 =	vadd.s32 $0xEA60, v7;
	_ =	sdelay $0x2  }
0x33a: {  	v8 =	vnsel vm3, $0xBF800000, v8  }
0x33b: {  	[tilespmem:v11+s0+$0x0] =	vst.idx.msk $0xffff, v8  }
0x33c: {  	v7 =	vld.idx.msk [tilespmem:v7+s2+$0x0], $0xffff;
	_ =	sdelay $0x4  }
0x33d: {  	v7 =	vnsel vm3, $0xBF800000, v7  }
0x33e: {  	[tilespmem:v12+s0+$0x0] =	vst.idx.msk $0xffff, v7  }
0x33f: {  	v7 =	vld [tilespmem:$0x18EB0];
	_ =	sdelay $0x4  }
0x340: {  	v8 =	vadd.s32 $0x4E20, v7;
	_ =	sdelay $0x4  }
0x341: {  	v8 =	vld.idx.msk [tilespmem:v8+s2+$0x0], $0xffff;
	_ =	sdelay $0x1  }
0x342: {  	v33 =	vadd.s32 $0x9C40, v7;
	_ =	sdelay $0x2  }
0x343: {  	v8 =	vnsel vm4, $0xBF800000, v8  }
0x344: {  	[tilespmem:v13+s0+$0x0] =	vst.idx.msk $0xffff, v8  }
0x345: {  	v8 =	vld.idx.msk [tilespmem:v33+s2+$0x0], $0xffff;
	_ =	sdelay $0x1  }
0x346: {  	v7 =	vadd.s32 $0xEA60, v7;
	_ =	sdelay $0x2  }
0x347: {  	v8 =	vnsel vm4, $0xBF800000, v8  }
0x348: {  	[tilespmem:v14+s0+$0x0] =	vst.idx.msk $0xffff, v8  }
0x349: {  	v7 =	vld.idx.msk [tilespmem:v7+s2+$0x0], $0xffff;
	_ =	sdelay $0x4  }
0x34a: {  	v7 =	vnsel vm4, $0xBF800000, v7  }
0x34b: {  	[tilespmem:v15+s0+$0x0] =	vst.idx.msk $0xffff, v7  }
0x34c: {  	v7 =	vld [tilespmem:$0x18EC0];
	_ =	sdelay $0x4  }
0x34d: {  	v8 =	vadd.s32 $0x4E20, v7;
	_ =	sdelay $0x4  }
0x34e: {  	v8 =	vld.idx.msk [tilespmem:v8+s2+$0x0], $0xffff;
	_ =	sdelay $0x1  }
0x34f: {  	v34 =	vadd.s32 $0x9C40, v7;
	_ =	sdelay $0x2  }
0x350: {  	v8 =	vnsel vm5, $0xBF800000, v8  }
0x351: {  	[tilespmem:v16+s0+$0x0] =	vst.idx.msk $0xffff, v8  }
0x352: {  	v8 =	vld.idx.msk [tilespmem:v34+s2+$0x0], $0xffff;
	_ =	sdelay $0x1  }
0x353: {  	v7 =	vadd.s32 $0xEA60, v7;
	_ =	sdelay $0x2  }
0x354: {  	v8 =	vnsel vm5, $0xBF800000, v8  }
0x355: {  	[tilespmem:v17+s0+$0x0] =	vst.idx.msk $0xffff, v8  }
0x356: {  	v7 =	vld.idx.msk [tilespmem:v7+s2+$0x0], $0xffff;
	_ =	sdelay $0x4  }
0x357: {  	v7 =	vnsel vm5, $0xBF800000, v7  }
0x358: {  	[tilespmem:v18+s0+$0x0] =	vst.idx.msk $0xffff, v7  }
0x359: {  	v7 =	vld [tilespmem:$0x18ED0];
	_ =	sdelay $0x4  }
0x35a: {  	v8 =	vadd.s32 $0x4E20, v7;
	_ =	sdelay $0x4  }
0x35b: {  	v8 =	vld.idx.msk [tilespmem:v8+s2+$0x0], $0xffff;
	_ =	sdelay $0x1  }
0x35c: {  	v35 =	vadd.s32 $0x9C40, v7;
	_ =	sdelay $0x2  }
0x35d: {  	v8 =	vnsel vm6, $0xBF800000, v8  }
0x35e: {  	[tilespmem:v19+s0+$0x0] =	vst.idx.msk $0xffff, v8  }
0x35f: {  	v8 =	vld.idx.msk [tilespmem:v35+s2+$0x0], $0xffff;
	_ =	sdelay $0x1  }
0x360: {  	v7 =	vadd.s32 $0xEA60, v7;
	_ =	sdelay $0x2  }
0x361: {  	v8 =	vnsel vm6, $0xBF800000, v8  }
0x362: {  	[tilespmem:v20+s0+$0x0] =	vst.idx.msk $0xffff, v8  }
0x363: {  	v7 =	vld.idx.msk [tilespmem:v7+s2+$0x0], $0xffff;
	_ =	sdelay $0x4  }
0x364: {  	v7 =	vnsel vm6, $0xBF800000, v7  }
0x365: {  	[tilespmem:v21+s0+$0x0] =	vst.idx.msk $0xffff, v7  }
0x366: {  	v7 =	vld [tilespmem:$0x18EE0];
	_ =	sdelay $0x4  }
0x367: {  	v8 =	vadd.s32 $0x4E20, v7;
	_ =	sdelay $0x4  }
0x368: {  	v8 =	vld.idx.msk [tilespmem:v8+s2+$0x0], $0xffff;
	_ =	sdelay $0x1  }
0x369: {  	v36 =	vadd.s32 $0x9C40, v7;
	_ =	sdelay $0x2  }
0x36a: {  	v8 =	vnsel vm7, $0xBF800000, v8  }
0x36b: {  	[tilespmem:v22+s0+$0x0] =	vst.idx.msk $0xffff, v8  }
0x36c: {  	v8 =	vld.idx.msk [tilespmem:v36+s2+$0x0], $0xffff;
	_ =	sdelay $0x1  }
0x36d: {  	v7 =	vadd.s32 $0xEA60, v7;
	_ =	sdelay $0x2  }
0x36e: {  	v8 =	vnsel vm7, $0xBF800000, v8  }
0x36f: {  	[tilespmem:v23+s0+$0x0] =	vst.idx.msk $0xffff, v8  }
0x370: {  	v7 =	vld.idx.msk [tilespmem:v7+s2+$0x0], $0xffff;
	_ =	sdelay $0x4  }
0x371: {  	v7 =	vnsel vm7, $0xBF800000, v7  }
0x372: {  	[tilespmem:v24+s0+$0x0] =	vst.idx.msk $0xffff, v7  }
0x373: {  	v7 =	vld [tilespmem:$0x18EF0];
	_ =	sdelay $0x4  }
0x374: {  	v8 =	vadd.s32 $0x4E20, v7;
	_ =	sdelay $0x4  }
0x375: {  	v8 =	vld.idx.msk [tilespmem:v8+s2+$0x0], $0xffff;
	_ =	sdelay $0x1  }
0x376: {  	v37 =	vadd.s32 $0x9C40, v7;
	_ =	sdelay $0x2  }
0x377: {  	v8 =	vnsel vm8, $0xBF800000, v8  }
0x378: {  	[tilespmem:v25+s0+$0x0] =	vst.idx.msk $0xffff, v8  }
0x379: {  	v8 =	vld.idx.msk [tilespmem:v37+s2+$0x0], $0xffff;
	_ =	sdelay $0x1  }
0x37a: {  	v7 =	vadd.s32 $0xEA60, v7;
	_ =	sdelay $0x2  }
0x37b: {  	v8 =	vnsel vm8, $0xBF800000, v8  }
0x37c: {  	[tilespmem:v26+s0+$0x0] =	vst.idx.msk $0xffff, v8  }
0x37d: {  	v7 =	vld.idx.msk [tilespmem:v7+s2+$0x0], $0xffff;
	_ =	sdelay $0x4  }
0x37e: {  	v7 =	vnsel vm8, $0xBF800000, v7  }
0x37f: {  	s6 =	simm.s32 $0x18E20;
	[tilespmem:v27+s0+$0x0] =	vst.idx.msk $0xffff, v7  }
0x380: {  	[hbm4b:s9+s2] =	stream.linear.scatter [tilespmem:s6], [sflag:$0x2], $0x70, $0x38;
	[tilespmem:$0x1EB20] =	vst v63  }
0x381: {  	_ =	swait.ge [sflag:s24], $0x70  }
0x382: {  	[sflag:s24] =	ssyncset.done $0x0  }
0x383: {  	[sflag:s24] =	ssyncadd.s32 $0xFFFFFF90  }
0x384: {  	[hbm4b:s10+s2] =	stream.linear.scatter [tilespmem:s29], [sflag:$0x2], $0x380, $0x38;
	[tilespmem:$0x1EB20] =	vst v63  }
0x385: {  	_ =	swait.ge [sflag:s24], $0x380  }
0x386: {  	[sflag:s24] =	ssyncset.done $0x0  }
0x387: {  	[sflag:s24] =	ssyncadd.s32 $0xFFFFFC80  }
0x388: {  	[hbm4b:s11+s2] =	stream.linear.scatter [tilespmem:s31], [sflag:$0x2], $0x380, $0x38;
	[tilespmem:$0x1EB20] =	vst v63  }
0x389: {  	_ =	swait.ge [sflag:s24], $0x380  }
0x38a: {  	[sflag:s24] =	ssyncset.done $0x0  }
0x38b: {  	[sflag:s24] =	ssyncadd.s32 $0xFFFFFC80  }
0x38c: {  	[hbm4b:s12+s2] =	stream.linear.scatter [tilespmem:s0], [sflag:$0x2], $0x380, $0x38;
	[tilespmem:$0x1EB20] =	vst v63  }
0x38d: {  	s1 =	sadd.s32 $0x1, s1;
	_ =	swait.ge [sflag:s24], $0x380  }
0x38e: {  	p0 =	sne.s32 s1, s20;
	[sflag:s24] =	ssyncset.done $0x0  }
.Ltmp3:
0x38f: {  	[sflag:s24] =	ssyncadd.s32 $0xFFFFFC80;
	(pc) =	sbr.rel @p0 .LBB2_2-.Ltmp3, $4  }
0x390: {  	[hbm4b:s13+s2] =	stream.linear.scatter [tilespmem:s30], [sflag:$0x2], $0x380, $0x38;
	[tilespmem:$0x1EB20] =	vst v63  }
0x391: {  	_ =	swait.ge [sflag:s24], $0x380  }
0x392: {  	[sflag:s24] =	ssyncset.done $0x0  }
0x393: {  	[sflag:s24] =	ssyncadd.s32 $0xFFFFFC80  }
.LBB2_7:
0x394: {  	_ =	sfence.sel $0x180000  }
0x395: {  	[bflag:$0x0] =	sbarrier.arrive $0xFFFF  }
0x396: {  	_ =	strace $0x90000047  }
0x397: {  	s0 =	stileid.u32;
	[bflag:$0x2] =	sbarrier.arrive $0xFFFF  }
0x398: {  	p0 =	sne.s32 s0, $0x0;
	s0 =	rddreg [dreg:$0x2]  }
0x399: {  	s0 =	sadd.s32 @!p0 $0x100000, s0  }
0x39a: {  	[sflag:s0] =	ssyncadd.tile.s32 @!p0 $0x1;
	_ =	shalt  }
.Lfunc_end2:
_tile_overlayer_lowered:
.L_overlay_start_2:
0x39b: {  	(tag) =	ssettag $0x2  }
0x39c: {  	s0 =	rddreg [dreg:$0x0];
	s2 =	stileid.u32  }
0x39d: {  	s1 =	rddreg [dreg:$0x1];
	p0 =	sne.s32 s2, $0x0  }
0x39e: {  	s3 =	rddreg [dreg:$0x2];
	[bflag:$0x3] =	sbarrier.arrive $0xFFFF;
	s2 =	simm.s32 @!p0 $0x1C02  }
0x39f: {  	[timem:s3], [sflag:s2] =	dma.local @!p0 [hbm:s0], s1  }
0x3a0: {  	s0 =	simm.s32 @!p0 $0x2  }
0x3a1: {  	_ =	swait.ge @!p0 [sflag:s0], s1  }
0x3a2: {  	s1 =	ssub.s32 @!p0 $0x0, s1;
	[sflag:s0] =	ssyncset.done @!p0 $0x0  }
0x3a3: {  	[sflag:s0] =	ssyncadd.s32 @!p0 s1  }
0x3a4: {  	[bflag:$0x3] =	sbarrier.arrive $0xFFFF  }
0x3a5: {  	_ =	shalt  }

</sc_bundles>
